<compile_context>
chip_gen: v7x
topology: tpu7x:2x2x1
jax: 0.10.2.dev20260603
libtpu: 0.0.44.dev20260713+nightly
codegen_flags: <defaults>
</compile_context>

<pallas_src>
import functools

import jax
import jax.numpy as jnp
from jax import lax
from jax.experimental import pallas as pl
from jax.experimental.pallas import tpu as pltpu
from jax.experimental.pallas import tpu_sc as plsc

N = 10000
E = 320000
D = 128

NC = 2
NS = 16
NW = NC * NS
EW = 10240
E_PAD = NW * EW

CHD = 128
NCHD = EW // CHD

CH = 64
NCHS = EW // CH
STG = 2
CPS = NCHS // STG
NB = 4

N_PAD = 10240
SLAB = N_PAD // NS
ZROWS = 8


def _zero_vec16(ref, nwords):
    def body(i, _):
        ref[pl.ds(i * 16, 16)] = jnp.zeros((16,), jnp.float32)
        return 0
    lax.fori_loop(0, nwords // 16, body, 0)


def _sc_degrees_body(src_hbm, dst_hbm, out_hbm, sidx, didx, ones_v, zbuf,
                     dsrc_sh, ddst_sh, sem):
    cid = lax.axis_index("c")
    sid = lax.axis_index("s")
    wid = sid * NC + cid

    def fill_ones(i, _):
        ones_v[pl.ds(i * 16, 16)] = jnp.ones((16,), jnp.float32)
        return 0
    lax.fori_loop(0, CHD // 16, fill_ones, 0)
    _zero_vec16(zbuf, SLAB)

    pltpu.sync_copy(zbuf, dsrc_sh.at[pl.ds(sid * SLAB, SLAB)])
    pltpu.sync_copy(zbuf, ddst_sh.at[pl.ds(sid * SLAB, SLAB)])
    pltpu.sync_copy(src_hbm.at[wid], sidx)
    pltpu.sync_copy(dst_hbm.at[wid], didx)
    plsc.subcore_barrier()

    def fire(j, _):
        pltpu.async_copy(ones_v, dsrc_sh.at[sidx.at[j]], sem, add=True)
        pltpu.async_copy(ones_v, ddst_sh.at[didx.at[j]], sem, add=True)
        return 0
    lax.fori_loop(0, NCHD, fire, 0)

    def drain(j, _):
        pltpu.make_async_copy(ones_v, dsrc_sh.at[sidx.at[0]], sem).wait()
        return 0
    lax.fori_loop(0, 2 * NCHD, drain, 0)
    plsc.subcore_barrier()

    pltpu.sync_copy(dsrc_sh.at[pl.ds(sid * SLAB, SLAB)],
                    out_hbm.at[cid, 0, pl.ds(sid * SLAB, SLAB)])
    pltpu.sync_copy(ddst_sh.at[pl.ds(sid * SLAB, SLAB)],
                    out_hbm.at[cid, 1, pl.ds(sid * SLAB, SLAB)])


def _sc_spmm_body(y_hbm, src_hbm, dst_hbm, out_hbm, srcbuf, dstbuf, rows,
                  zbuf, acc, gsem, ssem):
    cid = lax.axis_index("c")
    sid = lax.axis_index("s")
    wid = sid * NC + cid

    def zrow(i, _):
        def zcol(j, _):
            zbuf[i, pl.ds(j * 16, 16)] = jnp.zeros((16,), jnp.float32)
            return 0
        lax.fori_loop(0, D // 16, zcol, 0)
        return 0
    lax.fori_loop(0, ZROWS, zrow, 0)

    def zslab(t, _):
        pltpu.sync_copy(zbuf, acc.at[pl.ds(sid * SLAB + t * ZROWS, ZROWS)])
        return 0
    lax.fori_loop(0, SLAB // ZROWS, zslab, 0)

    def gather(j, b):
        pltpu.async_copy(y_hbm.at[srcbuf.at[pl.ds(j * CH, CH)]],
                         rows.at[b], gsem.at[b])

    def gwait(b):
        pltpu.make_async_copy(y_hbm.at[srcbuf.at[pl.ds(0, CH)]],
                              rows.at[b], gsem.at[b]).wait()

    def scat(j, b):
        pltpu.async_copy(rows.at[b], acc.at[dstbuf.at[j]], ssem.at[b],
                         add=True)

    def swait(b):
        pltpu.make_async_copy(rows.at[b], acc.at[dstbuf.at[0]],
                              ssem.at[b]).wait()

    plsc.subcore_barrier()

    for s in range(STG):
        pltpu.sync_copy(src_hbm.at[wid, pl.ds(s * CPS * CH, CPS * CH)],
                        srcbuf)
        pltpu.sync_copy(dst_hbm.at[wid, pl.ds(s * CPS, CPS)], dstbuf)

        gather(0, 0)
        gather(1, 1)

        def group(g, _):
            j0 = g * NB
            for b in range(NB):
                j = j0 + b
                bb = (b + 2) % NB

                @pl.when(j + 2 < CPS)
                def _():
                    @pl.when(j >= 2)
                    def _():
                        swait(bb)
                    gather(j + 2, bb)

                gwait(b)
                scat(j, b)
            return 0

        lax.fori_loop(0, CPS // NB, group, 0)
        for b in range(NB):
            swait(b)
    plsc.subcore_barrier()

    pltpu.sync_copy(acc.at[pl.ds(sid * SLAB, SLAB)],
                    out_hbm.at[cid, pl.ds(sid * SLAB, SLAB)])


@functools.cache
def _sc_kernels():
    mesh = plsc.VectorSubcoreMesh(core_axis_name="c", subcore_axis_name="s")
    degrees = pl.kernel(
        _sc_degrees_body,
        out_type=jax.ShapeDtypeStruct((NC, 2, N_PAD), jnp.float32),
        mesh=mesh,
        scratch_types=[
            pltpu.VMEM((NCHD, CHD), jnp.int32),
            pltpu.VMEM((NCHD, CHD), jnp.int32),
            pltpu.VMEM((CHD,), jnp.float32),
            pltpu.VMEM((SLAB,), jnp.float32),
            pltpu.VMEM_SHARED((N_PAD,), jnp.float32),
            pltpu.VMEM_SHARED((N_PAD,), jnp.float32),
            pltpu.SemaphoreType.DMA,
        ],
    )
    spmm = pl.kernel(
        _sc_spmm_body,
        out_type=jax.ShapeDtypeStruct((NC, N_PAD, D), jnp.float32),
        mesh=mesh,
        scratch_types=[
            pltpu.VMEM((CPS * CH,), jnp.int32),
            pltpu.VMEM((CPS, CH), jnp.int32),
            pltpu.VMEM((NB, CH, D), jnp.float32),
            pltpu.VMEM((ZROWS, D), jnp.float32),
            pltpu.VMEM_SHARED((N_PAD, D), jnp.float32),
            pltpu.SemaphoreType.DMA((NB,)),
            pltpu.SemaphoreType.DMA((NB,)),
        ],
    )
    return degrees, spmm


_RB = 1000
_GRID = N // _RB


def _tc_scale_matmul_body(x_ref, n_ref, w_ref, o_ref):
    o_ref[...] = jnp.dot(x_ref[...] * n_ref[...], w_ref[...],
                         preferred_element_type=jnp.float32)


def _tc_scale_matmul(x, norm_out, w):
    return pl.pallas_call(
        _tc_scale_matmul_body,
        grid=(_GRID,),
        in_specs=[
            pl.BlockSpec((_RB, D), lambda i: (i, 0)),
            pl.BlockSpec((_RB, 1), lambda i: (i, 0)),
            pl.BlockSpec((D, D), lambda i: (0, 0)),
        ],
        out_specs=pl.BlockSpec((_RB, D), lambda i: (i, 0)),
        out_shape=jax.ShapeDtypeStruct((N, D), jnp.float32),
    )(x, norm_out, w)


def _tc_mid_body(p0_ref, p1_ref, ni_ref, no_ref, b_ref, w_ref, o_ref):
    h = jnp.maximum((p0_ref[...] + p1_ref[...]) * ni_ref[...] + b_ref[...], 0.0)
    o_ref[...] = jnp.dot(h * no_ref[...], w_ref[...],
                         preferred_element_type=jnp.float32)


def _tc_mid(p0, p1, norm_in, norm_out, b, w):
    return pl.pallas_call(
        _tc_mid_body,
        grid=(_GRID,),
        in_specs=[
            pl.BlockSpec((_RB, D), lambda i: (i, 0)),
            pl.BlockSpec((_RB, D), lambda i: (i, 0)),
            pl.BlockSpec((_RB, 1), lambda i: (i, 0)),
            pl.BlockSpec((_RB, 1), lambda i: (i, 0)),
            pl.BlockSpec((1, D), lambda i: (0, 0)),
            pl.BlockSpec((D, D), lambda i: (0, 0)),
        ],
        out_specs=pl.BlockSpec((_RB, D), lambda i: (i, 0)),
        out_shape=jax.ShapeDtypeStruct((N, D), jnp.float32),
    )(p0, p1, norm_in, norm_out, b, w)


def _tc_head_body(p0_ref, p1_ref, ni_ref, b_ref, w3_ref, b3_ref, o_ref):
    i = pl.program_id(0)

    @pl.when(i == 0)
    def _():
        o_ref[...] = b3_ref[...]

    h = jnp.maximum((p0_ref[...] + p1_ref[...]) * ni_ref[...] + b_ref[...], 0.0)
    o_ref[...] += jnp.sum(jnp.dot(h, w3_ref[...],
                                  preferred_element_type=jnp.float32),
                          axis=0, keepdims=True) * (1.0 / N)


def _tc_head(p0, p1, norm_in, b, w3, b3):
    return pl.pallas_call(
        _tc_head_body,
        grid=(_GRID,),
        in_specs=[
            pl.BlockSpec((_RB, D), lambda i: (i, 0)),
            pl.BlockSpec((_RB, D), lambda i: (i, 0)),
            pl.BlockSpec((_RB, 1), lambda i: (i, 0)),
            pl.BlockSpec((1, D), lambda i: (0, 0)),
            pl.BlockSpec((D, 1), lambda i: (0, 0)),
            pl.BlockSpec((1, 1), lambda i: (0, 0)),
        ],
        out_specs=pl.BlockSpec((1, 1), lambda i: (0, 0)),
        out_shape=jax.ShapeDtypeStruct((1, 1), jnp.float32),
    )(p0, p1, norm_in, b, w3, b3)


def _norm(deg):
    return jnp.where(deg > 0, lax.rsqrt(jnp.maximum(deg, 1.0)), 0.0)


def kernel(x, edge_index, W1, b1, W2, b2, W3, b3):
    src = edge_index[0]
    dst = edge_index[1]

    pad = E_PAD - E
    ar = lax.iota(jnp.int32, pad)
    pad_hi = N + (ar % (N_PAD - N))
    srcA = jnp.concatenate([src, ar % 512])
    srcB = jnp.concatenate([src, pad_hi])
    dstP = jnp.concatenate([dst, pad_hi])
    srcA_f = srcA.reshape(NW, EW)
    dstP_s = dstP.reshape(NW, NCHS, CH)
    srcB_3 = srcB.reshape(NW, NCHD, CHD)
    dstP_3 = dstP.reshape(NW, NCHD, CHD)

    _sc_degrees, _sc_spmm = _sc_kernels()
    degp = _sc_degrees(srcB_3, dstP_3)
    deg_out = degp[0, 0, :N] + degp[1, 0, :N]
    deg_in = degp[0, 1, :N] + degp[1, 1, :N]
    norm_out = _norm(deg_out).reshape(N, 1)
    norm_in = _norm(deg_in).reshape(N, 1)

    b1r = b1.reshape(1, D)
    b2r = b2.reshape(1, D)
    b3r = b3.reshape(1, 1)

    y1 = _tc_scale_matmul(x, norm_out, W1)
    s1 = _sc_spmm(y1, srcA_f, dstP_s)
    y2 = _tc_mid(s1[0, :N], s1[1, :N], norm_in, norm_out, b1r, W2)
    s2 = _sc_spmm(y2, srcA_f, dstP_s)
    return _tc_head(s2[0, :N], s2[1, :N], norm_in, b2r, W3, b3r)

# --- scband reference (transcript-rebuilt; emitter-appended) ---
"""Pipeline reference for scband-gcnreg-0mlp-29703993819337 (READ-ONLY COPY).

The authoritative reference and input builder live on the scoring server;
editing this copy changes nothing except your own understanding.
"""

import jax, jax.numpy as jnp
import numpy as np

N = 10000
E = 320000
D_IN = 128
HID = 128
N_CLASSES = 1


def setup_inputs(seed: int = 0) -> dict:
    key = jax.random.key(seed)
    ks = jax.random.split(key, 8)
    x = jax.random.normal(ks[0], (N, D_IN), dtype=jnp.float32)
    edge_index = jax.random.randint(ks[1], (2, E), 0, N, dtype=jnp.int32)
    s1 = 1.0 / np.sqrt(D_IN)
    s2 = 1.0 / np.sqrt(HID)
    W1 = jax.random.uniform(ks[2], (D_IN, HID), dtype=jnp.float32, minval=-s1, maxval=s1)
    b1 = jnp.zeros((HID,), dtype=jnp.float32)
    W2 = jax.random.uniform(ks[3], (HID, HID), dtype=jnp.float32, minval=-s2, maxval=s2)
    b2 = jnp.zeros((HID,), dtype=jnp.float32)
    W3 = jax.random.uniform(ks[4], (HID, N_CLASSES), dtype=jnp.float32, minval=-s2, maxval=s2)
    b3 = jnp.zeros((N_CLASSES,), dtype=jnp.float32)
    return {"x": x, "edge_index": edge_index, "W1": W1, "b1": b1, "W2": W2, "b2": b2, "W3": W3, "b3": b3}


def _graph_conv(h, W, b, src, dst, norm_out, norm_in):
    # DGL GraphConv with norm='both': symmetric normalization
    hn = h * norm_out[:, None]
    msg = jnp.take(hn, src, axis=0)
    agg = jax.ops.segment_sum(msg, dst, num_segments=N)
    agg = agg * norm_in[:, None]
    return agg @ W + b


def reference(x, edge_index, W1, b1, W2, b2, W3, b3):
    src = edge_index[0]
    dst = edge_index[1]
    ones = jnp.ones((E,), dtype=jnp.float32)
    deg_out = jax.ops.segment_sum(ones, src, num_segments=N)
    deg_in = jax.ops.segment_sum(ones, dst, num_segments=N)
    norm_out = jnp.where(deg_out > 0, jax.lax.rsqrt(jnp.maximum(deg_out, 1.0)), 0.0)
    norm_in = jnp.where(deg_in > 0, jax.lax.rsqrt(jnp.maximum(deg_in, 1.0)), 0.0)
    h1 = jax.nn.relu(_graph_conv(x, W1, b1, src, dst, norm_out, norm_in))
    h2 = jax.nn.relu(_graph_conv(h1, W2, b2, src, dst, norm_out, norm_in))
    # dgl.mean_nodes over a single graph: mean over all nodes
    hg = jnp.mean(h2, axis=0, keepdims=True)
    output = hg @ W3 + b3
    return output

if __name__ == "__main__":
    import jax
    _d = setup_inputs()
    print(jax.jit(kernel)(*tuple(_d.values())))

</pallas_src>

<mosaic_0001>
#map = affine_map<(d0, d1) -> (0, 0, 0)>
module attributes {stable_mosaic.version = 14 : i64} {
  func.func @_sc_degrees_body(%arg0: i32, %arg1: i32, %arg2: memref<32x80x128xi32, #tpu.memory_space<hbm>>, %arg3: memref<32x80x128xi32, #tpu.memory_space<hbm>>, %arg4: memref<2x2x10240xf32, #tpu.memory_space<hbm>>, %arg5: memref<80x128xi32, #tpu.memory_space<vmem>>, %arg6: memref<80x128xi32, #tpu.memory_space<vmem>>, %arg7: memref<128xf32, #tpu.memory_space<vmem>>, %arg8: memref<640xf32, #tpu.memory_space<vmem>>, %arg9: memref<10240xf32, #tpu.memory_space<vmem_shared>>, %arg10: memref<10240xf32, #tpu.memory_space<vmem_shared>>, %arg11: memref<!tpu.dma_semaphore, #tpu.memory_space<semaphore_mem>>) attributes {dimension_semantics = [#tpu.dimension_semantics<core_parallel>, #tpu.dimension_semantics<subcore_parallel>], iteration_bounds = array<i64: 2, 16>, scalar_prefetch = 0 : i64, scratch_operands = 7 : i64, tpu.core_type = #tpu.core_type<sc_vector_subcore>, window_params = [{transform_indices = #map}, {transform_indices = #map}, {transform_indices = #map}]} {
    %mul3A = arith.constant 2 : i32
    %mul3A_0 = arith.muli %arg1, %mul3A : i32
    %add3A = arith.addi %mul3A_0, %arg0 : i32
    %scan3A = arith.constant 0 : i32
    %scan3A_1 = arith.constant 0 : i32
    %scan3A_2 = arith.constant 8 : i32
    %scan3A_3 = arith.addi %scan3A_1, %scan3A_2 : i32
    %scan3A_4 = arith.constant 1 : i32
    %scan3A_5 = scf.for %scan3A_42 = %scan3A_1 to %scan3A_3 step %scan3A_4 iter_args(%scan3A_43 = %scan3A) -> (i32)  : i32 {
      %broadcast_in_dim3A = arith.constant 1.000000e+00 : f32
      %broadcast_in_dim3A_44 = vector.broadcast %broadcast_in_dim3A : f32 to vector<16xf32>
      %mul3A_45 = arith.constant 16 : i32
      %mul3A_46 = arith.muli %scan3A_42, %mul3A_45 : i32
      %swap3A = arith.index_cast %mul3A_46 : i32 to index
      %swap3A_47 = tpu.vector_load %arg7[%swap3A] {strides = array<i32>} : memref<128xf32, #tpu.memory_space<vmem>>, vector<16xf32>,
      %swap3A_48 = vector.shape_cast %swap3A_47 : vector<16xf32> to vector<16xf32>
      %swap3A_49 = vector.shape_cast %broadcast_in_dim3A_44 : vector<16xf32> to vector<16xf32>
      tpu.vector_store %arg7[%swap3A], %swap3A_49 {strides = array<i32>} : memref<128xf32, #tpu.memory_space<vmem>>, vector<16xf32>,
      %scan3A_50 = arith.constant 0 : i32
      scf.yield %scan3A_50 : i32
    }
    %scan3A_6 = arith.constant 8 : i32
    %scan3A_7 = arith.constant 0 : i32
    %scan3A_8 = arith.constant 0 : i32
    %scan3A_9 = arith.constant 40 : i32
    %scan3A_10 = arith.addi %scan3A_8, %scan3A_9 : i32
    %scan3A_11 = arith.constant 1 : i32
    %scan3A_12 = scf.for %scan3A_42 = %scan3A_8 to %scan3A_10 step %scan3A_11 iter_args(%scan3A_43 = %scan3A_7) -> (i32)  : i32 {
      %broadcast_in_dim3A = arith.constant 0.000000e+00 : f32
      %broadcast_in_dim3A_44 = vector.broadcast %broadcast_in_dim3A : f32 to vector<16xf32>
      %mul3A_45 = arith.constant 16 : i32
      %mul3A_46 = arith.muli %scan3A_42, %mul3A_45 : i32
      %swap3A = arith.index_cast %mul3A_46 : i32 to index
      %swap3A_47 = tpu.vector_load %arg8[%swap3A] {strides = array<i32>} : memref<640xf32, #tpu.memory_space<vmem>>, vector<16xf32>,
      %swap3A_48 = vector.shape_cast %swap3A_47 : vector<16xf32> to vector<16xf32>
      %swap3A_49 = vector.shape_cast %broadcast_in_dim3A_44 : vector<16xf32> to vector<16xf32>
      tpu.vector_store %arg8[%swap3A], %swap3A_49 {strides = array<i32>} : memref<640xf32, #tpu.memory_space<vmem>>, vector<16xf32>,
      %scan3A_50 = arith.constant 0 : i32
      scf.yield %scan3A_50 : i32
    }
    %scan3A_13 = arith.constant 40 : i32
    %mul3A_14 = arith.constant 640 : i32
    %mul3A_15 = arith.muli %arg1, %mul3A_14 : i32
    "tpu.region"() ({
      %run_scoped3A_42 = tpu.sem_alloc : memref<!tpu.dma_semaphore, #tpu.memory_space<semaphore_mem>>
      %dma_start3A = tpu.memref_slice %arg9[%mul3A_15] : memref<10240xf32, #tpu.memory_space<vmem_shared>> -> memref<640xf32, #tpu.memory_space<vmem_shared>>
      %dma_start3A_43 = tpu.memref_slice %arg9[%mul3A_15] : memref<10240xf32, #tpu.memory_space<vmem_shared>> -> memref<640xf32, #tpu.memory_space<vmem_shared>>
      tpu.enqueue_dma source(%arg8 : memref<640xf32, #tpu.memory_space<vmem>>) target(%dma_start3A_43 : memref<640xf32, #tpu.memory_space<vmem_shared>>) target_semaphore(%run_scoped3A_42 : memref<!tpu.dma_semaphore, #tpu.memory_space<semaphore_mem>>)
      %dma_wait3A = tpu.memref_slice %arg9[%mul3A_15] : memref<10240xf32, #tpu.memory_space<vmem_shared>> -> memref<640xf32, #tpu.memory_space<vmem_shared>>
      %dma_wait3A_44 = tpu.memref_slice %arg9[%mul3A_15] : memref<10240xf32, #tpu.memory_space<vmem_shared>> -> memref<640xf32, #tpu.memory_space<vmem_shared>>
      tpu.wait_dma2 semaphore(%run_scoped3A_42 : memref<!tpu.dma_semaphore, #tpu.memory_space<semaphore_mem>>) src(%arg8 : memref<640xf32, #tpu.memory_space<vmem>>) dst(%dma_wait3A_44 : memref<640xf32, #tpu.memory_space<vmem_shared>>)
      tpu.yield
    }) : () -> ()
    %mul3A_16 = arith.constant 640 : i32
    %mul3A_17 = arith.muli %arg1, %mul3A_16 : i32
    "tpu.region"() ({
      %run_scoped3A_42 = tpu.sem_alloc : memref<!tpu.dma_semaphore, #tpu.memory_space<semaphore_mem>>
      %dma_start3A = tpu.memref_slice %arg10[%mul3A_17] : memref<10240xf32, #tpu.memory_space<vmem_shared>> -> memref<640xf32, #tpu.memory_space<vmem_shared>>
      %dma_start3A_43 = tpu.memref_slice %arg10[%mul3A_17] : memref<10240xf32, #tpu.memory_space<vmem_shared>> -> memref<640xf32, #tpu.memory_space<vmem_shared>>
      tpu.enqueue_dma source(%arg8 : memref<640xf32, #tpu.memory_space<vmem>>) target(%dma_start3A_43 : memref<640xf32, #tpu.memory_space<vmem_shared>>) target_semaphore(%run_scoped3A_42 : memref<!tpu.dma_semaphore, #tpu.memory_space<semaphore_mem>>)
      %dma_wait3A = tpu.memref_slice %arg10[%mul3A_17] : memref<10240xf32, #tpu.memory_space<vmem_shared>> -> memref<640xf32, #tpu.memory_space<vmem_shared>>
      %dma_wait3A_44 = tpu.memref_slice %arg10[%mul3A_17] : memref<10240xf32, #tpu.memory_space<vmem_shared>> -> memref<640xf32, #tpu.memory_space<vmem_shared>>
      tpu.wait_dma2 semaphore(%run_scoped3A_42 : memref<!tpu.dma_semaphore, #tpu.memory_space<semaphore_mem>>) src(%arg8 : memref<640xf32, #tpu.memory_space<vmem>>) dst(%dma_wait3A_44 : memref<640xf32, #tpu.memory_space<vmem_shared>>)
      tpu.yield
    }) : () -> ()
    "tpu.region"() ({
      %run_scoped3A_42 = tpu.sem_alloc : memref<!tpu.dma_semaphore, #tpu.memory_space<semaphore_mem>>
      %dma_start3A = arith.constant 0 : i32
      %dma_start3A_43 = arith.constant 0 : i32
      %dma_start3A_44 = tpu.memref_slice %arg2[%add3A, %dma_start3A, %dma_start3A_43] : memref<32x80x128xi32, #tpu.memory_space<hbm>> -> memref<1x80x128xi32, #tpu.memory_space<hbm>>
      %dma_start3A_45 = tpu.memref_squeeze %dma_start3A_44 : memref<1x80x128xi32, #tpu.memory_space<hbm>> -> memref<80x128xi32, #tpu.memory_space<hbm>>
      %dma_start3A_46 = arith.constant 0 : i32
      %dma_start3A_47 = arith.constant 0 : i32
      %dma_start3A_48 = tpu.memref_slice %arg2[%add3A, %dma_start3A_46, %dma_start3A_47] : memref<32x80x128xi32, #tpu.memory_space<hbm>> -> memref<1x80x128xi32, #tpu.memory_space<hbm>>
      %dma_start3A_49 = tpu.memref_squeeze %dma_start3A_48 : memref<1x80x128xi32, #tpu.memory_space<hbm>> -> memref<80x128xi32, #tpu.memory_space<hbm>>
      tpu.enqueue_dma source(%dma_start3A_49 : memref<80x128xi32, #tpu.memory_space<hbm>>) target(%arg5 : memref<80x128xi32, #tpu.memory_space<vmem>>) target_semaphore(%run_scoped3A_42 : memref<!tpu.dma_semaphore, #tpu.memory_space<semaphore_mem>>)
      %dma_wait3A = arith.constant 0 : i32
      %dma_wait3A_50 = arith.constant 0 : i32
      %dma_wait3A_51 = tpu.memref_slice %arg2[%add3A, %dma_wait3A, %dma_wait3A_50] : memref<32x80x128xi32, #tpu.memory_space<hbm>> -> memref<1x80x128xi32, #tpu.memory_space<hbm>>
      %dma_wait3A_52 = tpu.memref_squeeze %dma_wait3A_51 : memref<1x80x128xi32, #tpu.memory_space<hbm>> -> memref<80x128xi32, #tpu.memory_space<hbm>>
      %dma_wait3A_53 = arith.constant 0 : i32
      %dma_wait3A_54 = arith.constant 0 : i32
      %dma_wait3A_55 = tpu.memref_slice %arg2[%add3A, %dma_wait3A_53, %dma_wait3A_54] : memref<32x80x128xi32, #tpu.memory_space<hbm>> -> memref<1x80x128xi32, #tpu.memory_space<hbm>>
      %dma_wait3A_56 = tpu.memref_squeeze %dma_wait3A_55 : memref<1x80x128xi32, #tpu.memory_space<hbm>> -> memref<80x128xi32, #tpu.memory_space<hbm>>
      tpu.wait_dma2 semaphore(%run_scoped3A_42 : memref<!tpu.dma_semaphore, #tpu.memory_space<semaphore_mem>>) src(%dma_wait3A_56 : memref<80x128xi32, #tpu.memory_space<hbm>>) dst(%arg5 : memref<80x128xi32, #tpu.memory_space<vmem>>)
      tpu.yield
    }) : () -> ()
    "tpu.region"() ({
      %run_scoped3A_42 = tpu.sem_alloc : memref<!tpu.dma_semaphore, #tpu.memory_space<semaphore_mem>>
      %dma_start3A = arith.constant 0 : i32
      %dma_start3A_43 = arith.constant 0 : i32
      %dma_start3A_44 = tpu.memref_slice %arg3[%add3A, %dma_start3A, %dma_start3A_43] : memref<32x80x128xi32, #tpu.memory_space<hbm>> -> memref<1x80x128xi32, #tpu.memory_space<hbm>>
      %dma_start3A_45 = tpu.memref_squeeze %dma_start3A_44 : memref<1x80x128xi32, #tpu.memory_space<hbm>> -> memref<80x128xi32, #tpu.memory_space<hbm>>
      %dma_start3A_46 = arith.constant 0 : i32
      %dma_start3A_47 = arith.constant 0 : i32
      %dma_start3A_48 = tpu.memref_slice %arg3[%add3A, %dma_start3A_46, %dma_start3A_47] : memref<32x80x128xi32, #tpu.memory_space<hbm>> -> memref<1x80x128xi32, #tpu.memory_space<hbm>>
      %dma_start3A_49 = tpu.memref_squeeze %dma_start3A_48 : memref<1x80x128xi32, #tpu.memory_space<hbm>> -> memref<80x128xi32, #tpu.memory_space<hbm>>
      tpu.enqueue_dma source(%dma_start3A_49 : memref<80x128xi32, #tpu.memory_space<hbm>>) target(%arg6 : memref<80x128xi32, #tpu.memory_space<vmem>>) target_semaphore(%run_scoped3A_42 : memref<!tpu.dma_semaphore, #tpu.memory_space<semaphore_mem>>)
      %dma_wait3A = arith.constant 0 : i32
      %dma_wait3A_50 = arith.constant 0 : i32
      %dma_wait3A_51 = tpu.memref_slice %arg3[%add3A, %dma_wait3A, %dma_wait3A_50] : memref<32x80x128xi32, #tpu.memory_space<hbm>> -> memref<1x80x128xi32, #tpu.memory_space<hbm>>
      %dma_wait3A_52 = tpu.memref_squeeze %dma_wait3A_51 : memref<1x80x128xi32, #tpu.memory_space<hbm>> -> memref<80x128xi32, #tpu.memory_space<hbm>>
      %dma_wait3A_53 = arith.constant 0 : i32
      %dma_wait3A_54 = arith.constant 0 : i32
      %dma_wait3A_55 = tpu.memref_slice %arg3[%add3A, %dma_wait3A_53, %dma_wait3A_54] : memref<32x80x128xi32, #tpu.memory_space<hbm>> -> memref<1x80x128xi32, #tpu.memory_space<hbm>>
      %dma_wait3A_56 = tpu.memref_squeeze %dma_wait3A_55 : memref<1x80x128xi32, #tpu.memory_space<hbm>> -> memref<80x128xi32, #tpu.memory_space<hbm>>
      tpu.wait_dma2 semaphore(%run_scoped3A_42 : memref<!tpu.dma_semaphore, #tpu.memory_space<semaphore_mem>>) src(%dma_wait3A_56 : memref<80x128xi32, #tpu.memory_space<hbm>>) dst(%arg6 : memref<80x128xi32, #tpu.memory_space<vmem>>)
      tpu.yield
    }) : () -> ()
    %barrier3A = arith.constant 0 : index
    tpu.barrier barrier_id(%barrier3A)
    %scan3A_18 = arith.constant 0 : i32
    %scan3A_19 = arith.constant 0 : i32
    %scan3A_20 = arith.constant 80 : i32
    %scan3A_21 = arith.addi %scan3A_19, %scan3A_20 : i32
    %scan3A_22 = arith.constant 1 : i32
    %scan3A_23 = scf.for %scan3A_42 = %scan3A_19 to %scan3A_21 step %scan3A_22 iter_args(%scan3A_43 = %scan3A_18) -> (i32)  : i32 {
      %dma_start3A = arith.constant 0 : i32
      %dma_start3A_44 = tpu.memref_slice %arg5[%scan3A_42, %dma_start3A] : memref<80x128xi32, #tpu.memory_space<vmem>> -> memref<1x128xi32, #tpu.memory_space<vmem>>
      %dma_start3A_45 = tpu.memref_squeeze %dma_start3A_44 : memref<1x128xi32, #tpu.memory_space<vmem>> -> memref<128xi32, #tpu.memory_space<vmem>>
      %dma_start3A_46 = arith.constant 0 : i32
      %dma_start3A_47 = tpu.memref_slice %arg9[%dma_start3A_46] : memref<10240xf32, #tpu.memory_space<vmem_shared>> -> memref<10240xf32, #tpu.memory_space<vmem_shared>>
      tpu.enqueue_indirect_dma source(%arg7 : memref<128xf32, #tpu.memory_space<vmem>>) target(%dma_start3A_47 : memref<10240xf32, #tpu.memory_space<vmem_shared>>) offsets(%dma_start3A_45 : memref<128xi32, #tpu.memory_space<vmem>>) semaphore(%arg11 : memref<!tpu.dma_semaphore, #tpu.memory_space<semaphore_mem>>) {add = true}
      %dma_start3A_48 = arith.constant 0 : i32
      %dma_start3A_49 = tpu.memref_slice %arg6[%scan3A_42, %dma_start3A_48] : memref<80x128xi32, #tpu.memory_space<vmem>> -> memref<1x128xi32, #tpu.memory_space<vmem>>
      %dma_start3A_50 = tpu.memref_squeeze %dma_start3A_49 : memref<1x128xi32, #tpu.memory_space<vmem>> -> memref<128xi32, #tpu.memory_space<vmem>>
      %dma_start3A_51 = arith.constant 0 : i32
      %dma_start3A_52 = tpu.memref_slice %arg10[%dma_start3A_51] : memref<10240xf32, #tpu.memory_space<vmem_shared>> -> memref<10240xf32, #tpu.memory_space<vmem_shared>>
      tpu.enqueue_indirect_dma source(%arg7 : memref<128xf32, #tpu.memory_space<vmem>>) target(%dma_start3A_52 : memref<10240xf32, #tpu.memory_space<vmem_shared>>) offsets(%dma_start3A_50 : memref<128xi32, #tpu.memory_space<vmem>>) semaphore(%arg11 : memref<!tpu.dma_semaphore, #tpu.memory_space<semaphore_mem>>) {add = true}
      %scan3A_53 = arith.constant 0 : i32
      scf.yield %scan3A_53 : i32
    }
    %scan3A_24 = arith.constant 80 : i32
    %scan3A_25 = arith.constant 0 : i32
    %scan3A_26 = arith.constant 0 : i32
    %scan3A_27 = arith.constant 160 : i32
    %scan3A_28 = arith.addi %scan3A_26, %scan3A_27 : i32
    %scan3A_29 = arith.constant 1 : i32
    %scan3A_30 = scf.for %scan3A_42 = %scan3A_26 to %scan3A_28 step %scan3A_29 iter_args(%scan3A_43 = %scan3A_25) -> (i32)  : i32 {
      %dma_wait3A = arith.constant 0 : i32
      %dma_wait3A_44 = arith.constant 0 : i32
      %dma_wait3A_45 = tpu.memref_slice %arg5[%dma_wait3A, %dma_wait3A_44] : memref<80x128xi32, #tpu.memory_space<vmem>> -> memref<1x128xi32, #tpu.memory_space<vmem>>
      %dma_wait3A_46 = tpu.memref_squeeze %dma_wait3A_45 : memref<1x128xi32, #tpu.memory_space<vmem>> -> memref<128xi32, #tpu.memory_space<vmem>>
      %dma_wait3A_47 = arith.constant 0 : i32
      %dma_wait3A_48 = tpu.memref_slice %arg9[%dma_wait3A_47] : memref<10240xf32, #tpu.memory_space<vmem_shared>> -> memref<10240xf32, #tpu.memory_space<vmem_shared>>
      tpu.wait_indirect_dma semaphore(%arg11 : memref<!tpu.dma_semaphore, #tpu.memory_space<semaphore_mem>>) src(%arg7 : memref<128xf32, #tpu.memory_space<vmem>>) dst(%dma_wait3A_48 : memref<10240xf32, #tpu.memory_space<vmem_shared>>)
      %scan3A_49 = arith.constant 0 : i32
      scf.yield %scan3A_49 : i32
    }
    %scan3A_31 = arith.constant 160 : i32
    %barrier3A_32 = arith.constant 0 : index
    tpu.barrier barrier_id(%barrier3A_32)
    %mul3A_33 = arith.constant 640 : i32
    %mul3A_34 = arith.muli %arg1, %mul3A_33 : i32
    %mul3A_35 = arith.constant 640 : i32
    %mul3A_36 = arith.muli %arg1, %mul3A_35 : i32
    %run_scoped3A = arith.constant 0 : i32
    "tpu.region"() ({
      %run_scoped3A_42 = tpu.sem_alloc : memref<!tpu.dma_semaphore, #tpu.memory_space<semaphore_mem>>
      %dma_start3A = tpu.memref_slice %arg4[%arg0, %run_scoped3A, %mul3A_36] : memref<2x2x10240xf32, #tpu.memory_space<hbm>> -> memref<1x1x640xf32, #tpu.memory_space<hbm>>
      %dma_start3A_43 = tpu.memref_squeeze %dma_start3A : memref<1x1x640xf32, #tpu.memory_space<hbm>> -> memref<640xf32, #tpu.memory_space<hbm>>
      %dma_start3A_44 = tpu.memref_slice %arg9[%mul3A_34] : memref<10240xf32, #tpu.memory_space<vmem_shared>> -> memref<640xf32, #tpu.memory_space<vmem_shared>>
      tpu.enqueue_dma source(%dma_start3A_44 : memref<640xf32, #tpu.memory_space<vmem_shared>>) target(%dma_start3A_43 : memref<640xf32, #tpu.memory_space<hbm>>) target_semaphore(%run_scoped3A_42 : memref<!tpu.dma_semaphore, #tpu.memory_space<semaphore_mem>>)
      %dma_wait3A = tpu.memref_slice %arg4[%arg0, %run_scoped3A, %mul3A_36] : memref<2x2x10240xf32, #tpu.memory_space<hbm>> -> memref<1x1x640xf32, #tpu.memory_space<hbm>>
      %dma_wait3A_45 = tpu.memref_squeeze %dma_wait3A : memref<1x1x640xf32, #tpu.memory_space<hbm>> -> memref<640xf32, #tpu.memory_space<hbm>>
      %dma_wait3A_46 = tpu.memref_slice %arg9[%mul3A_34] : memref<10240xf32, #tpu.memory_space<vmem_shared>> -> memref<640xf32, #tpu.memory_space<vmem_shared>>
      tpu.wait_dma2 semaphore(%run_scoped3A_42 : memref<!tpu.dma_semaphore, #tpu.memory_space<semaphore_mem>>) src(%dma_wait3A_46 : memref<640xf32, #tpu.memory_space<vmem_shared>>) dst(%dma_wait3A_45 : memref<640xf32, #tpu.memory_space<hbm>>)
      tpu.yield
    }) : () -> ()
    %mul3A_37 = arith.constant 640 : i32
    %mul3A_38 = arith.muli %arg1, %mul3A_37 : i32
    %mul3A_39 = arith.constant 640 : i32
    %mul3A_40 = arith.muli %arg1, %mul3A_39 : i32
    %run_scoped3A_41 = arith.constant 1 : i32
    "tpu.region"() ({
      %run_scoped3A_42 = tpu.sem_alloc : memref<!tpu.dma_semaphore, #tpu.memory_space<semaphore_mem>>
      %dma_start3A = tpu.memref_slice %arg4[%arg0, %run_scoped3A_41, %mul3A_40] : memref<2x2x10240xf32, #tpu.memory_space<hbm>> -> memref<1x1x640xf32, #tpu.memory_space<hbm>>
      %dma_start3A_43 = tpu.memref_squeeze %dma_start3A : memref<1x1x640xf32, #tpu.memory_space<hbm>> -> memref<640xf32, #tpu.memory_space<hbm>>
      %dma_start3A_44 = tpu.memref_slice %arg10[%mul3A_38] : memref<10240xf32, #tpu.memory_space<vmem_shared>> -> memref<640xf32, #tpu.memory_space<vmem_shared>>
      tpu.enqueue_dma source(%dma_start3A_44 : memref<640xf32, #tpu.memory_space<vmem_shared>>) target(%dma_start3A_43 : memref<640xf32, #tpu.memory_space<hbm>>) target_semaphore(%run_scoped3A_42 : memref<!tpu.dma_semaphore, #tpu.memory_space<semaphore_mem>>)
      %dma_wait3A = tpu.memref_slice %arg4[%arg0, %run_scoped3A_41, %mul3A_40] : memref<2x2x10240xf32, #tpu.memory_space<hbm>> -> memref<1x1x640xf32, #tpu.memory_space<hbm>>
      %dma_wait3A_45 = tpu.memref_squeeze %dma_wait3A : memref<1x1x640xf32, #tpu.memory_space<hbm>> -> memref<640xf32, #tpu.memory_space<hbm>>
      %dma_wait3A_46 = tpu.memref_slice %arg10[%mul3A_38] : memref<10240xf32, #tpu.memory_space<vmem_shared>> -> memref<640xf32, #tpu.memory_space<vmem_shared>>
      tpu.wait_dma2 semaphore(%run_scoped3A_42 : memref<!tpu.dma_semaphore, #tpu.memory_space<semaphore_mem>>) src(%dma_wait3A_46 : memref<640xf32, #tpu.memory_space<vmem_shared>>) dst(%dma_wait3A_45 : memref<640xf32, #tpu.memory_space<hbm>>)
      tpu.yield
    }) : () -> ()
    return
  }
}

#map = affine_map<(d0, d1) -> (0, 0)>
#map1 = affine_map<(d0, d1) -> (0, 0, 0)>
module attributes {stable_mosaic.version = 14 : i64} {
  func.func @_sc_spmm_body(%arg0: i32, %arg1: i32, %arg2: memref<10000x128xf32, #tpu.memory_space<hbm>>, %arg3: memref<32x10240xi32, #tpu.memory_space<hbm>>, %arg4: memref<32x160x64xi32, #tpu.memory_space<hbm>>, %arg5: memref<2x10240x128xf32, #tpu.memory_space<hbm>>, %arg6: memref<5120xi32, #tpu.memory_space<vmem>>, %arg7: memref<80x64xi32, #tpu.memory_space<vmem>>, %arg8: memref<4x64x128xf32, #tpu.memory_space<vmem>>, %arg9: memref<8x128xf32, #tpu.memory_space<vmem>>, %arg10: memref<10240x128xf32, #tpu.memory_space<vmem_shared>>, %arg11: memref<4x!tpu.dma_semaphore, #tpu.memory_space<semaphore_mem>>, %arg12: memref<4x!tpu.dma_semaphore, #tpu.memory_space<semaphore_mem>>) attributes {dimension_semantics = [#tpu.dimension_semantics<core_parallel>, #tpu.dimension_semantics<subcore_parallel>], iteration_bounds = array<i64: 2, 16>, scalar_prefetch = 0 : i64, scratch_operands = 7 : i64, tpu.core_type = #tpu.core_type<sc_vector_subcore>, window_params = [{transform_indices = #map}, {transform_indices = #map}, {transform_indices = #map1}, {transform_indices = #map1}]} {
    %mul3A = arith.constant 2 : i32
    %mul3A_0 = arith.muli %arg1, %mul3A : i32
    %add3A = arith.addi %mul3A_0, %arg0 : i32
    %scan3A = arith.constant 0 : i32
    %scan3A_1 = arith.constant 0 : i32
    %scan3A_2 = arith.constant 8 : i32
    %scan3A_3 = arith.addi %scan3A_1, %scan3A_2 : i32
    %scan3A_4 = arith.constant 1 : i32
    %scan3A_5 = scf.for %scan3A_203 = %scan3A_1 to %scan3A_3 step %scan3A_4 iter_args(%scan3A_204 = %scan3A) -> (i32)  : i32 {
      %scan3A_205 = arith.constant 0 : i32
      %scan3A_206 = arith.constant 0 : i32
      %scan3A_207 = arith.constant 8 : i32
      %scan3A_208 = arith.addi %scan3A_206, %scan3A_207 : i32
      %scan3A_209 = arith.constant 1 : i32
      %scan3A_210 = scf.for %scan3A_213 = %scan3A_206 to %scan3A_208 step %scan3A_209 iter_args(%scan3A_214 = %scan3A_205) -> (i32)  : i32 {
        %broadcast_in_dim3A = arith.constant 0.000000e+00 : f32
        %broadcast_in_dim3A_215 = vector.broadcast %broadcast_in_dim3A : f32 to vector<16xf32>
        %mul3A_216 = arith.constant 16 : i32
        %mul3A_217 = arith.muli %scan3A_213, %mul3A_216 : i32
        %swap3A = arith.index_cast %scan3A_203 : i32 to index
        %swap3A_218 = arith.index_cast %mul3A_217 : i32 to index
        %swap3A_219 = tpu.vector_load %arg9[%swap3A, %swap3A_218] {strides = array<i32>} : memref<8x128xf32, #tpu.memory_space<vmem>>, vector<1x16xf32>,
        %swap3A_220 = vector.shape_cast %swap3A_219 : vector<1x16xf32> to vector<16xf32>
        %swap3A_221 = vector.shape_cast %broadcast_in_dim3A_215 : vector<16xf32> to vector<1x16xf32>
        tpu.vector_store %arg9[%swap3A, %swap3A_218], %swap3A_221 {strides = array<i32>} : memref<8x128xf32, #tpu.memory_space<vmem>>, vector<1x16xf32>,
        %scan3A_222 = arith.constant 0 : i32
        scf.yield %scan3A_222 : i32
      }
      %scan3A_211 = arith.constant 8 : i32
      %scan3A_212 = arith.constant 0 : i32
      scf.yield %scan3A_212 : i32
    }
    %scan3A_6 = arith.constant 8 : i32
    %scan3A_7 = arith.constant 0 : i32
    %scan3A_8 = arith.constant 0 : i32
    %scan3A_9 = arith.constant 80 : i32
    %scan3A_10 = arith.addi %scan3A_8, %scan3A_9 : i32
    %scan3A_11 = arith.constant 1 : i32
    %scan3A_12 = scf.for %scan3A_203 = %scan3A_8 to %scan3A_10 step %scan3A_11 iter_args(%scan3A_204 = %scan3A_7) -> (i32)  : i32 {
      %mul3A_205 = arith.constant 640 : i32
      %mul3A_206 = arith.muli %arg1, %mul3A_205 : i32
      %mul3A_207 = arith.constant 8 : i32
      %mul3A_208 = arith.muli %scan3A_203, %mul3A_207 : i32
      %add3A_209 = arith.addi %mul3A_206, %mul3A_208 : i32
      "tpu.region"() ({
        %run_scoped3A = tpu.sem_alloc : memref<!tpu.dma_semaphore, #tpu.memory_space<semaphore_mem>>
        %dma_start3A_211 = arith.constant 0 : i32
        %dma_start3A_212 = tpu.memref_slice %arg10[%add3A_209, %dma_start3A_211] : memref<10240x128xf32, #tpu.memory_space<vmem_shared>> -> memref<8x128xf32, #tpu.memory_space<vmem_shared>>
        %dma_start3A_213 = arith.constant 0 : i32
        %dma_start3A_214 = tpu.memref_slice %arg10[%add3A_209, %dma_start3A_213] : memref<10240x128xf32, #tpu.memory_space<vmem_shared>> -> memref<8x128xf32, #tpu.memory_space<vmem_shared>>
        tpu.enqueue_dma source(%arg9 : memref<8x128xf32, #tpu.memory_space<vmem>>) target(%dma_start3A_214 : memref<8x128xf32, #tpu.memory_space<vmem_shared>>) target_semaphore(%run_scoped3A : memref<!tpu.dma_semaphore, #tpu.memory_space<semaphore_mem>>)
        %dma_wait3A_215 = arith.constant 0 : i32
        %dma_wait3A_216 = tpu.memref_slice %arg10[%add3A_209, %dma_wait3A_215] : memref<10240x128xf32, #tpu.memory_space<vmem_shared>> -> memref<8x128xf32, #tpu.memory_space<vmem_shared>>
        %dma_wait3A_217 = arith.constant 0 : i32
        %dma_wait3A_218 = tpu.memref_slice %arg10[%add3A_209, %dma_wait3A_217] : memref<10240x128xf32, #tpu.memory_space<vmem_shared>> -> memref<8x128xf32, #tpu.memory_space<vmem_shared>>
        tpu.wait_dma2 semaphore(%run_scoped3A : memref<!tpu.dma_semaphore, #tpu.memory_space<semaphore_mem>>) src(%arg9 : memref<8x128xf32, #tpu.memory_space<vmem>>) dst(%dma_wait3A_218 : memref<8x128xf32, #tpu.memory_space<vmem_shared>>)
        tpu.yield
      }) : () -> ()
      %scan3A_210 = arith.constant 0 : i32
      scf.yield %scan3A_210 : i32
    }
    %scan3A_13 = arith.constant 80 : i32
    %barrier3A = arith.constant 0 : index
    tpu.barrier barrier_id(%barrier3A)
    "tpu.region"() ({
      %run_scoped3A = tpu.sem_alloc : memref<!tpu.dma_semaphore, #tpu.memory_space<semaphore_mem>>
      %dma_start3A_203 = arith.constant 0 : i32
      %dma_start3A_204 = tpu.memref_slice %arg3[%add3A, %dma_start3A_203] : memref<32x10240xi32, #tpu.memory_space<hbm>> -> memref<1x5120xi32, #tpu.memory_space<hbm>>
      %dma_start3A_205 = tpu.memref_squeeze %dma_start3A_204 : memref<1x5120xi32, #tpu.memory_space<hbm>> -> memref<5120xi32, #tpu.memory_space<hbm>>
      %dma_start3A_206 = arith.constant 0 : i32
      %dma_start3A_207 = tpu.memref_slice %arg3[%add3A, %dma_start3A_206] : memref<32x10240xi32, #tpu.memory_space<hbm>> -> memref<1x5120xi32, #tpu.memory_space<hbm>>
      %dma_start3A_208 = tpu.memref_squeeze %dma_start3A_207 : memref<1x5120xi32, #tpu.memory_space<hbm>> -> memref<5120xi32, #tpu.memory_space<hbm>>
      tpu.enqueue_dma source(%dma_start3A_208 : memref<5120xi32, #tpu.memory_space<hbm>>) target(%arg6 : memref<5120xi32, #tpu.memory_space<vmem>>) target_semaphore(%run_scoped3A : memref<!tpu.dma_semaphore, #tpu.memory_space<semaphore_mem>>)
      %dma_wait3A_209 = arith.constant 0 : i32
      %dma_wait3A_210 = tpu.memref_slice %arg3[%add3A, %dma_wait3A_209] : memref<32x10240xi32, #tpu.memory_space<hbm>> -> memref<1x5120xi32, #tpu.memory_space<hbm>>
      %dma_wait3A_211 = tpu.memref_squeeze %dma_wait3A_210 : memref<1x5120xi32, #tpu.memory_space<hbm>> -> memref<5120xi32, #tpu.memory_space<hbm>>
      %dma_wait3A_212 = arith.constant 0 : i32
      %dma_wait3A_213 = tpu.memref_slice %arg3[%add3A, %dma_wait3A_212] : memref<32x10240xi32, #tpu.memory_space<hbm>> -> memref<1x5120xi32, #tpu.memory_space<hbm>>
      %dma_wait3A_214 = tpu.memref_squeeze %dma_wait3A_213 : memref<1x5120xi32, #tpu.memory_space<hbm>> -> memref<5120xi32, #tpu.memory_space<hbm>>
      tpu.wait_dma2 semaphore(%run_scoped3A : memref<!tpu.dma_semaphore, #tpu.memory_space<semaphore_mem>>) src(%dma_wait3A_214 : memref<5120xi32, #tpu.memory_space<hbm>>) dst(%arg6 : memref<5120xi32, #tpu.memory_space<vmem>>)
      tpu.yield
    }) : () -> ()
    "tpu.region"() ({
      %run_scoped3A = tpu.sem_alloc : memref<!tpu.dma_semaphore, #tpu.memory_space<semaphore_mem>>
      %dma_start3A_203 = arith.constant 0 : i32
      %dma_start3A_204 = arith.constant 0 : i32
      %dma_start3A_205 = tpu.memref_slice %arg4[%add3A, %dma_start3A_203, %dma_start3A_204] : memref<32x160x64xi32, #tpu.memory_space<hbm>> -> memref<1x80x64xi32, #tpu.memory_space<hbm>>
      %dma_start3A_206 = tpu.memref_squeeze %dma_start3A_205 : memref<1x80x64xi32, #tpu.memory_space<hbm>> -> memref<80x64xi32, #tpu.memory_space<hbm>>
      %dma_start3A_207 = arith.constant 0 : i32
      %dma_start3A_208 = arith.constant 0 : i32
      %dma_start3A_209 = tpu.memref_slice %arg4[%add3A, %dma_start3A_207, %dma_start3A_208] : memref<32x160x64xi32, #tpu.memory_space<hbm>> -> memref<1x80x64xi32, #tpu.memory_space<hbm>>
      %dma_start3A_210 = tpu.memref_squeeze %dma_start3A_209 : memref<1x80x64xi32, #tpu.memory_space<hbm>> -> memref<80x64xi32, #tpu.memory_space<hbm>>
      tpu.enqueue_dma source(%dma_start3A_210 : memref<80x64xi32, #tpu.memory_space<hbm>>) target(%arg7 : memref<80x64xi32, #tpu.memory_space<vmem>>) target_semaphore(%run_scoped3A : memref<!tpu.dma_semaphore, #tpu.memory_space<semaphore_mem>>)
      %dma_wait3A_211 = arith.constant 0 : i32
      %dma_wait3A_212 = arith.constant 0 : i32
      %dma_wait3A_213 = tpu.memref_slice %arg4[%add3A, %dma_wait3A_211, %dma_wait3A_212] : memref<32x160x64xi32, #tpu.memory_space<hbm>> -> memref<1x80x64xi32, #tpu.memory_space<hbm>>
      %dma_wait3A_214 = tpu.memref_squeeze %dma_wait3A_213 : memref<1x80x64xi32, #tpu.memory_space<hbm>> -> memref<80x64xi32, #tpu.memory_space<hbm>>
      %dma_wait3A_215 = arith.constant 0 : i32
      %dma_wait3A_216 = arith.constant 0 : i32
      %dma_wait3A_217 = tpu.memref_slice %arg4[%add3A, %dma_wait3A_215, %dma_wait3A_216] : memref<32x160x64xi32, #tpu.memory_space<hbm>> -> memref<1x80x64xi32, #tpu.memory_space<hbm>>
      %dma_wait3A_218 = tpu.memref_squeeze %dma_wait3A_217 : memref<1x80x64xi32, #tpu.memory_space<hbm>> -> memref<80x64xi32, #tpu.memory_space<hbm>>
      tpu.wait_dma2 semaphore(%run_scoped3A : memref<!tpu.dma_semaphore, #tpu.memory_space<semaphore_mem>>) src(%dma_wait3A_218 : memref<80x64xi32, #tpu.memory_space<hbm>>) dst(%arg7 : memref<80x64xi32, #tpu.memory_space<vmem>>)
      tpu.yield
    }) : () -> ()
    %dma_start3A = arith.constant 0 : i32
    %dma_start3A_14 = arith.constant 0 : i32
    %dma_start3A_15 = arith.constant 0 : i32
    %dma_start3A_16 = arith.constant 0 : i32
    %dma_start3A_17 = tpu.memref_slice %arg8[%dma_start3A, %dma_start3A_15, %dma_start3A_16] : memref<4x64x128xf32, #tpu.memory_space<vmem>> -> memref<1x64x128xf32, #tpu.memory_space<vmem>>
    %dma_start3A_18 = tpu.memref_squeeze %dma_start3A_17 : memref<1x64x128xf32, #tpu.memory_space<vmem>> -> memref<64x128xf32, #tpu.memory_space<vmem>>
    %dma_start3A_19 = arith.constant 0 : i32
    %dma_start3A_20 = tpu.memref_slice %arg6[%dma_start3A_19] : memref<5120xi32, #tpu.memory_space<vmem>> -> memref<64xi32, #tpu.memory_space<vmem>>
    %dma_start3A_21 = arith.constant 0 : i32
    %dma_start3A_22 = arith.constant 0 : i32
    %dma_start3A_23 = tpu.memref_slice %arg2[%dma_start3A_21, %dma_start3A_22] : memref<10000x128xf32, #tpu.memory_space<hbm>> -> memref<10000x128xf32, #tpu.memory_space<hbm>>
    %dma_start3A_24 = tpu.memref_slice %arg11[%dma_start3A_14] : memref<4x!tpu.dma_semaphore, #tpu.memory_space<semaphore_mem>> -> memref<1x!tpu.dma_semaphore, #tpu.memory_space<semaphore_mem>>
    %dma_start3A_25 = tpu.memref_squeeze %dma_start3A_24 : memref<1x!tpu.dma_semaphore, #tpu.memory_space<semaphore_mem>> -> memref<!tpu.dma_semaphore, #tpu.memory_space<semaphore_mem>>
    tpu.enqueue_indirect_dma source(%dma_start3A_23 : memref<10000x128xf32, #tpu.memory_space<hbm>>) target(%dma_start3A_18 : memref<64x128xf32, #tpu.memory_space<vmem>>) offsets(%dma_start3A_20 : memref<64xi32, #tpu.memory_space<vmem>>) semaphore(%dma_start3A_25 : memref<!tpu.dma_semaphore, #tpu.memory_space<semaphore_mem>>)
    %dma_start3A_26 = arith.constant 1 : i32
    %dma_start3A_27 = arith.constant 1 : i32
    %dma_start3A_28 = arith.constant 0 : i32
    %dma_start3A_29 = arith.constant 0 : i32
    %dma_start3A_30 = tpu.memref_slice %arg8[%dma_start3A_26, %dma_start3A_28, %dma_start3A_29] : memref<4x64x128xf32, #tpu.memory_space<vmem>> -> memref<1x64x128xf32, #tpu.memory_space<vmem>>
    %dma_start3A_31 = tpu.memref_squeeze %dma_start3A_30 : memref<1x64x128xf32, #tpu.memory_space<vmem>> -> memref<64x128xf32, #tpu.memory_space<vmem>>
    %dma_start3A_32 = arith.constant 64 : i32
    %dma_start3A_33 = tpu.memref_slice %arg6[%dma_start3A_32] : memref<5120xi32, #tpu.memory_space<vmem>> -> memref<64xi32, #tpu.memory_space<vmem>>
    %dma_start3A_34 = arith.constant 0 : i32
    %dma_start3A_35 = arith.constant 0 : i32
    %dma_start3A_36 = tpu.memref_slice %arg2[%dma_start3A_34, %dma_start3A_35] : memref<10000x128xf32, #tpu.memory_space<hbm>> -> memref<10000x128xf32, #tpu.memory_space<hbm>>
    %dma_start3A_37 = tpu.memref_slice %arg11[%dma_start3A_27] : memref<4x!tpu.dma_semaphore, #tpu.memory_space<semaphore_mem>> -> memref<1x!tpu.dma_semaphore, #tpu.memory_space<semaphore_mem>>
    %dma_start3A_38 = tpu.memref_squeeze %dma_start3A_37 : memref<1x!tpu.dma_semaphore, #tpu.memory_space<semaphore_mem>> -> memref<!tpu.dma_semaphore, #tpu.memory_space<semaphore_mem>>
    tpu.enqueue_indirect_dma source(%dma_start3A_36 : memref<10000x128xf32, #tpu.memory_space<hbm>>) target(%dma_start3A_31 : memref<64x128xf32, #tpu.memory_space<vmem>>) offsets(%dma_start3A_33 : memref<64xi32, #tpu.memory_space<vmem>>) semaphore(%dma_start3A_38 : memref<!tpu.dma_semaphore, #tpu.memory_space<semaphore_mem>>)
    %scan3A_39 = arith.constant 0 : i32
    %scan3A_40 = arith.constant 0 : i32
    %scan3A_41 = arith.constant 20 : i32
    %scan3A_42 = arith.addi %scan3A_40, %scan3A_41 : i32
    %scan3A_43 = arith.constant 1 : i32
    %scan3A_44 = scf.for %scan3A_203 = %scan3A_40 to %scan3A_42 step %scan3A_43 iter_args(%scan3A_204 = %scan3A_39) -> (i32)  : i32 {
      %mul3A_205 = arith.constant 4 : i32
      %mul3A_206 = arith.muli %scan3A_203, %mul3A_205 : i32
      %add3A_207 = arith.constant 0 : i32
      %add3A_208 = arith.addi %mul3A_206, %add3A_207 : i32
      %add3A_209 = arith.constant 2 : i32
      %add3A_210 = arith.addi %add3A_208, %add3A_209 : i32
      %lt3A = arith.constant 80 : i32
      %lt3A_211 = arith.cmpi slt, %add3A_210, %lt3A : i32
      %convert_element_type3A = arith.extui %lt3A_211 : i1 to i32
      %cond3A = arith.constant 0 : i32
      %cond3A_212 = arith.cmpi ne, %convert_element_type3A, %cond3A : i32
      scf.if %cond3A_212 {
        %ge3A = arith.constant 2 : i32
        %ge3A_349 = arith.cmpi sge, %add3A_208, %ge3A : i32
        %convert_element_type3A_350 = arith.extui %ge3A_349 : i1 to i32
        %cond3A_351 = arith.constant 0 : i32
        %cond3A_352 = arith.cmpi ne, %convert_element_type3A_350, %cond3A_351 : i32
        scf.if %cond3A_352 {
          %dma_wait3A_369 = arith.constant 2 : i32
          %dma_wait3A_370 = arith.constant 0 : i32
          %dma_wait3A_371 = arith.constant 2 : i32
          %dma_wait3A_372 = arith.constant 0 : i32
          %dma_wait3A_373 = arith.constant 0 : i32
          %dma_wait3A_374 = tpu.memref_slice %arg8[%dma_wait3A_369, %dma_wait3A_372, %dma_wait3A_373] : memref<4x64x128xf32, #tpu.memory_space<vmem>> -> memref<1x64x128xf32, #tpu.memory_space<vmem>>
          %dma_wait3A_375 = tpu.memref_squeeze %dma_wait3A_374 : memref<1x64x128xf32, #tpu.memory_space<vmem>> -> memref<64x128xf32, #tpu.memory_space<vmem>>
          %dma_wait3A_376 = arith.constant 0 : i32
          %dma_wait3A_377 = tpu.memref_slice %arg7[%dma_wait3A_370, %dma_wait3A_376] : memref<80x64xi32, #tpu.memory_space<vmem>> -> memref<1x64xi32, #tpu.memory_space<vmem>>
          %dma_wait3A_378 = tpu.memref_squeeze %dma_wait3A_377 : memref<1x64xi32, #tpu.memory_space<vmem>> -> memref<64xi32, #tpu.memory_space<vmem>>
          %dma_wait3A_379 = arith.constant 0 : i32
          %dma_wait3A_380 = arith.constant 0 : i32
          %dma_wait3A_381 = tpu.memref_slice %arg10[%dma_wait3A_379, %dma_wait3A_380] : memref<10240x128xf32, #tpu.memory_space<vmem_shared>> -> memref<10240x128xf32, #tpu.memory_space<vmem_shared>>
          %dma_wait3A_382 = tpu.memref_slice %arg12[%dma_wait3A_371] : memref<4x!tpu.dma_semaphore, #tpu.memory_space<semaphore_mem>> -> memref<1x!tpu.dma_semaphore, #tpu.memory_space<semaphore_mem>>
          %dma_wait3A_383 = tpu.memref_squeeze %dma_wait3A_382 : memref<1x!tpu.dma_semaphore, #tpu.memory_space<semaphore_mem>> -> memref<!tpu.dma_semaphore, #tpu.memory_space<semaphore_mem>>
          tpu.wait_indirect_dma semaphore(%dma_wait3A_383 : memref<!tpu.dma_semaphore, #tpu.memory_space<semaphore_mem>>) src(%dma_wait3A_375 : memref<64x128xf32, #tpu.memory_space<vmem>>) dst(%dma_wait3A_381 : memref<10240x128xf32, #tpu.memory_space<vmem_shared>>)
        } else {
        }
        %add3A_353 = arith.constant 2 : i32
        %add3A_354 = arith.addi %add3A_208, %add3A_353 : i32
        %mul3A_355 = arith.constant 64 : i32
        %mul3A_356 = arith.muli %add3A_354, %mul3A_355 : i32
        %dma_start3A_357 = arith.constant 2 : i32
        %dma_start3A_358 = arith.constant 2 : i32
        %dma_start3A_359 = arith.constant 0 : i32
        %dma_start3A_360 = arith.constant 0 : i32
        %dma_start3A_361 = tpu.memref_slice %arg8[%dma_start3A_357, %dma_start3A_359, %dma_start3A_360] : memref<4x64x128xf32, #tpu.memory_space<vmem>> -> memref<1x64x128xf32, #tpu.memory_space<vmem>>
        %dma_start3A_362 = tpu.memref_squeeze %dma_start3A_361 : memref<1x64x128xf32, #tpu.memory_space<vmem>> -> memref<64x128xf32, #tpu.memory_space<vmem>>
        %dma_start3A_363 = tpu.memref_slice %arg6[%mul3A_356] : memref<5120xi32, #tpu.memory_space<vmem>> -> memref<64xi32, #tpu.memory_space<vmem>>
        %dma_start3A_364 = arith.constant 0 : i32
        %dma_start3A_365 = arith.constant 0 : i32
        %dma_start3A_366 = tpu.memref_slice %arg2[%dma_start3A_364, %dma_start3A_365] : memref<10000x128xf32, #tpu.memory_space<hbm>> -> memref<10000x128xf32, #tpu.memory_space<hbm>>
        %dma_start3A_367 = tpu.memref_slice %arg11[%dma_start3A_358] : memref<4x!tpu.dma_semaphore, #tpu.memory_space<semaphore_mem>> -> memref<1x!tpu.dma_semaphore, #tpu.memory_space<semaphore_mem>>
        %dma_start3A_368 = tpu.memref_squeeze %dma_start3A_367 : memref<1x!tpu.dma_semaphore, #tpu.memory_space<semaphore_mem>> -> memref<!tpu.dma_semaphore, #tpu.memory_space<semaphore_mem>>
        tpu.enqueue_indirect_dma source(%dma_start3A_366 : memref<10000x128xf32, #tpu.memory_space<hbm>>) target(%dma_start3A_362 : memref<64x128xf32, #tpu.memory_space<vmem>>) offsets(%dma_start3A_363 : memref<64xi32, #tpu.memory_space<vmem>>) semaphore(%dma_start3A_368 : memref<!tpu.dma_semaphore, #tpu.memory_space<semaphore_mem>>)
      } else {
      }
      %dma_wait3A_213 = arith.constant 0 : i32
      %dma_wait3A_214 = arith.constant 0 : i32
      %dma_wait3A_215 = arith.constant 0 : i32
      %dma_wait3A_216 = arith.constant 0 : i32
      %dma_wait3A_217 = tpu.memref_slice %arg8[%dma_wait3A_213, %dma_wait3A_215, %dma_wait3A_216] : memref<4x64x128xf32, #tpu.memory_space<vmem>> -> memref<1x64x128xf32, #tpu.memory_space<vmem>>
      %dma_wait3A_218 = tpu.memref_squeeze %dma_wait3A_217 : memref<1x64x128xf32, #tpu.memory_space<vmem>> -> memref<64x128xf32, #tpu.memory_space<vmem>>
      %dma_wait3A_219 = arith.constant 0 : i32
      %dma_wait3A_220 = tpu.memref_slice %arg6[%dma_wait3A_219] : memref<5120xi32, #tpu.memory_space<vmem>> -> memref<64xi32, #tpu.memory_space<vmem>>
      %dma_wait3A_221 = arith.constant 0 : i32
      %dma_wait3A_222 = arith.constant 0 : i32
      %dma_wait3A_223 = tpu.memref_slice %arg2[%dma_wait3A_221, %dma_wait3A_222] : memref<10000x128xf32, #tpu.memory_space<hbm>> -> memref<10000x128xf32, #tpu.memory_space<hbm>>
      %dma_wait3A_224 = tpu.memref_slice %arg11[%dma_wait3A_214] : memref<4x!tpu.dma_semaphore, #tpu.memory_space<semaphore_mem>> -> memref<1x!tpu.dma_semaphore, #tpu.memory_space<semaphore_mem>>
      %dma_wait3A_225 = tpu.memref_squeeze %dma_wait3A_224 : memref<1x!tpu.dma_semaphore, #tpu.memory_space<semaphore_mem>> -> memref<!tpu.dma_semaphore, #tpu.memory_space<semaphore_mem>>
      tpu.wait_indirect_dma semaphore(%dma_wait3A_225 : memref<!tpu.dma_semaphore, #tpu.memory_space<semaphore_mem>>) src(%dma_wait3A_223 : memref<10000x128xf32, #tpu.memory_space<hbm>>) dst(%dma_wait3A_218 : memref<64x128xf32, #tpu.memory_space<vmem>>)
      %dma_start3A_226 = arith.constant 0 : i32
      %dma_start3A_227 = arith.constant 0 : i32
      %dma_start3A_228 = arith.constant 0 : i32
      %dma_start3A_229 = arith.constant 0 : i32
      %dma_start3A_230 = tpu.memref_slice %arg8[%dma_start3A_226, %dma_start3A_228, %dma_start3A_229] : memref<4x64x128xf32, #tpu.memory_space<vmem>> -> memref<1x64x128xf32, #tpu.memory_space<vmem>>
      %dma_start3A_231 = tpu.memref_squeeze %dma_start3A_230 : memref<1x64x128xf32, #tpu.memory_space<vmem>> -> memref<64x128xf32, #tpu.memory_space<vmem>>
      %dma_start3A_232 = arith.constant 0 : i32
      %dma_start3A_233 = tpu.memref_slice %arg7[%add3A_208, %dma_start3A_232] : memref<80x64xi32, #tpu.memory_space<vmem>> -> memref<1x64xi32, #tpu.memory_space<vmem>>
      %dma_start3A_234 = tpu.memref_squeeze %dma_start3A_233 : memref<1x64xi32, #tpu.memory_space<vmem>> -> memref<64xi32, #tpu.memory_space<vmem>>
      %dma_start3A_235 = arith.constant 0 : i32
      %dma_start3A_236 = arith.constant 0 : i32
      %dma_start3A_237 = tpu.memref_slice %arg10[%dma_start3A_235, %dma_start3A_236] : memref<10240x128xf32, #tpu.memory_space<vmem_shared>> -> memref<10240x128xf32, #tpu.memory_space<vmem_shared>>
      %dma_start3A_238 = tpu.memref_slice %arg12[%dma_start3A_227] : memref<4x!tpu.dma_semaphore, #tpu.memory_space<semaphore_mem>> -> memref<1x!tpu.dma_semaphore, #tpu.memory_space<semaphore_mem>>
      %dma_start3A_239 = tpu.memref_squeeze %dma_start3A_238 : memref<1x!tpu.dma_semaphore, #tpu.memory_space<semaphore_mem>> -> memref<!tpu.dma_semaphore, #tpu.memory_space<semaphore_mem>>
      tpu.enqueue_indirect_dma source(%dma_start3A_231 : memref<64x128xf32, #tpu.memory_space<vmem>>) target(%dma_start3A_237 : memref<10240x128xf32, #tpu.memory_space<vmem_shared>>) offsets(%dma_start3A_234 : memref<64xi32, #tpu.memory_space<vmem>>) semaphore(%dma_start3A_239 : memref<!tpu.dma_semaphore, #tpu.memory_space<semaphore_mem>>) {add = true}
      %add3A_240 = arith.constant 1 : i32
      %add3A_241 = arith.addi %mul3A_206, %add3A_240 : i32
      %add3A_242 = arith.constant 2 : i32
      %add3A_243 = arith.addi %add3A_241, %add3A_242 : i32
      %lt3A_244 = arith.constant 80 : i32
      %lt3A_245 = arith.cmpi slt, %add3A_243, %lt3A_244 : i32
      %convert_element_type3A_246 = arith.extui %lt3A_245 : i1 to i32
      %cond3A_247 = arith.constant 0 : i32
      %cond3A_248 = arith.cmpi ne, %convert_element_type3A_246, %cond3A_247 : i32
      scf.if %cond3A_248 {
        %ge3A = arith.constant 2 : i32
        %ge3A_349 = arith.cmpi sge, %add3A_241, %ge3A : i32
        %convert_element_type3A_350 = arith.extui %ge3A_349 : i1 to i32
        %cond3A_351 = arith.constant 0 : i32
        %cond3A_352 = arith.cmpi ne, %convert_element_type3A_350, %cond3A_351 : i32
        scf.if %cond3A_352 {
          %dma_wait3A_369 = arith.constant 3 : i32
          %dma_wait3A_370 = arith.constant 0 : i32
          %dma_wait3A_371 = arith.constant 3 : i32
          %dma_wait3A_372 = arith.constant 0 : i32
          %dma_wait3A_373 = arith.constant 0 : i32
          %dma_wait3A_374 = tpu.memref_slice %arg8[%dma_wait3A_369, %dma_wait3A_372, %dma_wait3A_373] : memref<4x64x128xf32, #tpu.memory_space<vmem>> -> memref<1x64x128xf32, #tpu.memory_space<vmem>>
          %dma_wait3A_375 = tpu.memref_squeeze %dma_wait3A_374 : memref<1x64x128xf32, #tpu.memory_space<vmem>> -> memref<64x128xf32, #tpu.memory_space<vmem>>
          %dma_wait3A_376 = arith.constant 0 : i32
          %dma_wait3A_377 = tpu.memref_slice %arg7[%dma_wait3A_370, %dma_wait3A_376] : memref<80x64xi32, #tpu.memory_space<vmem>> -> memref<1x64xi32, #tpu.memory_space<vmem>>
          %dma_wait3A_378 = tpu.memref_squeeze %dma_wait3A_377 : memref<1x64xi32, #tpu.memory_space<vmem>> -> memref<64xi32, #tpu.memory_space<vmem>>
          %dma_wait3A_379 = arith.constant 0 : i32
          %dma_wait3A_380 = arith.constant 0 : i32
          %dma_wait3A_381 = tpu.memref_slice %arg10[%dma_wait3A_379, %dma_wait3A_380] : memref<10240x128xf32, #tpu.memory_space<vmem_shared>> -> memref<10240x128xf32, #tpu.memory_space<vmem_shared>>
          %dma_wait3A_382 = tpu.memref_slice %arg12[%dma_wait3A_371] : memref<4x!tpu.dma_semaphore, #tpu.memory_space<semaphore_mem>> -> memref<1x!tpu.dma_semaphore, #tpu.memory_space<semaphore_mem>>
          %dma_wait3A_383 = tpu.memref_squeeze %dma_wait3A_382 : memref<1x!tpu.dma_semaphore, #tpu.memory_space<semaphore_mem>> -> memref<!tpu.dma_semaphore, #tpu.memory_space<semaphore_mem>>
          tpu.wait_indirect_dma semaphore(%dma_wait3A_383 : memref<!tpu.dma_semaphore, #tpu.memory_space<semaphore_mem>>) src(%dma_wait3A_375 : memref<64x128xf32, #tpu.memory_space<vmem>>) dst(%dma_wait3A_381 : memref<10240x128xf32, #tpu.memory_space<vmem_shared>>)
        } else {
        }
        %add3A_353 = arith.constant 2 : i32
        %add3A_354 = arith.addi %add3A_241, %add3A_353 : i32
        %mul3A_355 = arith.constant 64 : i32
        %mul3A_356 = arith.muli %add3A_354, %mul3A_355 : i32
        %dma_start3A_357 = arith.constant 3 : i32
        %dma_start3A_358 = arith.constant 3 : i32
        %dma_start3A_359 = arith.constant 0 : i32
        %dma_start3A_360 = arith.constant 0 : i32
        %dma_start3A_361 = tpu.memref_slice %arg8[%dma_start3A_357, %dma_start3A_359, %dma_start3A_360] : memref<4x64x128xf32, #tpu.memory_space<vmem>> -> memref<1x64x128xf32, #tpu.memory_space<vmem>>
        %dma_start3A_362 = tpu.memref_squeeze %dma_start3A_361 : memref<1x64x128xf32, #tpu.memory_space<vmem>> -> memref<64x128xf32, #tpu.memory_space<vmem>>
        %dma_start3A_363 = tpu.memref_slice %arg6[%mul3A_356] : memref<5120xi32, #tpu.memory_space<vmem>> -> memref<64xi32, #tpu.memory_space<vmem>>
        %dma_start3A_364 = arith.constant 0 : i32
        %dma_start3A_365 = arith.constant 0 : i32
        %dma_start3A_366 = tpu.memref_slice %arg2[%dma_start3A_364, %dma_start3A_365] : memref<10000x128xf32, #tpu.memory_space<hbm>> -> memref<10000x128xf32, #tpu.memory_space<hbm>>
        %dma_start3A_367 = tpu.memref_slice %arg11[%dma_start3A_358] : memref<4x!tpu.dma_semaphore, #tpu.memory_space<semaphore_mem>> -> memref<1x!tpu.dma_semaphore, #tpu.memory_space<semaphore_mem>>
        %dma_start3A_368 = tpu.memref_squeeze %dma_start3A_367 : memref<1x!tpu.dma_semaphore, #tpu.memory_space<semaphore_mem>> -> memref<!tpu.dma_semaphore, #tpu.memory_space<semaphore_mem>>
        tpu.enqueue_indirect_dma source(%dma_start3A_366 : memref<10000x128xf32, #tpu.memory_space<hbm>>) target(%dma_start3A_362 : memref<64x128xf32, #tpu.memory_space<vmem>>) offsets(%dma_start3A_363 : memref<64xi32, #tpu.memory_space<vmem>>) semaphore(%dma_start3A_368 : memref<!tpu.dma_semaphore, #tpu.memory_space<semaphore_mem>>)
      } else {
      }
      %dma_wait3A_249 = arith.constant 1 : i32
      %dma_wait3A_250 = arith.constant 1 : i32
      %dma_wait3A_251 = arith.constant 0 : i32
      %dma_wait3A_252 = arith.constant 0 : i32
      %dma_wait3A_253 = tpu.memref_slice %arg8[%dma_wait3A_249, %dma_wait3A_251, %dma_wait3A_252] : memref<4x64x128xf32, #tpu.memory_space<vmem>> -> memref<1x64x128xf32, #tpu.memory_space<vmem>>
      %dma_wait3A_254 = tpu.memref_squeeze %dma_wait3A_253 : memref<1x64x128xf32, #tpu.memory_space<vmem>> -> memref<64x128xf32, #tpu.memory_space<vmem>>
      %dma_wait3A_255 = arith.constant 0 : i32
      %dma_wait3A_256 = tpu.memref_slice %arg6[%dma_wait3A_255] : memref<5120xi32, #tpu.memory_space<vmem>> -> memref<64xi32, #tpu.memory_space<vmem>>
      %dma_wait3A_257 = arith.constant 0 : i32
      %dma_wait3A_258 = arith.constant 0 : i32
      %dma_wait3A_259 = tpu.memref_slice %arg2[%dma_wait3A_257, %dma_wait3A_258] : memref<10000x128xf32, #tpu.memory_space<hbm>> -> memref<10000x128xf32, #tpu.memory_space<hbm>>
      %dma_wait3A_260 = tpu.memref_slice %arg11[%dma_wait3A_250] : memref<4x!tpu.dma_semaphore, #tpu.memory_space<semaphore_mem>> -> memref<1x!tpu.dma_semaphore, #tpu.memory_space<semaphore_mem>>
      %dma_wait3A_261 = tpu.memref_squeeze %dma_wait3A_260 : memref<1x!tpu.dma_semaphore, #tpu.memory_space<semaphore_mem>> -> memref<!tpu.dma_semaphore, #tpu.memory_space<semaphore_mem>>
      tpu.wait_indirect_dma semaphore(%dma_wait3A_261 : memref<!tpu.dma_semaphore, #tpu.memory_space<semaphore_mem>>) src(%dma_wait3A_259 : memref<10000x128xf32, #tpu.memory_space<hbm>>) dst(%dma_wait3A_254 : memref<64x128xf32, #tpu.memory_space<vmem>>)
      %dma_start3A_262 = arith.constant 1 : i32
      %dma_start3A_263 = arith.constant 1 : i32
      %dma_start3A_264 = arith.constant 0 : i32
      %dma_start3A_265 = arith.constant 0 : i32
      %dma_start3A_266 = tpu.memref_slice %arg8[%dma_start3A_262, %dma_start3A_264, %dma_start3A_265] : memref<4x64x128xf32, #tpu.memory_space<vmem>> -> memref<1x64x128xf32, #tpu.memory_space<vmem>>
      %dma_start3A_267 = tpu.memref_squeeze %dma_start3A_266 : memref<1x64x128xf32, #tpu.memory_space<vmem>> -> memref<64x128xf32, #tpu.memory_space<vmem>>
      %dma_start3A_268 = arith.constant 0 : i32
      %dma_start3A_269 = tpu.memref_slice %arg7[%add3A_241, %dma_start3A_268] : memref<80x64xi32, #tpu.memory_space<vmem>> -> memref<1x64xi32, #tpu.memory_space<vmem>>
      %dma_start3A_270 = tpu.memref_squeeze %dma_start3A_269 : memref<1x64xi32, #tpu.memory_space<vmem>> -> memref<64xi32, #tpu.memory_space<vmem>>
      %dma_start3A_271 = arith.constant 0 : i32
      %dma_start3A_272 = arith.constant 0 : i32
      %dma_start3A_273 = tpu.memref_slice %arg10[%dma_start3A_271, %dma_start3A_272] : memref<10240x128xf32, #tpu.memory_space<vmem_shared>> -> memref<10240x128xf32, #tpu.memory_space<vmem_shared>>
      %dma_start3A_274 = tpu.memref_slice %arg12[%dma_start3A_263] : memref<4x!tpu.dma_semaphore, #tpu.memory_space<semaphore_mem>> -> memref<1x!tpu.dma_semaphore, #tpu.memory_space<semaphore_mem>>
      %dma_start3A_275 = tpu.memref_squeeze %dma_start3A_274 : memref<1x!tpu.dma_semaphore, #tpu.memory_space<semaphore_mem>> -> memref<!tpu.dma_semaphore, #tpu.memory_space<semaphore_mem>>
      tpu.enqueue_indirect_dma source(%dma_start3A_267 : memref<64x128xf32, #tpu.memory_space<vmem>>) target(%dma_start3A_273 : memref<10240x128xf32, #tpu.memory_space<vmem_shared>>) offsets(%dma_start3A_270 : memref<64xi32, #tpu.memory_space<vmem>>) semaphore(%dma_start3A_275 : memref<!tpu.dma_semaphore, #tpu.memory_space<semaphore_mem>>) {add = true}
      %add3A_276 = arith.constant 2 : i32
      %add3A_277 = arith.addi %mul3A_206, %add3A_276 : i32
      %add3A_278 = arith.constant 2 : i32
      %add3A_279 = arith.addi %add3A_277, %add3A_278 : i32
      %lt3A_280 = arith.constant 80 : i32
      %lt3A_281 = arith.cmpi slt, %add3A_279, %lt3A_280 : i32
      %convert_element_type3A_282 = arith.extui %lt3A_281 : i1 to i32
      %cond3A_283 = arith.constant 0 : i32
      %cond3A_284 = arith.cmpi ne, %convert_element_type3A_282, %cond3A_283 : i32
      scf.if %cond3A_284 {
        %ge3A = arith.constant 2 : i32
        %ge3A_349 = arith.cmpi sge, %add3A_277, %ge3A : i32
        %convert_element_type3A_350 = arith.extui %ge3A_349 : i1 to i32
        %cond3A_351 = arith.constant 0 : i32
        %cond3A_352 = arith.cmpi ne, %convert_element_type3A_350, %cond3A_351 : i32
        scf.if %cond3A_352 {
          %dma_wait3A_369 = arith.constant 0 : i32
          %dma_wait3A_370 = arith.constant 0 : i32
          %dma_wait3A_371 = arith.constant 0 : i32
          %dma_wait3A_372 = arith.constant 0 : i32
          %dma_wait3A_373 = arith.constant 0 : i32
          %dma_wait3A_374 = tpu.memref_slice %arg8[%dma_wait3A_369, %dma_wait3A_372, %dma_wait3A_373] : memref<4x64x128xf32, #tpu.memory_space<vmem>> -> memref<1x64x128xf32, #tpu.memory_space<vmem>>
          %dma_wait3A_375 = tpu.memref_squeeze %dma_wait3A_374 : memref<1x64x128xf32, #tpu.memory_space<vmem>> -> memref<64x128xf32, #tpu.memory_space<vmem>>
          %dma_wait3A_376 = arith.constant 0 : i32
          %dma_wait3A_377 = tpu.memref_slice %arg7[%dma_wait3A_370, %dma_wait3A_376] : memref<80x64xi32, #tpu.memory_space<vmem>> -> memref<1x64xi32, #tpu.memory_space<vmem>>
          %dma_wait3A_378 = tpu.memref_squeeze %dma_wait3A_377 : memref<1x64xi32, #tpu.memory_space<vmem>> -> memref<64xi32, #tpu.memory_space<vmem>>
          %dma_wait3A_379 = arith.constant 0 : i32
          %dma_wait3A_380 = arith.constant 0 : i32
          %dma_wait3A_381 = tpu.memref_slice %arg10[%dma_wait3A_379, %dma_wait3A_380] : memref<10240x128xf32, #tpu.memory_space<vmem_shared>> -> memref<10240x128xf32, #tpu.memory_space<vmem_shared>>
          %dma_wait3A_382 = tpu.memref_slice %arg12[%dma_wait3A_371] : memref<4x!tpu.dma_semaphore, #tpu.memory_space<semaphore_mem>> -> memref<1x!tpu.dma_semaphore, #tpu.memory_space<semaphore_mem>>
          %dma_wait3A_383 = tpu.memref_squeeze %dma_wait3A_382 : memref<1x!tpu.dma_semaphore, #tpu.memory_space<semaphore_mem>> -> memref<!tpu.dma_semaphore, #tpu.memory_space<semaphore_mem>>
          tpu.wait_indirect_dma semaphore(%dma_wait3A_383 : memref<!tpu.dma_semaphore, #tpu.memory_space<semaphore_mem>>) src(%dma_wait3A_375 : memref<64x128xf32, #tpu.memory_space<vmem>>) dst(%dma_wait3A_381 : memref<10240x128xf32, #tpu.memory_space<vmem_shared>>)
        } else {
        }
        %add3A_353 = arith.constant 2 : i32
        %add3A_354 = arith.addi %add3A_277, %add3A_353 : i32
        %mul3A_355 = arith.constant 64 : i32
        %mul3A_356 = arith.muli %add3A_354, %mul3A_355 : i32
        %dma_start3A_357 = arith.constant 0 : i32
        %dma_start3A_358 = arith.constant 0 : i32
        %dma_start3A_359 = arith.constant 0 : i32
        %dma_start3A_360 = arith.constant 0 : i32
        %dma_start3A_361 = tpu.memref_slice %arg8[%dma_start3A_357, %dma_start3A_359, %dma_start3A_360] : memref<4x64x128xf32, #tpu.memory_space<vmem>> -> memref<1x64x128xf32, #tpu.memory_space<vmem>>
        %dma_start3A_362 = tpu.memref_squeeze %dma_start3A_361 : memref<1x64x128xf32, #tpu.memory_space<vmem>> -> memref<64x128xf32, #tpu.memory_space<vmem>>
        %dma_start3A_363 = tpu.memref_slice %arg6[%mul3A_356] : memref<5120xi32, #tpu.memory_space<vmem>> -> memref<64xi32, #tpu.memory_space<vmem>>
        %dma_start3A_364 = arith.constant 0 : i32
        %dma_start3A_365 = arith.constant 0 : i32
        %dma_start3A_366 = tpu.memref_slice %arg2[%dma_start3A_364, %dma_start3A_365] : memref<10000x128xf32, #tpu.memory_space<hbm>> -> memref<10000x128xf32, #tpu.memory_space<hbm>>
        %dma_start3A_367 = tpu.memref_slice %arg11[%dma_start3A_358] : memref<4x!tpu.dma_semaphore, #tpu.memory_space<semaphore_mem>> -> memref<1x!tpu.dma_semaphore, #tpu.memory_space<semaphore_mem>>
        %dma_start3A_368 = tpu.memref_squeeze %dma_start3A_367 : memref<1x!tpu.dma_semaphore, #tpu.memory_space<semaphore_mem>> -> memref<!tpu.dma_semaphore, #tpu.memory_space<semaphore_mem>>
        tpu.enqueue_indirect_dma source(%dma_start3A_366 : memref<10000x128xf32, #tpu.memory_space<hbm>>) target(%dma_start3A_362 : memref<64x128xf32, #tpu.memory_space<vmem>>) offsets(%dma_start3A_363 : memref<64xi32, #tpu.memory_space<vmem>>) semaphore(%dma_start3A_368 : memref<!tpu.dma_semaphore, #tpu.memory_space<semaphore_mem>>)
      } else {
      }
      %dma_wait3A_285 = arith.constant 2 : i32
      %dma_wait3A_286 = arith.constant 2 : i32
      %dma_wait3A_287 = arith.constant 0 : i32
      %dma_wait3A_288 = arith.constant 0 : i32
      %dma_wait3A_289 = tpu.memref_slice %arg8[%dma_wait3A_285, %dma_wait3A_287, %dma_wait3A_288] : memref<4x64x128xf32, #tpu.memory_space<vmem>> -> memref<1x64x128xf32, #tpu.memory_space<vmem>>
      %dma_wait3A_290 = tpu.memref_squeeze %dma_wait3A_289 : memref<1x64x128xf32, #tpu.memory_space<vmem>> -> memref<64x128xf32, #tpu.memory_space<vmem>>
      %dma_wait3A_291 = arith.constant 0 : i32
      %dma_wait3A_292 = tpu.memref_slice %arg6[%dma_wait3A_291] : memref<5120xi32, #tpu.memory_space<vmem>> -> memref<64xi32, #tpu.memory_space<vmem>>
      %dma_wait3A_293 = arith.constant 0 : i32
      %dma_wait3A_294 = arith.constant 0 : i32
      %dma_wait3A_295 = tpu.memref_slice %arg2[%dma_wait3A_293, %dma_wait3A_294] : memref<10000x128xf32, #tpu.memory_space<hbm>> -> memref<10000x128xf32, #tpu.memory_space<hbm>>
      %dma_wait3A_296 = tpu.memref_slice %arg11[%dma_wait3A_286] : memref<4x!tpu.dma_semaphore, #tpu.memory_space<semaphore_mem>> -> memref<1x!tpu.dma_semaphore, #tpu.memory_space<semaphore_mem>>
      %dma_wait3A_297 = tpu.memref_squeeze %dma_wait3A_296 : memref<1x!tpu.dma_semaphore, #tpu.memory_space<semaphore_mem>> -> memref<!tpu.dma_semaphore, #tpu.memory_space<semaphore_mem>>
      tpu.wait_indirect_dma semaphore(%dma_wait3A_297 : memref<!tpu.dma_semaphore, #tpu.memory_space<semaphore_mem>>) src(%dma_wait3A_295 : memref<10000x128xf32, #tpu.memory_space<hbm>>) dst(%dma_wait3A_290 : memref<64x128xf32, #tpu.memory_space<vmem>>)
      %dma_start3A_298 = arith.constant 2 : i32
      %dma_start3A_299 = arith.constant 2 : i32
      %dma_start3A_300 = arith.constant 0 : i32
      %dma_start3A_301 = arith.constant 0 : i32
      %dma_start3A_302 = tpu.memref_slice %arg8[%dma_start3A_298, %dma_start3A_300, %dma_start3A_301] : memref<4x64x128xf32, #tpu.memory_space<vmem>> -> memref<1x64x128xf32, #tpu.memory_space<vmem>>
      %dma_start3A_303 = tpu.memref_squeeze %dma_start3A_302 : memref<1x64x128xf32, #tpu.memory_space<vmem>> -> memref<64x128xf32, #tpu.memory_space<vmem>>
      %dma_start3A_304 = arith.constant 0 : i32
      %dma_start3A_305 = tpu.memref_slice %arg7[%add3A_277, %dma_start3A_304] : memref<80x64xi32, #tpu.memory_space<vmem>> -> memref<1x64xi32, #tpu.memory_space<vmem>>
      %dma_start3A_306 = tpu.memref_squeeze %dma_start3A_305 : memref<1x64xi32, #tpu.memory_space<vmem>> -> memref<64xi32, #tpu.memory_space<vmem>>
      %dma_start3A_307 = arith.constant 0 : i32
      %dma_start3A_308 = arith.constant 0 : i32
      %dma_start3A_309 = tpu.memref_slice %arg10[%dma_start3A_307, %dma_start3A_308] : memref<10240x128xf32, #tpu.memory_space<vmem_shared>> -> memref<10240x128xf32, #tpu.memory_space<vmem_shared>>
      %dma_start3A_310 = tpu.memref_slice %arg12[%dma_start3A_299] : memref<4x!tpu.dma_semaphore, #tpu.memory_space<semaphore_mem>> -> memref<1x!tpu.dma_semaphore, #tpu.memory_space<semaphore_mem>>
      %dma_start3A_311 = tpu.memref_squeeze %dma_start3A_310 : memref<1x!tpu.dma_semaphore, #tpu.memory_space<semaphore_mem>> -> memref<!tpu.dma_semaphore, #tpu.memory_space<semaphore_mem>>
      tpu.enqueue_indirect_dma source(%dma_start3A_303 : memref<64x128xf32, #tpu.memory_space<vmem>>) target(%dma_start3A_309 : memref<10240x128xf32, #tpu.memory_space<vmem_shared>>) offsets(%dma_start3A_306 : memref<64xi32, #tpu.memory_space<vmem>>) semaphore(%dma_start3A_311 : memref<!tpu.dma_semaphore, #tpu.memory_space<semaphore_mem>>) {add = true}
      %add3A_312 = arith.constant 3 : i32
      %add3A_313 = arith.addi %mul3A_206, %add3A_312 : i32
      %add3A_314 = arith.constant 2 : i32
      %add3A_315 = arith.addi %add3A_313, %add3A_314 : i32
      %lt3A_316 = arith.constant 80 : i32
      %lt3A_317 = arith.cmpi slt, %add3A_315, %lt3A_316 : i32
      %convert_element_type3A_318 = arith.extui %lt3A_317 : i1 to i32
      %cond3A_319 = arith.constant 0 : i32
      %cond3A_320 = arith.cmpi ne, %convert_element_type3A_318, %cond3A_319 : i32
      scf.if %cond3A_320 {
        %ge3A = arith.constant 2 : i32
        %ge3A_349 = arith.cmpi sge, %add3A_313, %ge3A : i32
        %convert_element_type3A_350 = arith.extui %ge3A_349 : i1 to i32
        %cond3A_351 = arith.constant 0 : i32
        %cond3A_352 = arith.cmpi ne, %convert_element_type3A_350, %cond3A_351 : i32
        scf.if %cond3A_352 {
          %dma_wait3A_369 = arith.constant 1 : i32
          %dma_wait3A_370 = arith.constant 0 : i32
          %dma_wait3A_371 = arith.constant 1 : i32
          %dma_wait3A_372 = arith.constant 0 : i32
          %dma_wait3A_373 = arith.constant 0 : i32
          %dma_wait3A_374 = tpu.memref_slice %arg8[%dma_wait3A_369, %dma_wait3A_372, %dma_wait3A_373] : memref<4x64x128xf32, #tpu.memory_space<vmem>> -> memref<1x64x128xf32, #tpu.memory_space<vmem>>
          %dma_wait3A_375 = tpu.memref_squeeze %dma_wait3A_374 : memref<1x64x128xf32, #tpu.memory_space<vmem>> -> memref<64x128xf32, #tpu.memory_space<vmem>>
          %dma_wait3A_376 = arith.constant 0 : i32
          %dma_wait3A_377 = tpu.memref_slice %arg7[%dma_wait3A_370, %dma_wait3A_376] : memref<80x64xi32, #tpu.memory_space<vmem>> -> memref<1x64xi32, #tpu.memory_space<vmem>>
          %dma_wait3A_378 = tpu.memref_squeeze %dma_wait3A_377 : memref<1x64xi32, #tpu.memory_space<vmem>> -> memref<64xi32, #tpu.memory_space<vmem>>
          %dma_wait3A_379 = arith.constant 0 : i32
          %dma_wait3A_380 = arith.constant 0 : i32
          %dma_wait3A_381 = tpu.memref_slice %arg10[%dma_wait3A_379, %dma_wait3A_380] : memref<10240x128xf32, #tpu.memory_space<vmem_shared>> -> memref<10240x128xf32, #tpu.memory_space<vmem_shared>>
          %dma_wait3A_382 = tpu.memref_slice %arg12[%dma_wait3A_371] : memref<4x!tpu.dma_semaphore, #tpu.memory_space<semaphore_mem>> -> memref<1x!tpu.dma_semaphore, #tpu.memory_space<semaphore_mem>>
          %dma_wait3A_383 = tpu.memref_squeeze %dma_wait3A_382 : memref<1x!tpu.dma_semaphore, #tpu.memory_space<semaphore_mem>> -> memref<!tpu.dma_semaphore, #tpu.memory_space<semaphore_mem>>
          tpu.wait_indirect_dma semaphore(%dma_wait3A_383 : memref<!tpu.dma_semaphore, #tpu.memory_space<semaphore_mem>>) src(%dma_wait3A_375 : memref<64x128xf32, #tpu.memory_space<vmem>>) dst(%dma_wait3A_381 : memref<10240x128xf32, #tpu.memory_space<vmem_shared>>)
        } else {
        }
        %add3A_353 = arith.constant 2 : i32
        %add3A_354 = arith.addi %add3A_313, %add3A_353 : i32
        %mul3A_355 = arith.constant 64 : i32
        %mul3A_356 = arith.muli %add3A_354, %mul3A_355 : i32
        %dma_start3A_357 = arith.constant 1 : i32
        %dma_start3A_358 = arith.constant 1 : i32
        %dma_start3A_359 = arith.constant 0 : i32
        %dma_start3A_360 = arith.constant 0 : i32
        %dma_start3A_361 = tpu.memref_slice %arg8[%dma_start3A_357, %dma_start3A_359, %dma_start3A_360] : memref<4x64x128xf32, #tpu.memory_space<vmem>> -> memref<1x64x128xf32, #tpu.memory_space<vmem>>
        %dma_start3A_362 = tpu.memref_squeeze %dma_start3A_361 : memref<1x64x128xf32, #tpu.memory_space<vmem>> -> memref<64x128xf32, #tpu.memory_space<vmem>>
        %dma_start3A_363 = tpu.memref_slice %arg6[%mul3A_356] : memref<5120xi32, #tpu.memory_space<vmem>> -> memref<64xi32, #tpu.memory_space<vmem>>
        %dma_start3A_364 = arith.constant 0 : i32
        %dma_start3A_365 = arith.constant 0 : i32
        %dma_start3A_366 = tpu.memref_slice %arg2[%dma_start3A_364, %dma_start3A_365] : memref<10000x128xf32, #tpu.memory_space<hbm>> -> memref<10000x128xf32, #tpu.memory_space<hbm>>
        %dma_start3A_367 = tpu.memref_slice %arg11[%dma_start3A_358] : memref<4x!tpu.dma_semaphore, #tpu.memory_space<semaphore_mem>> -> memref<1x!tpu.dma_semaphore, #tpu.memory_space<semaphore_mem>>
        %dma_start3A_368 = tpu.memref_squeeze %dma_start3A_367 : memref<1x!tpu.dma_semaphore, #tpu.memory_space<semaphore_mem>> -> memref<!tpu.dma_semaphore, #tpu.memory_space<semaphore_mem>>
        tpu.enqueue_indirect_dma source(%dma_start3A_366 : memref<10000x128xf32, #tpu.memory_space<hbm>>) target(%dma_start3A_362 : memref<64x128xf32, #tpu.memory_space<vmem>>) offsets(%dma_start3A_363 : memref<64xi32, #tpu.memory_space<vmem>>) semaphore(%dma_start3A_368 : memref<!tpu.dma_semaphore, #tpu.memory_space<semaphore_mem>>)
      } else {
      }
      %dma_wait3A_321 = arith.constant 3 : i32
      %dma_wait3A_322 = arith.constant 3 : i32
      %dma_wait3A_323 = arith.constant 0 : i32
      %dma_wait3A_324 = arith.constant 0 : i32
      %dma_wait3A_325 = tpu.memref_slice %arg8[%dma_wait3A_321, %dma_wait3A_323, %dma_wait3A_324] : memref<4x64x128xf32, #tpu.memory_space<vmem>> -> memref<1x64x128xf32, #tpu.memory_space<vmem>>
      %dma_wait3A_326 = tpu.memref_squeeze %dma_wait3A_325 : memref<1x64x128xf32, #tpu.memory_space<vmem>> -> memref<64x128xf32, #tpu.memory_space<vmem>>
      %dma_wait3A_327 = arith.constant 0 : i32
      %dma_wait3A_328 = tpu.memref_slice %arg6[%dma_wait3A_327] : memref<5120xi32, #tpu.memory_space<vmem>> -> memref<64xi32, #tpu.memory_space<vmem>>
      %dma_wait3A_329 = arith.constant 0 : i32
      %dma_wait3A_330 = arith.constant 0 : i32
      %dma_wait3A_331 = tpu.memref_slice %arg2[%dma_wait3A_329, %dma_wait3A_330] : memref<10000x128xf32, #tpu.memory_space<hbm>> -> memref<10000x128xf32, #tpu.memory_space<hbm>>
      %dma_wait3A_332 = tpu.memref_slice %arg11[%dma_wait3A_322] : memref<4x!tpu.dma_semaphore, #tpu.memory_space<semaphore_mem>> -> memref<1x!tpu.dma_semaphore, #tpu.memory_space<semaphore_mem>>
      %dma_wait3A_333 = tpu.memref_squeeze %dma_wait3A_332 : memref<1x!tpu.dma_semaphore, #tpu.memory_space<semaphore_mem>> -> memref<!tpu.dma_semaphore, #tpu.memory_space<semaphore_mem>>
      tpu.wait_indirect_dma semaphore(%dma_wait3A_333 : memref<!tpu.dma_semaphore, #tpu.memory_space<semaphore_mem>>) src(%dma_wait3A_331 : memref<10000x128xf32, #tpu.memory_space<hbm>>) dst(%dma_wait3A_326 : memref<64x128xf32, #tpu.memory_space<vmem>>)
      %dma_start3A_334 = arith.constant 3 : i32
      %dma_start3A_335 = arith.constant 3 : i32
      %dma_start3A_336 = arith.constant 0 : i32
      %dma_start3A_337 = arith.constant 0 : i32
      %dma_start3A_338 = tpu.memref_slice %arg8[%dma_start3A_334, %dma_start3A_336, %dma_start3A_337] : memref<4x64x128xf32, #tpu.memory_space<vmem>> -> memref<1x64x128xf32, #tpu.memory_space<vmem>>
      %dma_start3A_339 = tpu.memref_squeeze %dma_start3A_338 : memref<1x64x128xf32, #tpu.memory_space<vmem>> -> memref<64x128xf32, #tpu.memory_space<vmem>>
      %dma_start3A_340 = arith.constant 0 : i32
      %dma_start3A_341 = tpu.memref_slice %arg7[%add3A_313, %dma_start3A_340] : memref<80x64xi32, #tpu.memory_space<vmem>> -> memref<1x64xi32, #tpu.memory_space<vmem>>
      %dma_start3A_342 = tpu.memref_squeeze %dma_start3A_341 : memref<1x64xi32, #tpu.memory_space<vmem>> -> memref<64xi32, #tpu.memory_space<vmem>>
      %dma_start3A_343 = arith.constant 0 : i32
      %dma_start3A_344 = arith.constant 0 : i32
      %dma_start3A_345 = tpu.memref_slice %arg10[%dma_start3A_343, %dma_start3A_344] : memref<10240x128xf32, #tpu.memory_space<vmem_shared>> -> memref<10240x128xf32, #tpu.memory_space<vmem_shared>>
      %dma_start3A_346 = tpu.memref_slice %arg12[%dma_start3A_335] : memref<4x!tpu.dma_semaphore, #tpu.memory_space<semaphore_mem>> -> memref<1x!tpu.dma_semaphore, #tpu.memory_space<semaphore_mem>>
      %dma_start3A_347 = tpu.memref_squeeze %dma_start3A_346 : memref<1x!tpu.dma_semaphore, #tpu.memory_space<semaphore_mem>> -> memref<!tpu.dma_semaphore, #tpu.memory_space<semaphore_mem>>
      tpu.enqueue_indirect_dma source(%dma_start3A_339 : memref<64x128xf32, #tpu.memory_space<vmem>>) target(%dma_start3A_345 : memref<10240x128xf32, #tpu.memory_space<vmem_shared>>) offsets(%dma_start3A_342 : memref<64xi32, #tpu.memory_space<vmem>>) semaphore(%dma_start3A_347 : memref<!tpu.dma_semaphore, #tpu.memory_space<semaphore_mem>>) {add = true}
      %scan3A_348 = arith.constant 0 : i32
      scf.yield %scan3A_348 : i32
    }
    %scan3A_45 = arith.constant 20 : i32
    %dma_wait3A = arith.constant 0 : i32
    %dma_wait3A_46 = arith.constant 0 : i32
    %dma_wait3A_47 = arith.constant 0 : i32
    %dma_wait3A_48 = arith.constant 0 : i32
    %dma_wait3A_49 = arith.constant 0 : i32
    %dma_wait3A_50 = tpu.memref_slice %arg8[%dma_wait3A, %dma_wait3A_48, %dma_wait3A_49] : memref<4x64x128xf32, #tpu.memory_space<vmem>> -> memref<1x64x128xf32, #tpu.memory_space<vmem>>
    %dma_wait3A_51 = tpu.memref_squeeze %dma_wait3A_50 : memref<1x64x128xf32, #tpu.memory_space<vmem>> -> memref<64x128xf32, #tpu.memory_space<vmem>>
    %dma_wait3A_52 = arith.constant 0 : i32
    %dma_wait3A_53 = tpu.memref_slice %arg7[%dma_wait3A_46, %dma_wait3A_52] : memref<80x64xi32, #tpu.memory_space<vmem>> -> memref<1x64xi32, #tpu.memory_space<vmem>>
    %dma_wait3A_54 = tpu.memref_squeeze %dma_wait3A_53 : memref<1x64xi32, #tpu.memory_space<vmem>> -> memref<64xi32, #tpu.memory_space<vmem>>
    %dma_wait3A_55 = arith.constant 0 : i32
    %dma_wait3A_56 = arith.constant 0 : i32
    %dma_wait3A_57 = tpu.memref_slice %arg10[%dma_wait3A_55, %dma_wait3A_56] : memref<10240x128xf32, #tpu.memory_space<vmem_shared>> -> memref<10240x128xf32, #tpu.memory_space<vmem_shared>>
    %dma_wait3A_58 = tpu.memref_slice %arg12[%dma_wait3A_47] : memref<4x!tpu.dma_semaphore, #tpu.memory_space<semaphore_mem>> -> memref<1x!tpu.dma_semaphore, #tpu.memory_space<semaphore_mem>>
    %dma_wait3A_59 = tpu.memref_squeeze %dma_wait3A_58 : memref<1x!tpu.dma_semaphore, #tpu.memory_space<semaphore_mem>> -> memref<!tpu.dma_semaphore, #tpu.memory_space<semaphore_mem>>
    tpu.wait_indirect_dma semaphore(%dma_wait3A_59 : memref<!tpu.dma_semaphore, #tpu.memory_space<semaphore_mem>>) src(%dma_wait3A_51 : memref<64x128xf32, #tpu.memory_space<vmem>>) dst(%dma_wait3A_57 : memref<10240x128xf32, #tpu.memory_space<vmem_shared>>)
    %dma_wait3A_60 = arith.constant 1 : i32
    %dma_wait3A_61 = arith.constant 0 : i32
    %dma_wait3A_62 = arith.constant 1 : i32
    %dma_wait3A_63 = arith.constant 0 : i32
    %dma_wait3A_64 = arith.constant 0 : i32
    %dma_wait3A_65 = tpu.memref_slice %arg8[%dma_wait3A_60, %dma_wait3A_63, %dma_wait3A_64] : memref<4x64x128xf32, #tpu.memory_space<vmem>> -> memref<1x64x128xf32, #tpu.memory_space<vmem>>
    %dma_wait3A_66 = tpu.memref_squeeze %dma_wait3A_65 : memref<1x64x128xf32, #tpu.memory_space<vmem>> -> memref<64x128xf32, #tpu.memory_space<vmem>>
    %dma_wait3A_67 = arith.constant 0 : i32
    %dma_wait3A_68 = tpu.memref_slice %arg7[%dma_wait3A_61, %dma_wait3A_67] : memref<80x64xi32, #tpu.memory_space<vmem>> -> memref<1x64xi32, #tpu.memory_space<vmem>>
    %dma_wait3A_69 = tpu.memref_squeeze %dma_wait3A_68 : memref<1x64xi32, #tpu.memory_space<vmem>> -> memref<64xi32, #tpu.memory_space<vmem>>
    %dma_wait3A_70 = arith.constant 0 : i32
    %dma_wait3A_71 = arith.constant 0 : i32
    %dma_wait3A_72 = tpu.memref_slice %arg10[%dma_wait3A_70, %dma_wait3A_71] : memref<10240x128xf32, #tpu.memory_space<vmem_shared>> -> memref<10240x128xf32, #tpu.memory_space<vmem_shared>>
    %dma_wait3A_73 = tpu.memref_slice %arg12[%dma_wait3A_62] : memref<4x!tpu.dma_semaphore, #tpu.memory_space<semaphore_mem>> -> memref<1x!tpu.dma_semaphore, #tpu.memory_space<semaphore_mem>>
    %dma_wait3A_74 = tpu.memref_squeeze %dma_wait3A_73 : memref<1x!tpu.dma_semaphore, #tpu.memory_space<semaphore_mem>> -> memref<!tpu.dma_semaphore, #tpu.memory_space<semaphore_mem>>
    tpu.wait_indirect_dma semaphore(%dma_wait3A_74 : memref<!tpu.dma_semaphore, #tpu.memory_space<semaphore_mem>>) src(%dma_wait3A_66 : memref<64x128xf32, #tpu.memory_space<vmem>>) dst(%dma_wait3A_72 : memref<10240x128xf32, #tpu.memory_space<vmem_shared>>)
    %dma_wait3A_75 = arith.constant 2 : i32
    %dma_wait3A_76 = arith.constant 0 : i32
    %dma_wait3A_77 = arith.constant 2 : i32
    %dma_wait3A_78 = arith.constant 0 : i32
    %dma_wait3A_79 = arith.constant 0 : i32
    %dma_wait3A_80 = tpu.memref_slice %arg8[%dma_wait3A_75, %dma_wait3A_78, %dma_wait3A_79] : memref<4x64x128xf32, #tpu.memory_space<vmem>> -> memref<1x64x128xf32, #tpu.memory_space<vmem>>
    %dma_wait3A_81 = tpu.memref_squeeze %dma_wait3A_80 : memref<1x64x128xf32, #tpu.memory_space<vmem>> -> memref<64x128xf32, #tpu.memory_space<vmem>>
    %dma_wait3A_82 = arith.constant 0 : i32
    %dma_wait3A_83 = tpu.memref_slice %arg7[%dma_wait3A_76, %dma_wait3A_82] : memref<80x64xi32, #tpu.memory_space<vmem>> -> memref<1x64xi32, #tpu.memory_space<vmem>>
    %dma_wait3A_84 = tpu.memref_squeeze %dma_wait3A_83 : memref<1x64xi32, #tpu.memory_space<vmem>> -> memref<64xi32, #tpu.memory_space<vmem>>
    %dma_wait3A_85 = arith.constant 0 : i32
    %dma_wait3A_86 = arith.constant 0 : i32
    %dma_wait3A_87 = tpu.memref_slice %arg10[%dma_wait3A_85, %dma_wait3A_86] : memref<10240x128xf32, #tpu.memory_space<vmem_shared>> -> memref<10240x128xf32, #tpu.memory_space<vmem_shared>>
    %dma_wait3A_88 = tpu.memref_slice %arg12[%dma_wait3A_77] : memref<4x!tpu.dma_semaphore, #tpu.memory_space<semaphore_mem>> -> memref<1x!tpu.dma_semaphore, #tpu.memory_space<semaphore_mem>>
    %dma_wait3A_89 = tpu.memref_squeeze %dma_wait3A_88 : memref<1x!tpu.dma_semaphore, #tpu.memory_space<semaphore_mem>> -> memref<!tpu.dma_semaphore, #tpu.memory_space<semaphore_mem>>
    tpu.wait_indirect_dma semaphore(%dma_wait3A_89 : memref<!tpu.dma_semaphore, #tpu.memory_space<semaphore_mem>>) src(%dma_wait3A_81 : memref<64x128xf32, #tpu.memory_space<vmem>>) dst(%dma_wait3A_87 : memref<10240x128xf32, #tpu.memory_space<vmem_shared>>)
    %dma_wait3A_90 = arith.constant 3 : i32
    %dma_wait3A_91 = arith.constant 0 : i32
    %dma_wait3A_92 = arith.constant 3 : i32
    %dma_wait3A_93 = arith.constant 0 : i32
    %dma_wait3A_94 = arith.constant 0 : i32
    %dma_wait3A_95 = tpu.memref_slice %arg8[%dma_wait3A_90, %dma_wait3A_93, %dma_wait3A_94] : memref<4x64x128xf32, #tpu.memory_space<vmem>> -> memref<1x64x128xf32, #tpu.memory_space<vmem>>
    %dma_wait3A_96 = tpu.memref_squeeze %dma_wait3A_95 : memref<1x64x128xf32, #tpu.memory_space<vmem>> -> memref<64x128xf32, #tpu.memory_space<vmem>>
    %dma_wait3A_97 = arith.constant 0 : i32
    %dma_wait3A_98 = tpu.memref_slice %arg7[%dma_wait3A_91, %dma_wait3A_97] : memref<80x64xi32, #tpu.memory_space<vmem>> -> memref<1x64xi32, #tpu.memory_space<vmem>>
    %dma_wait3A_99 = tpu.memref_squeeze %dma_wait3A_98 : memref<1x64xi32, #tpu.memory_space<vmem>> -> memref<64xi32, #tpu.memory_space<vmem>>
    %dma_wait3A_100 = arith.constant 0 : i32
    %dma_wait3A_101 = arith.constant 0 : i32
    %dma_wait3A_102 = tpu.memref_slice %arg10[%dma_wait3A_100, %dma_wait3A_101] : memref<10240x128xf32, #tpu.memory_space<vmem_shared>> -> memref<10240x128xf32, #tpu.memory_space<vmem_shared>>
    %dma_wait3A_103 = tpu.memref_slice %arg12[%dma_wait3A_92] : memref<4x!tpu.dma_semaphore, #tpu.memory_space<semaphore_mem>> -> memref<1x!tpu.dma_semaphore, #tpu.memory_space<semaphore_mem>>
    %dma_wait3A_104 = tpu.memref_squeeze %dma_wait3A_103 : memref<1x!tpu.dma_semaphore, #tpu.memory_space<semaphore_mem>> -> memref<!tpu.dma_semaphore, #tpu.memory_space<semaphore_mem>>
    tpu.wait_indirect_dma semaphore(%dma_wait3A_104 : memref<!tpu.dma_semaphore, #tpu.memory_space<semaphore_mem>>) src(%dma_wait3A_96 : memref<64x128xf32, #tpu.memory_space<vmem>>) dst(%dma_wait3A_102 : memref<10240x128xf32, #tpu.memory_space<vmem_shared>>)
    "tpu.region"() ({
      %run_scoped3A = tpu.sem_alloc : memref<!tpu.dma_semaphore, #tpu.memory_space<semaphore_mem>>
      %dma_start3A_203 = arith.constant 5120 : i32
      %dma_start3A_204 = tpu.memref_slice %arg3[%add3A, %dma_start3A_203] : memref<32x10240xi32, #tpu.memory_space<hbm>> -> memref<1x5120xi32, #tpu.memory_space<hbm>>
      %dma_start3A_205 = tpu.memref_squeeze %dma_start3A_204 : memref<1x5120xi32, #tpu.memory_space<hbm>> -> memref<5120xi32, #tpu.memory_space<hbm>>
      %dma_start3A_206 = arith.constant 5120 : i32
      %dma_start3A_207 = tpu.memref_slice %arg3[%add3A, %dma_start3A_206] : memref<32x10240xi32, #tpu.memory_space<hbm>> -> memref<1x5120xi32, #tpu.memory_space<hbm>>
      %dma_start3A_208 = tpu.memref_squeeze %dma_start3A_207 : memref<1x5120xi32, #tpu.memory_space<hbm>> -> memref<5120xi32, #tpu.memory_space<hbm>>
      tpu.enqueue_dma source(%dma_start3A_208 : memref<5120xi32, #tpu.memory_space<hbm>>) target(%arg6 : memref<5120xi32, #tpu.memory_space<vmem>>) target_semaphore(%run_scoped3A : memref<!tpu.dma_semaphore, #tpu.memory_space<semaphore_mem>>)
      %dma_wait3A_209 = arith.constant 5120 : i32
      %dma_wait3A_210 = tpu.memref_slice %arg3[%add3A, %dma_wait3A_209] : memref<32x10240xi32, #tpu.memory_space<hbm>> -> memref<1x5120xi32, #tpu.memory_space<hbm>>
      %dma_wait3A_211 = tpu.memref_squeeze %dma_wait3A_210 : memref<1x5120xi32, #tpu.memory_space<hbm>> -> memref<5120xi32, #tpu.memory_space<hbm>>
      %dma_wait3A_212 = arith.constant 5120 : i32
      %dma_wait3A_213 = tpu.memref_slice %arg3[%add3A, %dma_wait3A_212] : memref<32x10240xi32, #tpu.memory_space<hbm>> -> memref<1x5120xi32, #tpu.memory_space<hbm>>
      %dma_wait3A_214 = tpu.memref_squeeze %dma_wait3A_213 : memref<1x5120xi32, #tpu.memory_space<hbm>> -> memref<5120xi32, #tpu.memory_space<hbm>>
      tpu.wait_dma2 semaphore(%run_scoped3A : memref<!tpu.dma_semaphore, #tpu.memory_space<semaphore_mem>>) src(%dma_wait3A_214 : memref<5120xi32, #tpu.memory_space<hbm>>) dst(%arg6 : memref<5120xi32, #tpu.memory_space<vmem>>)
      tpu.yield
    }) : () -> ()
    "tpu.region"() ({
      %run_scoped3A = tpu.sem_alloc : memref<!tpu.dma_semaphore, #tpu.memory_space<semaphore_mem>>
      %dma_start3A_203 = arith.constant 80 : i32
      %dma_start3A_204 = arith.constant 0 : i32
      %dma_start3A_205 = tpu.memref_slice %arg4[%add3A, %dma_start3A_203, %dma_start3A_204] : memref<32x160x64xi32, #tpu.memory_space<hbm>> -> memref<1x80x64xi32, #tpu.memory_space<hbm>>
      %dma_start3A_206 = tpu.memref_squeeze %dma_start3A_205 : memref<1x80x64xi32, #tpu.memory_space<hbm>> -> memref<80x64xi32, #tpu.memory_space<hbm>>
      %dma_start3A_207 = arith.constant 80 : i32
      %dma_start3A_208 = arith.constant 0 : i32
      %dma_start3A_209 = tpu.memref_slice %arg4[%add3A, %dma_start3A_207, %dma_start3A_208] : memref<32x160x64xi32, #tpu.memory_space<hbm>> -> memref<1x80x64xi32, #tpu.memory_space<hbm>>
      %dma_start3A_210 = tpu.memref_squeeze %dma_start3A_209 : memref<1x80x64xi32, #tpu.memory_space<hbm>> -> memref<80x64xi32, #tpu.memory_space<hbm>>
      tpu.enqueue_dma source(%dma_start3A_210 : memref<80x64xi32, #tpu.memory_space<hbm>>) target(%arg7 : memref<80x64xi32, #tpu.memory_space<vmem>>) target_semaphore(%run_scoped3A : memref<!tpu.dma_semaphore, #tpu.memory_space<semaphore_mem>>)
      %dma_wait3A_211 = arith.constant 80 : i32
      %dma_wait3A_212 = arith.constant 0 : i32
      %dma_wait3A_213 = tpu.memref_slice %arg4[%add3A, %dma_wait3A_211, %dma_wait3A_212] : memref<32x160x64xi32, #tpu.memory_space<hbm>> -> memref<1x80x64xi32, #tpu.memory_space<hbm>>
      %dma_wait3A_214 = tpu.memref_squeeze %dma_wait3A_213 : memref<1x80x64xi32, #tpu.memory_space<hbm>> -> memref<80x64xi32, #tpu.memory_space<hbm>>
      %dma_wait3A_215 = arith.constant 80 : i32
      %dma_wait3A_216 = arith.constant 0 : i32
      %dma_wait3A_217 = tpu.memref_slice %arg4[%add3A, %dma_wait3A_215, %dma_wait3A_216] : memref<32x160x64xi32, #tpu.memory_space<hbm>> -> memref<1x80x64xi32, #tpu.memory_space<hbm>>
      %dma_wait3A_218 = tpu.memref_squeeze %dma_wait3A_217 : memref<1x80x64xi32, #tpu.memory_space<hbm>> -> memref<80x64xi32, #tpu.memory_space<hbm>>
      tpu.wait_dma2 semaphore(%run_scoped3A : memref<!tpu.dma_semaphore, #tpu.memory_space<semaphore_mem>>) src(%dma_wait3A_218 : memref<80x64xi32, #tpu.memory_space<hbm>>) dst(%arg7 : memref<80x64xi32, #tpu.memory_space<vmem>>)
      tpu.yield
    }) : () -> ()
    %dma_start3A_105 = arith.constant 0 : i32
    %dma_start3A_106 = arith.constant 0 : i32
    %dma_start3A_107 = arith.constant 0 : i32
    %dma_start3A_108 = arith.constant 0 : i32
    %dma_start3A_109 = tpu.memref_slice %arg8[%dma_start3A_105, %dma_start3A_107, %dma_start3A_108] : memref<4x64x128xf32, #tpu.memory_space<vmem>> -> memref<1x64x128xf32, #tpu.memory_space<vmem>>
    %dma_start3A_110 = tpu.memref_squeeze %dma_start3A_109 : memref<1x64x128xf32, #tpu.memory_space<vmem>> -> memref<64x128xf32, #tpu.memory_space<vmem>>
    %dma_start3A_111 = arith.constant 0 : i32
    %dma_start3A_112 = tpu.memref_slice %arg6[%dma_start3A_111] : memref<5120xi32, #tpu.memory_space<vmem>> -> memref<64xi32, #tpu.memory_space<vmem>>
    %dma_start3A_113 = arith.constant 0 : i32
    %dma_start3A_114 = arith.constant 0 : i32
    %dma_start3A_115 = tpu.memref_slice %arg2[%dma_start3A_113, %dma_start3A_114] : memref<10000x128xf32, #tpu.memory_space<hbm>> -> memref<10000x128xf32, #tpu.memory_space<hbm>>
    %dma_start3A_116 = tpu.memref_slice %arg11[%dma_start3A_106] : memref<4x!tpu.dma_semaphore, #tpu.memory_space<semaphore_mem>> -> memref<1x!tpu.dma_semaphore, #tpu.memory_space<semaphore_mem>>
    %dma_start3A_117 = tpu.memref_squeeze %dma_start3A_116 : memref<1x!tpu.dma_semaphore, #tpu.memory_space<semaphore_mem>> -> memref<!tpu.dma_semaphore, #tpu.memory_space<semaphore_mem>>
    tpu.enqueue_indirect_dma source(%dma_start3A_115 : memref<10000x128xf32, #tpu.memory_space<hbm>>) target(%dma_start3A_110 : memref<64x128xf32, #tpu.memory_space<vmem>>) offsets(%dma_start3A_112 : memref<64xi32, #tpu.memory_space<vmem>>) semaphore(%dma_start3A_117 : memref<!tpu.dma_semaphore, #tpu.memory_space<semaphore_mem>>)
    %dma_start3A_118 = arith.constant 1 : i32
    %dma_start3A_119 = arith.constant 1 : i32
    %dma_start3A_120 = arith.constant 0 : i32
    %dma_start3A_121 = arith.constant 0 : i32
    %dma_start3A_122 = tpu.memref_slice %arg8[%dma_start3A_118, %dma_start3A_120, %dma_start3A_121] : memref<4x64x128xf32, #tpu.memory_space<vmem>> -> memref<1x64x128xf32, #tpu.memory_space<vmem>>
    %dma_start3A_123 = tpu.memref_squeeze %dma_start3A_122 : memref<1x64x128xf32, #tpu.memory_space<vmem>> -> memref<64x128xf32, #tpu.memory_space<vmem>>
    %dma_start3A_124 = arith.constant 64 : i32
    %dma_start3A_125 = tpu.memref_slice %arg6[%dma_start3A_124] : memref<5120xi32, #tpu.memory_space<vmem>> -> memref<64xi32, #tpu.memory_space<vmem>>
    %dma_start3A_126 = arith.constant 0 : i32
    %dma_start3A_127 = arith.constant 0 : i32
    %dma_start3A_128 = tpu.memref_slice %arg2[%dma_start3A_126, %dma_start3A_127] : memref<10000x128xf32, #tpu.memory_space<hbm>> -> memref<10000x128xf32, #tpu.memory_space<hbm>>
    %dma_start3A_129 = tpu.memref_slice %arg11[%dma_start3A_119] : memref<4x!tpu.dma_semaphore, #tpu.memory_space<semaphore_mem>> -> memref<1x!tpu.dma_semaphore, #tpu.memory_space<semaphore_mem>>
    %dma_start3A_130 = tpu.memref_squeeze %dma_start3A_129 : memref<1x!tpu.dma_semaphore, #tpu.memory_space<semaphore_mem>> -> memref<!tpu.dma_semaphore, #tpu.memory_space<semaphore_mem>>
    tpu.enqueue_indirect_dma source(%dma_start3A_128 : memref<10000x128xf32, #tpu.memory_space<hbm>>) target(%dma_start3A_123 : memref<64x128xf32, #tpu.memory_space<vmem>>) offsets(%dma_start3A_125 : memref<64xi32, #tpu.memory_space<vmem>>) semaphore(%dma_start3A_130 : memref<!tpu.dma_semaphore, #tpu.memory_space<semaphore_mem>>)
    %scan3A_131 = arith.constant 0 : i32
    %scan3A_132 = arith.constant 0 : i32
    %scan3A_133 = arith.constant 20 : i32
    %scan3A_134 = arith.addi %scan3A_132, %scan3A_133 : i32
    %scan3A_135 = arith.constant 1 : i32
    %scan3A_136 = scf.for %scan3A_203 = %scan3A_132 to %scan3A_134 step %scan3A_135 iter_args(%scan3A_204 = %scan3A_131) -> (i32)  : i32 {
      %mul3A_205 = arith.constant 4 : i32
      %mul3A_206 = arith.muli %scan3A_203, %mul3A_205 : i32
      %add3A_207 = arith.constant 0 : i32
      %add3A_208 = arith.addi %mul3A_206, %add3A_207 : i32
      %add3A_209 = arith.constant 2 : i32
      %add3A_210 = arith.addi %add3A_208, %add3A_209 : i32
      %lt3A = arith.constant 80 : i32
      %lt3A_211 = arith.cmpi slt, %add3A_210, %lt3A : i32
      %convert_element_type3A = arith.extui %lt3A_211 : i1 to i32
      %cond3A = arith.constant 0 : i32
      %cond3A_212 = arith.cmpi ne, %convert_element_type3A, %cond3A : i32
      scf.if %cond3A_212 {
        %ge3A = arith.constant 2 : i32
        %ge3A_349 = arith.cmpi sge, %add3A_208, %ge3A : i32
        %convert_element_type3A_350 = arith.extui %ge3A_349 : i1 to i32
        %cond3A_351 = arith.constant 0 : i32
        %cond3A_352 = arith.cmpi ne, %convert_element_type3A_350, %cond3A_351 : i32
        scf.if %cond3A_352 {
          %dma_wait3A_369 = arith.constant 2 : i32
          %dma_wait3A_370 = arith.constant 0 : i32
          %dma_wait3A_371 = arith.constant 2 : i32
          %dma_wait3A_372 = arith.constant 0 : i32
          %dma_wait3A_373 = arith.constant 0 : i32
          %dma_wait3A_374 = tpu.memref_slice %arg8[%dma_wait3A_369, %dma_wait3A_372, %dma_wait3A_373] : memref<4x64x128xf32, #tpu.memory_space<vmem>> -> memref<1x64x128xf32, #tpu.memory_space<vmem>>
          %dma_wait3A_375 = tpu.memref_squeeze %dma_wait3A_374 : memref<1x64x128xf32, #tpu.memory_space<vmem>> -> memref<64x128xf32, #tpu.memory_space<vmem>>
          %dma_wait3A_376 = arith.constant 0 : i32
          %dma_wait3A_377 = tpu.memref_slice %arg7[%dma_wait3A_370, %dma_wait3A_376] : memref<80x64xi32, #tpu.memory_space<vmem>> -> memref<1x64xi32, #tpu.memory_space<vmem>>
          %dma_wait3A_378 = tpu.memref_squeeze %dma_wait3A_377 : memref<1x64xi32, #tpu.memory_space<vmem>> -> memref<64xi32, #tpu.memory_space<vmem>>
          %dma_wait3A_379 = arith.constant 0 : i32
          %dma_wait3A_380 = arith.constant 0 : i32
          %dma_wait3A_381 = tpu.memref_slice %arg10[%dma_wait3A_379, %dma_wait3A_380] : memref<10240x128xf32, #tpu.memory_space<vmem_shared>> -> memref<10240x128xf32, #tpu.memory_space<vmem_shared>>
          %dma_wait3A_382 = tpu.memref_slice %arg12[%dma_wait3A_371] : memref<4x!tpu.dma_semaphore, #tpu.memory_space<semaphore_mem>> -> memref<1x!tpu.dma_semaphore, #tpu.memory_space<semaphore_mem>>
          %dma_wait3A_383 = tpu.memref_squeeze %dma_wait3A_382 : memref<1x!tpu.dma_semaphore, #tpu.memory_space<semaphore_mem>> -> memref<!tpu.dma_semaphore, #tpu.memory_space<semaphore_mem>>
          tpu.wait_indirect_dma semaphore(%dma_wait3A_383 : memref<!tpu.dma_semaphore, #tpu.memory_space<semaphore_mem>>) src(%dma_wait3A_375 : memref<64x128xf32, #tpu.memory_space<vmem>>) dst(%dma_wait3A_381 : memref<10240x128xf32, #tpu.memory_space<vmem_shared>>)
        } else {
        }
        %add3A_353 = arith.constant 2 : i32
        %add3A_354 = arith.addi %add3A_208, %add3A_353 : i32
        %mul3A_355 = arith.constant 64 : i32
        %mul3A_356 = arith.muli %add3A_354, %mul3A_355 : i32
        %dma_start3A_357 = arith.constant 2 : i32
        %dma_start3A_358 = arith.constant 2 : i32
        %dma_start3A_359 = arith.constant 0 : i32
        %dma_start3A_360 = arith.constant 0 : i32
        %dma_start3A_361 = tpu.memref_slice %arg8[%dma_start3A_357, %dma_start3A_359, %dma_start3A_360] : memref<4x64x128xf32, #tpu.memory_space<vmem>> -> memref<1x64x128xf32, #tpu.memory_space<vmem>>
        %dma_start3A_362 = tpu.memref_squeeze %dma_start3A_361 : memref<1x64x128xf32, #tpu.memory_space<vmem>> -> memref<64x128xf32, #tpu.memory_space<vmem>>
        %dma_start3A_363 = tpu.memref_slice %arg6[%mul3A_356] : memref<5120xi32, #tpu.memory_space<vmem>> -> memref<64xi32, #tpu.memory_space<vmem>>
        %dma_start3A_364 = arith.constant 0 : i32
        %dma_start3A_365 = arith.constant 0 : i32
        %dma_start3A_366 = tpu.memref_slice %arg2[%dma_start3A_364, %dma_start3A_365] : memref<10000x128xf32, #tpu.memory_space<hbm>> -> memref<10000x128xf32, #tpu.memory_space<hbm>>
        %dma_start3A_367 = tpu.memref_slice %arg11[%dma_start3A_358] : memref<4x!tpu.dma_semaphore, #tpu.memory_space<semaphore_mem>> -> memref<1x!tpu.dma_semaphore, #tpu.memory_space<semaphore_mem>>
        %dma_start3A_368 = tpu.memref_squeeze %dma_start3A_367 : memref<1x!tpu.dma_semaphore, #tpu.memory_space<semaphore_mem>> -> memref<!tpu.dma_semaphore, #tpu.memory_space<semaphore_mem>>
        tpu.enqueue_indirect_dma source(%dma_start3A_366 : memref<10000x128xf32, #tpu.memory_space<hbm>>) target(%dma_start3A_362 : memref<64x128xf32, #tpu.memory_space<vmem>>) offsets(%dma_start3A_363 : memref<64xi32, #tpu.memory_space<vmem>>) semaphore(%dma_start3A_368 : memref<!tpu.dma_semaphore, #tpu.memory_space<semaphore_mem>>)
      } else {
      }
      %dma_wait3A_213 = arith.constant 0 : i32
      %dma_wait3A_214 = arith.constant 0 : i32
      %dma_wait3A_215 = arith.constant 0 : i32
      %dma_wait3A_216 = arith.constant 0 : i32
      %dma_wait3A_217 = tpu.memref_slice %arg8[%dma_wait3A_213, %dma_wait3A_215, %dma_wait3A_216] : memref<4x64x128xf32, #tpu.memory_space<vmem>> -> memref<1x64x128xf32, #tpu.memory_space<vmem>>
      %dma_wait3A_218 = tpu.memref_squeeze %dma_wait3A_217 : memref<1x64x128xf32, #tpu.memory_space<vmem>> -> memref<64x128xf32, #tpu.memory_space<vmem>>
      %dma_wait3A_219 = arith.constant 0 : i32
      %dma_wait3A_220 = tpu.memref_slice %arg6[%dma_wait3A_219] : memref<5120xi32, #tpu.memory_space<vmem>> -> memref<64xi32, #tpu.memory_space<vmem>>
      %dma_wait3A_221 = arith.constant 0 : i32
      %dma_wait3A_222 = arith.constant 0 : i32
      %dma_wait3A_223 = tpu.memref_slice %arg2[%dma_wait3A_221, %dma_wait3A_222] : memref<10000x128xf32, #tpu.memory_space<hbm>> -> memref<10000x128xf32, #tpu.memory_space<hbm>>
      %dma_wait3A_224 = tpu.memref_slice %arg11[%dma_wait3A_214] : memref<4x!tpu.dma_semaphore, #tpu.memory_space<semaphore_mem>> -> memref<1x!tpu.dma_semaphore, #tpu.memory_space<semaphore_mem>>
      %dma_wait3A_225 = tpu.memref_squeeze %dma_wait3A_224 : memref<1x!tpu.dma_semaphore, #tpu.memory_space<semaphore_mem>> -> memref<!tpu.dma_semaphore, #tpu.memory_space<semaphore_mem>>
      tpu.wait_indirect_dma semaphore(%dma_wait3A_225 : memref<!tpu.dma_semaphore, #tpu.memory_space<semaphore_mem>>) src(%dma_wait3A_223 : memref<10000x128xf32, #tpu.memory_space<hbm>>) dst(%dma_wait3A_218 : memref<64x128xf32, #tpu.memory_space<vmem>>)
      %dma_start3A_226 = arith.constant 0 : i32
      %dma_start3A_227 = arith.constant 0 : i32
      %dma_start3A_228 = arith.constant 0 : i32
      %dma_start3A_229 = arith.constant 0 : i32
      %dma_start3A_230 = tpu.memref_slice %arg8[%dma_start3A_226, %dma_start3A_228, %dma_start3A_229] : memref<4x64x128xf32, #tpu.memory_space<vmem>> -> memref<1x64x128xf32, #tpu.memory_space<vmem>>
      %dma_start3A_231 = tpu.memref_squeeze %dma_start3A_230 : memref<1x64x128xf32, #tpu.memory_space<vmem>> -> memref<64x128xf32, #tpu.memory_space<vmem>>
      %dma_start3A_232 = arith.constant 0 : i32
      %dma_start3A_233 = tpu.memref_slice %arg7[%add3A_208, %dma_start3A_232] : memref<80x64xi32, #tpu.memory_space<vmem>> -> memref<1x64xi32, #tpu.memory_space<vmem>>
      %dma_start3A_234 = tpu.memref_squeeze %dma_start3A_233 : memref<1x64xi32, #tpu.memory_space<vmem>> -> memref<64xi32, #tpu.memory_space<vmem>>
      %dma_start3A_235 = arith.constant 0 : i32
      %dma_start3A_236 = arith.constant 0 : i32
      %dma_start3A_237 = tpu.memref_slice %arg10[%dma_start3A_235, %dma_start3A_236] : memref<10240x128xf32, #tpu.memory_space<vmem_shared>> -> memref<10240x128xf32, #tpu.memory_space<vmem_shared>>
      %dma_start3A_238 = tpu.memref_slice %arg12[%dma_start3A_227] : memref<4x!tpu.dma_semaphore, #tpu.memory_space<semaphore_mem>> -> memref<1x!tpu.dma_semaphore, #tpu.memory_space<semaphore_mem>>
      %dma_start3A_239 = tpu.memref_squeeze %dma_start3A_238 : memref<1x!tpu.dma_semaphore, #tpu.memory_space<semaphore_mem>> -> memref<!tpu.dma_semaphore, #tpu.memory_space<semaphore_mem>>
      tpu.enqueue_indirect_dma source(%dma_start3A_231 : memref<64x128xf32, #tpu.memory_space<vmem>>) target(%dma_start3A_237 : memref<10240x128xf32, #tpu.memory_space<vmem_shared>>) offsets(%dma_start3A_234 : memref<64xi32, #tpu.memory_space<vmem>>) semaphore(%dma_start3A_239 : memref<!tpu.dma_semaphore, #tpu.memory_space<semaphore_mem>>) {add = true}
      %add3A_240 = arith.constant 1 : i32
      %add3A_241 = arith.addi %mul3A_206, %add3A_240 : i32
      %add3A_242 = arith.constant 2 : i32
      %add3A_243 = arith.addi %add3A_241, %add3A_242 : i32
      %lt3A_244 = arith.constant 80 : i32
      %lt3A_245 = arith.cmpi slt, %add3A_243, %lt3A_244 : i32
      %convert_element_type3A_246 = arith.extui %lt3A_245 : i1 to i32
      %cond3A_247 = arith.constant 0 : i32
      %cond3A_248 = arith.cmpi ne, %convert_element_type3A_246, %cond3A_247 : i32
      scf.if %cond3A_248 {
        %ge3A = arith.constant 2 : i32
        %ge3A_349 = arith.cmpi sge, %add3A_241, %ge3A : i32
        %convert_element_type3A_350 = arith.extui %ge3A_349 : i1 to i32
        %cond3A_351 = arith.constant 0 : i32
        %cond3A_352 = arith.cmpi ne, %convert_element_type3A_350, %cond3A_351 : i32
        scf.if %cond3A_352 {
          %dma_wait3A_369 = arith.constant 3 : i32
          %dma_wait3A_370 = arith.constant 0 : i32
          %dma_wait3A_371 = arith.constant 3 : i32
          %dma_wait3A_372 = arith.constant 0 : i32
          %dma_wait3A_373 = arith.constant 0 : i32
          %dma_wait3A_374 = tpu.memref_slice %arg8[%dma_wait3A_369, %dma_wait3A_372, %dma_wait3A_373] : memref<4x64x128xf32, #tpu.memory_space<vmem>> -> memref<1x64x128xf32, #tpu.memory_space<vmem>>
          %dma_wait3A_375 = tpu.memref_squeeze %dma_wait3A_374 : memref<1x64x128xf32, #tpu.memory_space<vmem>> -> memref<64x128xf32, #tpu.memory_space<vmem>>
          %dma_wait3A_376 = arith.constant 0 : i32
          %dma_wait3A_377 = tpu.memref_slice %arg7[%dma_wait3A_370, %dma_wait3A_376] : memref<80x64xi32, #tpu.memory_space<vmem>> -> memref<1x64xi32, #tpu.memory_space<vmem>>
          %dma_wait3A_378 = tpu.memref_squeeze %dma_wait3A_377 : memref<1x64xi32, #tpu.memory_space<vmem>> -> memref<64xi32, #tpu.memory_space<vmem>>
          %dma_wait3A_379 = arith.constant 0 : i32
          %dma_wait3A_380 = arith.constant 0 : i32
          %dma_wait3A_381 = tpu.memref_slice %arg10[%dma_wait3A_379, %dma_wait3A_380] : memref<10240x128xf32, #tpu.memory_space<vmem_shared>> -> memref<10240x128xf32, #tpu.memory_space<vmem_shared>>
          %dma_wait3A_382 = tpu.memref_slice %arg12[%dma_wait3A_371] : memref<4x!tpu.dma_semaphore, #tpu.memory_space<semaphore_mem>> -> memref<1x!tpu.dma_semaphore, #tpu.memory_space<semaphore_mem>>
          %dma_wait3A_383 = tpu.memref_squeeze %dma_wait3A_382 : memref<1x!tpu.dma_semaphore, #tpu.memory_space<semaphore_mem>> -> memref<!tpu.dma_semaphore, #tpu.memory_space<semaphore_mem>>
          tpu.wait_indirect_dma semaphore(%dma_wait3A_383 : memref<!tpu.dma_semaphore, #tpu.memory_space<semaphore_mem>>) src(%dma_wait3A_375 : memref<64x128xf32, #tpu.memory_space<vmem>>) dst(%dma_wait3A_381 : memref<10240x128xf32, #tpu.memory_space<vmem_shared>>)
        } else {
        }
        %add3A_353 = arith.constant 2 : i32
        %add3A_354 = arith.addi %add3A_241, %add3A_353 : i32
        %mul3A_355 = arith.constant 64 : i32
        %mul3A_356 = arith.muli %add3A_354, %mul3A_355 : i32
        %dma_start3A_357 = arith.constant 3 : i32
        %dma_start3A_358 = arith.constant 3 : i32
        %dma_start3A_359 = arith.constant 0 : i32
        %dma_start3A_360 = arith.constant 0 : i32
        %dma_start3A_361 = tpu.memref_slice %arg8[%dma_start3A_357, %dma_start3A_359, %dma_start3A_360] : memref<4x64x128xf32, #tpu.memory_space<vmem>> -> memref<1x64x128xf32, #tpu.memory_space<vmem>>
        %dma_start3A_362 = tpu.memref_squeeze %dma_start3A_361 : memref<1x64x128xf32, #tpu.memory_space<vmem>> -> memref<64x128xf32, #tpu.memory_space<vmem>>
        %dma_start3A_363 = tpu.memref_slice %arg6[%mul3A_356] : memref<5120xi32, #tpu.memory_space<vmem>> -> memref<64xi32, #tpu.memory_space<vmem>>
        %dma_start3A_364 = arith.constant 0 : i32
        %dma_start3A_365 = arith.constant 0 : i32
        %dma_start3A_366 = tpu.memref_slice %arg2[%dma_start3A_364, %dma_start3A_365] : memref<10000x128xf32, #tpu.memory_space<hbm>> -> memref<10000x128xf32, #tpu.memory_space<hbm>>
        %dma_start3A_367 = tpu.memref_slice %arg11[%dma_start3A_358] : memref<4x!tpu.dma_semaphore, #tpu.memory_space<semaphore_mem>> -> memref<1x!tpu.dma_semaphore, #tpu.memory_space<semaphore_mem>>
        %dma_start3A_368 = tpu.memref_squeeze %dma_start3A_367 : memref<1x!tpu.dma_semaphore, #tpu.memory_space<semaphore_mem>> -> memref<!tpu.dma_semaphore, #tpu.memory_space<semaphore_mem>>
        tpu.enqueue_indirect_dma source(%dma_start3A_366 : memref<10000x128xf32, #tpu.memory_space<hbm>>) target(%dma_start3A_362 : memref<64x128xf32, #tpu.memory_space<vmem>>) offsets(%dma_start3A_363 : memref<64xi32, #tpu.memory_space<vmem>>) semaphore(%dma_start3A_368 : memref<!tpu.dma_semaphore, #tpu.memory_space<semaphore_mem>>)
      } else {
      }
      %dma_wait3A_249 = arith.constant 1 : i32
      %dma_wait3A_250 = arith.constant 1 : i32
      %dma_wait3A_251 = arith.constant 0 : i32
      %dma_wait3A_252 = arith.constant 0 : i32
      %dma_wait3A_253 = tpu.memref_slice %arg8[%dma_wait3A_249, %dma_wait3A_251, %dma_wait3A_252] : memref<4x64x128xf32, #tpu.memory_space<vmem>> -> memref<1x64x128xf32, #tpu.memory_space<vmem>>
      %dma_wait3A_254 = tpu.memref_squeeze %dma_wait3A_253 : memref<1x64x128xf32, #tpu.memory_space<vmem>> -> memref<64x128xf32, #tpu.memory_space<vmem>>
      %dma_wait3A_255 = arith.constant 0 : i32
      %dma_wait3A_256 = tpu.memref_slice %arg6[%dma_wait3A_255] : memref<5120xi32, #tpu.memory_space<vmem>> -> memref<64xi32, #tpu.memory_space<vmem>>
      %dma_wait3A_257 = arith.constant 0 : i32
      %dma_wait3A_258 = arith.constant 0 : i32
      %dma_wait3A_259 = tpu.memref_slice %arg2[%dma_wait3A_257, %dma_wait3A_258] : memref<10000x128xf32, #tpu.memory_space<hbm>> -> memref<10000x128xf32, #tpu.memory_space<hbm>>
      %dma_wait3A_260 = tpu.memref_slice %arg11[%dma_wait3A_250] : memref<4x!tpu.dma_semaphore, #tpu.memory_space<semaphore_mem>> -> memref<1x!tpu.dma_semaphore, #tpu.memory_space<semaphore_mem>>
      %dma_wait3A_261 = tpu.memref_squeeze %dma_wait3A_260 : memref<1x!tpu.dma_semaphore, #tpu.memory_space<semaphore_mem>> -> memref<!tpu.dma_semaphore, #tpu.memory_space<semaphore_mem>>
      tpu.wait_indirect_dma semaphore(%dma_wait3A_261 : memref<!tpu.dma_semaphore, #tpu.memory_space<semaphore_mem>>) src(%dma_wait3A_259 : memref<10000x128xf32, #tpu.memory_space<hbm>>) dst(%dma_wait3A_254 : memref<64x128xf32, #tpu.memory_space<vmem>>)
      %dma_start3A_262 = arith.constant 1 : i32
      %dma_start3A_263 = arith.constant 1 : i32
      %dma_start3A_264 = arith.constant 0 : i32
      %dma_start3A_265 = arith.constant 0 : i32
      %dma_start3A_266 = tpu.memref_slice %arg8[%dma_start3A_262, %dma_start3A_264, %dma_start3A_265] : memref<4x64x128xf32, #tpu.memory_space<vmem>> -> memref<1x64x128xf32, #tpu.memory_space<vmem>>
      %dma_start3A_267 = tpu.memref_squeeze %dma_start3A_266 : memref<1x64x128xf32, #tpu.memory_space<vmem>> -> memref<64x128xf32, #tpu.memory_space<vmem>>
      %dma_start3A_268 = arith.constant 0 : i32
      %dma_start3A_269 = tpu.memref_slice %arg7[%add3A_241, %dma_start3A_268] : memref<80x64xi32, #tpu.memory_space<vmem>> -> memref<1x64xi32, #tpu.memory_space<vmem>>
      %dma_start3A_270 = tpu.memref_squeeze %dma_start3A_269 : memref<1x64xi32, #tpu.memory_space<vmem>> -> memref<64xi32, #tpu.memory_space<vmem>>
      %dma_start3A_271 = arith.constant 0 : i32
      %dma_start3A_272 = arith.constant 0 : i32
      %dma_start3A_273 = tpu.memref_slice %arg10[%dma_start3A_271, %dma_start3A_272] : memref<10240x128xf32, #tpu.memory_space<vmem_shared>> -> memref<10240x128xf32, #tpu.memory_space<vmem_shared>>
      %dma_start3A_274 = tpu.memref_slice %arg12[%dma_start3A_263] : memref<4x!tpu.dma_semaphore, #tpu.memory_space<semaphore_mem>> -> memref<1x!tpu.dma_semaphore, #tpu.memory_space<semaphore_mem>>
      %dma_start3A_275 = tpu.memref_squeeze %dma_start3A_274 : memref<1x!tpu.dma_semaphore, #tpu.memory_space<semaphore_mem>> -> memref<!tpu.dma_semaphore, #tpu.memory_space<semaphore_mem>>
      tpu.enqueue_indirect_dma source(%dma_start3A_267 : memref<64x128xf32, #tpu.memory_space<vmem>>) target(%dma_start3A_273 : memref<10240x128xf32, #tpu.memory_space<vmem_shared>>) offsets(%dma_start3A_270 : memref<64xi32, #tpu.memory_space<vmem>>) semaphore(%dma_start3A_275 : memref<!tpu.dma_semaphore, #tpu.memory_space<semaphore_mem>>) {add = true}
      %add3A_276 = arith.constant 2 : i32
      %add3A_277 = arith.addi %mul3A_206, %add3A_276 : i32
      %add3A_278 = arith.constant 2 : i32
      %add3A_279 = arith.addi %add3A_277, %add3A_278 : i32
      %lt3A_280 = arith.constant 80 : i32
      %lt3A_281 = arith.cmpi slt, %add3A_279, %lt3A_280 : i32
      %convert_element_type3A_282 = arith.extui %lt3A_281 : i1 to i32
      %cond3A_283 = arith.constant 0 : i32
      %cond3A_284 = arith.cmpi ne, %convert_element_type3A_282, %cond3A_283 : i32
      scf.if %cond3A_284 {
        %ge3A = arith.constant 2 : i32
        %ge3A_349 = arith.cmpi sge, %add3A_277, %ge3A : i32
        %convert_element_type3A_350 = arith.extui %ge3A_349 : i1 to i32
        %cond3A_351 = arith.constant 0 : i32
        %cond3A_352 = arith.cmpi ne, %convert_element_type3A_350, %cond3A_351 : i32
        scf.if %cond3A_352 {
          %dma_wait3A_369 = arith.constant 0 : i32
          %dma_wait3A_370 = arith.constant 0 : i32
          %dma_wait3A_371 = arith.constant 0 : i32
          %dma_wait3A_372 = arith.constant 0 : i32
          %dma_wait3A_373 = arith.constant 0 : i32
          %dma_wait3A_374 = tpu.memref_slice %arg8[%dma_wait3A_369, %dma_wait3A_372, %dma_wait3A_373] : memref<4x64x128xf32, #tpu.memory_space<vmem>> -> memref<1x64x128xf32, #tpu.memory_space<vmem>>
          %dma_wait3A_375 = tpu.memref_squeeze %dma_wait3A_374 : memref<1x64x128xf32, #tpu.memory_space<vmem>> -> memref<64x128xf32, #tpu.memory_space<vmem>>
          %dma_wait3A_376 = arith.constant 0 : i32
          %dma_wait3A_377 = tpu.memref_slice %arg7[%dma_wait3A_370, %dma_wait3A_376] : memref<80x64xi32, #tpu.memory_space<vmem>> -> memref<1x64xi32, #tpu.memory_space<vmem>>
          %dma_wait3A_378 = tpu.memref_squeeze %dma_wait3A_377 : memref<1x64xi32, #tpu.memory_space<vmem>> -> memref<64xi32, #tpu.memory_space<vmem>>
          %dma_wait3A_379 = arith.constant 0 : i32
          %dma_wait3A_380 = arith.constant 0 : i32
          %dma_wait3A_381 = tpu.memref_slice %arg10[%dma_wait3A_379, %dma_wait3A_380] : memref<10240x128xf32, #tpu.memory_space<vmem_shared>> -> memref<10240x128xf32, #tpu.memory_space<vmem_shared>>
          %dma_wait3A_382 = tpu.memref_slice %arg12[%dma_wait3A_371] : memref<4x!tpu.dma_semaphore, #tpu.memory_space<semaphore_mem>> -> memref<1x!tpu.dma_semaphore, #tpu.memory_space<semaphore_mem>>
          %dma_wait3A_383 = tpu.memref_squeeze %dma_wait3A_382 : memref<1x!tpu.dma_semaphore, #tpu.memory_space<semaphore_mem>> -> memref<!tpu.dma_semaphore, #tpu.memory_space<semaphore_mem>>
          tpu.wait_indirect_dma semaphore(%dma_wait3A_383 : memref<!tpu.dma_semaphore, #tpu.memory_space<semaphore_mem>>) src(%dma_wait3A_375 : memref<64x128xf32, #tpu.memory_space<vmem>>) dst(%dma_wait3A_381 : memref<10240x128xf32, #tpu.memory_space<vmem_shared>>)
        } else {
        }
        %add3A_353 = arith.constant 2 : i32
        %add3A_354 = arith.addi %add3A_277, %add3A_353 : i32
        %mul3A_355 = arith.constant 64 : i32
        %mul3A_356 = arith.muli %add3A_354, %mul3A_355 : i32
        %dma_start3A_357 = arith.constant 0 : i32
        %dma_start3A_358 = arith.constant 0 : i32
        %dma_start3A_359 = arith.constant 0 : i32
        %dma_start3A_360 = arith.constant 0 : i32
        %dma_start3A_361 = tpu.memref_slice %arg8[%dma_start3A_357, %dma_start3A_359, %dma_start3A_360] : memref<4x64x128xf32, #tpu.memory_space<vmem>> -> memref<1x64x128xf32, #tpu.memory_space<vmem>>
        %dma_start3A_362 = tpu.memref_squeeze %dma_start3A_361 : memref<1x64x128xf32, #tpu.memory_space<vmem>> -> memref<64x128xf32, #tpu.memory_space<vmem>>
        %dma_start3A_363 = tpu.memref_slice %arg6[%mul3A_356] : memref<5120xi32, #tpu.memory_space<vmem>> -> memref<64xi32, #tpu.memory_space<vmem>>
        %dma_start3A_364 = arith.constant 0 : i32
        %dma_start3A_365 = arith.constant 0 : i32
        %dma_start3A_366 = tpu.memref_slice %arg2[%dma_start3A_364, %dma_start3A_365] : memref<10000x128xf32, #tpu.memory_space<hbm>> -> memref<10000x128xf32, #tpu.memory_space<hbm>>
        %dma_start3A_367 = tpu.memref_slice %arg11[%dma_start3A_358] : memref<4x!tpu.dma_semaphore, #tpu.memory_space<semaphore_mem>> -> memref<1x!tpu.dma_semaphore, #tpu.memory_space<semaphore_mem>>
        %dma_start3A_368 = tpu.memref_squeeze %dma_start3A_367 : memref<1x!tpu.dma_semaphore, #tpu.memory_space<semaphore_mem>> -> memref<!tpu.dma_semaphore, #tpu.memory_space<semaphore_mem>>
        tpu.enqueue_indirect_dma source(%dma_start3A_366 : memref<10000x128xf32, #tpu.memory_space<hbm>>) target(%dma_start3A_362 : memref<64x128xf32, #tpu.memory_space<vmem>>) offsets(%dma_start3A_363 : memref<64xi32, #tpu.memory_space<vmem>>) semaphore(%dma_start3A_368 : memref<!tpu.dma_semaphore, #tpu.memory_space<semaphore_mem>>)
      } else {
      }
      %dma_wait3A_285 = arith.constant 2 : i32
      %dma_wait3A_286 = arith.constant 2 : i32
      %dma_wait3A_287 = arith.constant 0 : i32
      %dma_wait3A_288 = arith.constant 0 : i32
      %dma_wait3A_289 = tpu.memref_slice %arg8[%dma_wait3A_285, %dma_wait3A_287, %dma_wait3A_288] : memref<4x64x128xf32, #tpu.memory_space<vmem>> -> memref<1x64x128xf32, #tpu.memory_space<vmem>>
      %dma_wait3A_290 = tpu.memref_squeeze %dma_wait3A_289 : memref<1x64x128xf32, #tpu.memory_space<vmem>> -> memref<64x128xf32, #tpu.memory_space<vmem>>
      %dma_wait3A_291 = arith.constant 0 : i32
      %dma_wait3A_292 = tpu.memref_slice %arg6[%dma_wait3A_291] : memref<5120xi32, #tpu.memory_space<vmem>> -> memref<64xi32, #tpu.memory_space<vmem>>
      %dma_wait3A_293 = arith.constant 0 : i32
      %dma_wait3A_294 = arith.constant 0 : i32
      %dma_wait3A_295 = tpu.memref_slice %arg2[%dma_wait3A_293, %dma_wait3A_294] : memref<10000x128xf32, #tpu.memory_space<hbm>> -> memref<10000x128xf32, #tpu.memory_space<hbm>>
      %dma_wait3A_296 = tpu.memref_slice %arg11[%dma_wait3A_286] : memref<4x!tpu.dma_semaphore, #tpu.memory_space<semaphore_mem>> -> memref<1x!tpu.dma_semaphore, #tpu.memory_space<semaphore_mem>>
      %dma_wait3A_297 = tpu.memref_squeeze %dma_wait3A_296 : memref<1x!tpu.dma_semaphore, #tpu.memory_space<semaphore_mem>> -> memref<!tpu.dma_semaphore, #tpu.memory_space<semaphore_mem>>
      tpu.wait_indirect_dma semaphore(%dma_wait3A_297 : memref<!tpu.dma_semaphore, #tpu.memory_space<semaphore_mem>>) src(%dma_wait3A_295 : memref<10000x128xf32, #tpu.memory_space<hbm>>) dst(%dma_wait3A_290 : memref<64x128xf32, #tpu.memory_space<vmem>>)
      %dma_start3A_298 = arith.constant 2 : i32
      %dma_start3A_299 = arith.constant 2 : i32
      %dma_start3A_300 = arith.constant 0 : i32
      %dma_start3A_301 = arith.constant 0 : i32
      %dma_start3A_302 = tpu.memref_slice %arg8[%dma_start3A_298, %dma_start3A_300, %dma_start3A_301] : memref<4x64x128xf32, #tpu.memory_space<vmem>> -> memref<1x64x128xf32, #tpu.memory_space<vmem>>
      %dma_start3A_303 = tpu.memref_squeeze %dma_start3A_302 : memref<1x64x128xf32, #tpu.memory_space<vmem>> -> memref<64x128xf32, #tpu.memory_space<vmem>>
      %dma_start3A_304 = arith.constant 0 : i32
      %dma_start3A_305 = tpu.memref_slice %arg7[%add3A_277, %dma_start3A_304] : memref<80x64xi32, #tpu.memory_space<vmem>> -> memref<1x64xi32, #tpu.memory_space<vmem>>
      %dma_start3A_306 = tpu.memref_squeeze %dma_start3A_305 : memref<1x64xi32, #tpu.memory_space<vmem>> -> memref<64xi32, #tpu.memory_space<vmem>>
      %dma_start3A_307 = arith.constant 0 : i32
      %dma_start3A_308 = arith.constant 0 : i32
      %dma_start3A_309 = tpu.memref_slice %arg10[%dma_start3A_307, %dma_start3A_308] : memref<10240x128xf32, #tpu.memory_space<vmem_shared>> -> memref<10240x128xf32, #tpu.memory_space<vmem_shared>>
      %dma_start3A_310 = tpu.memref_slice %arg12[%dma_start3A_299] : memref<4x!tpu.dma_semaphore, #tpu.memory_space<semaphore_mem>> -> memref<1x!tpu.dma_semaphore, #tpu.memory_space<semaphore_mem>>
      %dma_start3A_311 = tpu.memref_squeeze %dma_start3A_310 : memref<1x!tpu.dma_semaphore, #tpu.memory_space<semaphore_mem>> -> memref<!tpu.dma_semaphore, #tpu.memory_space<semaphore_mem>>
      tpu.enqueue_indirect_dma source(%dma_start3A_303 : memref<64x128xf32, #tpu.memory_space<vmem>>) target(%dma_start3A_309 : memref<10240x128xf32, #tpu.memory_space<vmem_shared>>) offsets(%dma_start3A_306 : memref<64xi32, #tpu.memory_space<vmem>>) semaphore(%dma_start3A_311 : memref<!tpu.dma_semaphore, #tpu.memory_space<semaphore_mem>>) {add = true}
      %add3A_312 = arith.constant 3 : i32
      %add3A_313 = arith.addi %mul3A_206, %add3A_312 : i32
      %add3A_314 = arith.constant 2 : i32
      %add3A_315 = arith.addi %add3A_313, %add3A_314 : i32
      %lt3A_316 = arith.constant 80 : i32
      %lt3A_317 = arith.cmpi slt, %add3A_315, %lt3A_316 : i32
      %convert_element_type3A_318 = arith.extui %lt3A_317 : i1 to i32
      %cond3A_319 = arith.constant 0 : i32
      %cond3A_320 = arith.cmpi ne, %convert_element_type3A_318, %cond3A_319 : i32
      scf.if %cond3A_320 {
        %ge3A = arith.constant 2 : i32
        %ge3A_349 = arith.cmpi sge, %add3A_313, %ge3A : i32
        %convert_element_type3A_350 = arith.extui %ge3A_349 : i1 to i32
        %cond3A_351 = arith.constant 0 : i32
        %cond3A_352 = arith.cmpi ne, %convert_element_type3A_350, %cond3A_351 : i32
        scf.if %cond3A_352 {
          %dma_wait3A_369 = arith.constant 1 : i32
          %dma_wait3A_370 = arith.constant 0 : i32
          %dma_wait3A_371 = arith.constant 1 : i32
          %dma_wait3A_372 = arith.constant 0 : i32
          %dma_wait3A_373 = arith.constant 0 : i32
          %dma_wait3A_374 = tpu.memref_slice %arg8[%dma_wait3A_369, %dma_wait3A_372, %dma_wait3A_373] : memref<4x64x128xf32, #tpu.memory_space<vmem>> -> memref<1x64x128xf32, #tpu.memory_space<vmem>>
          %dma_wait3A_375 = tpu.memref_squeeze %dma_wait3A_374 : memref<1x64x128xf32, #tpu.memory_space<vmem>> -> memref<64x128xf32, #tpu.memory_space<vmem>>
          %dma_wait3A_376 = arith.constant 0 : i32
          %dma_wait3A_377 = tpu.memref_slice %arg7[%dma_wait3A_370, %dma_wait3A_376] : memref<80x64xi32, #tpu.memory_space<vmem>> -> memref<1x64xi32, #tpu.memory_space<vmem>>
          %dma_wait3A_378 = tpu.memref_squeeze %dma_wait3A_377 : memref<1x64xi32, #tpu.memory_space<vmem>> -> memref<64xi32, #tpu.memory_space<vmem>>
          %dma_wait3A_379 = arith.constant 0 : i32
          %dma_wait3A_380 = arith.constant 0 : i32
          %dma_wait3A_381 = tpu.memref_slice %arg10[%dma_wait3A_379, %dma_wait3A_380] : memref<10240x128xf32, #tpu.memory_space<vmem_shared>> -> memref<10240x128xf32, #tpu.memory_space<vmem_shared>>
          %dma_wait3A_382 = tpu.memref_slice %arg12[%dma_wait3A_371] : memref<4x!tpu.dma_semaphore, #tpu.memory_space<semaphore_mem>> -> memref<1x!tpu.dma_semaphore, #tpu.memory_space<semaphore_mem>>
          %dma_wait3A_383 = tpu.memref_squeeze %dma_wait3A_382 : memref<1x!tpu.dma_semaphore, #tpu.memory_space<semaphore_mem>> -> memref<!tpu.dma_semaphore, #tpu.memory_space<semaphore_mem>>
          tpu.wait_indirect_dma semaphore(%dma_wait3A_383 : memref<!tpu.dma_semaphore, #tpu.memory_space<semaphore_mem>>) src(%dma_wait3A_375 : memref<64x128xf32, #tpu.memory_space<vmem>>) dst(%dma_wait3A_381 : memref<10240x128xf32, #tpu.memory_space<vmem_shared>>)
        } else {
        }
        %add3A_353 = arith.constant 2 : i32
        %add3A_354 = arith.addi %add3A_313, %add3A_353 : i32
        %mul3A_355 = arith.constant 64 : i32
        %mul3A_356 = arith.muli %add3A_354, %mul3A_355 : i32
        %dma_start3A_357 = arith.constant 1 : i32
        %dma_start3A_358 = arith.constant 1 : i32
        %dma_start3A_359 = arith.constant 0 : i32
        %dma_start3A_360 = arith.constant 0 : i32
        %dma_start3A_361 = tpu.memref_slice %arg8[%dma_start3A_357, %dma_start3A_359, %dma_start3A_360] : memref<4x64x128xf32, #tpu.memory_space<vmem>> -> memref<1x64x128xf32, #tpu.memory_space<vmem>>
        %dma_start3A_362 = tpu.memref_squeeze %dma_start3A_361 : memref<1x64x128xf32, #tpu.memory_space<vmem>> -> memref<64x128xf32, #tpu.memory_space<vmem>>
        %dma_start3A_363 = tpu.memref_slice %arg6[%mul3A_356] : memref<5120xi32, #tpu.memory_space<vmem>> -> memref<64xi32, #tpu.memory_space<vmem>>
        %dma_start3A_364 = arith.constant 0 : i32
        %dma_start3A_365 = arith.constant 0 : i32
        %dma_start3A_366 = tpu.memref_slice %arg2[%dma_start3A_364, %dma_start3A_365] : memref<10000x128xf32, #tpu.memory_space<hbm>> -> memref<10000x128xf32, #tpu.memory_space<hbm>>
        %dma_start3A_367 = tpu.memref_slice %arg11[%dma_start3A_358] : memref<4x!tpu.dma_semaphore, #tpu.memory_space<semaphore_mem>> -> memref<1x!tpu.dma_semaphore, #tpu.memory_space<semaphore_mem>>
        %dma_start3A_368 = tpu.memref_squeeze %dma_start3A_367 : memref<1x!tpu.dma_semaphore, #tpu.memory_space<semaphore_mem>> -> memref<!tpu.dma_semaphore, #tpu.memory_space<semaphore_mem>>
        tpu.enqueue_indirect_dma source(%dma_start3A_366 : memref<10000x128xf32, #tpu.memory_space<hbm>>) target(%dma_start3A_362 : memref<64x128xf32, #tpu.memory_space<vmem>>) offsets(%dma_start3A_363 : memref<64xi32, #tpu.memory_space<vmem>>) semaphore(%dma_start3A_368 : memref<!tpu.dma_semaphore, #tpu.memory_space<semaphore_mem>>)
      } else {
      }
      %dma_wait3A_321 = arith.constant 3 : i32
      %dma_wait3A_322 = arith.constant 3 : i32
      %dma_wait3A_323 = arith.constant 0 : i32
      %dma_wait3A_324 = arith.constant 0 : i32
      %dma_wait3A_325 = tpu.memref_slice %arg8[%dma_wait3A_321, %dma_wait3A_323, %dma_wait3A_324] : memref<4x64x128xf32, #tpu.memory_space<vmem>> -> memref<1x64x128xf32, #tpu.memory_space<vmem>>
      %dma_wait3A_326 = tpu.memref_squeeze %dma_wait3A_325 : memref<1x64x128xf32, #tpu.memory_space<vmem>> -> memref<64x128xf32, #tpu.memory_space<vmem>>
      %dma_wait3A_327 = arith.constant 0 : i32
      %dma_wait3A_328 = tpu.memref_slice %arg6[%dma_wait3A_327] : memref<5120xi32, #tpu.memory_space<vmem>> -> memref<64xi32, #tpu.memory_space<vmem>>
      %dma_wait3A_329 = arith.constant 0 : i32
      %dma_wait3A_330 = arith.constant 0 : i32
      %dma_wait3A_331 = tpu.memref_slice %arg2[%dma_wait3A_329, %dma_wait3A_330] : memref<10000x128xf32, #tpu.memory_space<hbm>> -> memref<10000x128xf32, #tpu.memory_space<hbm>>
      %dma_wait3A_332 = tpu.memref_slice %arg11[%dma_wait3A_322] : memref<4x!tpu.dma_semaphore, #tpu.memory_space<semaphore_mem>> -> memref<1x!tpu.dma_semaphore, #tpu.memory_space<semaphore_mem>>
      %dma_wait3A_333 = tpu.memref_squeeze %dma_wait3A_332 : memref<1x!tpu.dma_semaphore, #tpu.memory_space<semaphore_mem>> -> memref<!tpu.dma_semaphore, #tpu.memory_space<semaphore_mem>>
      tpu.wait_indirect_dma semaphore(%dma_wait3A_333 : memref<!tpu.dma_semaphore, #tpu.memory_space<semaphore_mem>>) src(%dma_wait3A_331 : memref<10000x128xf32, #tpu.memory_space<hbm>>) dst(%dma_wait3A_326 : memref<64x128xf32, #tpu.memory_space<vmem>>)
      %dma_start3A_334 = arith.constant 3 : i32
      %dma_start3A_335 = arith.constant 3 : i32
      %dma_start3A_336 = arith.constant 0 : i32
      %dma_start3A_337 = arith.constant 0 : i32
      %dma_start3A_338 = tpu.memref_slice %arg8[%dma_start3A_334, %dma_start3A_336, %dma_start3A_337] : memref<4x64x128xf32, #tpu.memory_space<vmem>> -> memref<1x64x128xf32, #tpu.memory_space<vmem>>
      %dma_start3A_339 = tpu.memref_squeeze %dma_start3A_338 : memref<1x64x128xf32, #tpu.memory_space<vmem>> -> memref<64x128xf32, #tpu.memory_space<vmem>>
      %dma_start3A_340 = arith.constant 0 : i32
      %dma_start3A_341 = tpu.memref_slice %arg7[%add3A_313, %dma_start3A_340] : memref<80x64xi32, #tpu.memory_space<vmem>> -> memref<1x64xi32, #tpu.memory_space<vmem>>
      %dma_start3A_342 = tpu.memref_squeeze %dma_start3A_341 : memref<1x64xi32, #tpu.memory_space<vmem>> -> memref<64xi32, #tpu.memory_space<vmem>>
      %dma_start3A_343 = arith.constant 0 : i32
      %dma_start3A_344 = arith.constant 0 : i32
      %dma_start3A_345 = tpu.memref_slice %arg10[%dma_start3A_343, %dma_start3A_344] : memref<10240x128xf32, #tpu.memory_space<vmem_shared>> -> memref<10240x128xf32, #tpu.memory_space<vmem_shared>>
      %dma_start3A_346 = tpu.memref_slice %arg12[%dma_start3A_335] : memref<4x!tpu.dma_semaphore, #tpu.memory_space<semaphore_mem>> -> memref<1x!tpu.dma_semaphore, #tpu.memory_space<semaphore_mem>>
      %dma_start3A_347 = tpu.memref_squeeze %dma_start3A_346 : memref<1x!tpu.dma_semaphore, #tpu.memory_space<semaphore_mem>> -> memref<!tpu.dma_semaphore, #tpu.memory_space<semaphore_mem>>
      tpu.enqueue_indirect_dma source(%dma_start3A_339 : memref<64x128xf32, #tpu.memory_space<vmem>>) target(%dma_start3A_345 : memref<10240x128xf32, #tpu.memory_space<vmem_shared>>) offsets(%dma_start3A_342 : memref<64xi32, #tpu.memory_space<vmem>>) semaphore(%dma_start3A_347 : memref<!tpu.dma_semaphore, #tpu.memory_space<semaphore_mem>>) {add = true}
      %scan3A_348 = arith.constant 0 : i32
      scf.yield %scan3A_348 : i32
    }
    %scan3A_137 = arith.constant 20 : i32
    %dma_wait3A_138 = arith.constant 0 : i32
    %dma_wait3A_139 = arith.constant 0 : i32
    %dma_wait3A_140 = arith.constant 0 : i32
    %dma_wait3A_141 = arith.constant 0 : i32
    %dma_wait3A_142 = arith.constant 0 : i32
    %dma_wait3A_143 = tpu.memref_slice %arg8[%dma_wait3A_138, %dma_wait3A_141, %dma_wait3A_142] : memref<4x64x128xf32, #tpu.memory_space<vmem>> -> memref<1x64x128xf32, #tpu.memory_space<vmem>>
    %dma_wait3A_144 = tpu.memref_squeeze %dma_wait3A_143 : memref<1x64x128xf32, #tpu.memory_space<vmem>> -> memref<64x128xf32, #tpu.memory_space<vmem>>
    %dma_wait3A_145 = arith.constant 0 : i32
    %dma_wait3A_146 = tpu.memref_slice %arg7[%dma_wait3A_139, %dma_wait3A_145] : memref<80x64xi32, #tpu.memory_space<vmem>> -> memref<1x64xi32, #tpu.memory_space<vmem>>
    %dma_wait3A_147 = tpu.memref_squeeze %dma_wait3A_146 : memref<1x64xi32, #tpu.memory_space<vmem>> -> memref<64xi32, #tpu.memory_space<vmem>>
    %dma_wait3A_148 = arith.constant 0 : i32
    %dma_wait3A_149 = arith.constant 0 : i32
    %dma_wait3A_150 = tpu.memref_slice %arg10[%dma_wait3A_148, %dma_wait3A_149] : memref<10240x128xf32, #tpu.memory_space<vmem_shared>> -> memref<10240x128xf32, #tpu.memory_space<vmem_shared>>
    %dma_wait3A_151 = tpu.memref_slice %arg12[%dma_wait3A_140] : memref<4x!tpu.dma_semaphore, #tpu.memory_space<semaphore_mem>> -> memref<1x!tpu.dma_semaphore, #tpu.memory_space<semaphore_mem>>
    %dma_wait3A_152 = tpu.memref_squeeze %dma_wait3A_151 : memref<1x!tpu.dma_semaphore, #tpu.memory_space<semaphore_mem>> -> memref<!tpu.dma_semaphore, #tpu.memory_space<semaphore_mem>>
    tpu.wait_indirect_dma semaphore(%dma_wait3A_152 : memref<!tpu.dma_semaphore, #tpu.memory_space<semaphore_mem>>) src(%dma_wait3A_144 : memref<64x128xf32, #tpu.memory_space<vmem>>) dst(%dma_wait3A_150 : memref<10240x128xf32, #tpu.memory_space<vmem_shared>>)
    %dma_wait3A_153 = arith.constant 1 : i32
    %dma_wait3A_154 = arith.constant 0 : i32
    %dma_wait3A_155 = arith.constant 1 : i32
    %dma_wait3A_156 = arith.constant 0 : i32
    %dma_wait3A_157 = arith.constant 0 : i32
    %dma_wait3A_158 = tpu.memref_slice %arg8[%dma_wait3A_153, %dma_wait3A_156, %dma_wait3A_157] : memref<4x64x128xf32, #tpu.memory_space<vmem>> -> memref<1x64x128xf32, #tpu.memory_space<vmem>>
    %dma_wait3A_159 = tpu.memref_squeeze %dma_wait3A_158 : memref<1x64x128xf32, #tpu.memory_space<vmem>> -> memref<64x128xf32, #tpu.memory_space<vmem>>
    %dma_wait3A_160 = arith.constant 0 : i32
    %dma_wait3A_161 = tpu.memref_slice %arg7[%dma_wait3A_154, %dma_wait3A_160] : memref<80x64xi32, #tpu.memory_space<vmem>> -> memref<1x64xi32, #tpu.memory_space<vmem>>
    %dma_wait3A_162 = tpu.memref_squeeze %dma_wait3A_161 : memref<1x64xi32, #tpu.memory_space<vmem>> -> memref<64xi32, #tpu.memory_space<vmem>>
    %dma_wait3A_163 = arith.constant 0 : i32
    %dma_wait3A_164 = arith.constant 0 : i32
    %dma_wait3A_165 = tpu.memref_slice %arg10[%dma_wait3A_163, %dma_wait3A_164] : memref<10240x128xf32, #tpu.memory_space<vmem_shared>> -> memref<10240x128xf32, #tpu.memory_space<vmem_shared>>
    %dma_wait3A_166 = tpu.memref_slice %arg12[%dma_wait3A_155] : memref<4x!tpu.dma_semaphore, #tpu.memory_space<semaphore_mem>> -> memref<1x!tpu.dma_semaphore, #tpu.memory_space<semaphore_mem>>
    %dma_wait3A_167 = tpu.memref_squeeze %dma_wait3A_166 : memref<1x!tpu.dma_semaphore, #tpu.memory_space<semaphore_mem>> -> memref<!tpu.dma_semaphore, #tpu.memory_space<semaphore_mem>>
    tpu.wait_indirect_dma semaphore(%dma_wait3A_167 : memref<!tpu.dma_semaphore, #tpu.memory_space<semaphore_mem>>) src(%dma_wait3A_159 : memref<64x128xf32, #tpu.memory_space<vmem>>) dst(%dma_wait3A_165 : memref<10240x128xf32, #tpu.memory_space<vmem_shared>>)
    %dma_wait3A_168 = arith.constant 2 : i32
    %dma_wait3A_169 = arith.constant 0 : i32
    %dma_wait3A_170 = arith.constant 2 : i32
    %dma_wait3A_171 = arith.constant 0 : i32
    %dma_wait3A_172 = arith.constant 0 : i32
    %dma_wait3A_173 = tpu.memref_slice %arg8[%dma_wait3A_168, %dma_wait3A_171, %dma_wait3A_172] : memref<4x64x128xf32, #tpu.memory_space<vmem>> -> memref<1x64x128xf32, #tpu.memory_space<vmem>>
    %dma_wait3A_174 = tpu.memref_squeeze %dma_wait3A_173 : memref<1x64x128xf32, #tpu.memory_space<vmem>> -> memref<64x128xf32, #tpu.memory_space<vmem>>
    %dma_wait3A_175 = arith.constant 0 : i32
    %dma_wait3A_176 = tpu.memref_slice %arg7[%dma_wait3A_169, %dma_wait3A_175] : memref<80x64xi32, #tpu.memory_space<vmem>> -> memref<1x64xi32, #tpu.memory_space<vmem>>
    %dma_wait3A_177 = tpu.memref_squeeze %dma_wait3A_176 : memref<1x64xi32, #tpu.memory_space<vmem>> -> memref<64xi32, #tpu.memory_space<vmem>>
    %dma_wait3A_178 = arith.constant 0 : i32
    %dma_wait3A_179 = arith.constant 0 : i32
    %dma_wait3A_180 = tpu.memref_slice %arg10[%dma_wait3A_178, %dma_wait3A_179] : memref<10240x128xf32, #tpu.memory_space<vmem_shared>> -> memref<10240x128xf32, #tpu.memory_space<vmem_shared>>
    %dma_wait3A_181 = tpu.memref_slice %arg12[%dma_wait3A_170] : memref<4x!tpu.dma_semaphore, #tpu.memory_space<semaphore_mem>> -> memref<1x!tpu.dma_semaphore, #tpu.memory_space<semaphore_mem>>
    %dma_wait3A_182 = tpu.memref_squeeze %dma_wait3A_181 : memref<1x!tpu.dma_semaphore, #tpu.memory_space<semaphore_mem>> -> memref<!tpu.dma_semaphore, #tpu.memory_space<semaphore_mem>>
    tpu.wait_indirect_dma semaphore(%dma_wait3A_182 : memref<!tpu.dma_semaphore, #tpu.memory_space<semaphore_mem>>) src(%dma_wait3A_174 : memref<64x128xf32, #tpu.memory_space<vmem>>) dst(%dma_wait3A_180 : memref<10240x128xf32, #tpu.memory_space<vmem_shared>>)
    %dma_wait3A_183 = arith.constant 3 : i32
    %dma_wait3A_184 = arith.constant 0 : i32
    %dma_wait3A_185 = arith.constant 3 : i32
    %dma_wait3A_186 = arith.constant 0 : i32
    %dma_wait3A_187 = arith.constant 0 : i32
    %dma_wait3A_188 = tpu.memref_slice %arg8[%dma_wait3A_183, %dma_wait3A_186, %dma_wait3A_187] : memref<4x64x128xf32, #tpu.memory_space<vmem>> -> memref<1x64x128xf32, #tpu.memory_space<vmem>>
    %dma_wait3A_189 = tpu.memref_squeeze %dma_wait3A_188 : memref<1x64x128xf32, #tpu.memory_space<vmem>> -> memref<64x128xf32, #tpu.memory_space<vmem>>
    %dma_wait3A_190 = arith.constant 0 : i32
    %dma_wait3A_191 = tpu.memref_slice %arg7[%dma_wait3A_184, %dma_wait3A_190] : memref<80x64xi32, #tpu.memory_space<vmem>> -> memref<1x64xi32, #tpu.memory_space<vmem>>
    %dma_wait3A_192 = tpu.memref_squeeze %dma_wait3A_191 : memref<1x64xi32, #tpu.memory_space<vmem>> -> memref<64xi32, #tpu.memory_space<vmem>>
    %dma_wait3A_193 = arith.constant 0 : i32
    %dma_wait3A_194 = arith.constant 0 : i32
    %dma_wait3A_195 = tpu.memref_slice %arg10[%dma_wait3A_193, %dma_wait3A_194] : memref<10240x128xf32, #tpu.memory_space<vmem_shared>> -> memref<10240x128xf32, #tpu.memory_space<vmem_shared>>
    %dma_wait3A_196 = tpu.memref_slice %arg12[%dma_wait3A_185] : memref<4x!tpu.dma_semaphore, #tpu.memory_space<semaphore_mem>> -> memref<1x!tpu.dma_semaphore, #tpu.memory_space<semaphore_mem>>
    %dma_wait3A_197 = tpu.memref_squeeze %dma_wait3A_196 : memref<1x!tpu.dma_semaphore, #tpu.memory_space<semaphore_mem>> -> memref<!tpu.dma_semaphore, #tpu.memory_space<semaphore_mem>>
    tpu.wait_indirect_dma semaphore(%dma_wait3A_197 : memref<!tpu.dma_semaphore, #tpu.memory_space<semaphore_mem>>) src(%dma_wait3A_189 : memref<64x128xf32, #tpu.memory_space<vmem>>) dst(%dma_wait3A_195 : memref<10240x128xf32, #tpu.memory_space<vmem_shared>>)
    %barrier3A_198 = arith.constant 0 : index
    tpu.barrier barrier_id(%barrier3A_198)
    %mul3A_199 = arith.constant 640 : i32
    %mul3A_200 = arith.muli %arg1, %mul3A_199 : i32
    %mul3A_201 = arith.constant 640 : i32
    %mul3A_202 = arith.muli %arg1, %mul3A_201 : i32
    "tpu.region"() ({
      %run_scoped3A = tpu.sem_alloc : memref<!tpu.dma_semaphore, #tpu.memory_space<semaphore_mem>>
      %dma_start3A_203 = arith.constant 0 : i32
      %dma_start3A_204 = tpu.memref_slice %arg5[%arg0, %mul3A_202, %dma_start3A_203] : memref<2x10240x128xf32, #tpu.memory_space<hbm>> -> memref<1x640x128xf32, #tpu.memory_space<hbm>>
      %dma_start3A_205 = tpu.memref_squeeze %dma_start3A_204 : memref<1x640x128xf32, #tpu.memory_space<hbm>> -> memref<640x128xf32, #tpu.memory_space<hbm>>
      %dma_start3A_206 = arith.constant 0 : i32
      %dma_start3A_207 = tpu.memref_slice %arg10[%mul3A_200, %dma_start3A_206] : memref<10240x128xf32, #tpu.memory_space<vmem_shared>> -> memref<640x128xf32, #tpu.memory_space<vmem_shared>>
      tpu.enqueue_dma source(%dma_start3A_207 : memref<640x128xf32, #tpu.memory_space<vmem_shared>>) target(%dma_start3A_205 : memref<640x128xf32, #tpu.memory_space<hbm>>) target_semaphore(%run_scoped3A : memref<!tpu.dma_semaphore, #tpu.memory_space<semaphore_mem>>)
      %dma_wait3A_208 = arith.constant 0 : i32
      %dma_wait3A_209 = tpu.memref_slice %arg5[%arg0, %mul3A_202, %dma_wait3A_208] : memref<2x10240x128xf32, #tpu.memory_space<hbm>> -> memref<1x640x128xf32, #tpu.memory_space<hbm>>
      %dma_wait3A_210 = tpu.memref_squeeze %dma_wait3A_209 : memref<1x640x128xf32, #tpu.memory_space<hbm>> -> memref<640x128xf32, #tpu.memory_space<hbm>>
      %dma_wait3A_211 = arith.constant 0 : i32
      %dma_wait3A_212 = tpu.memref_slice %arg10[%mul3A_200, %dma_wait3A_211] : memref<10240x128xf32, #tpu.memory_space<vmem_shared>> -> memref<640x128xf32, #tpu.memory_space<vmem_shared>>
      tpu.wait_dma2 semaphore(%run_scoped3A : memref<!tpu.dma_semaphore, #tpu.memory_space<semaphore_mem>>) src(%dma_wait3A_212 : memref<640x128xf32, #tpu.memory_space<vmem_shared>>) dst(%dma_wait3A_210 : memref<640x128xf32, #tpu.memory_space<hbm>>)
      tpu.yield
    }) : () -> ()
    return
  }
}

#map = affine_map<(d0, d1) -> (0, 0)>
#map1 = affine_map<(d0, d1) -> (0, 0, 0)>
module attributes {stable_mosaic.version = 14 : i64} {
  func.func @_sc_spmm_body(%arg0: i32, %arg1: i32, %arg2: memref<10000x128xf32, #tpu.memory_space<hbm>>, %arg3: memref<32x10240xi32, #tpu.memory_space<hbm>>, %arg4: memref<32x160x64xi32, #tpu.memory_space<hbm>>, %arg5: memref<2x10240x128xf32, #tpu.memory_space<hbm>>, %arg6: memref<5120xi32, #tpu.memory_space<vmem>>, %arg7: memref<80x64xi32, #tpu.memory_space<vmem>>, %arg8: memref<4x64x128xf32, #tpu.memory_space<vmem>>, %arg9: memref<8x128xf32, #tpu.memory_space<vmem>>, %arg10: memref<10240x128xf32, #tpu.memory_space<vmem_shared>>, %arg11: memref<4x!tpu.dma_semaphore, #tpu.memory_space<semaphore_mem>>, %arg12: memref<4x!tpu.dma_semaphore, #tpu.memory_space<semaphore_mem>>) attributes {dimension_semantics = [#tpu.dimension_semantics<core_parallel>, #tpu.dimension_semantics<subcore_parallel>], iteration_bounds = array<i64: 2, 16>, scalar_prefetch = 0 : i64, scratch_operands = 7 : i64, tpu.core_type = #tpu.core_type<sc_vector_subcore>, window_params = [{transform_indices = #map}, {transform_indices = #map}, {transform_indices = #map1}, {transform_indices = #map1}]} {
    %mul3A = arith.constant 2 : i32
    %mul3A_0 = arith.muli %arg1, %mul3A : i32
    %add3A = arith.addi %mul3A_0, %arg0 : i32
    %scan3A = arith.constant 0 : i32
    %scan3A_1 = arith.constant 0 : i32
    %scan3A_2 = arith.constant 8 : i32
    %scan3A_3 = arith.addi %scan3A_1, %scan3A_2 : i32
    %scan3A_4 = arith.constant 1 : i32
    %scan3A_5 = scf.for %scan3A_203 = %scan3A_1 to %scan3A_3 step %scan3A_4 iter_args(%scan3A_204 = %scan3A) -> (i32)  : i32 {
      %scan3A_205 = arith.constant 0 : i32
      %scan3A_206 = arith.constant 0 : i32
      %scan3A_207 = arith.constant 8 : i32
      %scan3A_208 = arith.addi %scan3A_206, %scan3A_207 : i32
      %scan3A_209 = arith.constant 1 : i32
      %scan3A_210 = scf.for %scan3A_213 = %scan3A_206 to %scan3A_208 step %scan3A_209 iter_args(%scan3A_214 = %scan3A_205) -> (i32)  : i32 {
        %broadcast_in_dim3A = arith.constant 0.000000e+00 : f32
        %broadcast_in_dim3A_215 = vector.broadcast %broadcast_in_dim3A : f32 to vector<16xf32>
        %mul3A_216 = arith.constant 16 : i32
        %mul3A_217 = arith.muli %scan3A_213, %mul3A_216 : i32
        %swap3A = arith.index_cast %scan3A_203 : i32 to index
        %swap3A_218 = arith.index_cast %mul3A_217 : i32 to index
        %swap3A_219 = tpu.vector_load %arg9[%swap3A, %swap3A_218] {strides = array<i32>} : memref<8x128xf32, #tpu.memory_space<vmem>>, vector<1x16xf32>,
        %swap3A_220 = vector.shape_cast %swap3A_219 : vector<1x16xf32> to vector<16xf32>
        %swap3A_221 = vector.shape_cast %broadcast_in_dim3A_215 : vector<16xf32> to vector<1x16xf32>
        tpu.vector_store %arg9[%swap3A, %swap3A_218], %swap3A_221 {strides = array<i32>} : memref<8x128xf32, #tpu.memory_space<vmem>>, vector<1x16xf32>,
        %scan3A_222 = arith.constant 0 : i32
        scf.yield %scan3A_222 : i32
      }
      %scan3A_211 = arith.constant 8 : i32
      %scan3A_212 = arith.constant 0 : i32
      scf.yield %scan3A_212 : i32
    }
    %scan3A_6 = arith.constant 8 : i32
    %scan3A_7 = arith.constant 0 : i32
    %scan3A_8 = arith.constant 0 : i32
    %scan3A_9 = arith.constant 80 : i32
    %scan3A_10 = arith.addi %scan3A_8, %scan3A_9 : i32
    %scan3A_11 = arith.constant 1 : i32
    %scan3A_12 = scf.for %scan3A_203 = %scan3A_8 to %scan3A_10 step %scan3A_11 iter_args(%scan3A_204 = %scan3A_7) -> (i32)  : i32 {
      %mul3A_205 = arith.constant 640 : i32
      %mul3A_206 = arith.muli %arg1, %mul3A_205 : i32
      %mul3A_207 = arith.constant 8 : i32
      %mul3A_208 = arith.muli %scan3A_203, %mul3A_207 : i32
      %add3A_209 = arith.addi %mul3A_206, %mul3A_208 : i32
      "tpu.region"() ({
        %run_scoped3A = tpu.sem_alloc : memref<!tpu.dma_semaphore, #tpu.memory_space<semaphore_mem>>
        %dma_start3A_211 = arith.constant 0 : i32
        %dma_start3A_212 = tpu.memref_slice %arg10[%add3A_209, %dma_start3A_211] : memref<10240x128xf32, #tpu.memory_space<vmem_shared>> -> memref<8x128xf32, #tpu.memory_space<vmem_shared>>
        %dma_start3A_213 = arith.constant 0 : i32
        %dma_start3A_214 = tpu.memref_slice %arg10[%add3A_209, %dma_start3A_213] : memref<10240x128xf32, #tpu.memory_space<vmem_shared>> -> memref<8x128xf32, #tpu.memory_space<vmem_shared>>
        tpu.enqueue_dma source(%arg9 : memref<8x128xf32, #tpu.memory_space<vmem>>) target(%dma_start3A_214 : memref<8x128xf32, #tpu.memory_space<vmem_shared>>) target_semaphore(%run_scoped3A : memref<!tpu.dma_semaphore, #tpu.memory_space<semaphore_mem>>)
        %dma_wait3A_215 = arith.constant 0 : i32
        %dma_wait3A_216 = tpu.memref_slice %arg10[%add3A_209, %dma_wait3A_215] : memref<10240x128xf32, #tpu.memory_space<vmem_shared>> -> memref<8x128xf32, #tpu.memory_space<vmem_shared>>
        %dma_wait3A_217 = arith.constant 0 : i32
        %dma_wait3A_218 = tpu.memref_slice %arg10[%add3A_209, %dma_wait3A_217] : memref<10240x128xf32, #tpu.memory_space<vmem_shared>> -> memref<8x128xf32, #tpu.memory_space<vmem_shared>>
        tpu.wait_dma2 semaphore(%run_scoped3A : memref<!tpu.dma_semaphore, #tpu.memory_space<semaphore_mem>>) src(%arg9 : memref<8x128xf32, #tpu.memory_space<vmem>>) dst(%dma_wait3A_218 : memref<8x128xf32, #tpu.memory_space<vmem_shared>>)
        tpu.yield
      }) : () -> ()
      %scan3A_210 = arith.constant 0 : i32
      scf.yield %scan3A_210 : i32
    }
    %scan3A_13 = arith.constant 80 : i32
    %barrier3A = arith.constant 0 : index
    tpu.barrier barrier_id(%barrier3A)
    "tpu.region"() ({
      %run_scoped3A = tpu.sem_alloc : memref<!tpu.dma_semaphore, #tpu.memory_space<semaphore_mem>>
      %dma_start3A_203 = arith.constant 0 : i32
      %dma_start3A_204 = tpu.memref_slice %arg3[%add3A, %dma_start3A_203] : memref<32x10240xi32, #tpu.memory_space<hbm>> -> memref<1x5120xi32, #tpu.memory_space<hbm>>
      %dma_start3A_205 = tpu.memref_squeeze %dma_start3A_204 : memref<1x5120xi32, #tpu.memory_space<hbm>> -> memref<5120xi32, #tpu.memory_space<hbm>>
      %dma_start3A_206 = arith.constant 0 : i32
      %dma_start3A_207 = tpu.memref_slice %arg3[%add3A, %dma_start3A_206] : memref<32x10240xi32, #tpu.memory_space<hbm>> -> memref<1x5120xi32, #tpu.memory_space<hbm>>
      %dma_start3A_208 = tpu.memref_squeeze %dma_start3A_207 : memref<1x5120xi32, #tpu.memory_space<hbm>> -> memref<5120xi32, #tpu.memory_space<hbm>>
      tpu.enqueue_dma source(%dma_start3A_208 : memref<5120xi32, #tpu.memory_space<hbm>>) target(%arg6 : memref<5120xi32, #tpu.memory_space<vmem>>) target_semaphore(%run_scoped3A : memref<!tpu.dma_semaphore, #tpu.memory_space<semaphore_mem>>)
      %dma_wait3A_209 = arith.constant 0 : i32
      %dma_wait3A_210 = tpu.memref_slice %arg3[%add3A, %dma_wait3A_209] : memref<32x10240xi32, #tpu.memory_space<hbm>> -> memref<1x5120xi32, #tpu.memory_space<hbm>>
      %dma_wait3A_211 = tpu.memref_squeeze %dma_wait3A_210 : memref<1x5120xi32, #tpu.memory_space<hbm>> -> memref<5120xi32, #tpu.memory_space<hbm>>
      %dma_wait3A_212 = arith.constant 0 : i32
      %dma_wait3A_213 = tpu.memref_slice %arg3[%add3A, %dma_wait3A_212] : memref<32x10240xi32, #tpu.memory_space<hbm>> -> memref<1x5120xi32, #tpu.memory_space<hbm>>
      %dma_wait3A_214 = tpu.memref_squeeze %dma_wait3A_213 : memref<1x5120xi32, #tpu.memory_space<hbm>> -> memref<5120xi32, #tpu.memory_space<hbm>>
      tpu.wait_dma2 semaphore(%run_scoped3A : memref<!tpu.dma_semaphore, #tpu.memory_space<semaphore_mem>>) src(%dma_wait3A_214 : memref<5120xi32, #tpu.memory_space<hbm>>) dst(%arg6 : memref<5120xi32, #tpu.memory_space<vmem>>)
      tpu.yield
    }) : () -> ()
    "tpu.region"() ({
      %run_scoped3A = tpu.sem_alloc : memref<!tpu.dma_semaphore, #tpu.memory_space<semaphore_mem>>
      %dma_start3A_203 = arith.constant 0 : i32
      %dma_start3A_204 = arith.constant 0 : i32
      %dma_start3A_205 = tpu.memref_slice %arg4[%add3A, %dma_start3A_203, %dma_start3A_204] : memref<32x160x64xi32, #tpu.memory_space<hbm>> -> memref<1x80x64xi32, #tpu.memory_space<hbm>>
      %dma_start3A_206 = tpu.memref_squeeze %dma_start3A_205 : memref<1x80x64xi32, #tpu.memory_space<hbm>> -> memref<80x64xi32, #tpu.memory_space<hbm>>
      %dma_start3A_207 = arith.constant 0 : i32
      %dma_start3A_208 = arith.constant 0 : i32
      %dma_start3A_209 = tpu.memref_slice %arg4[%add3A, %dma_start3A_207, %dma_start3A_208] : memref<32x160x64xi32, #tpu.memory_space<hbm>> -> memref<1x80x64xi32, #tpu.memory_space<hbm>>
      %dma_start3A_210 = tpu.memref_squeeze %dma_start3A_209 : memref<1x80x64xi32, #tpu.memory_space<hbm>> -> memref<80x64xi32, #tpu.memory_space<hbm>>
      tpu.enqueue_dma source(%dma_start3A_210 : memref<80x64xi32, #tpu.memory_space<hbm>>) target(%arg7 : memref<80x64xi32, #tpu.memory_space<vmem>>) target_semaphore(%run_scoped3A : memref<!tpu.dma_semaphore, #tpu.memory_space<semaphore_mem>>)
      %dma_wait3A_211 = arith.constant 0 : i32
      %dma_wait3A_212 = arith.constant 0 : i32
      %dma_wait3A_213 = tpu.memref_slice %arg4[%add3A, %dma_wait3A_211, %dma_wait3A_212] : memref<32x160x64xi32, #tpu.memory_space<hbm>> -> memref<1x80x64xi32, #tpu.memory_space<hbm>>
      %dma_wait3A_214 = tpu.memref_squeeze %dma_wait3A_213 : memref<1x80x64xi32, #tpu.memory_space<hbm>> -> memref<80x64xi32, #tpu.memory_space<hbm>>
      %dma_wait3A_215 = arith.constant 0 : i32
      %dma_wait3A_216 = arith.constant 0 : i32
      %dma_wait3A_217 = tpu.memref_slice %arg4[%add3A, %dma_wait3A_215, %dma_wait3A_216] : memref<32x160x64xi32, #tpu.memory_space<hbm>> -> memref<1x80x64xi32, #tpu.memory_space<hbm>>
      %dma_wait3A_218 = tpu.memref_squeeze %dma_wait3A_217 : memref<1x80x64xi32, #tpu.memory_space<hbm>> -> memref<80x64xi32, #tpu.memory_space<hbm>>
      tpu.wait_dma2 semaphore(%run_scoped3A : memref<!tpu.dma_semaphore, #tpu.memory_space<semaphore_mem>>) src(%dma_wait3A_218 : memref<80x64xi32, #tpu.memory_space<hbm>>) dst(%arg7 : memref<80x64xi32, #tpu.memory_space<vmem>>)
      tpu.yield
    }) : () -> ()
    %dma_start3A = arith.constant 0 : i32
    %dma_start3A_14 = arith.constant 0 : i32
    %dma_start3A_15 = arith.constant 0 : i32
    %dma_start3A_16 = arith.constant 0 : i32
    %dma_start3A_17 = tpu.memref_slice %arg8[%dma_start3A, %dma_start3A_15, %dma_start3A_16] : memref<4x64x128xf32, #tpu.memory_space<vmem>> -> memref<1x64x128xf32, #tpu.memory_space<vmem>>
    %dma_start3A_18 = tpu.memref_squeeze %dma_start3A_17 : memref<1x64x128xf32, #tpu.memory_space<vmem>> -> memref<64x128xf32, #tpu.memory_space<vmem>>
    %dma_start3A_19 = arith.constant 0 : i32
    %dma_start3A_20 = tpu.memref_slice %arg6[%dma_start3A_19] : memref<5120xi32, #tpu.memory_space<vmem>> -> memref<64xi32, #tpu.memory_space<vmem>>
    %dma_start3A_21 = arith.constant 0 : i32
    %dma_start3A_22 = arith.constant 0 : i32
    %dma_start3A_23 = tpu.memref_slice %arg2[%dma_start3A_21, %dma_start3A_22] : memref<10000x128xf32, #tpu.memory_space<hbm>> -> memref<10000x128xf32, #tpu.memory_space<hbm>>
    %dma_start3A_24 = tpu.memref_slice %arg11[%dma_start3A_14] : memref<4x!tpu.dma_semaphore, #tpu.memory_space<semaphore_mem>> -> memref<1x!tpu.dma_semaphore, #tpu.memory_space<semaphore_mem>>
    %dma_start3A_25 = tpu.memref_squeeze %dma_start3A_24 : memref<1x!tpu.dma_semaphore, #tpu.memory_space<semaphore_mem>> -> memref<!tpu.dma_semaphore, #tpu.memory_space<semaphore_mem>>
    tpu.enqueue_indirect_dma source(%dma_start3A_23 : memref<10000x128xf32, #tpu.memory_space<hbm>>) target(%dma_start3A_18 : memref<64x128xf32, #tpu.memory_space<vmem>>) offsets(%dma_start3A_20 : memref<64xi32, #tpu.memory_space<vmem>>) semaphore(%dma_start3A_25 : memref<!tpu.dma_semaphore, #tpu.memory_space<semaphore_mem>>)
    %dma_start3A_26 = arith.constant 1 : i32
    %dma_start3A_27 = arith.constant 1 : i32
    %dma_start3A_28 = arith.constant 0 : i32
    %dma_start3A_29 = arith.constant 0 : i32
    %dma_start3A_30 = tpu.memref_slice %arg8[%dma_start3A_26, %dma_start3A_28, %dma_start3A_29] : memref<4x64x128xf32, #tpu.memory_space<vmem>> -> memref<1x64x128xf32, #tpu.memory_space<vmem>>
    %dma_start3A_31 = tpu.memref_squeeze %dma_start3A_30 : memref<1x64x128xf32, #tpu.memory_space<vmem>> -> memref<64x128xf32, #tpu.memory_space<vmem>>
    %dma_start3A_32 = arith.constant 64 : i32
    %dma_start3A_33 = tpu.memref_slice %arg6[%dma_start3A_32] : memref<5120xi32, #tpu.memory_space<vmem>> -> memref<64xi32, #tpu.memory_space<vmem>>
    %dma_start3A_34 = arith.constant 0 : i32
    %dma_start3A_35 = arith.constant 0 : i32
    %dma_start3A_36 = tpu.memref_slice %arg2[%dma_start3A_34, %dma_start3A_35] : memref<10000x128xf32, #tpu.memory_space<hbm>> -> memref<10000x128xf32, #tpu.memory_space<hbm>>
    %dma_start3A_37 = tpu.memref_slice %arg11[%dma_start3A_27] : memref<4x!tpu.dma_semaphore, #tpu.memory_space<semaphore_mem>> -> memref<1x!tpu.dma_semaphore, #tpu.memory_space<semaphore_mem>>
    %dma_start3A_38 = tpu.memref_squeeze %dma_start3A_37 : memref<1x!tpu.dma_semaphore, #tpu.memory_space<semaphore_mem>> -> memref<!tpu.dma_semaphore, #tpu.memory_space<semaphore_mem>>
    tpu.enqueue_indirect_dma source(%dma_start3A_36 : memref<10000x128xf32, #tpu.memory_space<hbm>>) target(%dma_start3A_31 : memref<64x128xf32, #tpu.memory_space<vmem>>) offsets(%dma_start3A_33 : memref<64xi32, #tpu.memory_space<vmem>>) semaphore(%dma_start3A_38 : memref<!tpu.dma_semaphore, #tpu.memory_space<semaphore_mem>>)
    %scan3A_39 = arith.constant 0 : i32
    %scan3A_40 = arith.constant 0 : i32
    %scan3A_41 = arith.constant 20 : i32
    %scan3A_42 = arith.addi %scan3A_40, %scan3A_41 : i32
    %scan3A_43 = arith.constant 1 : i32
    %scan3A_44 = scf.for %scan3A_203 = %scan3A_40 to %scan3A_42 step %scan3A_43 iter_args(%scan3A_204 = %scan3A_39) -> (i32)  : i32 {
      %mul3A_205 = arith.constant 4 : i32
      %mul3A_206 = arith.muli %scan3A_203, %mul3A_205 : i32
      %add3A_207 = arith.constant 0 : i32
      %add3A_208 = arith.addi %mul3A_206, %add3A_207 : i32
      %add3A_209 = arith.constant 2 : i32
      %add3A_210 = arith.addi %add3A_208, %add3A_209 : i32
      %lt3A = arith.constant 80 : i32
      %lt3A_211 = arith.cmpi slt, %add3A_210, %lt3A : i32
      %convert_element_type3A = arith.extui %lt3A_211 : i1 to i32
      %cond3A = arith.constant 0 : i32
      %cond3A_212 = arith.cmpi ne, %convert_element_type3A, %cond3A : i32
      scf.if %cond3A_212 {
        %ge3A = arith.constant 2 : i32
        %ge3A_349 = arith.cmpi sge, %add3A_208, %ge3A : i32
        %convert_element_type3A_350 = arith.extui %ge3A_349 : i1 to i32
        %cond3A_351 = arith.constant 0 : i32
        %cond3A_352 = arith.cmpi ne, %convert_element_type3A_350, %cond3A_351 : i32
        scf.if %cond3A_352 {
          %dma_wait3A_369 = arith.constant 2 : i32
          %dma_wait3A_370 = arith.constant 0 : i32
          %dma_wait3A_371 = arith.constant 2 : i32
          %dma_wait3A_372 = arith.constant 0 : i32
          %dma_wait3A_373 = arith.constant 0 : i32
          %dma_wait3A_374 = tpu.memref_slice %arg8[%dma_wait3A_369, %dma_wait3A_372, %dma_wait3A_373] : memref<4x64x128xf32, #tpu.memory_space<vmem>> -> memref<1x64x128xf32, #tpu.memory_space<vmem>>
          %dma_wait3A_375 = tpu.memref_squeeze %dma_wait3A_374 : memref<1x64x128xf32, #tpu.memory_space<vmem>> -> memref<64x128xf32, #tpu.memory_space<vmem>>
          %dma_wait3A_376 = arith.constant 0 : i32
          %dma_wait3A_377 = tpu.memref_slice %arg7[%dma_wait3A_370, %dma_wait3A_376] : memref<80x64xi32, #tpu.memory_space<vmem>> -> memref<1x64xi32, #tpu.memory_space<vmem>>
          %dma_wait3A_378 = tpu.memref_squeeze %dma_wait3A_377 : memref<1x64xi32, #tpu.memory_space<vmem>> -> memref<64xi32, #tpu.memory_space<vmem>>
          %dma_wait3A_379 = arith.constant 0 : i32
          %dma_wait3A_380 = arith.constant 0 : i32
          %dma_wait3A_381 = tpu.memref_slice %arg10[%dma_wait3A_379, %dma_wait3A_380] : memref<10240x128xf32, #tpu.memory_space<vmem_shared>> -> memref<10240x128xf32, #tpu.memory_space<vmem_shared>>
          %dma_wait3A_382 = tpu.memref_slice %arg12[%dma_wait3A_371] : memref<4x!tpu.dma_semaphore, #tpu.memory_space<semaphore_mem>> -> memref<1x!tpu.dma_semaphore, #tpu.memory_space<semaphore_mem>>
          %dma_wait3A_383 = tpu.memref_squeeze %dma_wait3A_382 : memref<1x!tpu.dma_semaphore, #tpu.memory_space<semaphore_mem>> -> memref<!tpu.dma_semaphore, #tpu.memory_space<semaphore_mem>>
          tpu.wait_indirect_dma semaphore(%dma_wait3A_383 : memref<!tpu.dma_semaphore, #tpu.memory_space<semaphore_mem>>) src(%dma_wait3A_375 : memref<64x128xf32, #tpu.memory_space<vmem>>) dst(%dma_wait3A_381 : memref<10240x128xf32, #tpu.memory_space<vmem_shared>>)
        } else {
        }
        %add3A_353 = arith.constant 2 : i32
        %add3A_354 = arith.addi %add3A_208, %add3A_353 : i32
        %mul3A_355 = arith.constant 64 : i32
        %mul3A_356 = arith.muli %add3A_354, %mul3A_355 : i32
        %dma_start3A_357 = arith.constant 2 : i32
        %dma_start3A_358 = arith.constant 2 : i32
        %dma_start3A_359 = arith.constant 0 : i32
        %dma_start3A_360 = arith.constant 0 : i32
        %dma_start3A_361 = tpu.memref_slice %arg8[%dma_start3A_357, %dma_start3A_359, %dma_start3A_360] : memref<4x64x128xf32, #tpu.memory_space<vmem>> -> memref<1x64x128xf32, #tpu.memory_space<vmem>>
        %dma_start3A_362 = tpu.memref_squeeze %dma_start3A_361 : memref<1x64x128xf32, #tpu.memory_space<vmem>> -> memref<64x128xf32, #tpu.memory_space<vmem>>
        %dma_start3A_363 = tpu.memref_slice %arg6[%mul3A_356] : memref<5120xi32, #tpu.memory_space<vmem>> -> memref<64xi32, #tpu.memory_space<vmem>>
        %dma_start3A_364 = arith.constant 0 : i32
        %dma_start3A_365 = arith.constant 0 : i32
        %dma_start3A_366 = tpu.memref_slice %arg2[%dma_start3A_364, %dma_start3A_365] : memref<10000x128xf32, #tpu.memory_space<hbm>> -> memref<10000x128xf32, #tpu.memory_space<hbm>>
        %dma_start3A_367 = tpu.memref_slice %arg11[%dma_start3A_358] : memref<4x!tpu.dma_semaphore, #tpu.memory_space<semaphore_mem>> -> memref<1x!tpu.dma_semaphore, #tpu.memory_space<semaphore_mem>>
        %dma_start3A_368 = tpu.memref_squeeze %dma_start3A_367 : memref<1x!tpu.dma_semaphore, #tpu.memory_space<semaphore_mem>> -> memref<!tpu.dma_semaphore, #tpu.memory_space<semaphore_mem>>
        tpu.enqueue_indirect_dma source(%dma_start3A_366 : memref<10000x128xf32, #tpu.memory_space<hbm>>) target(%dma_start3A_362 : memref<64x128xf32, #tpu.memory_space<vmem>>) offsets(%dma_start3A_363 : memref<64xi32, #tpu.memory_space<vmem>>) semaphore(%dma_start3A_368 : memref<!tpu.dma_semaphore, #tpu.memory_space<semaphore_mem>>)
      } else {
      }
      %dma_wait3A_213 = arith.constant 0 : i32
      %dma_wait3A_214 = arith.constant 0 : i32
      %dma_wait3A_215 = arith.constant 0 : i32
      %dma_wait3A_216 = arith.constant 0 : i32
      %dma_wait3A_217 = tpu.memref_slice %arg8[%dma_wait3A_213, %dma_wait3A_215, %dma_wait3A_216] : memref<4x64x128xf32, #tpu.memory_space<vmem>> -> memref<1x64x128xf32, #tpu.memory_space<vmem>>
      %dma_wait3A_218 = tpu.memref_squeeze %dma_wait3A_217 : memref<1x64x128xf32, #tpu.memory_space<vmem>> -> memref<64x128xf32, #tpu.memory_space<vmem>>
      %dma_wait3A_219 = arith.constant 0 : i32
      %dma_wait3A_220 = tpu.memref_slice %arg6[%dma_wait3A_219] : memref<5120xi32, #tpu.memory_space<vmem>> -> memref<64xi32, #tpu.memory_space<vmem>>
      %dma_wait3A_221 = arith.constant 0 : i32
      %dma_wait3A_222 = arith.constant 0 : i32
      %dma_wait3A_223 = tpu.memref_slice %arg2[%dma_wait3A_221, %dma_wait3A_222] : memref<10000x128xf32, #tpu.memory_space<hbm>> -> memref<10000x128xf32, #tpu.memory_space<hbm>>
      %dma_wait3A_224 = tpu.memref_slice %arg11[%dma_wait3A_214] : memref<4x!tpu.dma_semaphore, #tpu.memory_space<semaphore_mem>> -> memref<1x!tpu.dma_semaphore, #tpu.memory_space<semaphore_mem>>
      %dma_wait3A_225 = tpu.memref_squeeze %dma_wait3A_224 : memref<1x!tpu.dma_semaphore, #tpu.memory_space<semaphore_mem>> -> memref<!tpu.dma_semaphore, #tpu.memory_space<semaphore_mem>>
      tpu.wait_indirect_dma semaphore(%dma_wait3A_225 : memref<!tpu.dma_semaphore, #tpu.memory_space<semaphore_mem>>) src(%dma_wait3A_223 : memref<10000x128xf32, #tpu.memory_space<hbm>>) dst(%dma_wait3A_218 : memref<64x128xf32, #tpu.memory_space<vmem>>)
      %dma_start3A_226 = arith.constant 0 : i32
      %dma_start3A_227 = arith.constant 0 : i32
      %dma_start3A_228 = arith.constant 0 : i32
      %dma_start3A_229 = arith.constant 0 : i32
      %dma_start3A_230 = tpu.memref_slice %arg8[%dma_start3A_226, %dma_start3A_228, %dma_start3A_229] : memref<4x64x128xf32, #tpu.memory_space<vmem>> -> memref<1x64x128xf32, #tpu.memory_space<vmem>>
      %dma_start3A_231 = tpu.memref_squeeze %dma_start3A_230 : memref<1x64x128xf32, #tpu.memory_space<vmem>> -> memref<64x128xf32, #tpu.memory_space<vmem>>
      %dma_start3A_232 = arith.constant 0 : i32
      %dma_start3A_233 = tpu.memref_slice %arg7[%add3A_208, %dma_start3A_232] : memref<80x64xi32, #tpu.memory_space<vmem>> -> memref<1x64xi32, #tpu.memory_space<vmem>>
      %dma_start3A_234 = tpu.memref_squeeze %dma_start3A_233 : memref<1x64xi32, #tpu.memory_space<vmem>> -> memref<64xi32, #tpu.memory_space<vmem>>
      %dma_start3A_235 = arith.constant 0 : i32
      %dma_start3A_236 = arith.constant 0 : i32
      %dma_start3A_237 = tpu.memref_slice %arg10[%dma_start3A_235, %dma_start3A_236] : memref<10240x128xf32, #tpu.memory_space<vmem_shared>> -> memref<10240x128xf32, #tpu.memory_space<vmem_shared>>
      %dma_start3A_238 = tpu.memref_slice %arg12[%dma_start3A_227] : memref<4x!tpu.dma_semaphore, #tpu.memory_space<semaphore_mem>> -> memref<1x!tpu.dma_semaphore, #tpu.memory_space<semaphore_mem>>
      %dma_start3A_239 = tpu.memref_squeeze %dma_start3A_238 : memref<1x!tpu.dma_semaphore, #tpu.memory_space<semaphore_mem>> -> memref<!tpu.dma_semaphore, #tpu.memory_space<semaphore_mem>>
      tpu.enqueue_indirect_dma source(%dma_start3A_231 : memref<64x128xf32, #tpu.memory_space<vmem>>) target(%dma_start3A_237 : memref<10240x128xf32, #tpu.memory_space<vmem_shared>>) offsets(%dma_start3A_234 : memref<64xi32, #tpu.memory_space<vmem>>) semaphore(%dma_start3A_239 : memref<!tpu.dma_semaphore, #tpu.memory_space<semaphore_mem>>) {add = true}
      %add3A_240 = arith.constant 1 : i32
      %add3A_241 = arith.addi %mul3A_206, %add3A_240 : i32
      %add3A_242 = arith.constant 2 : i32
      %add3A_243 = arith.addi %add3A_241, %add3A_242 : i32
      %lt3A_244 = arith.constant 80 : i32
      %lt3A_245 = arith.cmpi slt, %add3A_243, %lt3A_244 : i32
      %convert_element_type3A_246 = arith.extui %lt3A_245 : i1 to i32
      %cond3A_247 = arith.constant 0 : i32
      %cond3A_248 = arith.cmpi ne, %convert_element_type3A_246, %cond3A_247 : i32
      scf.if %cond3A_248 {
        %ge3A = arith.constant 2 : i32
        %ge3A_349 = arith.cmpi sge, %add3A_241, %ge3A : i32
        %convert_element_type3A_350 = arith.extui %ge3A_349 : i1 to i32
        %cond3A_351 = arith.constant 0 : i32
        %cond3A_352 = arith.cmpi ne, %convert_element_type3A_350, %cond3A_351 : i32
        scf.if %cond3A_352 {
          %dma_wait3A_369 = arith.constant 3 : i32
          %dma_wait3A_370 = arith.constant 0 : i32
          %dma_wait3A_371 = arith.constant 3 : i32
          %dma_wait3A_372 = arith.constant 0 : i32
          %dma_wait3A_373 = arith.constant 0 : i32
          %dma_wait3A_374 = tpu.memref_slice %arg8[%dma_wait3A_369, %dma_wait3A_372, %dma_wait3A_373] : memref<4x64x128xf32, #tpu.memory_space<vmem>> -> memref<1x64x128xf32, #tpu.memory_space<vmem>>
          %dma_wait3A_375 = tpu.memref_squeeze %dma_wait3A_374 : memref<1x64x128xf32, #tpu.memory_space<vmem>> -> memref<64x128xf32, #tpu.memory_space<vmem>>
          %dma_wait3A_376 = arith.constant 0 : i32
          %dma_wait3A_377 = tpu.memref_slice %arg7[%dma_wait3A_370, %dma_wait3A_376] : memref<80x64xi32, #tpu.memory_space<vmem>> -> memref<1x64xi32, #tpu.memory_space<vmem>>
          %dma_wait3A_378 = tpu.memref_squeeze %dma_wait3A_377 : memref<1x64xi32, #tpu.memory_space<vmem>> -> memref<64xi32, #tpu.memory_space<vmem>>
          %dma_wait3A_379 = arith.constant 0 : i32
          %dma_wait3A_380 = arith.constant 0 : i32
          %dma_wait3A_381 = tpu.memref_slice %arg10[%dma_wait3A_379, %dma_wait3A_380] : memref<10240x128xf32, #tpu.memory_space<vmem_shared>> -> memref<10240x128xf32, #tpu.memory_space<vmem_shared>>
          %dma_wait3A_382 = tpu.memref_slice %arg12[%dma_wait3A_371] : memref<4x!tpu.dma_semaphore, #tpu.memory_space<semaphore_mem>> -> memref<1x!tpu.dma_semaphore, #tpu.memory_space<semaphore_mem>>
          %dma_wait3A_383 = tpu.memref_squeeze %dma_wait3A_382 : memref<1x!tpu.dma_semaphore, #tpu.memory_space<semaphore_mem>> -> memref<!tpu.dma_semaphore, #tpu.memory_space<semaphore_mem>>
          tpu.wait_indirect_dma semaphore(%dma_wait3A_383 : memref<!tpu.dma_semaphore, #tpu.memory_space<semaphore_mem>>) src(%dma_wait3A_375 : memref<64x128xf32, #tpu.memory_space<vmem>>) dst(%dma_wait3A_381 : memref<10240x128xf32, #tpu.memory_space<vmem_shared>>)
        } else {
        }
        %add3A_353 = arith.constant 2 : i32
        %add3A_354 = arith.addi %add3A_241, %add3A_353 : i32
        %mul3A_355 = arith.constant 64 : i32
        %mul3A_356 = arith.muli %add3A_354, %mul3A_355 : i32
        %dma_start3A_357 = arith.constant 3 : i32
        %dma_start3A_358 = arith.constant 3 : i32
        %dma_start3A_359 = arith.constant 0 : i32
        %dma_start3A_360 = arith.constant 0 : i32
        %dma_start3A_361 = tpu.memref_slice %arg8[%dma_start3A_357, %dma_start3A_359, %dma_start3A_360] : memref<4x64x128xf32, #tpu.memory_space<vmem>> -> memref<1x64x128xf32, #tpu.memory_space<vmem>>
        %dma_start3A_362 = tpu.memref_squeeze %dma_start3A_361 : memref<1x64x128xf32, #tpu.memory_space<vmem>> -> memref<64x128xf32, #tpu.memory_space<vmem>>
        %dma_start3A_363 = tpu.memref_slice %arg6[%mul3A_356] : memref<5120xi32, #tpu.memory_space<vmem>> -> memref<64xi32, #tpu.memory_space<vmem>>
        %dma_start3A_364 = arith.constant 0 : i32
        %dma_start3A_365 = arith.constant 0 : i32
        %dma_start3A_366 = tpu.memref_slice %arg2[%dma_start3A_364, %dma_start3A_365] : memref<10000x128xf32, #tpu.memory_space<hbm>> -> memref<10000x128xf32, #tpu.memory_space<hbm>>
        %dma_start3A_367 = tpu.memref_slice %arg11[%dma_start3A_358] : memref<4x!tpu.dma_semaphore, #tpu.memory_space<semaphore_mem>> -> memref<1x!tpu.dma_semaphore, #tpu.memory_space<semaphore_mem>>
        %dma_start3A_368 = tpu.memref_squeeze %dma_start3A_367 : memref<1x!tpu.dma_semaphore, #tpu.memory_space<semaphore_mem>> -> memref<!tpu.dma_semaphore, #tpu.memory_space<semaphore_mem>>
        tpu.enqueue_indirect_dma source(%dma_start3A_366 : memref<10000x128xf32, #tpu.memory_space<hbm>>) target(%dma_start3A_362 : memref<64x128xf32, #tpu.memory_space<vmem>>) offsets(%dma_start3A_363 : memref<64xi32, #tpu.memory_space<vmem>>) semaphore(%dma_start3A_368 : memref<!tpu.dma_semaphore, #tpu.memory_space<semaphore_mem>>)
      } else {
      }
      %dma_wait3A_249 = arith.constant 1 : i32
      %dma_wait3A_250 = arith.constant 1 : i32
      %dma_wait3A_251 = arith.constant 0 : i32
      %dma_wait3A_252 = arith.constant 0 : i32
      %dma_wait3A_253 = tpu.memref_slice %arg8[%dma_wait3A_249, %dma_wait3A_251, %dma_wait3A_252] : memref<4x64x128xf32, #tpu.memory_space<vmem>> -> memref<1x64x128xf32, #tpu.memory_space<vmem>>
      %dma_wait3A_254 = tpu.memref_squeeze %dma_wait3A_253 : memref<1x64x128xf32, #tpu.memory_space<vmem>> -> memref<64x128xf32, #tpu.memory_space<vmem>>
      %dma_wait3A_255 = arith.constant 0 : i32
      %dma_wait3A_256 = tpu.memref_slice %arg6[%dma_wait3A_255] : memref<5120xi32, #tpu.memory_space<vmem>> -> memref<64xi32, #tpu.memory_space<vmem>>
      %dma_wait3A_257 = arith.constant 0 : i32
      %dma_wait3A_258 = arith.constant 0 : i32
      %dma_wait3A_259 = tpu.memref_slice %arg2[%dma_wait3A_257, %dma_wait3A_258] : memref<10000x128xf32, #tpu.memory_space<hbm>> -> memref<10000x128xf32, #tpu.memory_space<hbm>>
      %dma_wait3A_260 = tpu.memref_slice %arg11[%dma_wait3A_250] : memref<4x!tpu.dma_semaphore, #tpu.memory_space<semaphore_mem>> -> memref<1x!tpu.dma_semaphore, #tpu.memory_space<semaphore_mem>>
      %dma_wait3A_261 = tpu.memref_squeeze %dma_wait3A_260 : memref<1x!tpu.dma_semaphore, #tpu.memory_space<semaphore_mem>> -> memref<!tpu.dma_semaphore, #tpu.memory_space<semaphore_mem>>
      tpu.wait_indirect_dma semaphore(%dma_wait3A_261 : memref<!tpu.dma_semaphore, #tpu.memory_space<semaphore_mem>>) src(%dma_wait3A_259 : memref<10000x128xf32, #tpu.memory_space<hbm>>) dst(%dma_wait3A_254 : memref<64x128xf32, #tpu.memory_space<vmem>>)
      %dma_start3A_262 = arith.constant 1 : i32
      %dma_start3A_263 = arith.constant 1 : i32
      %dma_start3A_264 = arith.constant 0 : i32
      %dma_start3A_265 = arith.constant 0 : i32
      %dma_start3A_266 = tpu.memref_slice %arg8[%dma_start3A_262, %dma_start3A_264, %dma_start3A_265] : memref<4x64x128xf32, #tpu.memory_space<vmem>> -> memref<1x64x128xf32, #tpu.memory_space<vmem>>
      %dma_start3A_267 = tpu.memref_squeeze %dma_start3A_266 : memref<1x64x128xf32, #tpu.memory_space<vmem>> -> memref<64x128xf32, #tpu.memory_space<vmem>>
      %dma_start3A_268 = arith.constant 0 : i32
      %dma_start3A_269 = tpu.memref_slice %arg7[%add3A_241, %dma_start3A_268] : memref<80x64xi32, #tpu.memory_space<vmem>> -> memref<1x64xi32, #tpu.memory_space<vmem>>
      %dma_start3A_270 = tpu.memref_squeeze %dma_start3A_269 : memref<1x64xi32, #tpu.memory_space<vmem>> -> memref<64xi32, #tpu.memory_space<vmem>>
      %dma_start3A_271 = arith.constant 0 : i32
      %dma_start3A_272 = arith.constant 0 : i32
      %dma_start3A_273 = tpu.memref_slice %arg10[%dma_start3A_271, %dma_start3A_272] : memref<10240x128xf32, #tpu.memory_space<vmem_shared>> -> memref<10240x128xf32, #tpu.memory_space<vmem_shared>>
      %dma_start3A_274 = tpu.memref_slice %arg12[%dma_start3A_263] : memref<4x!tpu.dma_semaphore, #tpu.memory_space<semaphore_mem>> -> memref<1x!tpu.dma_semaphore, #tpu.memory_space<semaphore_mem>>
      %dma_start3A_275 = tpu.memref_squeeze %dma_start3A_274 : memref<1x!tpu.dma_semaphore, #tpu.memory_space<semaphore_mem>> -> memref<!tpu.dma_semaphore, #tpu.memory_space<semaphore_mem>>
      tpu.enqueue_indirect_dma source(%dma_start3A_267 : memref<64x128xf32, #tpu.memory_space<vmem>>) target(%dma_start3A_273 : memref<10240x128xf32, #tpu.memory_space<vmem_shared>>) offsets(%dma_start3A_270 : memref<64xi32, #tpu.memory_space<vmem>>) semaphore(%dma_start3A_275 : memref<!tpu.dma_semaphore, #tpu.memory_space<semaphore_mem>>) {add = true}
      %add3A_276 = arith.constant 2 : i32
      %add3A_277 = arith.addi %mul3A_206, %add3A_276 : i32
      %add3A_278 = arith.constant 2 : i32
      %add3A_279 = arith.addi %add3A_277, %add3A_278 : i32
      %lt3A_280 = arith.constant 80 : i32
      %lt3A_281 = arith.cmpi slt, %add3A_279, %lt3A_280 : i32
      %convert_element_type3A_282 = arith.extui %lt3A_281 : i1 to i32
      %cond3A_283 = arith.constant 0 : i32
      %cond3A_284 = arith.cmpi ne, %convert_element_type3A_282, %cond3A_283 : i32
      scf.if %cond3A_284 {
        %ge3A = arith.constant 2 : i32
        %ge3A_349 = arith.cmpi sge, %add3A_277, %ge3A : i32
        %convert_element_type3A_350 = arith.extui %ge3A_349 : i1 to i32
        %cond3A_351 = arith.constant 0 : i32
        %cond3A_352 = arith.cmpi ne, %convert_element_type3A_350, %cond3A_351 : i32
        scf.if %cond3A_352 {
          %dma_wait3A_369 = arith.constant 0 : i32
          %dma_wait3A_370 = arith.constant 0 : i32
          %dma_wait3A_371 = arith.constant 0 : i32
          %dma_wait3A_372 = arith.constant 0 : i32
          %dma_wait3A_373 = arith.constant 0 : i32
          %dma_wait3A_374 = tpu.memref_slice %arg8[%dma_wait3A_369, %dma_wait3A_372, %dma_wait3A_373] : memref<4x64x128xf32, #tpu.memory_space<vmem>> -> memref<1x64x128xf32, #tpu.memory_space<vmem>>
          %dma_wait3A_375 = tpu.memref_squeeze %dma_wait3A_374 : memref<1x64x128xf32, #tpu.memory_space<vmem>> -> memref<64x128xf32, #tpu.memory_space<vmem>>
          %dma_wait3A_376 = arith.constant 0 : i32
          %dma_wait3A_377 = tpu.memref_slice %arg7[%dma_wait3A_370, %dma_wait3A_376] : memref<80x64xi32, #tpu.memory_space<vmem>> -> memref<1x64xi32, #tpu.memory_space<vmem>>
          %dma_wait3A_378 = tpu.memref_squeeze %dma_wait3A_377 : memref<1x64xi32, #tpu.memory_space<vmem>> -> memref<64xi32, #tpu.memory_space<vmem>>
          %dma_wait3A_379 = arith.constant 0 : i32
          %dma_wait3A_380 = arith.constant 0 : i32
          %dma_wait3A_381 = tpu.memref_slice %arg10[%dma_wait3A_379, %dma_wait3A_380] : memref<10240x128xf32, #tpu.memory_space<vmem_shared>> -> memref<10240x128xf32, #tpu.memory_space<vmem_shared>>
          %dma_wait3A_382 = tpu.memref_slice %arg12[%dma_wait3A_371] : memref<4x!tpu.dma_semaphore, #tpu.memory_space<semaphore_mem>> -> memref<1x!tpu.dma_semaphore, #tpu.memory_space<semaphore_mem>>
          %dma_wait3A_383 = tpu.memref_squeeze %dma_wait3A_382 : memref<1x!tpu.dma_semaphore, #tpu.memory_space<semaphore_mem>> -> memref<!tpu.dma_semaphore, #tpu.memory_space<semaphore_mem>>
          tpu.wait_indirect_dma semaphore(%dma_wait3A_383 : memref<!tpu.dma_semaphore, #tpu.memory_space<semaphore_mem>>) src(%dma_wait3A_375 : memref<64x128xf32, #tpu.memory_space<vmem>>) dst(%dma_wait3A_381 : memref<10240x128xf32, #tpu.memory_space<vmem_shared>>)
        } else {
        }
        %add3A_353 = arith.constant 2 : i32
        %add3A_354 = arith.addi %add3A_277, %add3A_353 : i32
        %mul3A_355 = arith.constant 64 : i32
        %mul3A_356 = arith.muli %add3A_354, %mul3A_355 : i32
        %dma_start3A_357 = arith.constant 0 : i32
        %dma_start3A_358 = arith.constant 0 : i32
        %dma_start3A_359 = arith.constant 0 : i32
        %dma_start3A_360 = arith.constant 0 : i32
        %dma_start3A_361 = tpu.memref_slice %arg8[%dma_start3A_357, %dma_start3A_359, %dma_start3A_360] : memref<4x64x128xf32, #tpu.memory_space<vmem>> -> memref<1x64x128xf32, #tpu.memory_space<vmem>>
        %dma_start3A_362 = tpu.memref_squeeze %dma_start3A_361 : memref<1x64x128xf32, #tpu.memory_space<vmem>> -> memref<64x128xf32, #tpu.memory_space<vmem>>
        %dma_start3A_363 = tpu.memref_slice %arg6[%mul3A_356] : memref<5120xi32, #tpu.memory_space<vmem>> -> memref<64xi32, #tpu.memory_space<vmem>>
        %dma_start3A_364 = arith.constant 0 : i32
        %dma_start3A_365 = arith.constant 0 : i32
        %dma_start3A_366 = tpu.memref_slice %arg2[%dma_start3A_364, %dma_start3A_365] : memref<10000x128xf32, #tpu.memory_space<hbm>> -> memref<10000x128xf32, #tpu.memory_space<hbm>>
        %dma_start3A_367 = tpu.memref_slice %arg11[%dma_start3A_358] : memref<4x!tpu.dma_semaphore, #tpu.memory_space<semaphore_mem>> -> memref<1x!tpu.dma_semaphore, #tpu.memory_space<semaphore_mem>>
        %dma_start3A_368 = tpu.memref_squeeze %dma_start3A_367 : memref<1x!tpu.dma_semaphore, #tpu.memory_space<semaphore_mem>> -> memref<!tpu.dma_semaphore, #tpu.memory_space<semaphore_mem>>
        tpu.enqueue_indirect_dma source(%dma_start3A_366 : memref<10000x128xf32, #tpu.memory_space<hbm>>) target(%dma_start3A_362 : memref<64x128xf32, #tpu.memory_space<vmem>>) offsets(%dma_start3A_363 : memref<64xi32, #tpu.memory_space<vmem>>) semaphore(%dma_start3A_368 : memref<!tpu.dma_semaphore, #tpu.memory_space<semaphore_mem>>)
      } else {
      }
      %dma_wait3A_285 = arith.constant 2 : i32
      %dma_wait3A_286 = arith.constant 2 : i32
      %dma_wait3A_287 = arith.constant 0 : i32
      %dma_wait3A_288 = arith.constant 0 : i32
      %dma_wait3A_289 = tpu.memref_slice %arg8[%dma_wait3A_285, %dma_wait3A_287, %dma_wait3A_288] : memref<4x64x128xf32, #tpu.memory_space<vmem>> -> memref<1x64x128xf32, #tpu.memory_space<vmem>>
      %dma_wait3A_290 = tpu.memref_squeeze %dma_wait3A_289 : memref<1x64x128xf32, #tpu.memory_space<vmem>> -> memref<64x128xf32, #tpu.memory_space<vmem>>
      %dma_wait3A_291 = arith.constant 0 : i32
      %dma_wait3A_292 = tpu.memref_slice %arg6[%dma_wait3A_291] : memref<5120xi32, #tpu.memory_space<vmem>> -> memref<64xi32, #tpu.memory_space<vmem>>
      %dma_wait3A_293 = arith.constant 0 : i32
      %dma_wait3A_294 = arith.constant 0 : i32
      %dma_wait3A_295 = tpu.memref_slice %arg2[%dma_wait3A_293, %dma_wait3A_294] : memref<10000x128xf32, #tpu.memory_space<hbm>> -> memref<10000x128xf32, #tpu.memory_space<hbm>>
      %dma_wait3A_296 = tpu.memref_slice %arg11[%dma_wait3A_286] : memref<4x!tpu.dma_semaphore, #tpu.memory_space<semaphore_mem>> -> memref<1x!tpu.dma_semaphore, #tpu.memory_space<semaphore_mem>>
      %dma_wait3A_297 = tpu.memref_squeeze %dma_wait3A_296 : memref<1x!tpu.dma_semaphore, #tpu.memory_space<semaphore_mem>> -> memref<!tpu.dma_semaphore, #tpu.memory_space<semaphore_mem>>
      tpu.wait_indirect_dma semaphore(%dma_wait3A_297 : memref<!tpu.dma_semaphore, #tpu.memory_space<semaphore_mem>>) src(%dma_wait3A_295 : memref<10000x128xf32, #tpu.memory_space<hbm>>) dst(%dma_wait3A_290 : memref<64x128xf32, #tpu.memory_space<vmem>>)
      %dma_start3A_298 = arith.constant 2 : i32
      %dma_start3A_299 = arith.constant 2 : i32
      %dma_start3A_300 = arith.constant 0 : i32
      %dma_start3A_301 = arith.constant 0 : i32
      %dma_start3A_302 = tpu.memref_slice %arg8[%dma_start3A_298, %dma_start3A_300, %dma_start3A_301] : memref<4x64x128xf32, #tpu.memory_space<vmem>> -> memref<1x64x128xf32, #tpu.memory_space<vmem>>
      %dma_start3A_303 = tpu.memref_squeeze %dma_start3A_302 : memref<1x64x128xf32, #tpu.memory_space<vmem>> -> memref<64x128xf32, #tpu.memory_space<vmem>>
      %dma_start3A_304 = arith.constant 0 : i32
      %dma_start3A_305 = tpu.memref_slice %arg7[%add3A_277, %dma_start3A_304] : memref<80x64xi32, #tpu.memory_space<vmem>> -> memref<1x64xi32, #tpu.memory_space<vmem>>
      %dma_start3A_306 = tpu.memref_squeeze %dma_start3A_305 : memref<1x64xi32, #tpu.memory_space<vmem>> -> memref<64xi32, #tpu.memory_space<vmem>>
      %dma_start3A_307 = arith.constant 0 : i32
      %dma_start3A_308 = arith.constant 0 : i32
      %dma_start3A_309 = tpu.memref_slice %arg10[%dma_start3A_307, %dma_start3A_308] : memref<10240x128xf32, #tpu.memory_space<vmem_shared>> -> memref<10240x128xf32, #tpu.memory_space<vmem_shared>>
      %dma_start3A_310 = tpu.memref_slice %arg12[%dma_start3A_299] : memref<4x!tpu.dma_semaphore, #tpu.memory_space<semaphore_mem>> -> memref<1x!tpu.dma_semaphore, #tpu.memory_space<semaphore_mem>>
      %dma_start3A_311 = tpu.memref_squeeze %dma_start3A_310 : memref<1x!tpu.dma_semaphore, #tpu.memory_space<semaphore_mem>> -> memref<!tpu.dma_semaphore, #tpu.memory_space<semaphore_mem>>
      tpu.enqueue_indirect_dma source(%dma_start3A_303 : memref<64x128xf32, #tpu.memory_space<vmem>>) target(%dma_start3A_309 : memref<10240x128xf32, #tpu.memory_space<vmem_shared>>) offsets(%dma_start3A_306 : memref<64xi32, #tpu.memory_space<vmem>>) semaphore(%dma_start3A_311 : memref<!tpu.dma_semaphore, #tpu.memory_space<semaphore_mem>>) {add = true}
      %add3A_312 = arith.constant 3 : i32
      %add3A_313 = arith.addi %mul3A_206, %add3A_312 : i32
      %add3A_314 = arith.constant 2 : i32
      %add3A_315 = arith.addi %add3A_313, %add3A_314 : i32
      %lt3A_316 = arith.constant 80 : i32
      %lt3A_317 = arith.cmpi slt, %add3A_315, %lt3A_316 : i32
      %convert_element_type3A_318 = arith.extui %lt3A_317 : i1 to i32
      %cond3A_319 = arith.constant 0 : i32
      %cond3A_320 = arith.cmpi ne, %convert_element_type3A_318, %cond3A_319 : i32
      scf.if %cond3A_320 {
        %ge3A = arith.constant 2 : i32
        %ge3A_349 = arith.cmpi sge, %add3A_313, %ge3A : i32
        %convert_element_type3A_350 = arith.extui %ge3A_349 : i1 to i32
        %cond3A_351 = arith.constant 0 : i32
        %cond3A_352 = arith.cmpi ne, %convert_element_type3A_350, %cond3A_351 : i32
        scf.if %cond3A_352 {
          %dma_wait3A_369 = arith.constant 1 : i32
          %dma_wait3A_370 = arith.constant 0 : i32
          %dma_wait3A_371 = arith.constant 1 : i32
          %dma_wait3A_372 = arith.constant 0 : i32
          %dma_wait3A_373 = arith.constant 0 : i32
          %dma_wait3A_374 = tpu.memref_slice %arg8[%dma_wait3A_369, %dma_wait3A_372, %dma_wait3A_373] : memref<4x64x128xf32, #tpu.memory_space<vmem>> -> memref<1x64x128xf32, #tpu.memory_space<vmem>>
          %dma_wait3A_375 = tpu.memref_squeeze %dma_wait3A_374 : memref<1x64x128xf32, #tpu.memory_space<vmem>> -> memref<64x128xf32, #tpu.memory_space<vmem>>
          %dma_wait3A_376 = arith.constant 0 : i32
          %dma_wait3A_377 = tpu.memref_slice %arg7[%dma_wait3A_370, %dma_wait3A_376] : memref<80x64xi32, #tpu.memory_space<vmem>> -> memref<1x64xi32, #tpu.memory_space<vmem>>
          %dma_wait3A_378 = tpu.memref_squeeze %dma_wait3A_377 : memref<1x64xi32, #tpu.memory_space<vmem>> -> memref<64xi32, #tpu.memory_space<vmem>>
          %dma_wait3A_379 = arith.constant 0 : i32
          %dma_wait3A_380 = arith.constant 0 : i32
          %dma_wait3A_381 = tpu.memref_slice %arg10[%dma_wait3A_379, %dma_wait3A_380] : memref<10240x128xf32, #tpu.memory_space<vmem_shared>> -> memref<10240x128xf32, #tpu.memory_space<vmem_shared>>
          %dma_wait3A_382 = tpu.memref_slice %arg12[%dma_wait3A_371] : memref<4x!tpu.dma_semaphore, #tpu.memory_space<semaphore_mem>> -> memref<1x!tpu.dma_semaphore, #tpu.memory_space<semaphore_mem>>
          %dma_wait3A_383 = tpu.memref_squeeze %dma_wait3A_382 : memref<1x!tpu.dma_semaphore, #tpu.memory_space<semaphore_mem>> -> memref<!tpu.dma_semaphore, #tpu.memory_space<semaphore_mem>>
          tpu.wait_indirect_dma semaphore(%dma_wait3A_383 : memref<!tpu.dma_semaphore, #tpu.memory_space<semaphore_mem>>) src(%dma_wait3A_375 : memref<64x128xf32, #tpu.memory_space<vmem>>) dst(%dma_wait3A_381 : memref<10240x128xf32, #tpu.memory_space<vmem_shared>>)
        } else {
        }
        %add3A_353 = arith.constant 2 : i32
        %add3A_354 = arith.addi %add3A_313, %add3A_353 : i32
        %mul3A_355 = arith.constant 64 : i32
        %mul3A_356 = arith.muli %add3A_354, %mul3A_355 : i32
        %dma_start3A_357 = arith.constant 1 : i32
        %dma_start3A_358 = arith.constant 1 : i32
        %dma_start3A_359 = arith.constant 0 : i32
        %dma_start3A_360 = arith.constant 0 : i32
        %dma_start3A_361 = tpu.memref_slice %arg8[%dma_start3A_357, %dma_start3A_359, %dma_start3A_360] : memref<4x64x128xf32, #tpu.memory_space<vmem>> -> memref<1x64x128xf32, #tpu.memory_space<vmem>>
        %dma_start3A_362 = tpu.memref_squeeze %dma_start3A_361 : memref<1x64x128xf32, #tpu.memory_space<vmem>> -> memref<64x128xf32, #tpu.memory_space<vmem>>
        %dma_start3A_363 = tpu.memref_slice %arg6[%mul3A_356] : memref<5120xi32, #tpu.memory_space<vmem>> -> memref<64xi32, #tpu.memory_space<vmem>>
        %dma_start3A_364 = arith.constant 0 : i32
        %dma_start3A_365 = arith.constant 0 : i32
        %dma_start3A_366 = tpu.memref_slice %arg2[%dma_start3A_364, %dma_start3A_365] : memref<10000x128xf32, #tpu.memory_space<hbm>> -> memref<10000x128xf32, #tpu.memory_space<hbm>>
        %dma_start3A_367 = tpu.memref_slice %arg11[%dma_start3A_358] : memref<4x!tpu.dma_semaphore, #tpu.memory_space<semaphore_mem>> -> memref<1x!tpu.dma_semaphore, #tpu.memory_space<semaphore_mem>>
        %dma_start3A_368 = tpu.memref_squeeze %dma_start3A_367 : memref<1x!tpu.dma_semaphore, #tpu.memory_space<semaphore_mem>> -> memref<!tpu.dma_semaphore, #tpu.memory_space<semaphore_mem>>
        tpu.enqueue_indirect_dma source(%dma_start3A_366 : memref<10000x128xf32, #tpu.memory_space<hbm>>) target(%dma_start3A_362 : memref<64x128xf32, #tpu.memory_space<vmem>>) offsets(%dma_start3A_363 : memref<64xi32, #tpu.memory_space<vmem>>) semaphore(%dma_start3A_368 : memref<!tpu.dma_semaphore, #tpu.memory_space<semaphore_mem>>)
      } else {
      }
      %dma_wait3A_321 = arith.constant 3 : i32
      %dma_wait3A_322 = arith.constant 3 : i32
      %dma_wait3A_323 = arith.constant 0 : i32
      %dma_wait3A_324 = arith.constant 0 : i32
      %dma_wait3A_325 = tpu.memref_slice %arg8[%dma_wait3A_321, %dma_wait3A_323, %dma_wait3A_324] : memref<4x64x128xf32, #tpu.memory_space<vmem>> -> memref<1x64x128xf32, #tpu.memory_space<vmem>>
      %dma_wait3A_326 = tpu.memref_squeeze %dma_wait3A_325 : memref<1x64x128xf32, #tpu.memory_space<vmem>> -> memref<64x128xf32, #tpu.memory_space<vmem>>
      %dma_wait3A_327 = arith.constant 0 : i32
      %dma_wait3A_328 = tpu.memref_slice %arg6[%dma_wait3A_327] : memref<5120xi32, #tpu.memory_space<vmem>> -> memref<64xi32, #tpu.memory_space<vmem>>
      %dma_wait3A_329 = arith.constant 0 : i32
      %dma_wait3A_330 = arith.constant 0 : i32
      %dma_wait3A_331 = tpu.memref_slice %arg2[%dma_wait3A_329, %dma_wait3A_330] : memref<10000x128xf32, #tpu.memory_space<hbm>> -> memref<10000x128xf32, #tpu.memory_space<hbm>>
      %dma_wait3A_332 = tpu.memref_slice %arg11[%dma_wait3A_322] : memref<4x!tpu.dma_semaphore, #tpu.memory_space<semaphore_mem>> -> memref<1x!tpu.dma_semaphore, #tpu.memory_space<semaphore_mem>>
      %dma_wait3A_333 = tpu.memref_squeeze %dma_wait3A_332 : memref<1x!tpu.dma_semaphore, #tpu.memory_space<semaphore_mem>> -> memref<!tpu.dma_semaphore, #tpu.memory_space<semaphore_mem>>
      tpu.wait_indirect_dma semaphore(%dma_wait3A_333 : memref<!tpu.dma_semaphore, #tpu.memory_space<semaphore_mem>>) src(%dma_wait3A_331 : memref<10000x128xf32, #tpu.memory_space<hbm>>) dst(%dma_wait3A_326 : memref<64x128xf32, #tpu.memory_space<vmem>>)
      %dma_start3A_334 = arith.constant 3 : i32
      %dma_start3A_335 = arith.constant 3 : i32
      %dma_start3A_336 = arith.constant 0 : i32
      %dma_start3A_337 = arith.constant 0 : i32
      %dma_start3A_338 = tpu.memref_slice %arg8[%dma_start3A_334, %dma_start3A_336, %dma_start3A_337] : memref<4x64x128xf32, #tpu.memory_space<vmem>> -> memref<1x64x128xf32, #tpu.memory_space<vmem>>
      %dma_start3A_339 = tpu.memref_squeeze %dma_start3A_338 : memref<1x64x128xf32, #tpu.memory_space<vmem>> -> memref<64x128xf32, #tpu.memory_space<vmem>>
      %dma_start3A_340 = arith.constant 0 : i32
      %dma_start3A_341 = tpu.memref_slice %arg7[%add3A_313, %dma_start3A_340] : memref<80x64xi32, #tpu.memory_space<vmem>> -> memref<1x64xi32, #tpu.memory_space<vmem>>
      %dma_start3A_342 = tpu.memref_squeeze %dma_start3A_341 : memref<1x64xi32, #tpu.memory_space<vmem>> -> memref<64xi32, #tpu.memory_space<vmem>>
      %dma_start3A_343 = arith.constant 0 : i32
      %dma_start3A_344 = arith.constant 0 : i32
      %dma_start3A_345 = tpu.memref_slice %arg10[%dma_start3A_343, %dma_start3A_344] : memref<10240x128xf32, #tpu.memory_space<vmem_shared>> -> memref<10240x128xf32, #tpu.memory_space<vmem_shared>>
      %dma_start3A_346 = tpu.memref_slice %arg12[%dma_start3A_335] : memref<4x!tpu.dma_semaphore, #tpu.memory_space<semaphore_mem>> -> memref<1x!tpu.dma_semaphore, #tpu.memory_space<semaphore_mem>>
      %dma_start3A_347 = tpu.memref_squeeze %dma_start3A_346 : memref<1x!tpu.dma_semaphore, #tpu.memory_space<semaphore_mem>> -> memref<!tpu.dma_semaphore, #tpu.memory_space<semaphore_mem>>
      tpu.enqueue_indirect_dma source(%dma_start3A_339 : memref<64x128xf32, #tpu.memory_space<vmem>>) target(%dma_start3A_345 : memref<10240x128xf32, #tpu.memory_space<vmem_shared>>) offsets(%dma_start3A_342 : memref<64xi32, #tpu.memory_space<vmem>>) semaphore(%dma_start3A_347 : memref<!tpu.dma_semaphore, #tpu.memory_space<semaphore_mem>>) {add = true}
      %scan3A_348 = arith.constant 0 : i32
      scf.yield %scan3A_348 : i32
    }
    %scan3A_45 = arith.constant 20 : i32
    %dma_wait3A = arith.constant 0 : i32
    %dma_wait3A_46 = arith.constant 0 : i32
    %dma_wait3A_47 = arith.constant 0 : i32
    %dma_wait3A_48 = arith.constant 0 : i32
    %dma_wait3A_49 = arith.constant 0 : i32
    %dma_wait3A_50 = tpu.memref_slice %arg8[%dma_wait3A, %dma_wait3A_48, %dma_wait3A_49] : memref<4x64x128xf32, #tpu.memory_space<vmem>> -> memref<1x64x128xf32, #tpu.memory_space<vmem>>
    %dma_wait3A_51 = tpu.memref_squeeze %dma_wait3A_50 : memref<1x64x128xf32, #tpu.memory_space<vmem>> -> memref<64x128xf32, #tpu.memory_space<vmem>>
    %dma_wait3A_52 = arith.constant 0 : i32
    %dma_wait3A_53 = tpu.memref_slice %arg7[%dma_wait3A_46, %dma_wait3A_52] : memref<80x64xi32, #tpu.memory_space<vmem>> -> memref<1x64xi32, #tpu.memory_space<vmem>>
    %dma_wait3A_54 = tpu.memref_squeeze %dma_wait3A_53 : memref<1x64xi32, #tpu.memory_space<vmem>> -> memref<64xi32, #tpu.memory_space<vmem>>
    %dma_wait3A_55 = arith.constant 0 : i32
    %dma_wait3A_56 = arith.constant 0 : i32
    %dma_wait3A_57 = tpu.memref_slice %arg10[%dma_wait3A_55, %dma_wait3A_56] : memref<10240x128xf32, #tpu.memory_space<vmem_shared>> -> memref<10240x128xf32, #tpu.memory_space<vmem_shared>>
    %dma_wait3A_58 = tpu.memref_slice %arg12[%dma_wait3A_47] : memref<4x!tpu.dma_semaphore, #tpu.memory_space<semaphore_mem>> -> memref<1x!tpu.dma_semaphore, #tpu.memory_space<semaphore_mem>>
    %dma_wait3A_59 = tpu.memref_squeeze %dma_wait3A_58 : memref<1x!tpu.dma_semaphore, #tpu.memory_space<semaphore_mem>> -> memref<!tpu.dma_semaphore, #tpu.memory_space<semaphore_mem>>
    tpu.wait_indirect_dma semaphore(%dma_wait3A_59 : memref<!tpu.dma_semaphore, #tpu.memory_space<semaphore_mem>>) src(%dma_wait3A_51 : memref<64x128xf32, #tpu.memory_space<vmem>>) dst(%dma_wait3A_57 : memref<10240x128xf32, #tpu.memory_space<vmem_shared>>)
    %dma_wait3A_60 = arith.constant 1 : i32
    %dma_wait3A_61 = arith.constant 0 : i32
    %dma_wait3A_62 = arith.constant 1 : i32
    %dma_wait3A_63 = arith.constant 0 : i32
    %dma_wait3A_64 = arith.constant 0 : i32
    %dma_wait3A_65 = tpu.memref_slice %arg8[%dma_wait3A_60, %dma_wait3A_63, %dma_wait3A_64] : memref<4x64x128xf32, #tpu.memory_space<vmem>> -> memref<1x64x128xf32, #tpu.memory_space<vmem>>
    %dma_wait3A_66 = tpu.memref_squeeze %dma_wait3A_65 : memref<1x64x128xf32, #tpu.memory_space<vmem>> -> memref<64x128xf32, #tpu.memory_space<vmem>>
    %dma_wait3A_67 = arith.constant 0 : i32
    %dma_wait3A_68 = tpu.memref_slice %arg7[%dma_wait3A_61, %dma_wait3A_67] : memref<80x64xi32, #tpu.memory_space<vmem>> -> memref<1x64xi32, #tpu.memory_space<vmem>>
    %dma_wait3A_69 = tpu.memref_squeeze %dma_wait3A_68 : memref<1x64xi32, #tpu.memory_space<vmem>> -> memref<64xi32, #tpu.memory_space<vmem>>
    %dma_wait3A_70 = arith.constant 0 : i32
    %dma_wait3A_71 = arith.constant 0 : i32
    %dma_wait3A_72 = tpu.memref_slice %arg10[%dma_wait3A_70, %dma_wait3A_71] : memref<10240x128xf32, #tpu.memory_space<vmem_shared>> -> memref<10240x128xf32, #tpu.memory_space<vmem_shared>>
    %dma_wait3A_73 = tpu.memref_slice %arg12[%dma_wait3A_62] : memref<4x!tpu.dma_semaphore, #tpu.memory_space<semaphore_mem>> -> memref<1x!tpu.dma_semaphore, #tpu.memory_space<semaphore_mem>>
    %dma_wait3A_74 = tpu.memref_squeeze %dma_wait3A_73 : memref<1x!tpu.dma_semaphore, #tpu.memory_space<semaphore_mem>> -> memref<!tpu.dma_semaphore, #tpu.memory_space<semaphore_mem>>
    tpu.wait_indirect_dma semaphore(%dma_wait3A_74 : memref<!tpu.dma_semaphore, #tpu.memory_space<semaphore_mem>>) src(%dma_wait3A_66 : memref<64x128xf32, #tpu.memory_space<vmem>>) dst(%dma_wait3A_72 : memref<10240x128xf32, #tpu.memory_space<vmem_shared>>)
    %dma_wait3A_75 = arith.constant 2 : i32
    %dma_wait3A_76 = arith.constant 0 : i32
    %dma_wait3A_77 = arith.constant 2 : i32
    %dma_wait3A_78 = arith.constant 0 : i32
    %dma_wait3A_79 = arith.constant 0 : i32
    %dma_wait3A_80 = tpu.memref_slice %arg8[%dma_wait3A_75, %dma_wait3A_78, %dma_wait3A_79] : memref<4x64x128xf32, #tpu.memory_space<vmem>> -> memref<1x64x128xf32, #tpu.memory_space<vmem>>
    %dma_wait3A_81 = tpu.memref_squeeze %dma_wait3A_80 : memref<1x64x128xf32, #tpu.memory_space<vmem>> -> memref<64x128xf32, #tpu.memory_space<vmem>>
    %dma_wait3A_82 = arith.constant 0 : i32
    %dma_wait3A_83 = tpu.memref_slice %arg7[%dma_wait3A_76, %dma_wait3A_82] : memref<80x64xi32, #tpu.memory_space<vmem>> -> memref<1x64xi32, #tpu.memory_space<vmem>>
    %dma_wait3A_84 = tpu.memref_squeeze %dma_wait3A_83 : memref<1x64xi32, #tpu.memory_space<vmem>> -> memref<64xi32, #tpu.memory_space<vmem>>
    %dma_wait3A_85 = arith.constant 0 : i32
    %dma_wait3A_86 = arith.constant 0 : i32
    %dma_wait3A_87 = tpu.memref_slice %arg10[%dma_wait3A_85, %dma_wait3A_86] : memref<10240x128xf32, #tpu.memory_space<vmem_shared>> -> memref<10240x128xf32, #tpu.memory_space<vmem_shared>>
    %dma_wait3A_88 = tpu.memref_slice %arg12[%dma_wait3A_77] : memref<4x!tpu.dma_semaphore, #tpu.memory_space<semaphore_mem>> -> memref<1x!tpu.dma_semaphore, #tpu.memory_space<semaphore_mem>>
    %dma_wait3A_89 = tpu.memref_squeeze %dma_wait3A_88 : memref<1x!tpu.dma_semaphore, #tpu.memory_space<semaphore_mem>> -> memref<!tpu.dma_semaphore, #tpu.memory_space<semaphore_mem>>
    tpu.wait_indirect_dma semaphore(%dma_wait3A_89 : memref<!tpu.dma_semaphore, #tpu.memory_space<semaphore_mem>>) src(%dma_wait3A_81 : memref<64x128xf32, #tpu.memory_space<vmem>>) dst(%dma_wait3A_87 : memref<10240x128xf32, #tpu.memory_space<vmem_shared>>)
    %dma_wait3A_90 = arith.constant 3 : i32
    %dma_wait3A_91 = arith.constant 0 : i32
    %dma_wait3A_92 = arith.constant 3 : i32
    %dma_wait3A_93 = arith.constant 0 : i32
    %dma_wait3A_94 = arith.constant 0 : i32
    %dma_wait3A_95 = tpu.memref_slice %arg8[%dma_wait3A_90, %dma_wait3A_93, %dma_wait3A_94] : memref<4x64x128xf32, #tpu.memory_space<vmem>> -> memref<1x64x128xf32, #tpu.memory_space<vmem>>
    %dma_wait3A_96 = tpu.memref_squeeze %dma_wait3A_95 : memref<1x64x128xf32, #tpu.memory_space<vmem>> -> memref<64x128xf32, #tpu.memory_space<vmem>>
    %dma_wait3A_97 = arith.constant 0 : i32
    %dma_wait3A_98 = tpu.memref_slice %arg7[%dma_wait3A_91, %dma_wait3A_97] : memref<80x64xi32, #tpu.memory_space<vmem>> -> memref<1x64xi32, #tpu.memory_space<vmem>>
    %dma_wait3A_99 = tpu.memref_squeeze %dma_wait3A_98 : memref<1x64xi32, #tpu.memory_space<vmem>> -> memref<64xi32, #tpu.memory_space<vmem>>
    %dma_wait3A_100 = arith.constant 0 : i32
    %dma_wait3A_101 = arith.constant 0 : i32
    %dma_wait3A_102 = tpu.memref_slice %arg10[%dma_wait3A_100, %dma_wait3A_101] : memref<10240x128xf32, #tpu.memory_space<vmem_shared>> -> memref<10240x128xf32, #tpu.memory_space<vmem_shared>>
    %dma_wait3A_103 = tpu.memref_slice %arg12[%dma_wait3A_92] : memref<4x!tpu.dma_semaphore, #tpu.memory_space<semaphore_mem>> -> memref<1x!tpu.dma_semaphore, #tpu.memory_space<semaphore_mem>>
    %dma_wait3A_104 = tpu.memref_squeeze %dma_wait3A_103 : memref<1x!tpu.dma_semaphore, #tpu.memory_space<semaphore_mem>> -> memref<!tpu.dma_semaphore, #tpu.memory_space<semaphore_mem>>
    tpu.wait_indirect_dma semaphore(%dma_wait3A_104 : memref<!tpu.dma_semaphore, #tpu.memory_space<semaphore_mem>>) src(%dma_wait3A_96 : memref<64x128xf32, #tpu.memory_space<vmem>>) dst(%dma_wait3A_102 : memref<10240x128xf32, #tpu.memory_space<vmem_shared>>)
    "tpu.region"() ({
      %run_scoped3A = tpu.sem_alloc : memref<!tpu.dma_semaphore, #tpu.memory_space<semaphore_mem>>
      %dma_start3A_203 = arith.constant 5120 : i32
      %dma_start3A_204 = tpu.memref_slice %arg3[%add3A, %dma_start3A_203] : memref<32x10240xi32, #tpu.memory_space<hbm>> -> memref<1x5120xi32, #tpu.memory_space<hbm>>
      %dma_start3A_205 = tpu.memref_squeeze %dma_start3A_204 : memref<1x5120xi32, #tpu.memory_space<hbm>> -> memref<5120xi32, #tpu.memory_space<hbm>>
      %dma_start3A_206 = arith.constant 5120 : i32
      %dma_start3A_207 = tpu.memref_slice %arg3[%add3A, %dma_start3A_206] : memref<32x10240xi32, #tpu.memory_space<hbm>> -> memref<1x5120xi32, #tpu.memory_space<hbm>>
      %dma_start3A_208 = tpu.memref_squeeze %dma_start3A_207 : memref<1x5120xi32, #tpu.memory_space<hbm>> -> memref<5120xi32, #tpu.memory_space<hbm>>
      tpu.enqueue_dma source(%dma_start3A_208 : memref<5120xi32, #tpu.memory_space<hbm>>) target(%arg6 : memref<5120xi32, #tpu.memory_space<vmem>>) target_semaphore(%run_scoped3A : memref<!tpu.dma_semaphore, #tpu.memory_space<semaphore_mem>>)
      %dma_wait3A_209 = arith.constant 5120 : i32
      %dma_wait3A_210 = tpu.memref_slice %arg3[%add3A, %dma_wait3A_209] : memref<32x10240xi32, #tpu.memory_space<hbm>> -> memref<1x5120xi32, #tpu.memory_space<hbm>>
      %dma_wait3A_211 = tpu.memref_squeeze %dma_wait3A_210 : memref<1x5120xi32, #tpu.memory_space<hbm>> -> memref<5120xi32, #tpu.memory_space<hbm>>
      %dma_wait3A_212 = arith.constant 5120 : i32
      %dma_wait3A_213 = tpu.memref_slice %arg3[%add3A, %dma_wait3A_212] : memref<32x10240xi32, #tpu.memory_space<hbm>> -> memref<1x5120xi32, #tpu.memory_space<hbm>>
      %dma_wait3A_214 = tpu.memref_squeeze %dma_wait3A_213 : memref<1x5120xi32, #tpu.memory_space<hbm>> -> memref<5120xi32, #tpu.memory_space<hbm>>
      tpu.wait_dma2 semaphore(%run_scoped3A : memref<!tpu.dma_semaphore, #tpu.memory_space<semaphore_mem>>) src(%dma_wait3A_214 : memref<5120xi32, #tpu.memory_space<hbm>>) dst(%arg6 : memref<5120xi32, #tpu.memory_space<vmem>>)
      tpu.yield
    }) : () -> ()
    "tpu.region"() ({
      %run_scoped3A = tpu.sem_alloc : memref<!tpu.dma_semaphore, #tpu.memory_space<semaphore_mem>>
      %dma_start3A_203 = arith.constant 80 : i32
      %dma_start3A_204 = arith.constant 0 : i32
      %dma_start3A_205 = tpu.memref_slice %arg4[%add3A, %dma_start3A_203, %dma_start3A_204] : memref<32x160x64xi32, #tpu.memory_space<hbm>> -> memref<1x80x64xi32, #tpu.memory_space<hbm>>
      %dma_start3A_206 = tpu.memref_squeeze %dma_start3A_205 : memref<1x80x64xi32, #tpu.memory_space<hbm>> -> memref<80x64xi32, #tpu.memory_space<hbm>>
      %dma_start3A_207 = arith.constant 80 : i32
      %dma_start3A_208 = arith.constant 0 : i32
      %dma_start3A_209 = tpu.memref_slice %arg4[%add3A, %dma_start3A_207, %dma_start3A_208] : memref<32x160x64xi32, #tpu.memory_space<hbm>> -> memref<1x80x64xi32, #tpu.memory_space<hbm>>
      %dma_start3A_210 = tpu.memref_squeeze %dma_start3A_209 : memref<1x80x64xi32, #tpu.memory_space<hbm>> -> memref<80x64xi32, #tpu.memory_space<hbm>>
      tpu.enqueue_dma source(%dma_start3A_210 : memref<80x64xi32, #tpu.memory_space<hbm>>) target(%arg7 : memref<80x64xi32, #tpu.memory_space<vmem>>) target_semaphore(%run_scoped3A : memref<!tpu.dma_semaphore, #tpu.memory_space<semaphore_mem>>)
      %dma_wait3A_211 = arith.constant 80 : i32
      %dma_wait3A_212 = arith.constant 0 : i32
      %dma_wait3A_213 = tpu.memref_slice %arg4[%add3A, %dma_wait3A_211, %dma_wait3A_212] : memref<32x160x64xi32, #tpu.memory_space<hbm>> -> memref<1x80x64xi32, #tpu.memory_space<hbm>>
      %dma_wait3A_214 = tpu.memref_squeeze %dma_wait3A_213 : memref<1x80x64xi32, #tpu.memory_space<hbm>> -> memref<80x64xi32, #tpu.memory_space<hbm>>
      %dma_wait3A_215 = arith.constant 80 : i32
      %dma_wait3A_216 = arith.constant 0 : i32
      %dma_wait3A_217 = tpu.memref_slice %arg4[%add3A, %dma_wait3A_215, %dma_wait3A_216] : memref<32x160x64xi32, #tpu.memory_space<hbm>> -> memref<1x80x64xi32, #tpu.memory_space<hbm>>
      %dma_wait3A_218 = tpu.memref_squeeze %dma_wait3A_217 : memref<1x80x64xi32, #tpu.memory_space<hbm>> -> memref<80x64xi32, #tpu.memory_space<hbm>>
      tpu.wait_dma2 semaphore(%run_scoped3A : memref<!tpu.dma_semaphore, #tpu.memory_space<semaphore_mem>>) src(%dma_wait3A_218 : memref<80x64xi32, #tpu.memory_space<hbm>>) dst(%arg7 : memref<80x64xi32, #tpu.memory_space<vmem>>)
      tpu.yield
    }) : () -> ()
    %dma_start3A_105 = arith.constant 0 : i32
    %dma_start3A_106 = arith.constant 0 : i32
    %dma_start3A_107 = arith.constant 0 : i32
    %dma_start3A_108 = arith.constant 0 : i32
    %dma_start3A_109 = tpu.memref_slice %arg8[%dma_start3A_105, %dma_start3A_107, %dma_start3A_108] : memref<4x64x128xf32, #tpu.memory_space<vmem>> -> memref<1x64x128xf32, #tpu.memory_space<vmem>>
    %dma_start3A_110 = tpu.memref_squeeze %dma_start3A_109 : memref<1x64x128xf32, #tpu.memory_space<vmem>> -> memref<64x128xf32, #tpu.memory_space<vmem>>
    %dma_start3A_111 = arith.constant 0 : i32
    %dma_start3A_112 = tpu.memref_slice %arg6[%dma_start3A_111] : memref<5120xi32, #tpu.memory_space<vmem>> -> memref<64xi32, #tpu.memory_space<vmem>>
    %dma_start3A_113 = arith.constant 0 : i32
    %dma_start3A_114 = arith.constant 0 : i32
    %dma_start3A_115 = tpu.memref_slice %arg2[%dma_start3A_113, %dma_start3A_114] : memref<10000x128xf32, #tpu.memory_space<hbm>> -> memref<10000x128xf32, #tpu.memory_space<hbm>>
    %dma_start3A_116 = tpu.memref_slice %arg11[%dma_start3A_106] : memref<4x!tpu.dma_semaphore, #tpu.memory_space<semaphore_mem>> -> memref<1x!tpu.dma_semaphore, #tpu.memory_space<semaphore_mem>>
    %dma_start3A_117 = tpu.memref_squeeze %dma_start3A_116 : memref<1x!tpu.dma_semaphore, #tpu.memory_space<semaphore_mem>> -> memref<!tpu.dma_semaphore, #tpu.memory_space<semaphore_mem>>
    tpu.enqueue_indirect_dma source(%dma_start3A_115 : memref<10000x128xf32, #tpu.memory_space<hbm>>) target(%dma_start3A_110 : memref<64x128xf32, #tpu.memory_space<vmem>>) offsets(%dma_start3A_112 : memref<64xi32, #tpu.memory_space<vmem>>) semaphore(%dma_start3A_117 : memref<!tpu.dma_semaphore, #tpu.memory_space<semaphore_mem>>)
    %dma_start3A_118 = arith.constant 1 : i32
    %dma_start3A_119 = arith.constant 1 : i32
    %dma_start3A_120 = arith.constant 0 : i32
    %dma_start3A_121 = arith.constant 0 : i32
    %dma_start3A_122 = tpu.memref_slice %arg8[%dma_start3A_118, %dma_start3A_120, %dma_start3A_121] : memref<4x64x128xf32, #tpu.memory_space<vmem>> -> memref<1x64x128xf32, #tpu.memory_space<vmem>>
    %dma_start3A_123 = tpu.memref_squeeze %dma_start3A_122 : memref<1x64x128xf32, #tpu.memory_space<vmem>> -> memref<64x128xf32, #tpu.memory_space<vmem>>
    %dma_start3A_124 = arith.constant 64 : i32
    %dma_start3A_125 = tpu.memref_slice %arg6[%dma_start3A_124] : memref<5120xi32, #tpu.memory_space<vmem>> -> memref<64xi32, #tpu.memory_space<vmem>>
    %dma_start3A_126 = arith.constant 0 : i32
    %dma_start3A_127 = arith.constant 0 : i32
    %dma_start3A_128 = tpu.memref_slice %arg2[%dma_start3A_126, %dma_start3A_127] : memref<10000x128xf32, #tpu.memory_space<hbm>> -> memref<10000x128xf32, #tpu.memory_space<hbm>>
    %dma_start3A_129 = tpu.memref_slice %arg11[%dma_start3A_119] : memref<4x!tpu.dma_semaphore, #tpu.memory_space<semaphore_mem>> -> memref<1x!tpu.dma_semaphore, #tpu.memory_space<semaphore_mem>>
    %dma_start3A_130 = tpu.memref_squeeze %dma_start3A_129 : memref<1x!tpu.dma_semaphore, #tpu.memory_space<semaphore_mem>> -> memref<!tpu.dma_semaphore, #tpu.memory_space<semaphore_mem>>
    tpu.enqueue_indirect_dma source(%dma_start3A_128 : memref<10000x128xf32, #tpu.memory_space<hbm>>) target(%dma_start3A_123 : memref<64x128xf32, #tpu.memory_space<vmem>>) offsets(%dma_start3A_125 : memref<64xi32, #tpu.memory_space<vmem>>) semaphore(%dma_start3A_130 : memref<!tpu.dma_semaphore, #tpu.memory_space<semaphore_mem>>)
    %scan3A_131 = arith.constant 0 : i32
    %scan3A_132 = arith.constant 0 : i32
    %scan3A_133 = arith.constant 20 : i32
    %scan3A_134 = arith.addi %scan3A_132, %scan3A_133 : i32
    %scan3A_135 = arith.constant 1 : i32
    %scan3A_136 = scf.for %scan3A_203 = %scan3A_132 to %scan3A_134 step %scan3A_135 iter_args(%scan3A_204 = %scan3A_131) -> (i32)  : i32 {
      %mul3A_205 = arith.constant 4 : i32
      %mul3A_206 = arith.muli %scan3A_203, %mul3A_205 : i32
      %add3A_207 = arith.constant 0 : i32
      %add3A_208 = arith.addi %mul3A_206, %add3A_207 : i32
      %add3A_209 = arith.constant 2 : i32
      %add3A_210 = arith.addi %add3A_208, %add3A_209 : i32
      %lt3A = arith.constant 80 : i32
      %lt3A_211 = arith.cmpi slt, %add3A_210, %lt3A : i32
      %convert_element_type3A = arith.extui %lt3A_211 : i1 to i32
      %cond3A = arith.constant 0 : i32
      %cond3A_212 = arith.cmpi ne, %convert_element_type3A, %cond3A : i32
      scf.if %cond3A_212 {
        %ge3A = arith.constant 2 : i32
        %ge3A_349 = arith.cmpi sge, %add3A_208, %ge3A : i32
        %convert_element_type3A_350 = arith.extui %ge3A_349 : i1 to i32
        %cond3A_351 = arith.constant 0 : i32
        %cond3A_352 = arith.cmpi ne, %convert_element_type3A_350, %cond3A_351 : i32
        scf.if %cond3A_352 {
          %dma_wait3A_369 = arith.constant 2 : i32
          %dma_wait3A_370 = arith.constant 0 : i32
          %dma_wait3A_371 = arith.constant 2 : i32
          %dma_wait3A_372 = arith.constant 0 : i32
          %dma_wait3A_373 = arith.constant 0 : i32
          %dma_wait3A_374 = tpu.memref_slice %arg8[%dma_wait3A_369, %dma_wait3A_372, %dma_wait3A_373] : memref<4x64x128xf32, #tpu.memory_space<vmem>> -> memref<1x64x128xf32, #tpu.memory_space<vmem>>
          %dma_wait3A_375 = tpu.memref_squeeze %dma_wait3A_374 : memref<1x64x128xf32, #tpu.memory_space<vmem>> -> memref<64x128xf32, #tpu.memory_space<vmem>>
          %dma_wait3A_376 = arith.constant 0 : i32
          %dma_wait3A_377 = tpu.memref_slice %arg7[%dma_wait3A_370, %dma_wait3A_376] : memref<80x64xi32, #tpu.memory_space<vmem>> -> memref<1x64xi32, #tpu.memory_space<vmem>>
          %dma_wait3A_378 = tpu.memref_squeeze %dma_wait3A_377 : memref<1x64xi32, #tpu.memory_space<vmem>> -> memref<64xi32, #tpu.memory_space<vmem>>
          %dma_wait3A_379 = arith.constant 0 : i32
          %dma_wait3A_380 = arith.constant 0 : i32
          %dma_wait3A_381 = tpu.memref_slice %arg10[%dma_wait3A_379, %dma_wait3A_380] : memref<10240x128xf32, #tpu.memory_space<vmem_shared>> -> memref<10240x128xf32, #tpu.memory_space<vmem_shared>>
          %dma_wait3A_382 = tpu.memref_slice %arg12[%dma_wait3A_371] : memref<4x!tpu.dma_semaphore, #tpu.memory_space<semaphore_mem>> -> memref<1x!tpu.dma_semaphore, #tpu.memory_space<semaphore_mem>>
          %dma_wait3A_383 = tpu.memref_squeeze %dma_wait3A_382 : memref<1x!tpu.dma_semaphore, #tpu.memory_space<semaphore_mem>> -> memref<!tpu.dma_semaphore, #tpu.memory_space<semaphore_mem>>
          tpu.wait_indirect_dma semaphore(%dma_wait3A_383 : memref<!tpu.dma_semaphore, #tpu.memory_space<semaphore_mem>>) src(%dma_wait3A_375 : memref<64x128xf32, #tpu.memory_space<vmem>>) dst(%dma_wait3A_381 : memref<10240x128xf32, #tpu.memory_space<vmem_shared>>)
        } else {
        }
        %add3A_353 = arith.constant 2 : i32
        %add3A_354 = arith.addi %add3A_208, %add3A_353 : i32
        %mul3A_355 = arith.constant 64 : i32
        %mul3A_356 = arith.muli %add3A_354, %mul3A_355 : i32
        %dma_start3A_357 = arith.constant 2 : i32
        %dma_start3A_358 = arith.constant 2 : i32
        %dma_start3A_359 = arith.constant 0 : i32
        %dma_start3A_360 = arith.constant 0 : i32
        %dma_start3A_361 = tpu.memref_slice %arg8[%dma_start3A_357, %dma_start3A_359, %dma_start3A_360] : memref<4x64x128xf32, #tpu.memory_space<vmem>> -> memref<1x64x128xf32, #tpu.memory_space<vmem>>
        %dma_start3A_362 = tpu.memref_squeeze %dma_start3A_361 : memref<1x64x128xf32, #tpu.memory_space<vmem>> -> memref<64x128xf32, #tpu.memory_space<vmem>>
        %dma_start3A_363 = tpu.memref_slice %arg6[%mul3A_356] : memref<5120xi32, #tpu.memory_space<vmem>> -> memref<64xi32, #tpu.memory_space<vmem>>
        %dma_start3A_364 = arith.constant 0 : i32
        %dma_start3A_365 = arith.constant 0 : i32
        %dma_start3A_366 = tpu.memref_slice %arg2[%dma_start3A_364, %dma_start3A_365] : memref<10000x128xf32, #tpu.memory_space<hbm>> -> memref<10000x128xf32, #tpu.memory_space<hbm>>
        %dma_start3A_367 = tpu.memref_slice %arg11[%dma_start3A_358] : memref<4x!tpu.dma_semaphore, #tpu.memory_space<semaphore_mem>> -> memref<1x!tpu.dma_semaphore, #tpu.memory_space<semaphore_mem>>
        %dma_start3A_368 = tpu.memref_squeeze %dma_start3A_367 : memref<1x!tpu.dma_semaphore, #tpu.memory_space<semaphore_mem>> -> memref<!tpu.dma_semaphore, #tpu.memory_space<semaphore_mem>>
        tpu.enqueue_indirect_dma source(%dma_start3A_366 : memref<10000x128xf32, #tpu.memory_space<hbm>>) target(%dma_start3A_362 : memref<64x128xf32, #tpu.memory_space<vmem>>) offsets(%dma_start3A_363 : memref<64xi32, #tpu.memory_space<vmem>>) semaphore(%dma_start3A_368 : memref<!tpu.dma_semaphore, #tpu.memory_space<semaphore_mem>>)
      } else {
      }
      %dma_wait3A_213 = arith.constant 0 : i32
      %dma_wait3A_214 = arith.constant 0 : i32
      %dma_wait3A_215 = arith.constant 0 : i32
      %dma_wait3A_216 = arith.constant 0 : i32
      %dma_wait3A_217 = tpu.memref_slice %arg8[%dma_wait3A_213, %dma_wait3A_215, %dma_wait3A_216] : memref<4x64x128xf32, #tpu.memory_space<vmem>> -> memref<1x64x128xf32, #tpu.memory_space<vmem>>
      %dma_wait3A_218 = tpu.memref_squeeze %dma_wait3A_217 : memref<1x64x128xf32, #tpu.memory_space<vmem>> -> memref<64x128xf32, #tpu.memory_space<vmem>>
      %dma_wait3A_219 = arith.constant 0 : i32
      %dma_wait3A_220 = tpu.memref_slice %arg6[%dma_wait3A_219] : memref<5120xi32, #tpu.memory_space<vmem>> -> memref<64xi32, #tpu.memory_space<vmem>>
      %dma_wait3A_221 = arith.constant 0 : i32
      %dma_wait3A_222 = arith.constant 0 : i32
      %dma_wait3A_223 = tpu.memref_slice %arg2[%dma_wait3A_221, %dma_wait3A_222] : memref<10000x128xf32, #tpu.memory_space<hbm>> -> memref<10000x128xf32, #tpu.memory_space<hbm>>
      %dma_wait3A_224 = tpu.memref_slice %arg11[%dma_wait3A_214] : memref<4x!tpu.dma_semaphore, #tpu.memory_space<semaphore_mem>> -> memref<1x!tpu.dma_semaphore, #tpu.memory_space<semaphore_mem>>
      %dma_wait3A_225 = tpu.memref_squeeze %dma_wait3A_224 : memref<1x!tpu.dma_semaphore, #tpu.memory_space<semaphore_mem>> -> memref<!tpu.dma_semaphore, #tpu.memory_space<semaphore_mem>>
      tpu.wait_indirect_dma semaphore(%dma_wait3A_225 : memref<!tpu.dma_semaphore, #tpu.memory_space<semaphore_mem>>) src(%dma_wait3A_223 : memref<10000x128xf32, #tpu.memory_space<hbm>>) dst(%dma_wait3A_218 : memref<64x128xf32, #tpu.memory_space<vmem>>)
      %dma_start3A_226 = arith.constant 0 : i32
      %dma_start3A_227 = arith.constant 0 : i32
      %dma_start3A_228 = arith.constant 0 : i32
      %dma_start3A_229 = arith.constant 0 : i32
      %dma_start3A_230 = tpu.memref_slice %arg8[%dma_start3A_226, %dma_start3A_228, %dma_start3A_229] : memref<4x64x128xf32, #tpu.memory_space<vmem>> -> memref<1x64x128xf32, #tpu.memory_space<vmem>>
      %dma_start3A_231 = tpu.memref_squeeze %dma_start3A_230 : memref<1x64x128xf32, #tpu.memory_space<vmem>> -> memref<64x128xf32, #tpu.memory_space<vmem>>
      %dma_start3A_232 = arith.constant 0 : i32
      %dma_start3A_233 = tpu.memref_slice %arg7[%add3A_208, %dma_start3A_232] : memref<80x64xi32, #tpu.memory_space<vmem>> -> memref<1x64xi32, #tpu.memory_space<vmem>>
      %dma_start3A_234 = tpu.memref_squeeze %dma_start3A_233 : memref<1x64xi32, #tpu.memory_space<vmem>> -> memref<64xi32, #tpu.memory_space<vmem>>
      %dma_start3A_235 = arith.constant 0 : i32
      %dma_start3A_236 = arith.constant 0 : i32
      %dma_start3A_237 = tpu.memref_slice %arg10[%dma_start3A_235, %dma_start3A_236] : memref<10240x128xf32, #tpu.memory_space<vmem_shared>> -> memref<10240x128xf32, #tpu.memory_space<vmem_shared>>
      %dma_start3A_238 = tpu.memref_slice %arg12[%dma_start3A_227] : memref<4x!tpu.dma_semaphore, #tpu.memory_space<semaphore_mem>> -> memref<1x!tpu.dma_semaphore, #tpu.memory_space<semaphore_mem>>
      %dma_start3A_239 = tpu.memref_squeeze %dma_start3A_238 : memref<1x!tpu.dma_semaphore, #tpu.memory_space<semaphore_mem>> -> memref<!tpu.dma_semaphore, #tpu.memory_space<semaphore_mem>>
      tpu.enqueue_indirect_dma source(%dma_start3A_231 : memref<64x128xf32, #tpu.memory_space<vmem>>) target(%dma_start3A_237 : memref<10240x128xf32, #tpu.memory_space<vmem_shared>>) offsets(%dma_start3A_234 : memref<64xi32, #tpu.memory_space<vmem>>) semaphore(%dma_start3A_239 : memref<!tpu.dma_semaphore, #tpu.memory_space<semaphore_mem>>) {add = true}
      %add3A_240 = arith.constant 1 : i32
      %add3A_241 = arith.addi %mul3A_206, %add3A_240 : i32
      %add3A_242 = arith.constant 2 : i32
      %add3A_243 = arith.addi %add3A_241, %add3A_242 : i32
      %lt3A_244 = arith.constant 80 : i32
      %lt3A_245 = arith.cmpi slt, %add3A_243, %lt3A_244 : i32
      %convert_element_type3A_246 = arith.extui %lt3A_245 : i1 to i32
      %cond3A_247 = arith.constant 0 : i32
      %cond3A_248 = arith.cmpi ne, %convert_element_type3A_246, %cond3A_247 : i32
      scf.if %cond3A_248 {
        %ge3A = arith.constant 2 : i32
        %ge3A_349 = arith.cmpi sge, %add3A_241, %ge3A : i32
        %convert_element_type3A_350 = arith.extui %ge3A_349 : i1 to i32
        %cond3A_351 = arith.constant 0 : i32
        %cond3A_352 = arith.cmpi ne, %convert_element_type3A_350, %cond3A_351 : i32
        scf.if %cond3A_352 {
          %dma_wait3A_369 = arith.constant 3 : i32
          %dma_wait3A_370 = arith.constant 0 : i32
          %dma_wait3A_371 = arith.constant 3 : i32
          %dma_wait3A_372 = arith.constant 0 : i32
          %dma_wait3A_373 = arith.constant 0 : i32
          %dma_wait3A_374 = tpu.memref_slice %arg8[%dma_wait3A_369, %dma_wait3A_372, %dma_wait3A_373] : memref<4x64x128xf32, #tpu.memory_space<vmem>> -> memref<1x64x128xf32, #tpu.memory_space<vmem>>
          %dma_wait3A_375 = tpu.memref_squeeze %dma_wait3A_374 : memref<1x64x128xf32, #tpu.memory_space<vmem>> -> memref<64x128xf32, #tpu.memory_space<vmem>>
          %dma_wait3A_376 = arith.constant 0 : i32
          %dma_wait3A_377 = tpu.memref_slice %arg7[%dma_wait3A_370, %dma_wait3A_376] : memref<80x64xi32, #tpu.memory_space<vmem>> -> memref<1x64xi32, #tpu.memory_space<vmem>>
          %dma_wait3A_378 = tpu.memref_squeeze %dma_wait3A_377 : memref<1x64xi32, #tpu.memory_space<vmem>> -> memref<64xi32, #tpu.memory_space<vmem>>
          %dma_wait3A_379 = arith.constant 0 : i32
          %dma_wait3A_380 = arith.constant 0 : i32
          %dma_wait3A_381 = tpu.memref_slice %arg10[%dma_wait3A_379, %dma_wait3A_380] : memref<10240x128xf32, #tpu.memory_space<vmem_shared>> -> memref<10240x128xf32, #tpu.memory_space<vmem_shared>>
          %dma_wait3A_382 = tpu.memref_slice %arg12[%dma_wait3A_371] : memref<4x!tpu.dma_semaphore, #tpu.memory_space<semaphore_mem>> -> memref<1x!tpu.dma_semaphore, #tpu.memory_space<semaphore_mem>>
          %dma_wait3A_383 = tpu.memref_squeeze %dma_wait3A_382 : memref<1x!tpu.dma_semaphore, #tpu.memory_space<semaphore_mem>> -> memref<!tpu.dma_semaphore, #tpu.memory_space<semaphore_mem>>
          tpu.wait_indirect_dma semaphore(%dma_wait3A_383 : memref<!tpu.dma_semaphore, #tpu.memory_space<semaphore_mem>>) src(%dma_wait3A_375 : memref<64x128xf32, #tpu.memory_space<vmem>>) dst(%dma_wait3A_381 : memref<10240x128xf32, #tpu.memory_space<vmem_shared>>)
        } else {
        }
        %add3A_353 = arith.constant 2 : i32
        %add3A_354 = arith.addi %add3A_241, %add3A_353 : i32
        %mul3A_355 = arith.constant 64 : i32
        %mul3A_356 = arith.muli %add3A_354, %mul3A_355 : i32
        %dma_start3A_357 = arith.constant 3 : i32
        %dma_start3A_358 = arith.constant 3 : i32
        %dma_start3A_359 = arith.constant 0 : i32
        %dma_start3A_360 = arith.constant 0 : i32
        %dma_start3A_361 = tpu.memref_slice %arg8[%dma_start3A_357, %dma_start3A_359, %dma_start3A_360] : memref<4x64x128xf32, #tpu.memory_space<vmem>> -> memref<1x64x128xf32, #tpu.memory_space<vmem>>
        %dma_start3A_362 = tpu.memref_squeeze %dma_start3A_361 : memref<1x64x128xf32, #tpu.memory_space<vmem>> -> memref<64x128xf32, #tpu.memory_space<vmem>>
        %dma_start3A_363 = tpu.memref_slice %arg6[%mul3A_356] : memref<5120xi32, #tpu.memory_space<vmem>> -> memref<64xi32, #tpu.memory_space<vmem>>
        %dma_start3A_364 = arith.constant 0 : i32
        %dma_start3A_365 = arith.constant 0 : i32
        %dma_start3A_366 = tpu.memref_slice %arg2[%dma_start3A_364, %dma_start3A_365] : memref<10000x128xf32, #tpu.memory_space<hbm>> -> memref<10000x128xf32, #tpu.memory_space<hbm>>
        %dma_start3A_367 = tpu.memref_slice %arg11[%dma_start3A_358] : memref<4x!tpu.dma_semaphore, #tpu.memory_space<semaphore_mem>> -> memref<1x!tpu.dma_semaphore, #tpu.memory_space<semaphore_mem>>
        %dma_start3A_368 = tpu.memref_squeeze %dma_start3A_367 : memref<1x!tpu.dma_semaphore, #tpu.memory_space<semaphore_mem>> -> memref<!tpu.dma_semaphore, #tpu.memory_space<semaphore_mem>>
        tpu.enqueue_indirect_dma source(%dma_start3A_366 : memref<10000x128xf32, #tpu.memory_space<hbm>>) target(%dma_start3A_362 : memref<64x128xf32, #tpu.memory_space<vmem>>) offsets(%dma_start3A_363 : memref<64xi32, #tpu.memory_space<vmem>>) semaphore(%dma_start3A_368 : memref<!tpu.dma_semaphore, #tpu.memory_space<semaphore_mem>>)
      } else {
      }
      %dma_wait3A_249 = arith.constant 1 : i32
      %dma_wait3A_250 = arith.constant 1 : i32
      %dma_wait3A_251 = arith.constant 0 : i32
      %dma_wait3A_252 = arith.constant 0 : i32
      %dma_wait3A_253 = tpu.memref_slice %arg8[%dma_wait3A_249, %dma_wait3A_251, %dma_wait3A_252] : memref<4x64x128xf32, #tpu.memory_space<vmem>> -> memref<1x64x128xf32, #tpu.memory_space<vmem>>
      %dma_wait3A_254 = tpu.memref_squeeze %dma_wait3A_253 : memref<1x64x128xf32, #tpu.memory_space<vmem>> -> memref<64x128xf32, #tpu.memory_space<vmem>>
      %dma_wait3A_255 = arith.constant 0 : i32
      %dma_wait3A_256 = tpu.memref_slice %arg6[%dma_wait3A_255] : memref<5120xi32, #tpu.memory_space<vmem>> -> memref<64xi32, #tpu.memory_space<vmem>>
      %dma_wait3A_257 = arith.constant 0 : i32
      %dma_wait3A_258 = arith.constant 0 : i32
      %dma_wait3A_259 = tpu.memref_slice %arg2[%dma_wait3A_257, %dma_wait3A_258] : memref<10000x128xf32, #tpu.memory_space<hbm>> -> memref<10000x128xf32, #tpu.memory_space<hbm>>
      %dma_wait3A_260 = tpu.memref_slice %arg11[%dma_wait3A_250] : memref<4x!tpu.dma_semaphore, #tpu.memory_space<semaphore_mem>> -> memref<1x!tpu.dma_semaphore, #tpu.memory_space<semaphore_mem>>
      %dma_wait3A_261 = tpu.memref_squeeze %dma_wait3A_260 : memref<1x!tpu.dma_semaphore, #tpu.memory_space<semaphore_mem>> -> memref<!tpu.dma_semaphore, #tpu.memory_space<semaphore_mem>>
      tpu.wait_indirect_dma semaphore(%dma_wait3A_261 : memref<!tpu.dma_semaphore, #tpu.memory_space<semaphore_mem>>) src(%dma_wait3A_259 : memref<10000x128xf32, #tpu.memory_space<hbm>>) dst(%dma_wait3A_254 : memref<64x128xf32, #tpu.memory_space<vmem>>)
      %dma_start3A_262 = arith.constant 1 : i32
      %dma_start3A_263 = arith.constant 1 : i32
      %dma_start3A_264 = arith.constant 0 : i32
      %dma_start3A_265 = arith.constant 0 : i32
      %dma_start3A_266 = tpu.memref_slice %arg8[%dma_start3A_262, %dma_start3A_264, %dma_start3A_265] : memref<4x64x128xf32, #tpu.memory_space<vmem>> -> memref<1x64x128xf32, #tpu.memory_space<vmem>>
      %dma_start3A_267 = tpu.memref_squeeze %dma_start3A_266 : memref<1x64x128xf32, #tpu.memory_space<vmem>> -> memref<64x128xf32, #tpu.memory_space<vmem>>
      %dma_start3A_268 = arith.constant 0 : i32
      %dma_start3A_269 = tpu.memref_slice %arg7[%add3A_241, %dma_start3A_268] : memref<80x64xi32, #tpu.memory_space<vmem>> -> memref<1x64xi32, #tpu.memory_space<vmem>>
      %dma_start3A_270 = tpu.memref_squeeze %dma_start3A_269 : memref<1x64xi32, #tpu.memory_space<vmem>> -> memref<64xi32, #tpu.memory_space<vmem>>
      %dma_start3A_271 = arith.constant 0 : i32
      %dma_start3A_272 = arith.constant 0 : i32
      %dma_start3A_273 = tpu.memref_slice %arg10[%dma_start3A_271, %dma_start3A_272] : memref<10240x128xf32, #tpu.memory_space<vmem_shared>> -> memref<10240x128xf32, #tpu.memory_space<vmem_shared>>
      %dma_start3A_274 = tpu.memref_slice %arg12[%dma_start3A_263] : memref<4x!tpu.dma_semaphore, #tpu.memory_space<semaphore_mem>> -> memref<1x!tpu.dma_semaphore, #tpu.memory_space<semaphore_mem>>
      %dma_start3A_275 = tpu.memref_squeeze %dma_start3A_274 : memref<1x!tpu.dma_semaphore, #tpu.memory_space<semaphore_mem>> -> memref<!tpu.dma_semaphore, #tpu.memory_space<semaphore_mem>>
      tpu.enqueue_indirect_dma source(%dma_start3A_267 : memref<64x128xf32, #tpu.memory_space<vmem>>) target(%dma_start3A_273 : memref<10240x128xf32, #tpu.memory_space<vmem_shared>>) offsets(%dma_start3A_270 : memref<64xi32, #tpu.memory_space<vmem>>) semaphore(%dma_start3A_275 : memref<!tpu.dma_semaphore, #tpu.memory_space<semaphore_mem>>) {add = true}
      %add3A_276 = arith.constant 2 : i32
      %add3A_277 = arith.addi %mul3A_206, %add3A_276 : i32
      %add3A_278 = arith.constant 2 : i32
      %add3A_279 = arith.addi %add3A_277, %add3A_278 : i32
      %lt3A_280 = arith.constant 80 : i32
      %lt3A_281 = arith.cmpi slt, %add3A_279, %lt3A_280 : i32
      %convert_element_type3A_282 = arith.extui %lt3A_281 : i1 to i32
      %cond3A_283 = arith.constant 0 : i32
      %cond3A_284 = arith.cmpi ne, %convert_element_type3A_282, %cond3A_283 : i32
      scf.if %cond3A_284 {
        %ge3A = arith.constant 2 : i32
        %ge3A_349 = arith.cmpi sge, %add3A_277, %ge3A : i32
        %convert_element_type3A_350 = arith.extui %ge3A_349 : i1 to i32
        %cond3A_351 = arith.constant 0 : i32
        %cond3A_352 = arith.cmpi ne, %convert_element_type3A_350, %cond3A_351 : i32
        scf.if %cond3A_352 {
          %dma_wait3A_369 = arith.constant 0 : i32
          %dma_wait3A_370 = arith.constant 0 : i32
          %dma_wait3A_371 = arith.constant 0 : i32
          %dma_wait3A_372 = arith.constant 0 : i32
          %dma_wait3A_373 = arith.constant 0 : i32
          %dma_wait3A_374 = tpu.memref_slice %arg8[%dma_wait3A_369, %dma_wait3A_372, %dma_wait3A_373] : memref<4x64x128xf32, #tpu.memory_space<vmem>> -> memref<1x64x128xf32, #tpu.memory_space<vmem>>
          %dma_wait3A_375 = tpu.memref_squeeze %dma_wait3A_374 : memref<1x64x128xf32, #tpu.memory_space<vmem>> -> memref<64x128xf32, #tpu.memory_space<vmem>>
          %dma_wait3A_376 = arith.constant 0 : i32
          %dma_wait3A_377 = tpu.memref_slice %arg7[%dma_wait3A_370, %dma_wait3A_376] : memref<80x64xi32, #tpu.memory_space<vmem>> -> memref<1x64xi32, #tpu.memory_space<vmem>>
          %dma_wait3A_378 = tpu.memref_squeeze %dma_wait3A_377 : memref<1x64xi32, #tpu.memory_space<vmem>> -> memref<64xi32, #tpu.memory_space<vmem>>
          %dma_wait3A_379 = arith.constant 0 : i32
          %dma_wait3A_380 = arith.constant 0 : i32
          %dma_wait3A_381 = tpu.memref_slice %arg10[%dma_wait3A_379, %dma_wait3A_380] : memref<10240x128xf32, #tpu.memory_space<vmem_shared>> -> memref<10240x128xf32, #tpu.memory_space<vmem_shared>>
          %dma_wait3A_382 = tpu.memref_slice %arg12[%dma_wait3A_371] : memref<4x!tpu.dma_semaphore, #tpu.memory_space<semaphore_mem>> -> memref<1x!tpu.dma_semaphore, #tpu.memory_space<semaphore_mem>>
          %dma_wait3A_383 = tpu.memref_squeeze %dma_wait3A_382 : memref<1x!tpu.dma_semaphore, #tpu.memory_space<semaphore_mem>> -> memref<!tpu.dma_semaphore, #tpu.memory_space<semaphore_mem>>
          tpu.wait_indirect_dma semaphore(%dma_wait3A_383 : memref<!tpu.dma_semaphore, #tpu.memory_space<semaphore_mem>>) src(%dma_wait3A_375 : memref<64x128xf32, #tpu.memory_space<vmem>>) dst(%dma_wait3A_381 : memref<10240x128xf32, #tpu.memory_space<vmem_shared>>)
        } else {
        }
        %add3A_353 = arith.constant 2 : i32
        %add3A_354 = arith.addi %add3A_277, %add3A_353 : i32
        %mul3A_355 = arith.constant 64 : i32
        %mul3A_356 = arith.muli %add3A_354, %mul3A_355 : i32
        %dma_start3A_357 = arith.constant 0 : i32
        %dma_start3A_358 = arith.constant 0 : i32
        %dma_start3A_359 = arith.constant 0 : i32
        %dma_start3A_360 = arith.constant 0 : i32
        %dma_start3A_361 = tpu.memref_slice %arg8[%dma_start3A_357, %dma_start3A_359, %dma_start3A_360] : memref<4x64x128xf32, #tpu.memory_space<vmem>> -> memref<1x64x128xf32, #tpu.memory_space<vmem>>
        %dma_start3A_362 = tpu.memref_squeeze %dma_start3A_361 : memref<1x64x128xf32, #tpu.memory_space<vmem>> -> memref<64x128xf32, #tpu.memory_space<vmem>>
        %dma_start3A_363 = tpu.memref_slice %arg6[%mul3A_356] : memref<5120xi32, #tpu.memory_space<vmem>> -> memref<64xi32, #tpu.memory_space<vmem>>
        %dma_start3A_364 = arith.constant 0 : i32
        %dma_start3A_365 = arith.constant 0 : i32
        %dma_start3A_366 = tpu.memref_slice %arg2[%dma_start3A_364, %dma_start3A_365] : memref<10000x128xf32, #tpu.memory_space<hbm>> -> memref<10000x128xf32, #tpu.memory_space<hbm>>
        %dma_start3A_367 = tpu.memref_slice %arg11[%dma_start3A_358] : memref<4x!tpu.dma_semaphore, #tpu.memory_space<semaphore_mem>> -> memref<1x!tpu.dma_semaphore, #tpu.memory_space<semaphore_mem>>
        %dma_start3A_368 = tpu.memref_squeeze %dma_start3A_367 : memref<1x!tpu.dma_semaphore, #tpu.memory_space<semaphore_mem>> -> memref<!tpu.dma_semaphore, #tpu.memory_space<semaphore_mem>>
        tpu.enqueue_indirect_dma source(%dma_start3A_366 : memref<10000x128xf32, #tpu.memory_space<hbm>>) target(%dma_start3A_362 : memref<64x128xf32, #tpu.memory_space<vmem>>) offsets(%dma_start3A_363 : memref<64xi32, #tpu.memory_space<vmem>>) semaphore(%dma_start3A_368 : memref<!tpu.dma_semaphore, #tpu.memory_space<semaphore_mem>>)
      } else {
      }
      %dma_wait3A_285 = arith.constant 2 : i32
      %dma_wait3A_286 = arith.constant 2 : i32
      %dma_wait3A_287 = arith.constant 0 : i32
      %dma_wait3A_288 = arith.constant 0 : i32
      %dma_wait3A_289 = tpu.memref_slice %arg8[%dma_wait3A_285, %dma_wait3A_287, %dma_wait3A_288] : memref<4x64x128xf32, #tpu.memory_space<vmem>> -> memref<1x64x128xf32, #tpu.memory_space<vmem>>
      %dma_wait3A_290 = tpu.memref_squeeze %dma_wait3A_289 : memref<1x64x128xf32, #tpu.memory_space<vmem>> -> memref<64x128xf32, #tpu.memory_space<vmem>>
      %dma_wait3A_291 = arith.constant 0 : i32
      %dma_wait3A_292 = tpu.memref_slice %arg6[%dma_wait3A_291] : memref<5120xi32, #tpu.memory_space<vmem>> -> memref<64xi32, #tpu.memory_space<vmem>>
      %dma_wait3A_293 = arith.constant 0 : i32
      %dma_wait3A_294 = arith.constant 0 : i32
      %dma_wait3A_295 = tpu.memref_slice %arg2[%dma_wait3A_293, %dma_wait3A_294] : memref<10000x128xf32, #tpu.memory_space<hbm>> -> memref<10000x128xf32, #tpu.memory_space<hbm>>
      %dma_wait3A_296 = tpu.memref_slice %arg11[%dma_wait3A_286] : memref<4x!tpu.dma_semaphore, #tpu.memory_space<semaphore_mem>> -> memref<1x!tpu.dma_semaphore, #tpu.memory_space<semaphore_mem>>
      %dma_wait3A_297 = tpu.memref_squeeze %dma_wait3A_296 : memref<1x!tpu.dma_semaphore, #tpu.memory_space<semaphore_mem>> -> memref<!tpu.dma_semaphore, #tpu.memory_space<semaphore_mem>>
      tpu.wait_indirect_dma semaphore(%dma_wait3A_297 : memref<!tpu.dma_semaphore, #tpu.memory_space<semaphore_mem>>) src(%dma_wait3A_295 : memref<10000x128xf32, #tpu.memory_space<hbm>>) dst(%dma_wait3A_290 : memref<64x128xf32, #tpu.memory_space<vmem>>)
      %dma_start3A_298 = arith.constant 2 : i32
      %dma_start3A_299 = arith.constant 2 : i32
      %dma_start3A_300 = arith.constant 0 : i32
      %dma_start3A_301 = arith.constant 0 : i32
      %dma_start3A_302 = tpu.memref_slice %arg8[%dma_start3A_298, %dma_start3A_300, %dma_start3A_301] : memref<4x64x128xf32, #tpu.memory_space<vmem>> -> memref<1x64x128xf32, #tpu.memory_space<vmem>>
      %dma_start3A_303 = tpu.memref_squeeze %dma_start3A_302 : memref<1x64x128xf32, #tpu.memory_space<vmem>> -> memref<64x128xf32, #tpu.memory_space<vmem>>
      %dma_start3A_304 = arith.constant 0 : i32
      %dma_start3A_305 = tpu.memref_slice %arg7[%add3A_277, %dma_start3A_304] : memref<80x64xi32, #tpu.memory_space<vmem>> -> memref<1x64xi32, #tpu.memory_space<vmem>>
      %dma_start3A_306 = tpu.memref_squeeze %dma_start3A_305 : memref<1x64xi32, #tpu.memory_space<vmem>> -> memref<64xi32, #tpu.memory_space<vmem>>
      %dma_start3A_307 = arith.constant 0 : i32
      %dma_start3A_308 = arith.constant 0 : i32
      %dma_start3A_309 = tpu.memref_slice %arg10[%dma_start3A_307, %dma_start3A_308] : memref<10240x128xf32, #tpu.memory_space<vmem_shared>> -> memref<10240x128xf32, #tpu.memory_space<vmem_shared>>
      %dma_start3A_310 = tpu.memref_slice %arg12[%dma_start3A_299] : memref<4x!tpu.dma_semaphore, #tpu.memory_space<semaphore_mem>> -> memref<1x!tpu.dma_semaphore, #tpu.memory_space<semaphore_mem>>
      %dma_start3A_311 = tpu.memref_squeeze %dma_start3A_310 : memref<1x!tpu.dma_semaphore, #tpu.memory_space<semaphore_mem>> -> memref<!tpu.dma_semaphore, #tpu.memory_space<semaphore_mem>>
      tpu.enqueue_indirect_dma source(%dma_start3A_303 : memref<64x128xf32, #tpu.memory_space<vmem>>) target(%dma_start3A_309 : memref<10240x128xf32, #tpu.memory_space<vmem_shared>>) offsets(%dma_start3A_306 : memref<64xi32, #tpu.memory_space<vmem>>) semaphore(%dma_start3A_311 : memref<!tpu.dma_semaphore, #tpu.memory_space<semaphore_mem>>) {add = true}
      %add3A_312 = arith.constant 3 : i32
      %add3A_313 = arith.addi %mul3A_206, %add3A_312 : i32
      %add3A_314 = arith.constant 2 : i32
      %add3A_315 = arith.addi %add3A_313, %add3A_314 : i32
      %lt3A_316 = arith.constant 80 : i32
      %lt3A_317 = arith.cmpi slt, %add3A_315, %lt3A_316 : i32
      %convert_element_type3A_318 = arith.extui %lt3A_317 : i1 to i32
      %cond3A_319 = arith.constant 0 : i32
      %cond3A_320 = arith.cmpi ne, %convert_element_type3A_318, %cond3A_319 : i32
      scf.if %cond3A_320 {
        %ge3A = arith.constant 2 : i32
        %ge3A_349 = arith.cmpi sge, %add3A_313, %ge3A : i32
        %convert_element_type3A_350 = arith.extui %ge3A_349 : i1 to i32
        %cond3A_351 = arith.constant 0 : i32
        %cond3A_352 = arith.cmpi ne, %convert_element_type3A_350, %cond3A_351 : i32
        scf.if %cond3A_352 {
          %dma_wait3A_369 = arith.constant 1 : i32
          %dma_wait3A_370 = arith.constant 0 : i32
          %dma_wait3A_371 = arith.constant 1 : i32
          %dma_wait3A_372 = arith.constant 0 : i32
          %dma_wait3A_373 = arith.constant 0 : i32
          %dma_wait3A_374 = tpu.memref_slice %arg8[%dma_wait3A_369, %dma_wait3A_372, %dma_wait3A_373] : memref<4x64x128xf32, #tpu.memory_space<vmem>> -> memref<1x64x128xf32, #tpu.memory_space<vmem>>
          %dma_wait3A_375 = tpu.memref_squeeze %dma_wait3A_374 : memref<1x64x128xf32, #tpu.memory_space<vmem>> -> memref<64x128xf32, #tpu.memory_space<vmem>>
          %dma_wait3A_376 = arith.constant 0 : i32
          %dma_wait3A_377 = tpu.memref_slice %arg7[%dma_wait3A_370, %dma_wait3A_376] : memref<80x64xi32, #tpu.memory_space<vmem>> -> memref<1x64xi32, #tpu.memory_space<vmem>>
          %dma_wait3A_378 = tpu.memref_squeeze %dma_wait3A_377 : memref<1x64xi32, #tpu.memory_space<vmem>> -> memref<64xi32, #tpu.memory_space<vmem>>
          %dma_wait3A_379 = arith.constant 0 : i32
          %dma_wait3A_380 = arith.constant 0 : i32
          %dma_wait3A_381 = tpu.memref_slice %arg10[%dma_wait3A_379, %dma_wait3A_380] : memref<10240x128xf32, #tpu.memory_space<vmem_shared>> -> memref<10240x128xf32, #tpu.memory_space<vmem_shared>>
          %dma_wait3A_382 = tpu.memref_slice %arg12[%dma_wait3A_371] : memref<4x!tpu.dma_semaphore, #tpu.memory_space<semaphore_mem>> -> memref<1x!tpu.dma_semaphore, #tpu.memory_space<semaphore_mem>>
          %dma_wait3A_383 = tpu.memref_squeeze %dma_wait3A_382 : memref<1x!tpu.dma_semaphore, #tpu.memory_space<semaphore_mem>> -> memref<!tpu.dma_semaphore, #tpu.memory_space<semaphore_mem>>
          tpu.wait_indirect_dma semaphore(%dma_wait3A_383 : memref<!tpu.dma_semaphore, #tpu.memory_space<semaphore_mem>>) src(%dma_wait3A_375 : memref<64x128xf32, #tpu.memory_space<vmem>>) dst(%dma_wait3A_381 : memref<10240x128xf32, #tpu.memory_space<vmem_shared>>)
        } else {
        }
        %add3A_353 = arith.constant 2 : i32
        %add3A_354 = arith.addi %add3A_313, %add3A_353 : i32
        %mul3A_355 = arith.constant 64 : i32
        %mul3A_356 = arith.muli %add3A_354, %mul3A_355 : i32
        %dma_start3A_357 = arith.constant 1 : i32
        %dma_start3A_358 = arith.constant 1 : i32
        %dma_start3A_359 = arith.constant 0 : i32
        %dma_start3A_360 = arith.constant 0 : i32
        %dma_start3A_361 = tpu.memref_slice %arg8[%dma_start3A_357, %dma_start3A_359, %dma_start3A_360] : memref<4x64x128xf32, #tpu.memory_space<vmem>> -> memref<1x64x128xf32, #tpu.memory_space<vmem>>
        %dma_start3A_362 = tpu.memref_squeeze %dma_start3A_361 : memref<1x64x128xf32, #tpu.memory_space<vmem>> -> memref<64x128xf32, #tpu.memory_space<vmem>>
        %dma_start3A_363 = tpu.memref_slice %arg6[%mul3A_356] : memref<5120xi32, #tpu.memory_space<vmem>> -> memref<64xi32, #tpu.memory_space<vmem>>
        %dma_start3A_364 = arith.constant 0 : i32
        %dma_start3A_365 = arith.constant 0 : i32
        %dma_start3A_366 = tpu.memref_slice %arg2[%dma_start3A_364, %dma_start3A_365] : memref<10000x128xf32, #tpu.memory_space<hbm>> -> memref<10000x128xf32, #tpu.memory_space<hbm>>
        %dma_start3A_367 = tpu.memref_slice %arg11[%dma_start3A_358] : memref<4x!tpu.dma_semaphore, #tpu.memory_space<semaphore_mem>> -> memref<1x!tpu.dma_semaphore, #tpu.memory_space<semaphore_mem>>
        %dma_start3A_368 = tpu.memref_squeeze %dma_start3A_367 : memref<1x!tpu.dma_semaphore, #tpu.memory_space<semaphore_mem>> -> memref<!tpu.dma_semaphore, #tpu.memory_space<semaphore_mem>>
        tpu.enqueue_indirect_dma source(%dma_start3A_366 : memref<10000x128xf32, #tpu.memory_space<hbm>>) target(%dma_start3A_362 : memref<64x128xf32, #tpu.memory_space<vmem>>) offsets(%dma_start3A_363 : memref<64xi32, #tpu.memory_space<vmem>>) semaphore(%dma_start3A_368 : memref<!tpu.dma_semaphore, #tpu.memory_space<semaphore_mem>>)
      } else {
      }
      %dma_wait3A_321 = arith.constant 3 : i32
      %dma_wait3A_322 = arith.constant 3 : i32
      %dma_wait3A_323 = arith.constant 0 : i32
      %dma_wait3A_324 = arith.constant 0 : i32
      %dma_wait3A_325 = tpu.memref_slice %arg8[%dma_wait3A_321, %dma_wait3A_323, %dma_wait3A_324] : memref<4x64x128xf32, #tpu.memory_space<vmem>> -> memref<1x64x128xf32, #tpu.memory_space<vmem>>
      %dma_wait3A_326 = tpu.memref_squeeze %dma_wait3A_325 : memref<1x64x128xf32, #tpu.memory_space<vmem>> -> memref<64x128xf32, #tpu.memory_space<vmem>>
      %dma_wait3A_327 = arith.constant 0 : i32
      %dma_wait3A_328 = tpu.memref_slice %arg6[%dma_wait3A_327] : memref<5120xi32, #tpu.memory_space<vmem>> -> memref<64xi32, #tpu.memory_space<vmem>>
      %dma_wait3A_329 = arith.constant 0 : i32
      %dma_wait3A_330 = arith.constant 0 : i32
      %dma_wait3A_331 = tpu.memref_slice %arg2[%dma_wait3A_329, %dma_wait3A_330] : memref<10000x128xf32, #tpu.memory_space<hbm>> -> memref<10000x128xf32, #tpu.memory_space<hbm>>
      %dma_wait3A_332 = tpu.memref_slice %arg11[%dma_wait3A_322] : memref<4x!tpu.dma_semaphore, #tpu.memory_space<semaphore_mem>> -> memref<1x!tpu.dma_semaphore, #tpu.memory_space<semaphore_mem>>
      %dma_wait3A_333 = tpu.memref_squeeze %dma_wait3A_332 : memref<1x!tpu.dma_semaphore, #tpu.memory_space<semaphore_mem>> -> memref<!tpu.dma_semaphore, #tpu.memory_space<semaphore_mem>>
      tpu.wait_indirect_dma semaphore(%dma_wait3A_333 : memref<!tpu.dma_semaphore, #tpu.memory_space<semaphore_mem>>) src(%dma_wait3A_331 : memref<10000x128xf32, #tpu.memory_space<hbm>>) dst(%dma_wait3A_326 : memref<64x128xf32, #tpu.memory_space<vmem>>)
      %dma_start3A_334 = arith.constant 3 : i32
      %dma_start3A_335 = arith.constant 3 : i32
      %dma_start3A_336 = arith.constant 0 : i32
      %dma_start3A_337 = arith.constant 0 : i32
      %dma_start3A_338 = tpu.memref_slice %arg8[%dma_start3A_334, %dma_start3A_336, %dma_start3A_337] : memref<4x64x128xf32, #tpu.memory_space<vmem>> -> memref<1x64x128xf32, #tpu.memory_space<vmem>>
      %dma_start3A_339 = tpu.memref_squeeze %dma_start3A_338 : memref<1x64x128xf32, #tpu.memory_space<vmem>> -> memref<64x128xf32, #tpu.memory_space<vmem>>
      %dma_start3A_340 = arith.constant 0 : i32
      %dma_start3A_341 = tpu.memref_slice %arg7[%add3A_313, %dma_start3A_340] : memref<80x64xi32, #tpu.memory_space<vmem>> -> memref<1x64xi32, #tpu.memory_space<vmem>>
      %dma_start3A_342 = tpu.memref_squeeze %dma_start3A_341 : memref<1x64xi32, #tpu.memory_space<vmem>> -> memref<64xi32, #tpu.memory_space<vmem>>
      %dma_start3A_343 = arith.constant 0 : i32
      %dma_start3A_344 = arith.constant 0 : i32
      %dma_start3A_345 = tpu.memref_slice %arg10[%dma_start3A_343, %dma_start3A_344] : memref<10240x128xf32, #tpu.memory_space<vmem_shared>> -> memref<10240x128xf32, #tpu.memory_space<vmem_shared>>
      %dma_start3A_346 = tpu.memref_slice %arg12[%dma_start3A_335] : memref<4x!tpu.dma_semaphore, #tpu.memory_space<semaphore_mem>> -> memref<1x!tpu.dma_semaphore, #tpu.memory_space<semaphore_mem>>
      %dma_start3A_347 = tpu.memref_squeeze %dma_start3A_346 : memref<1x!tpu.dma_semaphore, #tpu.memory_space<semaphore_mem>> -> memref<!tpu.dma_semaphore, #tpu.memory_space<semaphore_mem>>
      tpu.enqueue_indirect_dma source(%dma_start3A_339 : memref<64x128xf32, #tpu.memory_space<vmem>>) target(%dma_start3A_345 : memref<10240x128xf32, #tpu.memory_space<vmem_shared>>) offsets(%dma_start3A_342 : memref<64xi32, #tpu.memory_space<vmem>>) semaphore(%dma_start3A_347 : memref<!tpu.dma_semaphore, #tpu.memory_space<semaphore_mem>>) {add = true}
      %scan3A_348 = arith.constant 0 : i32
      scf.yield %scan3A_348 : i32
    }
    %scan3A_137 = arith.constant 20 : i32
    %dma_wait3A_138 = arith.constant 0 : i32
    %dma_wait3A_139 = arith.constant 0 : i32
    %dma_wait3A_140 = arith.constant 0 : i32
    %dma_wait3A_141 = arith.constant 0 : i32
    %dma_wait3A_142 = arith.constant 0 : i32
    %dma_wait3A_143 = tpu.memref_slice %arg8[%dma_wait3A_138, %dma_wait3A_141, %dma_wait3A_142] : memref<4x64x128xf32, #tpu.memory_space<vmem>> -> memref<1x64x128xf32, #tpu.memory_space<vmem>>
    %dma_wait3A_144 = tpu.memref_squeeze %dma_wait3A_143 : memref<1x64x128xf32, #tpu.memory_space<vmem>> -> memref<64x128xf32, #tpu.memory_space<vmem>>
    %dma_wait3A_145 = arith.constant 0 : i32
    %dma_wait3A_146 = tpu.memref_slice %arg7[%dma_wait3A_139, %dma_wait3A_145] : memref<80x64xi32, #tpu.memory_space<vmem>> -> memref<1x64xi32, #tpu.memory_space<vmem>>
    %dma_wait3A_147 = tpu.memref_squeeze %dma_wait3A_146 : memref<1x64xi32, #tpu.memory_space<vmem>> -> memref<64xi32, #tpu.memory_space<vmem>>
    %dma_wait3A_148 = arith.constant 0 : i32
    %dma_wait3A_149 = arith.constant 0 : i32
    %dma_wait3A_150 = tpu.memref_slice %arg10[%dma_wait3A_148, %dma_wait3A_149] : memref<10240x128xf32, #tpu.memory_space<vmem_shared>> -> memref<10240x128xf32, #tpu.memory_space<vmem_shared>>
    %dma_wait3A_151 = tpu.memref_slice %arg12[%dma_wait3A_140] : memref<4x!tpu.dma_semaphore, #tpu.memory_space<semaphore_mem>> -> memref<1x!tpu.dma_semaphore, #tpu.memory_space<semaphore_mem>>
    %dma_wait3A_152 = tpu.memref_squeeze %dma_wait3A_151 : memref<1x!tpu.dma_semaphore, #tpu.memory_space<semaphore_mem>> -> memref<!tpu.dma_semaphore, #tpu.memory_space<semaphore_mem>>
    tpu.wait_indirect_dma semaphore(%dma_wait3A_152 : memref<!tpu.dma_semaphore, #tpu.memory_space<semaphore_mem>>) src(%dma_wait3A_144 : memref<64x128xf32, #tpu.memory_space<vmem>>) dst(%dma_wait3A_150 : memref<10240x128xf32, #tpu.memory_space<vmem_shared>>)
    %dma_wait3A_153 = arith.constant 1 : i32
    %dma_wait3A_154 = arith.constant 0 : i32
    %dma_wait3A_155 = arith.constant 1 : i32
    %dma_wait3A_156 = arith.constant 0 : i32
    %dma_wait3A_157 = arith.constant 0 : i32
    %dma_wait3A_158 = tpu.memref_slice %arg8[%dma_wait3A_153, %dma_wait3A_156, %dma_wait3A_157] : memref<4x64x128xf32, #tpu.memory_space<vmem>> -> memref<1x64x128xf32, #tpu.memory_space<vmem>>
    %dma_wait3A_159 = tpu.memref_squeeze %dma_wait3A_158 : memref<1x64x128xf32, #tpu.memory_space<vmem>> -> memref<64x128xf32, #tpu.memory_space<vmem>>
    %dma_wait3A_160 = arith.constant 0 : i32
    %dma_wait3A_161 = tpu.memref_slice %arg7[%dma_wait3A_154, %dma_wait3A_160] : memref<80x64xi32, #tpu.memory_space<vmem>> -> memref<1x64xi32, #tpu.memory_space<vmem>>
    %dma_wait3A_162 = tpu.memref_squeeze %dma_wait3A_161 : memref<1x64xi32, #tpu.memory_space<vmem>> -> memref<64xi32, #tpu.memory_space<vmem>>
    %dma_wait3A_163 = arith.constant 0 : i32
    %dma_wait3A_164 = arith.constant 0 : i32
    %dma_wait3A_165 = tpu.memref_slice %arg10[%dma_wait3A_163, %dma_wait3A_164] : memref<10240x128xf32, #tpu.memory_space<vmem_shared>> -> memref<10240x128xf32, #tpu.memory_space<vmem_shared>>
    %dma_wait3A_166 = tpu.memref_slice %arg12[%dma_wait3A_155] : memref<4x!tpu.dma_semaphore, #tpu.memory_space<semaphore_mem>> -> memref<1x!tpu.dma_semaphore, #tpu.memory_space<semaphore_mem>>
    %dma_wait3A_167 = tpu.memref_squeeze %dma_wait3A_166 : memref<1x!tpu.dma_semaphore, #tpu.memory_space<semaphore_mem>> -> memref<!tpu.dma_semaphore, #tpu.memory_space<semaphore_mem>>
    tpu.wait_indirect_dma semaphore(%dma_wait3A_167 : memref<!tpu.dma_semaphore, #tpu.memory_space<semaphore_mem>>) src(%dma_wait3A_159 : memref<64x128xf32, #tpu.memory_space<vmem>>) dst(%dma_wait3A_165 : memref<10240x128xf32, #tpu.memory_space<vmem_shared>>)
    %dma_wait3A_168 = arith.constant 2 : i32
    %dma_wait3A_169 = arith.constant 0 : i32
    %dma_wait3A_170 = arith.constant 2 : i32
    %dma_wait3A_171 = arith.constant 0 : i32
    %dma_wait3A_172 = arith.constant 0 : i32
    %dma_wait3A_173 = tpu.memref_slice %arg8[%dma_wait3A_168, %dma_wait3A_171, %dma_wait3A_172] : memref<4x64x128xf32, #tpu.memory_space<vmem>> -> memref<1x64x128xf32, #tpu.memory_space<vmem>>
    %dma_wait3A_174 = tpu.memref_squeeze %dma_wait3A_173 : memref<1x64x128xf32, #tpu.memory_space<vmem>> -> memref<64x128xf32, #tpu.memory_space<vmem>>
    %dma_wait3A_175 = arith.constant 0 : i32
    %dma_wait3A_176 = tpu.memref_slice %arg7[%dma_wait3A_169, %dma_wait3A_175] : memref<80x64xi32, #tpu.memory_space<vmem>> -> memref<1x64xi32, #tpu.memory_space<vmem>>
    %dma_wait3A_177 = tpu.memref_squeeze %dma_wait3A_176 : memref<1x64xi32, #tpu.memory_space<vmem>> -> memref<64xi32, #tpu.memory_space<vmem>>
    %dma_wait3A_178 = arith.constant 0 : i32
    %dma_wait3A_179 = arith.constant 0 : i32
    %dma_wait3A_180 = tpu.memref_slice %arg10[%dma_wait3A_178, %dma_wait3A_179] : memref<10240x128xf32, #tpu.memory_space<vmem_shared>> -> memref<10240x128xf32, #tpu.memory_space<vmem_shared>>
    %dma_wait3A_181 = tpu.memref_slice %arg12[%dma_wait3A_170] : memref<4x!tpu.dma_semaphore, #tpu.memory_space<semaphore_mem>> -> memref<1x!tpu.dma_semaphore, #tpu.memory_space<semaphore_mem>>
    %dma_wait3A_182 = tpu.memref_squeeze %dma_wait3A_181 : memref<1x!tpu.dma_semaphore, #tpu.memory_space<semaphore_mem>> -> memref<!tpu.dma_semaphore, #tpu.memory_space<semaphore_mem>>
    tpu.wait_indirect_dma semaphore(%dma_wait3A_182 : memref<!tpu.dma_semaphore, #tpu.memory_space<semaphore_mem>>) src(%dma_wait3A_174 : memref<64x128xf32, #tpu.memory_space<vmem>>) dst(%dma_wait3A_180 : memref<10240x128xf32, #tpu.memory_space<vmem_shared>>)
    %dma_wait3A_183 = arith.constant 3 : i32
    %dma_wait3A_184 = arith.constant 0 : i32
    %dma_wait3A_185 = arith.constant 3 : i32
    %dma_wait3A_186 = arith.constant 0 : i32
    %dma_wait3A_187 = arith.constant 0 : i32
    %dma_wait3A_188 = tpu.memref_slice %arg8[%dma_wait3A_183, %dma_wait3A_186, %dma_wait3A_187] : memref<4x64x128xf32, #tpu.memory_space<vmem>> -> memref<1x64x128xf32, #tpu.memory_space<vmem>>
    %dma_wait3A_189 = tpu.memref_squeeze %dma_wait3A_188 : memref<1x64x128xf32, #tpu.memory_space<vmem>> -> memref<64x128xf32, #tpu.memory_space<vmem>>
    %dma_wait3A_190 = arith.constant 0 : i32
    %dma_wait3A_191 = tpu.memref_slice %arg7[%dma_wait3A_184, %dma_wait3A_190] : memref<80x64xi32, #tpu.memory_space<vmem>> -> memref<1x64xi32, #tpu.memory_space<vmem>>
    %dma_wait3A_192 = tpu.memref_squeeze %dma_wait3A_191 : memref<1x64xi32, #tpu.memory_space<vmem>> -> memref<64xi32, #tpu.memory_space<vmem>>
    %dma_wait3A_193 = arith.constant 0 : i32
    %dma_wait3A_194 = arith.constant 0 : i32
    %dma_wait3A_195 = tpu.memref_slice %arg10[%dma_wait3A_193, %dma_wait3A_194] : memref<10240x128xf32, #tpu.memory_space<vmem_shared>> -> memref<10240x128xf32, #tpu.memory_space<vmem_shared>>
    %dma_wait3A_196 = tpu.memref_slice %arg12[%dma_wait3A_185] : memref<4x!tpu.dma_semaphore, #tpu.memory_space<semaphore_mem>> -> memref<1x!tpu.dma_semaphore, #tpu.memory_space<semaphore_mem>>
    %dma_wait3A_197 = tpu.memref_squeeze %dma_wait3A_196 : memref<1x!tpu.dma_semaphore, #tpu.memory_space<semaphore_mem>> -> memref<!tpu.dma_semaphore, #tpu.memory_space<semaphore_mem>>
    tpu.wait_indirect_dma semaphore(%dma_wait3A_197 : memref<!tpu.dma_semaphore, #tpu.memory_space<semaphore_mem>>) src(%dma_wait3A_189 : memref<64x128xf32, #tpu.memory_space<vmem>>) dst(%dma_wait3A_195 : memref<10240x128xf32, #tpu.memory_space<vmem_shared>>)
    %barrier3A_198 = arith.constant 0 : index
    tpu.barrier barrier_id(%barrier3A_198)
    %mul3A_199 = arith.constant 640 : i32
    %mul3A_200 = arith.muli %arg1, %mul3A_199 : i32
    %mul3A_201 = arith.constant 640 : i32
    %mul3A_202 = arith.muli %arg1, %mul3A_201 : i32
    "tpu.region"() ({
      %run_scoped3A = tpu.sem_alloc : memref<!tpu.dma_semaphore, #tpu.memory_space<semaphore_mem>>
      %dma_start3A_203 = arith.constant 0 : i32
      %dma_start3A_204 = tpu.memref_slice %arg5[%arg0, %mul3A_202, %dma_start3A_203] : memref<2x10240x128xf32, #tpu.memory_space<hbm>> -> memref<1x640x128xf32, #tpu.memory_space<hbm>>
      %dma_start3A_205 = tpu.memref_squeeze %dma_start3A_204 : memref<1x640x128xf32, #tpu.memory_space<hbm>> -> memref<640x128xf32, #tpu.memory_space<hbm>>
      %dma_start3A_206 = arith.constant 0 : i32
      %dma_start3A_207 = tpu.memref_slice %arg10[%mul3A_200, %dma_start3A_206] : memref<10240x128xf32, #tpu.memory_space<vmem_shared>> -> memref<640x128xf32, #tpu.memory_space<vmem_shared>>
      tpu.enqueue_dma source(%dma_start3A_207 : memref<640x128xf32, #tpu.memory_space<vmem_shared>>) target(%dma_start3A_205 : memref<640x128xf32, #tpu.memory_space<hbm>>) target_semaphore(%run_scoped3A : memref<!tpu.dma_semaphore, #tpu.memory_space<semaphore_mem>>)
      %dma_wait3A_208 = arith.constant 0 : i32
      %dma_wait3A_209 = tpu.memref_slice %arg5[%arg0, %mul3A_202, %dma_wait3A_208] : memref<2x10240x128xf32, #tpu.memory_space<hbm>> -> memref<1x640x128xf32, #tpu.memory_space<hbm>>
      %dma_wait3A_210 = tpu.memref_squeeze %dma_wait3A_209 : memref<1x640x128xf32, #tpu.memory_space<hbm>> -> memref<640x128xf32, #tpu.memory_space<hbm>>
      %dma_wait3A_211 = arith.constant 0 : i32
      %dma_wait3A_212 = tpu.memref_slice %arg10[%mul3A_200, %dma_wait3A_211] : memref<10240x128xf32, #tpu.memory_space<vmem_shared>> -> memref<640x128xf32, #tpu.memory_space<vmem_shared>>
      tpu.wait_dma2 semaphore(%run_scoped3A : memref<!tpu.dma_semaphore, #tpu.memory_space<semaphore_mem>>) src(%dma_wait3A_212 : memref<640x128xf32, #tpu.memory_space<vmem_shared>>) dst(%dma_wait3A_210 : memref<640x128xf32, #tpu.memory_space<hbm>>)
      tpu.yield
    }) : () -> ()
    return
  }
}

module attributes {stable_mosaic.version = 14 : i64} {
  func.func @_tc_scale_matmul_body(%arg0: i32, %arg1: memref<1000x128xf32, #tpu.memory_space<vmem>>, %arg2: memref<1000x1xf32, #tpu.memory_space<vmem>>, %arg3: memref<128x128xf32, #tpu.memory_space<vmem>>, %arg4: memref<1000x128xf32, #tpu.memory_space<vmem>>) attributes {dimension_semantics = [#tpu.dimension_semantics<arbitrary>], iteration_bounds = array<i64: 10>, scalar_prefetch = 0 : i64, scratch_operands = 0 : i64, tpu.core_type = #tpu.core_type<tc>, window_params = [{transform_indices = @transform_0, window_bounds = array<i64: 1000, 128>}, {transform_indices = @transform_1, window_bounds = array<i64: 1000, 1>}, {pipeline_mode = #tpu.pipeline_mode<synchronous>, transform_indices = @transform_2, window_bounds = array<i64: 128, 128>}, {transform_indices = @transform_3, window_bounds = array<i64: 1000, 128>}]} {
    %get3A = arith.constant 0 : index
    %get3A_0 = arith.constant 0 : index
    %get3A_1 = vector.load %arg1[%get3A, %get3A_0] : memref<1000x128xf32, #tpu.memory_space<vmem>>, vector<1000x128xf32>
    %get3A_2 = arith.constant 0 : index
    %get3A_3 = arith.constant 0 : index
    %get3A_4 = vector.load %arg2[%get3A_2, %get3A_3] : memref<1000x1xf32, #tpu.memory_space<vmem>>, vector<1000x1xf32>
    %mul3A = vector.broadcast %get3A_4 : vector<1000x1xf32> to vector<1000x128xf32>
    %mul3A_5 = arith.mulf %get3A_1, %mul3A : vector<1000x128xf32>
    %get3A_6 = arith.constant 0 : index
    %get3A_7 = arith.constant 0 : index
    %get3A_8 = vector.load %arg3[%get3A_6, %get3A_7] : memref<128x128xf32, #tpu.memory_space<vmem>>, vector<128x128xf32>
    %dot_general3A = arith.constant dense<0.000000e+00> : vector<1000x128xf32>
    %dot_general3A_9 = tpu.matmul %mul3A_5, %get3A_8, %dot_general3A {dimension_numbers = #tpu.dot_dimension_numbers<[1], [0], [0], [1], [0, 0, 1, 1], [], []>, transpose_lhs_hint = false} : vector<1000x128xf32>, vector<128x128xf32>, vector<1000x128xf32> -> vector<1000x128xf32>
    %swap3A = arith.constant 0 : index
    %swap3A_10 = arith.constant 0 : index
    %swap3A_11 = vector.load %arg4[%swap3A, %swap3A_10] : memref<1000x128xf32, #tpu.memory_space<vmem>>, vector<1000x128xf32>
    tpu.vector_store %arg4[%swap3A, %swap3A_10], %dot_general3A_9 {strides = array<i32>} : memref<1000x128xf32, #tpu.memory_space<vmem>>, vector<1000x128xf32>,
    return
  }
  func.func @transform_0(%arg0: i32) -> (i32, i32) {
    %c0_i32 = arith.constant 0 : i32
    %c0_i32_0 = arith.constant 0 : i32
    return %arg0, %c0_i32 : i32, i32
  }
  func.func @transform_1(%arg0: i32) -> (i32, i32) {
    %c0_i32 = arith.constant 0 : i32
    %c0_i32_0 = arith.constant 0 : i32
    return %arg0, %c0_i32 : i32, i32
  }
  func.func @transform_2(%arg0: i32) -> (i32, i32) {
    %c0_i32 = arith.constant 0 : i32
    %c0_i32_0 = arith.constant 0 : i32
    %c0_i32_1 = arith.constant 0 : i32
    return %c0_i32, %c0_i32_0 : i32, i32
  }
  func.func @transform_3(%arg0: i32) -> (i32, i32) {
    %c0_i32 = arith.constant 0 : i32
    %c0_i32_0 = arith.constant 0 : i32
    return %arg0, %c0_i32 : i32, i32
  }
}

module attributes {stable_mosaic.version = 14 : i64} {
  func.func @_tc_mid_body(%arg0: i32, %arg1: memref<1000x128xf32, #tpu.memory_space<vmem>>, %arg2: memref<1000x128xf32, #tpu.memory_space<vmem>>, %arg3: memref<1000x1xf32, #tpu.memory_space<vmem>>, %arg4: memref<1000x1xf32, #tpu.memory_space<vmem>>, %arg5: memref<1x128xf32, #tpu.memory_space<vmem>>, %arg6: memref<128x128xf32, #tpu.memory_space<vmem>>, %arg7: memref<1000x128xf32, #tpu.memory_space<vmem>>) attributes {dimension_semantics = [#tpu.dimension_semantics<arbitrary>], iteration_bounds = array<i64: 10>, scalar_prefetch = 0 : i64, scratch_operands = 0 : i64, tpu.core_type = #tpu.core_type<tc>, window_params = [{transform_indices = @transform_0, window_bounds = array<i64: 1000, 128>}, {transform_indices = @transform_1, window_bounds = array<i64: 1000, 128>}, {transform_indices = @transform_2, window_bounds = array<i64: 1000, 1>}, {transform_indices = @transform_3, window_bounds = array<i64: 1000, 1>}, {pipeline_mode = #tpu.pipeline_mode<synchronous>, transform_indices = @transform_4, window_bounds = array<i64: 1, 128>}, {pipeline_mode = #tpu.pipeline_mode<synchronous>, transform_indices = @transform_5, window_bounds = array<i64: 128, 128>}, {transform_indices = @transform_6, window_bounds = array<i64: 1000, 128>}]} {
    %get3A = arith.constant 0 : index
    %get3A_0 = arith.constant 0 : index
    %get3A_1 = vector.load %arg1[%get3A, %get3A_0] : memref<1000x128xf32, #tpu.memory_space<vmem>>, vector<1000x128xf32>
    %get3A_2 = arith.constant 0 : index
    %get3A_3 = arith.constant 0 : index
    %get3A_4 = vector.load %arg2[%get3A_2, %get3A_3] : memref<1000x128xf32, #tpu.memory_space<vmem>>, vector<1000x128xf32>
    %add3A = arith.addf %get3A_1, %get3A_4 : vector<1000x128xf32>
    %get3A_5 = arith.constant 0 : index
    %get3A_6 = arith.constant 0 : index
    %get3A_7 = vector.load %arg3[%get3A_5, %get3A_6] : memref<1000x1xf32, #tpu.memory_space<vmem>>, vector<1000x1xf32>
    %mul3A = vector.broadcast %get3A_7 : vector<1000x1xf32> to vector<1000x128xf32>
    %mul3A_8 = arith.mulf %add3A, %mul3A : vector<1000x128xf32>
    %get3A_9 = arith.constant 0 : index
    %get3A_10 = arith.constant 0 : index
    %get3A_11 = vector.load %arg5[%get3A_9, %get3A_10] : memref<1x128xf32, #tpu.memory_space<vmem>>, vector<1x128xf32>
    %add3A_12 = vector.broadcast %get3A_11 : vector<1x128xf32> to vector<1000x128xf32>
    %add3A_13 = arith.addf %mul3A_8, %add3A_12 : vector<1000x128xf32>
    %max3A = arith.constant 0.000000e+00 : f32
    %max3A_14 = vector.broadcast %max3A : f32 to vector<1000x128xf32>
    %max3A_15 = arith.maximumf %add3A_13, %max3A_14 : vector<1000x128xf32>
    %get3A_16 = arith.constant 0 : index
    %get3A_17 = arith.constant 0 : index
    %get3A_18 = vector.load %arg4[%get3A_16, %get3A_17] : memref<1000x1xf32, #tpu.memory_space<vmem>>, vector<1000x1xf32>
    %mul3A_19 = vector.broadcast %get3A_18 : vector<1000x1xf32> to vector<1000x128xf32>
    %mul3A_20 = arith.mulf %max3A_15, %mul3A_19 : vector<1000x128xf32>
    %get3A_21 = arith.constant 0 : index
    %get3A_22 = arith.constant 0 : index
    %get3A_23 = vector.load %arg6[%get3A_21, %get3A_22] : memref<128x128xf32, #tpu.memory_space<vmem>>, vector<128x128xf32>
    %dot_general3A = arith.constant dense<0.000000e+00> : vector<1000x128xf32>
    %dot_general3A_24 = tpu.matmul %mul3A_20, %get3A_23, %dot_general3A {dimension_numbers = #tpu.dot_dimension_numbers<[1], [0], [0], [1], [0, 0, 1, 1], [], []>, transpose_lhs_hint = false} : vector<1000x128xf32>, vector<128x128xf32>, vector<1000x128xf32> -> vector<1000x128xf32>
    %swap3A = arith.constant 0 : index
    %swap3A_25 = arith.constant 0 : index
    %swap3A_26 = vector.load %arg7[%swap3A, %swap3A_25] : memref<1000x128xf32, #tpu.memory_space<vmem>>, vector<1000x128xf32>
    tpu.vector_store %arg7[%swap3A, %swap3A_25], %dot_general3A_24 {strides = array<i32>} : memref<1000x128xf32, #tpu.memory_space<vmem>>, vector<1000x128xf32>,
    return
  }
  func.func @transform_0(%arg0: i32) -> (i32, i32) {
    %c0_i32 = arith.constant 0 : i32
    %c0_i32_0 = arith.constant 0 : i32
    return %arg0, %c0_i32 : i32, i32
  }
  func.func @transform_1(%arg0: i32) -> (i32, i32) {
    %c0_i32 = arith.constant 0 : i32
    %c0_i32_0 = arith.constant 0 : i32
    return %arg0, %c0_i32 : i32, i32
  }
  func.func @transform_2(%arg0: i32) -> (i32, i32) {
    %c0_i32 = arith.constant 0 : i32
    %c0_i32_0 = arith.constant 0 : i32
    return %arg0, %c0_i32 : i32, i32
  }
  func.func @transform_3(%arg0: i32) -> (i32, i32) {
    %c0_i32 = arith.constant 0 : i32
    %c0_i32_0 = arith.constant 0 : i32
    return %arg0, %c0_i32 : i32, i32
  }
  func.func @transform_4(%arg0: i32) -> (i32, i32) {
    %c0_i32 = arith.constant 0 : i32
    %c0_i32_0 = arith.constant 0 : i32
    %c0_i32_1 = arith.constant 0 : i32
    return %c0_i32, %c0_i32_0 : i32, i32
  }
  func.func @transform_5(%arg0: i32) -> (i32, i32) {
    %c0_i32 = arith.constant 0 : i32
    %c0_i32_0 = arith.constant 0 : i32
    %c0_i32_1 = arith.constant 0 : i32
    return %c0_i32, %c0_i32_0 : i32, i32
  }
  func.func @transform_6(%arg0: i32) -> (i32, i32) {
    %c0_i32 = arith.constant 0 : i32
    %c0_i32_0 = arith.constant 0 : i32
    return %arg0, %c0_i32 : i32, i32
  }
}

module attributes {stable_mosaic.version = 14 : i64} {
  func.func @_tc_head_body(%arg0: i32, %arg1: memref<1000x128xf32, #tpu.memory_space<vmem>>, %arg2: memref<1000x128xf32, #tpu.memory_space<vmem>>, %arg3: memref<1000x1xf32, #tpu.memory_space<vmem>>, %arg4: memref<1x128xf32, #tpu.memory_space<vmem>>, %arg5: memref<128x1xf32, #tpu.memory_space<vmem>>, %arg6: memref<1x1xf32, #tpu.memory_space<vmem>>, %arg7: memref<1x1xf32, #tpu.memory_space<vmem>>) attributes {dimension_semantics = [#tpu.dimension_semantics<arbitrary>], iteration_bounds = array<i64: 10>, scalar_prefetch = 0 : i64, scratch_operands = 0 : i64, tpu.core_type = #tpu.core_type<tc>, window_params = [{transform_indices = @transform_0, window_bounds = array<i64: 1000, 128>}, {transform_indices = @transform_1, window_bounds = array<i64: 1000, 128>}, {transform_indices = @transform_2, window_bounds = array<i64: 1000, 1>}, {pipeline_mode = #tpu.pipeline_mode<synchronous>, transform_indices = @transform_3, window_bounds = array<i64: 1, 128>}, {pipeline_mode = #tpu.pipeline_mode<synchronous>, transform_indices = @transform_4, window_bounds = array<i64: 128, 1>}, {pipeline_mode = #tpu.pipeline_mode<synchronous>, transform_indices = @transform_5, window_bounds = array<i64: 1, 1>}, {pipeline_mode = #tpu.pipeline_mode<synchronous>, transform_indices = @transform_6, window_bounds = array<i64: 1, 1>}]} {
    %eq3A = arith.constant 0 : i32
    %eq3A_0 = arith.cmpi eq, %arg0, %eq3A : i32
    %convert_element_type3A = arith.extui %eq3A_0 : i1 to i32
    %cond3A = arith.constant 0 : i32
    %cond3A_1 = arith.cmpi ne, %convert_element_type3A, %cond3A : i32
    scf.if %cond3A_1 {
      %get3A_32 = arith.constant 0 : index
      %get3A_33 = arith.constant 0 : index
      %get3A_34 = vector.load %arg6[%get3A_32, %get3A_33] : memref<1x1xf32, #tpu.memory_space<vmem>>, vector<1x1xf32>
      %swap3A_35 = arith.constant 0 : index
      %swap3A_36 = arith.constant 0 : index
      %swap3A_37 = vector.load %arg7[%swap3A_35, %swap3A_36] : memref<1x1xf32, #tpu.memory_space<vmem>>, vector<1x1xf32>
      tpu.vector_store %arg7[%swap3A_35, %swap3A_36], %get3A_34 {strides = array<i32>} : memref<1x1xf32, #tpu.memory_space<vmem>>, vector<1x1xf32>,
    } else {
    }
    %get3A = arith.constant 0 : index
    %get3A_2 = arith.constant 0 : index
    %get3A_3 = vector.load %arg1[%get3A, %get3A_2] : memref<1000x128xf32, #tpu.memory_space<vmem>>, vector<1000x128xf32>
    %get3A_4 = arith.constant 0 : index
    %get3A_5 = arith.constant 0 : index
    %get3A_6 = vector.load %arg2[%get3A_4, %get3A_5] : memref<1000x128xf32, #tpu.memory_space<vmem>>, vector<1000x128xf32>
    %add3A = arith.addf %get3A_3, %get3A_6 : vector<1000x128xf32>
    %get3A_7 = arith.constant 0 : index
    %get3A_8 = arith.constant 0 : index
    %get3A_9 = vector.load %arg3[%get3A_7, %get3A_8] : memref<1000x1xf32, #tpu.memory_space<vmem>>, vector<1000x1xf32>
    %mul3A = vector.broadcast %get3A_9 : vector<1000x1xf32> to vector<1000x128xf32>
    %mul3A_10 = arith.mulf %add3A, %mul3A : vector<1000x128xf32>
    %get3A_11 = arith.constant 0 : index
    %get3A_12 = arith.constant 0 : index
    %get3A_13 = vector.load %arg4[%get3A_11, %get3A_12] : memref<1x128xf32, #tpu.memory_space<vmem>>, vector<1x128xf32>
    %add3A_14 = vector.broadcast %get3A_13 : vector<1x128xf32> to vector<1000x128xf32>
    %add3A_15 = arith.addf %mul3A_10, %add3A_14 : vector<1000x128xf32>
    %max3A = arith.constant 0.000000e+00 : f32
    %max3A_16 = vector.broadcast %max3A : f32 to vector<1000x128xf32>
    %max3A_17 = arith.maximumf %add3A_15, %max3A_16 : vector<1000x128xf32>
    %get3A_18 = arith.constant 0 : index
    %get3A_19 = arith.constant 0 : index
    %get3A_20 = vector.load %arg7[%get3A_18, %get3A_19] : memref<1x1xf32, #tpu.memory_space<vmem>>, vector<1x1xf32>
    %get3A_21 = arith.constant 0 : index
    %get3A_22 = arith.constant 0 : index
    %get3A_23 = vector.load %arg5[%get3A_21, %get3A_22] : memref<128x1xf32, #tpu.memory_space<vmem>>, vector<128x1xf32>
    %dot_general3A = arith.constant dense<0.000000e+00> : vector<1000x1xf32>
    %dot_general3A_24 = tpu.matmul %max3A_17, %get3A_23, %dot_general3A {dimension_numbers = #tpu.dot_dimension_numbers<[1], [0], [0], [1], [0, 0, 1, 1], [], []>, transpose_lhs_hint = false} : vector<1000x128xf32>, vector<128x1xf32>, vector<1000x1xf32> -> vector<1000x1xf32>
    %reduce_sum3A = arith.constant dense<0.000000e+00> : vector<1xf32>
    %reduce_sum3A_25 = vector.multi_reduction <add>, %dot_general3A_24, %reduce_sum3A [0] : vector<1000x1xf32> to vector<1xf32>
    %broadcast_in_dim3A = vector.shape_cast %reduce_sum3A_25 : vector<1xf32> to vector<1x1xf32>
    %mul3A_26 = arith.constant 9.99999974E-5 : f32
    %mul3A_27 = vector.broadcast %mul3A_26 : f32 to vector<1x1xf32>
    %mul3A_28 = arith.mulf %broadcast_in_dim3A, %mul3A_27 : vector<1x1xf32>
    %add3A_29 = arith.addf %get3A_20, %mul3A_28 : vector<1x1xf32>
    %swap3A = arith.constant 0 : index
    %swap3A_30 = arith.constant 0 : index
    %swap3A_31 = vector.load %arg7[%swap3A, %swap3A_30] : memref<1x1xf32, #tpu.memory_space<vmem>>, vector<1x1xf32>
    tpu.vector_store %arg7[%swap3A, %swap3A_30], %add3A_29 {strides = array<i32>} : memref<1x1xf32, #tpu.memory_space<vmem>>, vector<1x1xf32>,
    return
  }
  func.func @transform_0(%arg0: i32) -> (i32, i32) {
    %c0_i32 = arith.constant 0 : i32
    %c0_i32_0 = arith.constant 0 : i32
    return %arg0, %c0_i32 : i32, i32
  }
  func.func @transform_1(%arg0: i32) -> (i32, i32) {
    %c0_i32 = arith.constant 0 : i32
    %c0_i32_0 = arith.constant 0 : i32
    return %arg0, %c0_i32 : i32, i32
  }
  func.func @transform_2(%arg0: i32) -> (i32, i32) {
    %c0_i32 = arith.constant 0 : i32
    %c0_i32_0 = arith.constant 0 : i32
    return %arg0, %c0_i32 : i32, i32
  }
  func.func @transform_3(%arg0: i32) -> (i32, i32) {
    %c0_i32 = arith.constant 0 : i32
    %c0_i32_0 = arith.constant 0 : i32
    %c0_i32_1 = arith.constant 0 : i32
    return %c0_i32, %c0_i32_0 : i32, i32
  }
  func.func @transform_4(%arg0: i32) -> (i32, i32) {
    %c0_i32 = arith.constant 0 : i32
    %c0_i32_0 = arith.constant 0 : i32
    %c0_i32_1 = arith.constant 0 : i32
    return %c0_i32, %c0_i32_0 : i32, i32
  }
  func.func @transform_5(%arg0: i32) -> (i32, i32) {
    %c0_i32 = arith.constant 0 : i32
    %c0_i32_0 = arith.constant 0 : i32
    %c0_i32_1 = arith.constant 0 : i32
    return %c0_i32, %c0_i32_0 : i32, i32
  }
  func.func @transform_6(%arg0: i32) -> (i32, i32) {
    %c0_i32 = arith.constant 0 : i32
    %c0_i32_0 = arith.constant 0 : i32
    %c0_i32_1 = arith.constant 0 : i32
    return %c0_i32, %c0_i32_0 : i32, i32
  }
}

</mosaic_0001>

<sc_bundles>
// kernel: kernel.11.cloned.1.call-start
scs
__scs_entry_jumppad:
0x0: {  	(pc) =	sbr.rel $0x88, $3  }
0x1: {  	(tag) =	ssettag $0x0;
	lr =	simm.s32 $0x1  }
0x2: {  	[smem:$0x3F99] =	sst lr;
	_ =	strace $0xD0000000  }
0x3: {  	_ = 	snop  }
0x4: {  	_ = 	snop  }
0x5: {  	_ = 	snop  }
0x6: {  	_ = 	snop  }
0x7: {  	_ = 	snop  }
__scs_overlays_trampoline_lowered:
0x8: {  	[smem:$0x3FA8] =	sst s0  }
0x9: {  	[smem:$0x3FA9] =	sst s1  }
0xa: {  	[smem:$0x3FAA] =	sst s2  }
0xb: {  	[smem:$0x3FAB] =	sst s3  }
0xc: {  	[smem:$0x3FAC] =	sst s4  }
0xd: {  	[smem:$0x3FAD] =	sst s5  }
0xe: {  	[smem:$0x3FAE] =	sst s6  }
0xf: {  	[smem:$0x3FAF] =	sst s7  }
0x10: {  	[smem:$0x3FB0] =	sst s8  }
0x11: {  	[smem:$0x3FB1] =	sst s9;
	s0 =	simm.s32 @!p0 $0x0  }
0x12: {  	s1 =	sld [smem:$0x3F97];
	s0 =	simm.s32 @p0 $0x1  }
0x13: {  	[smem:$0x3FB2] =	sst s0;
	s0 =	simm.s32 @!p1 $0x0  }
0x14: {  	s2 =	sld [smem:$0x3F96];
	s0 =	simm.s32 @p1 $0x1  }
0x15: {  	[smem:$0x3FB3] =	sst s0;
	s0 =	simm.s32 @!p2 $0x0  }
0x16: {  	s3 =	sld [smem:$0x3FDB];
	s0 =	simm.s32 @p2 $0x1  }
0x17: {  	s4 =	simm.s32 $0x1BF5;
	[smem:$0x3FB5] =	sst s0  }
0x18: {  	s0 =	sld [smem:$0x3F98];
	_ =	swait.ge [sflag:s4], $0x0  }
0x19: {  	s7 =	sld [smem:$0x3F99]  }
0x1a: {  	s8 =	sadd.s32 $0xFFFFE003, lr  }
0x1b: {  	s9 =	sadd.s32 $0xFFFFFEF7, lr;
	s5 =	simm.s32 $0xFFFFFFFF;
	p2 =	slt.u32 s8, $0xFFFFF086  }
0x1c: {  	p1 =	slt.u32 s9, $0xF7A;
	s5 =	simm.s32 @!p2 $0x0  }
0x1d: {  	s5 =	simm.s32 @p1 $0x1;
	p0 =	seq.s32 s7, s2  }
0x1e: {  	s7 =	smul.u32 @!p0 $0xF7A, s2;
	p2 =	seq.s32 @!p0 s5, $0x0  }
0x1f: {  	s9 =	smul.u32 $0xF7A, s1;
	s8 =	simm.s32 @!p0 $0x1BF5;
	p2 =	por !p2, p0  }
0x20: {  	[sflag:s8] =	ssyncset.s32 @!p0 $0xFFFFF086;
	s6 =	sadd.s32 @!p0 s3, s7;
	s7 =	simm.s32 @!p0 $0x108  }
0x21: {  	s3 =	sadd.s32 s3, s9;
	s6 =	sadd.s32 @!p0 $0x88, s6;
	s7 =	simm.s32 @p2 $0x1082  }
0x22: {  	[simem:s7], [sflag:s8] =	dma.local @!p0 [hbm:s6], $0xF7A  }
0x23: {  	s9 =	sor.u32 $0xD0000000, s2;
	s6 =	simm.s32 $0x108;
	_ =	swait.ge @!p0 [sflag:s8], $0x0  }
0x24: {  	s3 =	sadd.s32 $0x88, s3;
	s6 =	simm.s32 @!p1 $0x1082;
	[sflag:s4] =	ssyncset.s32 $0xFFFFF086  }
0x25: {  	[simem:s6], [sflag:s4] =	dma.local [hbm:s3], $0xF7A  }
0x26: {  	[smem:$0x3F99] =	sst s1;
	(tag) =	ssettag s2;
	_ =	strace s9  }
0x27: {  	s1 =	sld [smem:$0x3FA9]  }
0x28: {  	s2 =	sld [smem:$0x3FAA]  }
0x29: {  	s4 =	sld [smem:$0x3FAC]  }
0x2a: {  	p0 =	seq.s32 s5, $0x0;
	s5 =	sld [smem:$0x3FAD]  }
0x2b: {  	s6 =	sld [smem:$0x3FAE]  }
0x2c: {  	s7 =	sld [smem:$0x3FAF]  }
0x2d: {  	s3 =	simm.s32 $0x108;
	s8 =	sld [smem:$0x3FB0]  }
0x2e: {  	s3 =	simm.s32 @!p0 $0x1082;
	s9 =	sld [smem:$0x3FB1]  }
0x2f: {  	lr =	sadd.s32 s0, s3;
	s0 =	sld [smem:$0x3FA8]  }
0x30: {  	s3 =	sld [smem:$0x3FAB]  }
0x31: {  	[smem:$0x3FB4] =	sst s10  }
0x32: {  	s10 =	sld [smem:$0x3FB2];
	_ =	sdelay $0x3  }
0x33: {  	p0 =	seq.s32 s10, $0x1;
	s10 =	sld [smem:$0x3FB4];
	_ =	sdelay $0x3  }
0x34: {  	[smem:$0x3FB4] =	sst s10  }
0x35: {  	s10 =	sld [smem:$0x3FB3];
	_ =	sdelay $0x3  }
0x36: {  	p1 =	seq.s32 s10, $0x1;
	s10 =	sld [smem:$0x3FB4];
	_ =	sdelay $0x3  }
0x37: {  	[smem:$0x3FB4] =	sst s10  }
0x38: {  	s10 =	sld [smem:$0x3FB5]  }
0x39: {  	_ = 	snop;
	(pc) =	sbr.ind lr, $3  }
0x3a: {  	_ = 	snop  }
0x3b: {  	_ = 	snop  }
0x3c: {  	p2 =	seq.s32 s10, $0x1;
	s10 =	sld [smem:$0x3FB4]  }
0x3d: {  	_ =	shalt  }
0x3e: {  	_ =	shalt  }
0x3f: {  	_ =	shalt  }
0x40: {  	_ =	shalt  }
0x41: {  	_ =	shalt  }
0x42: {  	_ =	shalt  }
0x43: {  	_ =	shalt  }
0x44: {  	_ =	shalt  }
0x45: {  	_ =	shalt  }
0x46: {  	_ =	shalt  }
0x47: {  	_ =	shalt  }
0x48: {  	_ =	shalt  }
0x49: {  	_ =	shalt  }
0x4a: {  	_ =	shalt  }
0x4b: {  	_ =	shalt  }
0x4c: {  	_ =	shalt  }
0x4d: {  	_ =	shalt  }
0x4e: {  	_ =	shalt  }
0x4f: {  	_ =	shalt  }
0x50: {  	_ =	shalt  }
0x51: {  	_ =	shalt  }
0x52: {  	_ =	shalt  }
0x53: {  	_ =	shalt  }
0x54: {  	_ =	shalt  }
0x55: {  	_ =	shalt  }
0x56: {  	_ =	shalt  }
0x57: {  	_ =	shalt  }
0x58: {  	_ =	shalt  }
0x59: {  	_ =	shalt  }
0x5a: {  	_ =	shalt  }
0x5b: {  	_ =	shalt  }
0x5c: {  	_ =	shalt  }
0x5d: {  	_ =	shalt  }
0x5e: {  	_ =	shalt  }
0x5f: {  	_ =	shalt  }
0x60: {  	_ =	shalt  }
0x61: {  	_ =	shalt  }
0x62: {  	_ =	shalt  }
0x63: {  	_ =	shalt  }
0x64: {  	_ =	shalt  }
0x65: {  	_ =	shalt  }
0x66: {  	_ =	shalt  }
0x67: {  	_ =	shalt  }
0x68: {  	_ =	shalt  }
0x69: {  	_ =	shalt  }
0x6a: {  	_ =	shalt  }
0x6b: {  	_ =	shalt  }
0x6c: {  	_ =	shalt  }
0x6d: {  	_ =	shalt  }
0x6e: {  	_ =	shalt  }
0x6f: {  	_ =	shalt  }
0x70: {  	_ =	shalt  }
0x71: {  	_ =	shalt  }
0x72: {  	_ =	shalt  }
0x73: {  	_ =	shalt  }
0x74: {  	_ =	shalt  }
0x75: {  	_ =	shalt  }
0x76: {  	_ =	shalt  }
0x77: {  	_ =	shalt  }
0x78: {  	_ =	shalt  }
0x79: {  	_ =	shalt  }
0x7a: {  	_ =	shalt  }
0x7b: {  	_ =	shalt  }
0x7c: {  	_ =	shalt  }
0x7d: {  	_ =	shalt  }
0x7e: {  	_ =	shalt  }
0x7f: {  	_ =	shalt  }
0x80: {  	_ =	shalt  }
0x81: {  	_ =	shalt  }
0x82: {  	_ =	shalt  }
0x83: {  	_ =	shalt  }
0x84: {  	_ =	shalt  }
0x85: {  	_ =	shalt  }
0x86: {  	_ =	shalt  }
0x87: {  	_ =	shalt  }
.Lfunc_end0:
.L_simem_size_0:
called_computation.1_lowered:
.L_overlay_start_0:
0x88: {  	s2 =	sld [smem:$0x3FD9]  }
0x89: {  	s3 =	sld [smem:$0x3FFE];
	_ =	sdelay $0x1  }
0x8a: {  	s1 =	srdreg.scid  }
0x8b: {  	s0 =	sand.u32 $0x1, s1  }
0x8c: {  	s16 =	sshll.u32 s0, $0xA;
	s2 =	sadd.s32 s3, s2  }
0x8d: {  	s2 =	sadd.s32 s2, s16  }
0x8e: {  	[smem:$0x3FC0] =	sst s2  }
0x8f: {  	_ = 	snop  }
0x90: {  	(tm) =	ssettm $0x1  }
0x91: {  	s17 =	sld [smem:$0x3FFB];
	_ =	sdelay $0x3  }
0x92: {  	_ =	strace s17  }
0x93: {  	s2 =	sld [smem:$0x3FFC];
	_ =	sdelay $0x3  }
0x94: {  	_ =	strace s2  }
0x95: {  	s2 =	sld [smem:$0x3FFD];
	_ =	sdelay $0x3  }
0x96: {  	_ =	strace s2  }
0x97: {  	_ =	strace $0x8FFFFFFF  }
0x98: {  	s18 =	sld [smem:$0x3FDB];
	_ =	sdelay $0x1  }
0x99: {  	s19 =	simm.s32 $_scs_section_size  }
0x9a: {  	s4 =	simm.s32 $_size__tile_overlayer_lowered;
	s5 =	simm.s32 $_tile_overlayer_lowered  }
0x9b: {  	s22 =	simm.s32 $0x1BFF;
	s21 =	sshll.u32 s5, $0x1;
	s2 =	sadd.s32 s19, s18  }
0x9c: {  	s6 =	simm.s32 $0x0;
	s20 =	sshll.u32 s4, $0x1;
	s4 =	sadd.s32 s21, s2  }
0x9d: {  	[timem:s6], [sflag:s22] =	dma.local [hbm:s4], s20  }
0x9e: {  	_ =	swait.ge [sflag:s22], s20  }
0x9f: {  	s3 =	ssub.s32 $0x0, s20;
	[sflag:s22] =	ssyncset.done $0x0  }
0xa0: {  	[sflag:s22] =	ssyncadd.s32 s3;
	_ =	sdelay $0x1  }
0xa1: {  	s23 =	simm.s32 $0x1B8B  }
0xa2: {  	_ =	swait.ge [sflag:s23], $0x1  }
0xa3: {  	[sflag:s23] =	ssyncset.done $0x0  }
0xa4: {  	s25 =	simm.s32 $0x1B8E;
	s24 =	sld [smem:$0x3FFE];
	[sflag:s23] =	ssyncadd.s32 $0xFFFFFFFF  }
0xa5: {  	s26 =	simm.s32 $execute0_lowered;
	[smem:$0x3FD2] =	sst s25  }
0xa6: {  	s4 =	sshll.u32 s26, $0x1;
	_ =	strace $0x80000049;
	[dreg:$0x1] =	wrdreg $0xFFFFFFFF  }
0xa7: {  	s28 =	simm.s32 $_size_execute0_lowered;
	s2 =	sadd.s32 s2, s4;
	[dreg:$0x0] =	wrdreg $0x0  }
0xa8: {  	s4 =	sshll.u32 s28, $0x1;
	[dreg:$0x2] =	wrdreg s2  }
0xa9: {  	[dreg:$0x3] =	wrdreg s4  }
0xaa: {  	[dreg:$0x4] =	wrdreg $0xC0  }
0xab: {  	_ =	task [dreg:s6], $0x5FFFF  }
0xac: {  	[dreg:$0x1] =	wrdreg $0xFFFFFFFF  }
0xad: {  	[dreg:$0x0] =	wrdreg $0x60  }
0xae: {  	[dreg:$0x2] =	wrdreg s24  }
0xaf: {  	[dreg:$0x3] =	wrdreg $0xC0000  }
0xb0: {  	[dreg:$0x4] =	wrdreg $0x9  }
0xb1: {  	_ =	task.clear_ibuf [dreg:s6], $0x5FFFF;
	_ =	strace $0x90000049  }
0xb2: {  	s29 =	simm.s32 $0x9;
	_ =	strace $0x8000004B  }
0xb3: {  	_ =	swait.ge [sflag:s29], $0x1  }
0xb4: {  	[sflag:s29] =	ssyncadd.s32 $0xFFFFFFFF  }
0xb5: {  	_ =	strace $0x9000004B  }
0xb6: {  	_ =	sfence  }
0xb7: {  	s30 =	sld [smem:$0x0];
	_ =	sdelay $0x2  }
0xb8: {  	s31 =	sshll.u32 s1, $0xD;
	s1 =	sshrl.u32 s1, $0x2  }
0xb9: {  	s3 =	sand.u32 $0x4000, s31;
	s1 =	sadd.s32 s1, s30  }
0xba: {  	s0 =	sor.u32 s3, s0;
	s1 =	sshll.u32 s1, $0x11  }
0xbb: {  	s0 =	sor.u32 s1, s0  }
0xbc: {  	s0 =	sadd.s32 $0x8F2B, s0  }
0xbd: {  	[sflag:s0] =	ssyncadd.remote.s32 $0x1  }
0xbe: {  	_ =	sfence.sel $0xFFFF  }
0xbf: {  	[dreg:$0x0] =	wrdreg $0xFFFFFFFF;
	(pc) =	sbr.abs _section_cstart, $3  }
0xc0: {  	[dreg:$0x1] =	wrdreg $0xFFFFFFFF  }
0xc1: {  	_ =	task.clear_ibuf [dreg:s6], $0x2FFFF;
	_ =	strace $0x9FFFFFFF  }
0xc2: {  	(tm) =	ssettm $0x7FFFFFFF  }
0xc3: {  	_ =	shalt  }
tec
execute0_lowered:
.L_overlay_start_1:
0x0: {  	(tag) =	ssettag $0x1  }
0x1: {  	s0 =	srdreg.scid;
	s1 =	rddreg [dreg:$0x0]  }
0x2: {  	s10 =	stileid.u32;
	s2 =	rddreg [dreg:$0x1];
	s12 =	simm.s32 $0xBC00  }
0x3: {  	s13 =	simm.s32 $0x9;
	s14 =	simm.s32 $0x80;
	s16 =	simm.s32 $0x1400  }
0x4: {  	s17 =	simm.s32 $0x40;
	s18 =	simm.s32 $0x3C00;
	s19 =	simm.s32 $0x5C00  }
0x5: {  	s20 =	simm.s32 $0x7C00;
	s21 =	simm.s32 $0x1;
	s23 =	simm.s32 $0x9C00  }
0x6: {  	s29 =	simm.s32 $0x3;
	s31 =	simm.s32 $0x6;
	s15 =	simm.s32 $0x7  }
0x7: {  	s11 =	simm.s32 $0x3A80;
	s22 =	simm.s32 $0x3B00;
	s0 =	sand.u32 $0x1, s0  }
0x8: {  	s3 =	sshll.u32 s10, $0x1;
	s8 =	smul.u32 $0x14000, s10;
	s4 =	sadd.s32 $0x5CE00, s1  }
0x9: {  	s9 =	sadd.s32 $0x2BC00, s1;
	s24 =	sshrl.u32 s10, $0x2;
	s10 =	smul.u32 $0x50000, s10  }
0xa: {  	s5 =	sor.u32 s0, s3;
	s3 =	simm.s32 $0x0;
	s7 =	smul.u32 $0x140000, s0  }
0xb: {  	s0 =	ssub.s32 $0x2, s0;
	s6 =	smul.u32 $0x5000, s5;
	[smem:$0x7FF] =	sst s3  }
0xc: {  	s5 =	sshll.u32 s5, $0x7;
	s25 =	sshrl.u32 s0, $0x1;
	s26 =	sshrl.u32 s10, $0x2  }
0xd: {  	s10 =	simm.s32 $0x13C0;
	_ =	strace $0x8000004A;
	s7 =	sadd.s32 s8, s7  }
0xe: {  	s8 =	smul.u32 $0x14000, s24;
	s5 =	sand.u32 $0x380, s5;
	s0 =	ssub.s32 s0, s25  }
0xf: {  	s24 =	simm.s32 $0x2;
	s25 =	simm.s32 $0x3B80;
	s6 =	sshrl.u32 s6, $0x3  }
0x10: {  	s7 =	sshrl.u32 s7, $0x3;
	s0 =	smax.u32 s0, $0x1;
	s6 =	sadd.s32 s6, s1  }
0x11: {  	s1 =	sadd.s32 s7, s1;
	s8 =	sor.u32 s8, s5;
	s5 =	sadd.s32 s26, s2  }
0x12: {  	[dreg:$0x8] =	wrdreg s0;
	s26 =	simm.s32 $0x5;
	s30 =	sadd.s32 $0x17C00, s6  }
0x13: {  	s28 =	sadd.s32 $0xA000, s8;
	s6 =	sadd.s32 $0x18100, s6;
	[dreg:$0x4] =	wrdreg s30  }
0x14: {  	s8 =	sshrl.u32 s8, $0x3;
	s1 =	sadd.s32 $0x84000, s1;
	[dreg:$0x6] =	wrdreg s6  }
0x15: {  	s7 =	sshrl.u32 s28, $0x3;
	s8 =	sadd.s32 s9, s8;
	[dreg:$0x7] =	wrdreg s1  }
0x16: {  	s0 =	simm.s32 $0x4;
	[dreg:$0x3] =	wrdreg s8;
	s7 =	sadd.s32 s9, s7  }
0x17: {  	v0 =	vimm.f32 $0.0e+00;
	s9 =	simm.s32 $0x3A00;
	[dreg:$0x5] =	wrdreg s7;
	s7 =	simm.s32 $0x8  }
.LBB2_1:
0x18: {  	[tilespmem:$0xBC00] =	vst v0  }
0x19: {  	[tilespmem:$0xBC10] =	vst v0  }
0x1a: {  	[tilespmem:$0xBC20] =	vst v0  }
0x1b: {  	[tilespmem:$0xBC30] =	vst v0  }
0x1c: {  	[tilespmem:$0xBC40] =	vst v0  }
0x1d: {  	[tilespmem:$0xBC50] =	vst v0  }
0x1e: {  	[tilespmem:$0xBC60] =	vst v0  }
0x1f: {  	[tilespmem:$0xBC70] =	vst v0  }
0x20: {  	[tilespmem:$0xBC80] =	vst v0  }
0x21: {  	[tilespmem:$0xBC90] =	vst v0  }
0x22: {  	[tilespmem:$0xBCA0] =	vst v0  }
0x23: {  	[tilespmem:$0xBCB0] =	vst v0  }
0x24: {  	[tilespmem:$0xBCC0] =	vst v0  }
0x25: {  	[tilespmem:$0xBCD0] =	vst v0  }
0x26: {  	[tilespmem:$0xBCE0] =	vst v0  }
0x27: {  	[tilespmem:$0xBCF0] =	vst v0  }
0x28: {  	[tilespmem:$0xBD00] =	vst v0  }
0x29: {  	[tilespmem:$0xBD10] =	vst v0  }
0x2a: {  	[tilespmem:$0xBD20] =	vst v0  }
0x2b: {  	[tilespmem:$0xBD30] =	vst v0  }
0x2c: {  	[tilespmem:$0xBD40] =	vst v0  }
0x2d: {  	[tilespmem:$0xBD50] =	vst v0  }
0x2e: {  	[tilespmem:$0xBD60] =	vst v0  }
0x2f: {  	[tilespmem:$0xBD70] =	vst v0  }
0x30: {  	[tilespmem:$0xBD80] =	vst v0  }
0x31: {  	[tilespmem:$0xBD90] =	vst v0  }
0x32: {  	[tilespmem:$0xBDA0] =	vst v0  }
0x33: {  	[tilespmem:$0xBDB0] =	vst v0  }
0x34: {  	[tilespmem:$0xBDC0] =	vst v0  }
0x35: {  	[tilespmem:$0xBDD0] =	vst v0  }
0x36: {  	[tilespmem:$0xBDE0] =	vst v0  }
0x37: {  	[tilespmem:$0xBDF0] =	vst v0  }
0x38: {  	[tilespmem:$0xBE00] =	vst v0  }
0x39: {  	[tilespmem:$0xBE10] =	vst v0  }
0x3a: {  	[tilespmem:$0xBE20] =	vst v0  }
0x3b: {  	[tilespmem:$0xBE30] =	vst v0  }
0x3c: {  	[tilespmem:$0xBE40] =	vst v0  }
0x3d: {  	[tilespmem:$0xBE50] =	vst v0  }
0x3e: {  	[tilespmem:$0xBE60] =	vst v0  }
0x3f: {  	[tilespmem:$0xBE70] =	vst v0  }
0x40: {  	[tilespmem:$0xBE80] =	vst v0  }
0x41: {  	[tilespmem:$0xBE90] =	vst v0  }
0x42: {  	[tilespmem:$0xBEA0] =	vst v0  }
0x43: {  	[tilespmem:$0xBEB0] =	vst v0  }
0x44: {  	[tilespmem:$0xBEC0] =	vst v0  }
0x45: {  	[tilespmem:$0xBED0] =	vst v0  }
0x46: {  	[tilespmem:$0xBEE0] =	vst v0  }
0x47: {  	[tilespmem:$0xBEF0] =	vst v0  }
0x48: {  	[tilespmem:$0xBF00] =	vst v0  }
0x49: {  	[tilespmem:$0xBF10] =	vst v0  }
0x4a: {  	[tilespmem:$0xBF20] =	vst v0  }
0x4b: {  	[tilespmem:$0xBF30] =	vst v0  }
0x4c: {  	[tilespmem:$0xBF40] =	vst v0  }
0x4d: {  	[tilespmem:$0xBF50] =	vst v0  }
0x4e: {  	[tilespmem:$0xBF60] =	vst v0  }
0x4f: {  	[tilespmem:$0xBF70] =	vst v0  }
0x50: {  	[tilespmem:$0xBF80] =	vst v0  }
0x51: {  	[tilespmem:$0xBF90] =	vst v0  }
0x52: {  	[tilespmem:$0xBFA0] =	vst v0  }
0x53: {  	[tilespmem:$0xBFB0] =	vst v0  }
0x54: {  	[tilespmem:$0xBFC0] =	vst v0  }
0x55: {  	[tilespmem:$0xBFD0] =	vst v0  }
0x56: {  	[tilespmem:$0xBFE0] =	vst v0  }
0x57: {  	[tilespmem:$0xBFF0] =	vst v0;
	s1 =	sadd.s32 $0x0, s5  }
0x58: {  	[spmem:s1] =	stream.linear.scatter [tilespmem:s12], [sflag:$0x9], $0x400, $0x38;
	v63 =	vld [tilespmem:$0x0]  }
0x59: {  	s1 =	simm.s32 $0x1000;
	_ =	swait.ge [sflag:s13], $0x400  }
.LBB2_2:
0x5a: {  	s28 =	sshra.s32 s1, $0x2;
	[sflag:s13] =	ssyncset.done $0x0;
	p0 =	sne.s32 s1, $0x4F000  }
.Ltmp0:
0x5b: {  	s28 =	sadd.s32 s28, s5;
	[sflag:s13] =	ssyncadd.s32 $0xFFFFFC00;
	(pc) =	sbr.rel @p0 .LBB2_2-.Ltmp0, $3  }
0x5c: {  	[spmem:s28] =	stream.linear.scatter [tilespmem:s12], [sflag:$0x9], $0x400, $0x38;
	v63 =	vld [tilespmem:$0x0]  }
0x5d: {  	s1 =	sadd.s32 $0x1000, s1;
	_ =	sdelay $0x1  }
0x5e: {  	_ =	swait.ge [sflag:s13], $0x400  }
0x5f: {  	[sflag:s13] =	ssyncset.done $0x0  }
0x60: {  	[sflag:s13] =	ssyncadd.s32 $0xFFFFFC00  }
0x61: {  	[bflag:$0x0] =	sbarrier.arrive $0xFFFF  }
0x62: {  	s1 =	simm.s32 $0x0;
	s8 =	simm.s32 $0x400;
	s6 =	rddreg [dreg:$0x3]  }
0x63: {  	[tilespmem:s1], [sflag:$0x9] =	stream.strided.gather [hbm4b:s6+s14], $0x1400, s8, s14, $0x38;
	v63 =	vld [tilespmem:$0x0]  }
0x64: {  	_ =	swait.ge [sflag:s13], $0x1400  }
0x65: {  	[sflag:s13] =	ssyncset.done $0x0  }
0x66: {  	s8 =	rddreg [dreg:$0x4];
	[sflag:s13] =	ssyncadd.s32 $0xFFFFEC00  }
0x67: {  	[tilespmem:s16], [sflag:$0x9] =	stream.linear.gather [hbm4b:s8+s1], $0x2800, $0x38;
	v63 =	vld [tilespmem:$0x0]  }
0x68: {  	_ =	swait.ge [sflag:s13], $0x2800  }
0x69: {  	[sflag:s13] =	ssyncset.done $0x0  }
0x6a: {  	[sflag:s13] =	ssyncadd.s32 $0xFFFFD800  }
0x6b: {  	[tilespmem:s18], [sflag:$0x1] =	stream.indirect.gather [hbm4b:s4+s17], $0x80, s1, s17, $0xb8;
	v63 =	vld [tilespmem:$0x0]  }
0x6c: {  	_ = 	snop  }
0x6d: {  	[tilespmem:s19], [sflag:$0x2] =	stream.indirect.gather [hbm4b:s4+s17], $0x80, s17, s17, $0xb8;
	v63 =	vld [tilespmem:$0x0]  }
0x6e: {  	_ = 	snop  }
0x6f: {  	[tilespmem:s20], [sflag:$0x3] =	stream.indirect.gather [hbm4b:s4+s17], $0x80, s14, s17, $0xb8;
	v63 =	vld [tilespmem:$0x0]  }
0x70: {  	_ =	swait.ge [sflag:s21], $0x2000  }
0x71: {  	[sflag:s21] =	ssyncset.done $0x0  }
0x72: {  	[sflag:s21] =	ssyncadd.s32 $0xFFFFE000  }
0x73: {  	[spmem:s2] =	stream.indirect.scatter.add.f32 [tilespmem:s18], [sflag:$0x5], $0x80, s16, s17, $0xb8;
	v63 =	vld [tilespmem:$0x0]  }
0x74: {  	s8 =	simm.s32 $0xC0  }
0x75: {  	[tilespmem:s23], [sflag:$0x4] =	stream.indirect.gather [hbm4b:s4+s17], $0x80, s8, s17, $0xb8;
	v63 =	vld [tilespmem:$0x0]  }
0x76: {  	_ =	swait.ge [sflag:s24], $0x2000  }
0x77: {  	[sflag:s24] =	ssyncset.done $0x0  }
0x78: {  	s6 =	simm.s32 $0x1480;
	[sflag:s24] =	ssyncadd.s32 $0xFFFFE000  }
0x79: {  	[spmem:s2] =	stream.indirect.scatter.add.f32 [tilespmem:s19], [sflag:$0x6], $0x80, s6, s17, $0xb8;
	v63 =	vld [tilespmem:$0x0]  }
0x7a: {  	_ =	swait.ge [sflag:s26], $0x2000  }
0x7b: {  	[sflag:s26] =	ssyncset.done $0x0  }
0x7c: {  	s8 =	simm.s32 $0x100;
	[sflag:s26] =	ssyncadd.s32 $0xFFFFE000  }
0x7d: {  	[tilespmem:s18], [sflag:$0x1] =	stream.indirect.gather [hbm4b:s4+s17], $0x80, s8, s17, $0xb8;
	v63 =	vld [tilespmem:$0x0]  }
0x7e: {  	_ =	swait.ge [sflag:s29], $0x2000  }
0x7f: {  	[sflag:s29] =	ssyncset.done $0x0  }
0x80: {  	s6 =	simm.s32 $0x1500;
	[sflag:s29] =	ssyncadd.s32 $0xFFFFE000  }
0x81: {  	[spmem:s2] =	stream.indirect.scatter.add.f32 [tilespmem:s20], [sflag:$0x7], $0x80, s6, s17, $0xb8;
	v63 =	vld [tilespmem:$0x0]  }
0x82: {  	_ =	swait.ge [sflag:s31], $0x2000  }
0x83: {  	[sflag:s31] =	ssyncset.done $0x0  }
0x84: {  	s8 =	simm.s32 $0x140;
	[sflag:s31] =	ssyncadd.s32 $0xFFFFE000  }
0x85: {  	[tilespmem:s19], [sflag:$0x2] =	stream.indirect.gather [hbm4b:s4+s17], $0x80, s8, s17, $0xb8;
	v63 =	vld [tilespmem:$0x0]  }
0x86: {  	_ =	swait.ge [sflag:s0], $0x2000  }
0x87: {  	[sflag:s0] =	ssyncset.done $0x0  }
0x88: {  	s6 =	simm.s32 $0x1580;
	[sflag:s0] =	ssyncadd.s32 $0xFFFFE000  }
0x89: {  	[spmem:s2] =	stream.indirect.scatter.add.f32 [tilespmem:s23], [sflag:$0x8], $0x80, s6, s17, $0xb8;
	v63 =	vld [tilespmem:$0x0]  }
0x8a: {  	_ =	swait.ge [sflag:s15], $0x2000  }
0x8b: {  	[sflag:s15] =	ssyncset.done $0x0  }
0x8c: {  	s8 =	simm.s32 $0x180;
	[sflag:s15] =	ssyncadd.s32 $0xFFFFE000  }
0x8d: {  	[tilespmem:s20], [sflag:$0x3] =	stream.indirect.gather [hbm4b:s4+s17], $0x80, s8, s17, $0xb8;
	v63 =	vld [tilespmem:$0x0]  }
0x8e: {  	_ =	swait.ge [sflag:s21], $0x2000  }
0x8f: {  	[sflag:s21] =	ssyncset.done $0x0  }
0x90: {  	s6 =	simm.s32 $0x1600;
	[sflag:s21] =	ssyncadd.s32 $0xFFFFE000  }
0x91: {  	[spmem:s2] =	stream.indirect.scatter.add.f32 [tilespmem:s18], [sflag:$0x5], $0x80, s6, s17, $0xb8;
	v63 =	vld [tilespmem:$0x0]  }
0x92: {  	_ =	swait.ge [sflag:s7], $0x2000  }
0x93: {  	[sflag:s7] =	ssyncset.done $0x0  }
0x94: {  	s8 =	simm.s32 $0x1C0;
	[sflag:s7] =	ssyncadd.s32 $0xFFFFE000  }
0x95: {  	[tilespmem:s23], [sflag:$0x4] =	stream.indirect.gather [hbm4b:s4+s17], $0x80, s8, s17, $0xb8;
	v63 =	vld [tilespmem:$0x0]  }
0x96: {  	_ =	swait.ge [sflag:s24], $0x2000  }
0x97: {  	[sflag:s24] =	ssyncset.done $0x0  }
0x98: {  	s6 =	simm.s32 $0x1680;
	[sflag:s24] =	ssyncadd.s32 $0xFFFFE000  }
0x99: {  	[spmem:s2] =	stream.indirect.scatter.add.f32 [tilespmem:s19], [sflag:$0x6], $0x80, s6, s17, $0xb8;
	v63 =	vld [tilespmem:$0x0]  }
0x9a: {  	_ =	swait.ge [sflag:s26], $0x2000  }
0x9b: {  	[sflag:s26] =	ssyncset.done $0x0  }
0x9c: {  	s8 =	simm.s32 $0x200;
	[sflag:s26] =	ssyncadd.s32 $0xFFFFE000  }
0x9d: {  	[tilespmem:s18], [sflag:$0x1] =	stream.indirect.gather [hbm4b:s4+s17], $0x80, s8, s17, $0xb8;
	v63 =	vld [tilespmem:$0x0]  }
0x9e: {  	_ =	swait.ge [sflag:s29], $0x2000  }
0x9f: {  	[sflag:s29] =	ssyncset.done $0x0  }
0xa0: {  	s6 =	simm.s32 $0x1700;
	[sflag:s29] =	ssyncadd.s32 $0xFFFFE000  }
0xa1: {  	[spmem:s2] =	stream.indirect.scatter.add.f32 [tilespmem:s20], [sflag:$0x7], $0x80, s6, s17, $0xb8;
	v63 =	vld [tilespmem:$0x0]  }
0xa2: {  	_ =	swait.ge [sflag:s31], $0x2000  }
0xa3: {  	[sflag:s31] =	ssyncset.done $0x0  }
0xa4: {  	s8 =	simm.s32 $0x240;
	[sflag:s31] =	ssyncadd.s32 $0xFFFFE000  }
0xa5: {  	[tilespmem:s19], [sflag:$0x2] =	stream.indirect.gather [hbm4b:s4+s17], $0x80, s8, s17, $0xb8;
	v63 =	vld [tilespmem:$0x0]  }
0xa6: {  	_ =	swait.ge [sflag:s0], $0x2000  }
0xa7: {  	s28 =	simm.s32 $0x1780;
	[sflag:s0] =	ssyncset.done $0x0  }
0xa8: {  	s30 =	simm.s32 $0x400;
	s1 =	simm.s32 $0x1980;
	[sflag:s0] =	ssyncadd.s32 $0xFFFFE000  }
.LBB2_4:
0xa9: {  	[spmem:s2] =	stream.indirect.scatter.add.f32 [tilespmem:s23], [sflag:$0x8], $0x80, s28, s17, $0xb8;
	v63 =	vld [tilespmem:$0x0]  }
0xaa: {  	s6 =	smov.u32 s30;
	s28 =	smov.u32 s1  }
0xab: {  	p0 =	sne.s32 s30, $0x4400;
	s30 =	sadd.s32 $0x400, s30;
	_ =	swait.ge [sflag:s15], $0x2000  }
0xac: {  	s6 =	sshra.s32 s6, $0x2;
	[sflag:s15] =	ssyncset.done $0x0  }
0xad: {  	s8 =	sadd.s32 $0x180, s6;
	[sflag:s15] =	ssyncadd.s32 $0xFFFFE000  }
0xae: {  	[tilespmem:s20], [sflag:$0x3] =	stream.indirect.gather [hbm4b:s4+s17], $0x80, s8, s17, $0xb8;
	v63 =	vld [tilespmem:$0x0]  }
0xaf: {  	_ =	swait.ge [sflag:s21], $0x2000  }
0xb0: {  	[sflag:s21] =	ssyncset.done $0x0  }
0xb1: {  	s8 =	sadd.s32 $0xFFFFFE80, s1;
	[sflag:s21] =	ssyncadd.s32 $0xFFFFE000  }
0xb2: {  	[spmem:s2] =	stream.indirect.scatter.add.f32 [tilespmem:s18], [sflag:$0x5], $0x80, s8, s17, $0xb8;
	v63 =	vld [tilespmem:$0x0]  }
0xb3: {  	_ =	swait.ge [sflag:s7], $0x2000  }
0xb4: {  	[sflag:s7] =	ssyncset.done $0x0  }
0xb5: {  	s8 =	sadd.s32 $0x1C0, s6;
	[sflag:s7] =	ssyncadd.s32 $0xFFFFE000  }
0xb6: {  	[tilespmem:s23], [sflag:$0x4] =	stream.indirect.gather [hbm4b:s4+s17], $0x80, s8, s17, $0xb8;
	v63 =	vld [tilespmem:$0x0]  }
0xb7: {  	_ =	swait.ge [sflag:s24], $0x2000  }
0xb8: {  	[sflag:s24] =	ssyncset.done $0x0  }
0xb9: {  	s8 =	sadd.s32 $0xFFFFFF00, s1;
	[sflag:s24] =	ssyncadd.s32 $0xFFFFE000  }
0xba: {  	[spmem:s2] =	stream.indirect.scatter.add.f32 [tilespmem:s19], [sflag:$0x6], $0x80, s8, s17, $0xb8;
	v63 =	vld [tilespmem:$0x0]  }
0xbb: {  	_ =	swait.ge [sflag:s26], $0x2000  }
0xbc: {  	[sflag:s26] =	ssyncset.done $0x0  }
0xbd: {  	s8 =	sadd.s32 $0x200, s6;
	[sflag:s26] =	ssyncadd.s32 $0xFFFFE000  }
0xbe: {  	[tilespmem:s18], [sflag:$0x1] =	stream.indirect.gather [hbm4b:s4+s17], $0x80, s8, s17, $0xb8;
	v63 =	vld [tilespmem:$0x0]  }
0xbf: {  	_ =	swait.ge [sflag:s29], $0x2000  }
0xc0: {  	[sflag:s29] =	ssyncset.done $0x0  }
0xc1: {  	s8 =	sadd.s32 $0xFFFFFF80, s1;
	[sflag:s29] =	ssyncadd.s32 $0xFFFFE000  }
0xc2: {  	[spmem:s2] =	stream.indirect.scatter.add.f32 [tilespmem:s20], [sflag:$0x7], $0x80, s8, s17, $0xb8;
	v63 =	vld [tilespmem:$0x0]  }
0xc3: {  	_ =	swait.ge [sflag:s31], $0x2000  }
0xc4: {  	[sflag:s31] =	ssyncset.done $0x0  }
.Ltmp1:
0xc5: {  	s6 =	sadd.s32 $0x240, s6;
	[sflag:s31] =	ssyncadd.s32 $0xFFFFE000;
	(pc) =	sbr.rel @p0 .LBB2_4-.Ltmp1, $4  }
0xc6: {  	[tilespmem:s19], [sflag:$0x2] =	stream.indirect.gather [hbm4b:s4+s17], $0x80, s6, s17, $0xb8;
	v63 =	vld [tilespmem:$0x0]  }
0xc7: {  	_ =	swait.ge [sflag:s0], $0x2000  }
0xc8: {  	[sflag:s0] =	ssyncset.done $0x0  }
0xc9: {  	s1 =	sadd.s32 $0x200, s1;
	[sflag:s0] =	ssyncadd.s32 $0xFFFFE000  }
0xca: {  	[spmem:s2] =	stream.indirect.scatter.add.f32 [tilespmem:s23], [sflag:$0x8], $0x80, s28, s17, $0xb8;
	v63 =	vld [tilespmem:$0x0]  }
0xcb: {  	_ =	swait.ge [sflag:s15], $0x2000  }
0xcc: {  	[sflag:s15] =	ssyncset.done $0x0  }
0xcd: {  	s1 =	simm.s32 $0x1380;
	[sflag:s15] =	ssyncadd.s32 $0xFFFFE000  }
0xce: {  	[tilespmem:s20], [sflag:$0x3] =	stream.indirect.gather [hbm4b:s4+s17], $0x80, s1, s17, $0xb8;
	v63 =	vld [tilespmem:$0x0]  }
0xcf: {  	_ =	swait.ge [sflag:s21], $0x2000  }
0xd0: {  	[sflag:s21] =	ssyncset.done $0x0  }
0xd1: {  	[sflag:s21] =	ssyncadd.s32 $0xFFFFE000  }
0xd2: {  	[spmem:s2] =	stream.indirect.scatter.add.f32 [tilespmem:s18], [sflag:$0x5], $0x80, s9, s17, $0xb8;
	v63 =	vld [tilespmem:$0x0]  }
0xd3: {  	_ =	swait.ge [sflag:s7], $0x2000  }
0xd4: {  	[sflag:s7] =	ssyncset.done $0x0  }
0xd5: {  	[sflag:s7] =	ssyncadd.s32 $0xFFFFE000  }
0xd6: {  	[tilespmem:s23], [sflag:$0x4] =	stream.indirect.gather [hbm4b:s4+s17], $0x80, s10, s17, $0xb8;
	v63 =	vld [tilespmem:$0x0]  }
0xd7: {  	_ =	swait.ge [sflag:s24], $0x2000  }
0xd8: {  	[sflag:s24] =	ssyncset.done $0x0  }
0xd9: {  	[sflag:s24] =	ssyncadd.s32 $0xFFFFE000  }
0xda: {  	[spmem:s2] =	stream.indirect.scatter.add.f32 [tilespmem:s19], [sflag:$0x6], $0x80, s11, s17, $0xb8;
	v63 =	vld [tilespmem:$0x0]  }
0xdb: {  	_ =	swait.ge [sflag:s29], $0x2000  }
0xdc: {  	[sflag:s29] =	ssyncset.done $0x0  }
0xdd: {  	[sflag:s29] =	ssyncadd.s32 $0xFFFFE000  }
0xde: {  	[spmem:s2] =	stream.indirect.scatter.add.f32 [tilespmem:s20], [sflag:$0x7], $0x80, s22, s17, $0xb8;
	v63 =	vld [tilespmem:$0x0]  }
0xdf: {  	_ =	swait.ge [sflag:s0], $0x2000  }
0xe0: {  	[sflag:s0] =	ssyncset.done $0x0  }
0xe1: {  	[sflag:s0] =	ssyncadd.s32 $0xFFFFE000  }
0xe2: {  	[spmem:s2] =	stream.indirect.scatter.add.f32 [tilespmem:s23], [sflag:$0x8], $0x80, s25, s17, $0xb8;
	v63 =	vld [tilespmem:$0x0]  }
0xe3: {  	_ =	swait.ge [sflag:s26], $0x2000  }
0xe4: {  	[sflag:s26] =	ssyncset.done $0x0  }
0xe5: {  	[sflag:s26] =	ssyncadd.s32 $0xFFFFE000  }
0xe6: {  	_ =	swait.ge [sflag:s31], $0x2000  }
0xe7: {  	[sflag:s31] =	ssyncset.done $0x0  }
0xe8: {  	[sflag:s31] =	ssyncadd.s32 $0xFFFFE000  }
0xe9: {  	_ =	swait.ge [sflag:s15], $0x2000  }
0xea: {  	[sflag:s15] =	ssyncset.done $0x0  }
0xeb: {  	[sflag:s15] =	ssyncadd.s32 $0xFFFFE000  }
0xec: {  	_ =	swait.ge [sflag:s7], $0x2000  }
0xed: {  	s8 =	simm.s32 $0x400;
	[sflag:s7] =	ssyncset.done $0x0  }
0xee: {  	s1 =	simm.s32 $0x0;
	s6 =	rddreg [dreg:$0x5];
	[sflag:s7] =	ssyncadd.s32 $0xFFFFE000  }
0xef: {  	[tilespmem:s1], [sflag:$0x9] =	stream.strided.gather [hbm4b:s6+s14], $0x1400, s8, s14, $0x38;
	v63 =	vld [tilespmem:$0x0]  }
0xf0: {  	_ =	swait.ge [sflag:s13], $0x1400  }
0xf1: {  	[sflag:s13] =	ssyncset.done $0x0  }
0xf2: {  	s8 =	rddreg [dreg:$0x6];
	[sflag:s13] =	ssyncadd.s32 $0xFFFFEC00  }
0xf3: {  	[tilespmem:s16], [sflag:$0x9] =	stream.linear.gather [hbm4b:s8+s1], $0x2800, $0x38;
	v63 =	vld [tilespmem:$0x0]  }
0xf4: {  	_ =	swait.ge [sflag:s13], $0x2800  }
0xf5: {  	[sflag:s13] =	ssyncset.done $0x0  }
0xf6: {  	[sflag:s13] =	ssyncadd.s32 $0xFFFFD800  }
0xf7: {  	[tilespmem:s18], [sflag:$0x1] =	stream.indirect.gather [hbm4b:s4+s17], $0x80, s1, s17, $0xb8;
	v63 =	vld [tilespmem:$0x0]  }
0xf8: {  	_ = 	snop  }
0xf9: {  	[tilespmem:s19], [sflag:$0x2] =	stream.indirect.gather [hbm4b:s4+s17], $0x80, s17, s17, $0xb8;
	v63 =	vld [tilespmem:$0x0]  }
0xfa: {  	_ = 	snop  }
0xfb: {  	[tilespmem:s20], [sflag:$0x3] =	stream.indirect.gather [hbm4b:s4+s17], $0x80, s14, s17, $0xb8;
	v63 =	vld [tilespmem:$0x0]  }
0xfc: {  	_ =	swait.ge [sflag:s21], $0x2000  }
0xfd: {  	[sflag:s21] =	ssyncset.done $0x0  }
0xfe: {  	[sflag:s21] =	ssyncadd.s32 $0xFFFFE000  }
0xff: {  	[spmem:s2] =	stream.indirect.scatter.add.f32 [tilespmem:s18], [sflag:$0x5], $0x80, s16, s17, $0xb8;
	v63 =	vld [tilespmem:$0x0]  }
0x100: {  	s8 =	simm.s32 $0xC0  }
0x101: {  	[tilespmem:s23], [sflag:$0x4] =	stream.indirect.gather [hbm4b:s4+s17], $0x80, s8, s17, $0xb8;
	v63 =	vld [tilespmem:$0x0]  }
0x102: {  	_ =	swait.ge [sflag:s24], $0x2000  }
0x103: {  	[sflag:s24] =	ssyncset.done $0x0  }
0x104: {  	s6 =	simm.s32 $0x1480;
	[sflag:s24] =	ssyncadd.s32 $0xFFFFE000  }
0x105: {  	[spmem:s2] =	stream.indirect.scatter.add.f32 [tilespmem:s19], [sflag:$0x6], $0x80, s6, s17, $0xb8;
	v63 =	vld [tilespmem:$0x0]  }
0x106: {  	_ =	swait.ge [sflag:s26], $0x2000  }
0x107: {  	[sflag:s26] =	ssyncset.done $0x0  }
0x108: {  	s8 =	simm.s32 $0x100;
	[sflag:s26] =	ssyncadd.s32 $0xFFFFE000  }
0x109: {  	[tilespmem:s18], [sflag:$0x1] =	stream.indirect.gather [hbm4b:s4+s17], $0x80, s8, s17, $0xb8;
	v63 =	vld [tilespmem:$0x0]  }
0x10a: {  	_ =	swait.ge [sflag:s29], $0x2000  }
0x10b: {  	[sflag:s29] =	ssyncset.done $0x0  }
0x10c: {  	s6 =	simm.s32 $0x1500;
	[sflag:s29] =	ssyncadd.s32 $0xFFFFE000  }
0x10d: {  	[spmem:s2] =	stream.indirect.scatter.add.f32 [tilespmem:s20], [sflag:$0x7], $0x80, s6, s17, $0xb8;
	v63 =	vld [tilespmem:$0x0]  }
0x10e: {  	_ =	swait.ge [sflag:s31], $0x2000  }
0x10f: {  	[sflag:s31] =	ssyncset.done $0x0  }
0x110: {  	s8 =	simm.s32 $0x140;
	[sflag:s31] =	ssyncadd.s32 $0xFFFFE000  }
0x111: {  	[tilespmem:s19], [sflag:$0x2] =	stream.indirect.gather [hbm4b:s4+s17], $0x80, s8, s17, $0xb8;
	v63 =	vld [tilespmem:$0x0]  }
0x112: {  	_ =	swait.ge [sflag:s0], $0x2000  }
0x113: {  	[sflag:s0] =	ssyncset.done $0x0  }
0x114: {  	s6 =	simm.s32 $0x1580;
	[sflag:s0] =	ssyncadd.s32 $0xFFFFE000  }
0x115: {  	[spmem:s2] =	stream.indirect.scatter.add.f32 [tilespmem:s23], [sflag:$0x8], $0x80, s6, s17, $0xb8;
	v63 =	vld [tilespmem:$0x0]  }
0x116: {  	_ =	swait.ge [sflag:s15], $0x2000  }
0x117: {  	[sflag:s15] =	ssyncset.done $0x0  }
0x118: {  	s8 =	simm.s32 $0x180;
	[sflag:s15] =	ssyncadd.s32 $0xFFFFE000  }
0x119: {  	[tilespmem:s20], [sflag:$0x3] =	stream.indirect.gather [hbm4b:s4+s17], $0x80, s8, s17, $0xb8;
	v63 =	vld [tilespmem:$0x0]  }
0x11a: {  	_ =	swait.ge [sflag:s21], $0x2000  }
0x11b: {  	[sflag:s21] =	ssyncset.done $0x0  }
0x11c: {  	s6 =	simm.s32 $0x1600;
	[sflag:s21] =	ssyncadd.s32 $0xFFFFE000  }
0x11d: {  	[spmem:s2] =	stream.indirect.scatter.add.f32 [tilespmem:s18], [sflag:$0x5], $0x80, s6, s17, $0xb8;
	v63 =	vld [tilespmem:$0x0]  }
0x11e: {  	_ =	swait.ge [sflag:s7], $0x2000  }
0x11f: {  	[sflag:s7] =	ssyncset.done $0x0  }
0x120: {  	s8 =	simm.s32 $0x1C0;
	[sflag:s7] =	ssyncadd.s32 $0xFFFFE000  }
0x121: {  	[tilespmem:s23], [sflag:$0x4] =	stream.indirect.gather [hbm4b:s4+s17], $0x80, s8, s17, $0xb8;
	v63 =	vld [tilespmem:$0x0]  }
0x122: {  	_ =	swait.ge [sflag:s24], $0x2000  }
0x123: {  	[sflag:s24] =	ssyncset.done $0x0  }
0x124: {  	s6 =	simm.s32 $0x1680;
	[sflag:s24] =	ssyncadd.s32 $0xFFFFE000  }
0x125: {  	[spmem:s2] =	stream.indirect.scatter.add.f32 [tilespmem:s19], [sflag:$0x6], $0x80, s6, s17, $0xb8;
	v63 =	vld [tilespmem:$0x0]  }
0x126: {  	_ =	swait.ge [sflag:s26], $0x2000  }
0x127: {  	[sflag:s26] =	ssyncset.done $0x0  }
0x128: {  	s8 =	simm.s32 $0x200;
	[sflag:s26] =	ssyncadd.s32 $0xFFFFE000  }
0x129: {  	[tilespmem:s18], [sflag:$0x1] =	stream.indirect.gather [hbm4b:s4+s17], $0x80, s8, s17, $0xb8;
	v63 =	vld [tilespmem:$0x0]  }
0x12a: {  	_ =	swait.ge [sflag:s29], $0x2000  }
0x12b: {  	[sflag:s29] =	ssyncset.done $0x0  }
0x12c: {  	s6 =	simm.s32 $0x1700;
	[sflag:s29] =	ssyncadd.s32 $0xFFFFE000  }
0x12d: {  	[spmem:s2] =	stream.indirect.scatter.add.f32 [tilespmem:s20], [sflag:$0x7], $0x80, s6, s17, $0xb8;
	v63 =	vld [tilespmem:$0x0]  }
0x12e: {  	_ =	swait.ge [sflag:s31], $0x2000  }
0x12f: {  	[sflag:s31] =	ssyncset.done $0x0  }
0x130: {  	s8 =	simm.s32 $0x240;
	[sflag:s31] =	ssyncadd.s32 $0xFFFFE000  }
0x131: {  	[tilespmem:s19], [sflag:$0x2] =	stream.indirect.gather [hbm4b:s4+s17], $0x80, s8, s17, $0xb8;
	v63 =	vld [tilespmem:$0x0]  }
0x132: {  	_ =	swait.ge [sflag:s0], $0x2000  }
0x133: {  	s28 =	simm.s32 $0x1780;
	[sflag:s0] =	ssyncset.done $0x0  }
0x134: {  	s30 =	simm.s32 $0x400;
	s1 =	simm.s32 $0x1980;
	[sflag:s0] =	ssyncadd.s32 $0xFFFFE000  }
.LBB2_6:
0x135: {  	[spmem:s2] =	stream.indirect.scatter.add.f32 [tilespmem:s23], [sflag:$0x8], $0x80, s28, s17, $0xb8;
	v63 =	vld [tilespmem:$0x0]  }
0x136: {  	s6 =	smov.u32 s30;
	s28 =	smov.u32 s1  }
0x137: {  	p0 =	sne.s32 s30, $0x4400;
	s30 =	sadd.s32 $0x400, s30;
	_ =	swait.ge [sflag:s15], $0x2000  }
0x138: {  	s6 =	sshra.s32 s6, $0x2;
	[sflag:s15] =	ssyncset.done $0x0  }
0x139: {  	s8 =	sadd.s32 $0x180, s6;
	[sflag:s15] =	ssyncadd.s32 $0xFFFFE000  }
0x13a: {  	[tilespmem:s20], [sflag:$0x3] =	stream.indirect.gather [hbm4b:s4+s17], $0x80, s8, s17, $0xb8;
	v63 =	vld [tilespmem:$0x0]  }
0x13b: {  	_ =	swait.ge [sflag:s21], $0x2000  }
0x13c: {  	[sflag:s21] =	ssyncset.done $0x0  }
0x13d: {  	s8 =	sadd.s32 $0xFFFFFE80, s1;
	[sflag:s21] =	ssyncadd.s32 $0xFFFFE000  }
0x13e: {  	[spmem:s2] =	stream.indirect.scatter.add.f32 [tilespmem:s18], [sflag:$0x5], $0x80, s8, s17, $0xb8;
	v63 =	vld [tilespmem:$0x0]  }
0x13f: {  	_ =	swait.ge [sflag:s7], $0x2000  }
0x140: {  	[sflag:s7] =	ssyncset.done $0x0  }
0x141: {  	s8 =	sadd.s32 $0x1C0, s6;
	[sflag:s7] =	ssyncadd.s32 $0xFFFFE000  }
0x142: {  	[tilespmem:s23], [sflag:$0x4] =	stream.indirect.gather [hbm4b:s4+s17], $0x80, s8, s17, $0xb8;
	v63 =	vld [tilespmem:$0x0]  }
0x143: {  	_ =	swait.ge [sflag:s24], $0x2000  }
0x144: {  	[sflag:s24] =	ssyncset.done $0x0  }
0x145: {  	s8 =	sadd.s32 $0xFFFFFF00, s1;
	[sflag:s24] =	ssyncadd.s32 $0xFFFFE000  }
0x146: {  	[spmem:s2] =	stream.indirect.scatter.add.f32 [tilespmem:s19], [sflag:$0x6], $0x80, s8, s17, $0xb8;
	v63 =	vld [tilespmem:$0x0]  }
0x147: {  	_ =	swait.ge [sflag:s26], $0x2000  }
0x148: {  	[sflag:s26] =	ssyncset.done $0x0  }
0x149: {  	s8 =	sadd.s32 $0x200, s6;
	[sflag:s26] =	ssyncadd.s32 $0xFFFFE000  }
0x14a: {  	[tilespmem:s18], [sflag:$0x1] =	stream.indirect.gather [hbm4b:s4+s17], $0x80, s8, s17, $0xb8;
	v63 =	vld [tilespmem:$0x0]  }
0x14b: {  	_ =	swait.ge [sflag:s29], $0x2000  }
0x14c: {  	[sflag:s29] =	ssyncset.done $0x0  }
0x14d: {  	s8 =	sadd.s32 $0xFFFFFF80, s1;
	[sflag:s29] =	ssyncadd.s32 $0xFFFFE000  }
0x14e: {  	[spmem:s2] =	stream.indirect.scatter.add.f32 [tilespmem:s20], [sflag:$0x7], $0x80, s8, s17, $0xb8;
	v63 =	vld [tilespmem:$0x0]  }
0x14f: {  	_ =	swait.ge [sflag:s31], $0x2000  }
0x150: {  	[sflag:s31] =	ssyncset.done $0x0  }
.Ltmp2:
0x151: {  	s6 =	sadd.s32 $0x240, s6;
	[sflag:s31] =	ssyncadd.s32 $0xFFFFE000;
	(pc) =	sbr.rel @p0 .LBB2_6-.Ltmp2, $4  }
0x152: {  	[tilespmem:s19], [sflag:$0x2] =	stream.indirect.gather [hbm4b:s4+s17], $0x80, s6, s17, $0xb8;
	v63 =	vld [tilespmem:$0x0]  }
0x153: {  	_ =	swait.ge [sflag:s0], $0x2000  }
0x154: {  	[sflag:s0] =	ssyncset.done $0x0  }
0x155: {  	s1 =	sadd.s32 $0x200, s1;
	[sflag:s0] =	ssyncadd.s32 $0xFFFFE000  }
0x156: {  	[spmem:s2] =	stream.indirect.scatter.add.f32 [tilespmem:s23], [sflag:$0x8], $0x80, s28, s17, $0xb8;
	v63 =	vld [tilespmem:$0x0]  }
0x157: {  	_ =	swait.ge [sflag:s15], $0x2000  }
0x158: {  	[sflag:s15] =	ssyncset.done $0x0  }
0x159: {  	s1 =	simm.s32 $0x1380;
	[sflag:s15] =	ssyncadd.s32 $0xFFFFE000  }
0x15a: {  	[tilespmem:s20], [sflag:$0x3] =	stream.indirect.gather [hbm4b:s4+s17], $0x80, s1, s17, $0xb8;
	v63 =	vld [tilespmem:$0x0]  }
0x15b: {  	_ =	swait.ge [sflag:s21], $0x2000  }
0x15c: {  	[sflag:s21] =	ssyncset.done $0x0  }
0x15d: {  	[sflag:s21] =	ssyncadd.s32 $0xFFFFE000  }
0x15e: {  	[spmem:s2] =	stream.indirect.scatter.add.f32 [tilespmem:s18], [sflag:$0x5], $0x80, s9, s17, $0xb8;
	v63 =	vld [tilespmem:$0x0]  }
0x15f: {  	_ =	swait.ge [sflag:s7], $0x2000  }
0x160: {  	[sflag:s7] =	ssyncset.done $0x0  }
0x161: {  	[sflag:s7] =	ssyncadd.s32 $0xFFFFE000  }
0x162: {  	[tilespmem:s23], [sflag:$0x4] =	stream.indirect.gather [hbm4b:s4+s17], $0x80, s10, s17, $0xb8;
	v63 =	vld [tilespmem:$0x0]  }
0x163: {  	_ =	swait.ge [sflag:s24], $0x2000  }
0x164: {  	[sflag:s24] =	ssyncset.done $0x0  }
0x165: {  	[sflag:s24] =	ssyncadd.s32 $0xFFFFE000  }
0x166: {  	[spmem:s2] =	stream.indirect.scatter.add.f32 [tilespmem:s19], [sflag:$0x6], $0x80, s11, s17, $0xb8;
	v63 =	vld [tilespmem:$0x0]  }
0x167: {  	_ =	swait.ge [sflag:s29], $0x2000  }
0x168: {  	[sflag:s29] =	ssyncset.done $0x0  }
0x169: {  	[sflag:s29] =	ssyncadd.s32 $0xFFFFE000  }
0x16a: {  	[spmem:s2] =	stream.indirect.scatter.add.f32 [tilespmem:s20], [sflag:$0x7], $0x80, s22, s17, $0xb8;
	v63 =	vld [tilespmem:$0x0]  }
0x16b: {  	_ =	swait.ge [sflag:s0], $0x2000  }
0x16c: {  	[sflag:s0] =	ssyncset.done $0x0  }
0x16d: {  	[sflag:s0] =	ssyncadd.s32 $0xFFFFE000  }
0x16e: {  	[spmem:s2] =	stream.indirect.scatter.add.f32 [tilespmem:s23], [sflag:$0x8], $0x80, s25, s17, $0xb8;
	v63 =	vld [tilespmem:$0x0]  }
0x16f: {  	_ =	swait.ge [sflag:s26], $0x2000  }
0x170: {  	[sflag:s26] =	ssyncset.done $0x0  }
0x171: {  	[sflag:s26] =	ssyncadd.s32 $0xFFFFE000  }
0x172: {  	_ =	swait.ge [sflag:s31], $0x2000  }
0x173: {  	[sflag:s31] =	ssyncset.done $0x0  }
0x174: {  	[sflag:s31] =	ssyncadd.s32 $0xFFFFE000  }
0x175: {  	_ =	swait.ge [sflag:s15], $0x2000  }
0x176: {  	[sflag:s15] =	ssyncset.done $0x0  }
0x177: {  	[sflag:s15] =	ssyncadd.s32 $0xFFFFE000  }
0x178: {  	_ =	swait.ge [sflag:s7], $0x2000  }
0x179: {  	[sflag:s7] =	ssyncset.done $0x0  }
0x17a: {  	s28 =	stileid.u32;
	[sflag:s7] =	ssyncadd.s32 $0xFFFFE000  }
0x17b: {  	s1 =	sshll.u32 s28, $0x6;
	[bflag:$0x0] =	sbarrier.arrive $0xFFFF  }
0x17c: {  	s6 =	sshrl.u32 s5, $0x3;
	s1 =	sor.u32 $0x1C09, s1;
	s8 =	rddreg [dreg:$0x7]  }
0x17d: {  	[hbm:s8], [sflag:s1] =	dma.local [spmem:s6], $0x2800  }
0x17e: {  	_ =	swait.ge [sflag:s13], $0x2800  }
0x17f: {  	s3 =	sadd.s32 $0x1, s3;
	s30 =	rddreg [dreg:$0x8]  }
0x180: {  	p0 =	sne.s32 s3, s30  }
.Ltmp3:
0x181: {  	_ = 	snop;
	(pc) =	sbr.rel @p0 .LBB2_1-.Ltmp3, $3  }
0x182: {  	_ =	sdelay $0x1  }
0x183: {  	[sflag:s13] =	ssyncset.done $0x0  }
0x184: {  	[sflag:s13] =	ssyncadd.s32 $0xFFFFD800  }
0x185: {  	_ =	sfence.sel $0x180000  }
0x186: {  	[bflag:$0x0] =	sbarrier.arrive $0xFFFF  }
0x187: {  	_ =	strace $0x9000004A  }
0x188: {  	s0 =	stileid.u32;
	[bflag:$0x2] =	sbarrier.arrive $0xFFFF  }
0x189: {  	p0 =	sne.s32 s0, $0x0;
	s0 =	rddreg [dreg:$0x2]  }
0x18a: {  	s0 =	sadd.s32 @!p0 $0x100000, s0  }
0x18b: {  	[sflag:s0] =	ssyncadd.tile.s32 @!p0 $0x1;
	_ =	shalt  }
.Lfunc_end2:
_tile_overlayer_lowered:
.L_overlay_start_2:
0x18c: {  	(tag) =	ssettag $0x2  }
0x18d: {  	s0 =	rddreg [dreg:$0x0];
	s2 =	stileid.u32  }
0x18e: {  	s1 =	rddreg [dreg:$0x1];
	p0 =	sne.s32 s2, $0x0  }
0x18f: {  	s3 =	rddreg [dreg:$0x2];
	[bflag:$0x3] =	sbarrier.arrive $0xFFFF;
	s2 =	simm.s32 @!p0 $0x1C09  }
0x190: {  	[timem:s3], [sflag:s2] =	dma.local @!p0 [hbm:s0], s1  }
0x191: {  	s0 =	simm.s32 @!p0 $0x9  }
0x192: {  	_ =	swait.ge @!p0 [sflag:s0], s1  }
0x193: {  	s1 =	ssub.s32 @!p0 $0x0, s1;
	[sflag:s0] =	ssyncset.done @!p0 $0x0  }
0x194: {  	[sflag:s0] =	ssyncadd.s32 @!p0 s1  }
0x195: {  	[bflag:$0x3] =	sbarrier.arrive $0xFFFF  }
0x196: {  	_ =	shalt  }

// kernel: kernel.14.cloned.1.call-start
scs
__scs_entry_jumppad:
0x0: {  	(pc) =	sbr.rel $0x88, $3  }
0x1: {  	(tag) =	ssettag $0x0;
	lr =	simm.s32 $0x1  }
0x2: {  	[smem:$0x3F99] =	sst lr;
	_ =	strace $0xD0000000  }
0x3: {  	_ = 	snop  }
0x4: {  	_ = 	snop  }
0x5: {  	_ = 	snop  }
0x6: {  	_ = 	snop  }
0x7: {  	_ = 	snop  }
__scs_overlays_trampoline_lowered:
0x8: {  	[smem:$0x3FA8] =	sst s0  }
0x9: {  	[smem:$0x3FA9] =	sst s1  }
0xa: {  	[smem:$0x3FAA] =	sst s2  }
0xb: {  	[smem:$0x3FAB] =	sst s3  }
0xc: {  	[smem:$0x3FAC] =	sst s4  }
0xd: {  	[smem:$0x3FAD] =	sst s5  }
0xe: {  	[smem:$0x3FAE] =	sst s6  }
0xf: {  	[smem:$0x3FAF] =	sst s7  }
0x10: {  	[smem:$0x3FB0] =	sst s8  }
0x11: {  	[smem:$0x3FB1] =	sst s9;
	s0 =	simm.s32 @!p0 $0x0  }
0x12: {  	s1 =	sld [smem:$0x3F97];
	s0 =	simm.s32 @p0 $0x1  }
0x13: {  	[smem:$0x3FB2] =	sst s0;
	s0 =	simm.s32 @!p1 $0x0  }
0x14: {  	s2 =	sld [smem:$0x3F96];
	s0 =	simm.s32 @p1 $0x1  }
0x15: {  	[smem:$0x3FB3] =	sst s0;
	s0 =	simm.s32 @!p2 $0x0  }
0x16: {  	s3 =	sld [smem:$0x3FDB];
	s0 =	simm.s32 @p2 $0x1  }
0x17: {  	s4 =	simm.s32 $0x1BF5;
	[smem:$0x3FB5] =	sst s0  }
0x18: {  	s0 =	sld [smem:$0x3F98];
	_ =	swait.ge [sflag:s4], $0x0  }
0x19: {  	s7 =	sld [smem:$0x3F99]  }
0x1a: {  	s8 =	sadd.s32 $0xFFFFE003, lr  }
0x1b: {  	s9 =	sadd.s32 $0xFFFFFEF7, lr;
	s5 =	simm.s32 $0xFFFFFFFF;
	p2 =	slt.u32 s8, $0xFFFFF086  }
0x1c: {  	p1 =	slt.u32 s9, $0xF7A;
	s5 =	simm.s32 @!p2 $0x0  }
0x1d: {  	s5 =	simm.s32 @p1 $0x1;
	p0 =	seq.s32 s7, s2  }
0x1e: {  	s7 =	smul.u32 @!p0 $0xF7A, s2;
	p2 =	seq.s32 @!p0 s5, $0x0  }
0x1f: {  	s9 =	smul.u32 $0xF7A, s1;
	s8 =	simm.s32 @!p0 $0x1BF5;
	p2 =	por !p2, p0  }
0x20: {  	[sflag:s8] =	ssyncset.s32 @!p0 $0xFFFFF086;
	s6 =	sadd.s32 @!p0 s3, s7;
	s7 =	simm.s32 @!p0 $0x108  }
0x21: {  	s3 =	sadd.s32 s3, s9;
	s6 =	sadd.s32 @!p0 $0x88, s6;
	s7 =	simm.s32 @p2 $0x1082  }
0x22: {  	[simem:s7], [sflag:s8] =	dma.local @!p0 [hbm:s6], $0xF7A  }
0x23: {  	s9 =	sor.u32 $0xD0000000, s2;
	s6 =	simm.s32 $0x108;
	_ =	swait.ge @!p0 [sflag:s8], $0x0  }
0x24: {  	s3 =	sadd.s32 $0x88, s3;
	s6 =	simm.s32 @!p1 $0x1082;
	[sflag:s4] =	ssyncset.s32 $0xFFFFF086  }
0x25: {  	[simem:s6], [sflag:s4] =	dma.local [hbm:s3], $0xF7A  }
0x26: {  	[smem:$0x3F99] =	sst s1;
	(tag) =	ssettag s2;
	_ =	strace s9  }
0x27: {  	s1 =	sld [smem:$0x3FA9]  }
0x28: {  	s2 =	sld [smem:$0x3FAA]  }
0x29: {  	s4 =	sld [smem:$0x3FAC]  }
0x2a: {  	p0 =	seq.s32 s5, $0x0;
	s5 =	sld [smem:$0x3FAD]  }
0x2b: {  	s6 =	sld [smem:$0x3FAE]  }
0x2c: {  	s7 =	sld [smem:$0x3FAF]  }
0x2d: {  	s3 =	simm.s32 $0x108;
	s8 =	sld [smem:$0x3FB0]  }
0x2e: {  	s3 =	simm.s32 @!p0 $0x1082;
	s9 =	sld [smem:$0x3FB1]  }
0x2f: {  	lr =	sadd.s32 s0, s3;
	s0 =	sld [smem:$0x3FA8]  }
0x30: {  	s3 =	sld [smem:$0x3FAB]  }
0x31: {  	[smem:$0x3FB4] =	sst s10  }
0x32: {  	s10 =	sld [smem:$0x3FB2];
	_ =	sdelay $0x3  }
0x33: {  	p0 =	seq.s32 s10, $0x1;
	s10 =	sld [smem:$0x3FB4];
	_ =	sdelay $0x3  }
0x34: {  	[smem:$0x3FB4] =	sst s10  }
0x35: {  	s10 =	sld [smem:$0x3FB3];
	_ =	sdelay $0x3  }
0x36: {  	p1 =	seq.s32 s10, $0x1;
	s10 =	sld [smem:$0x3FB4];
	_ =	sdelay $0x3  }
0x37: {  	[smem:$0x3FB4] =	sst s10  }
0x38: {  	s10 =	sld [smem:$0x3FB5]  }
0x39: {  	_ = 	snop;
	(pc) =	sbr.ind lr, $3  }
0x3a: {  	_ = 	snop  }
0x3b: {  	_ = 	snop  }
0x3c: {  	p2 =	seq.s32 s10, $0x1;
	s10 =	sld [smem:$0x3FB4]  }
0x3d: {  	_ =	shalt  }
0x3e: {  	_ =	shalt  }
0x3f: {  	_ =	shalt  }
0x40: {  	_ =	shalt  }
0x41: {  	_ =	shalt  }
0x42: {  	_ =	shalt  }
0x43: {  	_ =	shalt  }
0x44: {  	_ =	shalt  }
0x45: {  	_ =	shalt  }
0x46: {  	_ =	shalt  }
0x47: {  	_ =	shalt  }
0x48: {  	_ =	shalt  }
0x49: {  	_ =	shalt  }
0x4a: {  	_ =	shalt  }
0x4b: {  	_ =	shalt  }
0x4c: {  	_ =	shalt  }
0x4d: {  	_ =	shalt  }
0x4e: {  	_ =	shalt  }
0x4f: {  	_ =	shalt  }
0x50: {  	_ =	shalt  }
0x51: {  	_ =	shalt  }
0x52: {  	_ =	shalt  }
0x53: {  	_ =	shalt  }
0x54: {  	_ =	shalt  }
0x55: {  	_ =	shalt  }
0x56: {  	_ =	shalt  }
0x57: {  	_ =	shalt  }
0x58: {  	_ =	shalt  }
0x59: {  	_ =	shalt  }
0x5a: {  	_ =	shalt  }
0x5b: {  	_ =	shalt  }
0x5c: {  	_ =	shalt  }
0x5d: {  	_ =	shalt  }
0x5e: {  	_ =	shalt  }
0x5f: {  	_ =	shalt  }
0x60: {  	_ =	shalt  }
0x61: {  	_ =	shalt  }
0x62: {  	_ =	shalt  }
0x63: {  	_ =	shalt  }
0x64: {  	_ =	shalt  }
0x65: {  	_ =	shalt  }
0x66: {  	_ =	shalt  }
0x67: {  	_ =	shalt  }
0x68: {  	_ =	shalt  }
0x69: {  	_ =	shalt  }
0x6a: {  	_ =	shalt  }
0x6b: {  	_ =	shalt  }
0x6c: {  	_ =	shalt  }
0x6d: {  	_ =	shalt  }
0x6e: {  	_ =	shalt  }
0x6f: {  	_ =	shalt  }
0x70: {  	_ =	shalt  }
0x71: {  	_ =	shalt  }
0x72: {  	_ =	shalt  }
0x73: {  	_ =	shalt  }
0x74: {  	_ =	shalt  }
0x75: {  	_ =	shalt  }
0x76: {  	_ =	shalt  }
0x77: {  	_ =	shalt  }
0x78: {  	_ =	shalt  }
0x79: {  	_ =	shalt  }
0x7a: {  	_ =	shalt  }
0x7b: {  	_ =	shalt  }
0x7c: {  	_ =	shalt  }
0x7d: {  	_ =	shalt  }
0x7e: {  	_ =	shalt  }
0x7f: {  	_ =	shalt  }
0x80: {  	_ =	shalt  }
0x81: {  	_ =	shalt  }
0x82: {  	_ =	shalt  }
0x83: {  	_ =	shalt  }
0x84: {  	_ =	shalt  }
0x85: {  	_ =	shalt  }
0x86: {  	_ =	shalt  }
0x87: {  	_ =	shalt  }
.Lfunc_end0:
.L_simem_size_0:
called_computation.2_lowered:
.L_overlay_start_0:
0x88: {  	s2 =	sld [smem:$0x3FD9]  }
0x89: {  	s3 =	sld [smem:$0x3FFE];
	_ =	sdelay $0x1  }
0x8a: {  	s1 =	srdreg.scid  }
0x8b: {  	s0 =	sand.u32 $0x1, s1  }
0x8c: {  	s16 =	sshll.u32 s0, $0xA;
	s2 =	sadd.s32 s3, s2  }
0x8d: {  	s2 =	sadd.s32 s2, s16  }
0x8e: {  	[smem:$0x3FC0] =	sst s2  }
0x8f: {  	_ = 	snop  }
0x90: {  	(tm) =	ssettm $0x1  }
0x91: {  	s17 =	sld [smem:$0x3FFB];
	_ =	sdelay $0x3  }
0x92: {  	_ =	strace s17  }
0x93: {  	s2 =	sld [smem:$0x3FFC];
	_ =	sdelay $0x3  }
0x94: {  	_ =	strace s2  }
0x95: {  	s2 =	sld [smem:$0x3FFD];
	_ =	sdelay $0x3  }
0x96: {  	_ =	strace s2  }
0x97: {  	_ =	strace $0x8FFFFFFF  }
0x98: {  	s18 =	sld [smem:$0x3FDB];
	_ =	sdelay $0x1  }
0x99: {  	s19 =	simm.s32 $_scs_section_size  }
0x9a: {  	s4 =	simm.s32 $_size__tile_overlayer_lowered;
	s5 =	simm.s32 $_tile_overlayer_lowered  }
0x9b: {  	s22 =	simm.s32 $0x1BFF;
	s21 =	sshll.u32 s5, $0x1;
	s2 =	sadd.s32 s19, s18  }
0x9c: {  	s6 =	simm.s32 $0x0;
	s20 =	sshll.u32 s4, $0x1;
	s4 =	sadd.s32 s21, s2  }
0x9d: {  	[timem:s6], [sflag:s22] =	dma.local [hbm:s4], s20  }
0x9e: {  	_ =	swait.ge [sflag:s22], s20  }
0x9f: {  	s3 =	ssub.s32 $0x0, s20;
	[sflag:s22] =	ssyncset.done $0x0  }
0xa0: {  	[sflag:s22] =	ssyncadd.s32 s3;
	_ =	sdelay $0x1  }
0xa1: {  	s23 =	simm.s32 $0x1B8B  }
0xa2: {  	_ =	swait.ge [sflag:s23], $0x1  }
0xa3: {  	[sflag:s23] =	ssyncset.done $0x0  }
0xa4: {  	s25 =	simm.s32 $0x1B8E;
	s24 =	sld [smem:$0x3FFE];
	[sflag:s23] =	ssyncadd.s32 $0xFFFFFFFF  }
0xa5: {  	s26 =	simm.s32 $execute0_lowered;
	[smem:$0x3FD2] =	sst s25  }
0xa6: {  	s4 =	sshll.u32 s26, $0x1;
	_ =	strace $0x8000004C;
	[dreg:$0x1] =	wrdreg $0xFFFFFFFF  }
0xa7: {  	s28 =	simm.s32 $_size_execute0_lowered;
	s2 =	sadd.s32 s2, s4;
	[dreg:$0x0] =	wrdreg $0x0  }
0xa8: {  	s4 =	sshll.u32 s28, $0x1;
	[dreg:$0x2] =	wrdreg s2  }
0xa9: {  	[dreg:$0x3] =	wrdreg s4  }
0xaa: {  	[dreg:$0x4] =	wrdreg $0xC0  }
0xab: {  	_ =	task [dreg:s6], $0x5FFFF  }
0xac: {  	[dreg:$0x1] =	wrdreg $0xFFFFFFFF  }
0xad: {  	[dreg:$0x0] =	wrdreg $0x60  }
0xae: {  	[dreg:$0x2] =	wrdreg s24  }
0xaf: {  	[dreg:$0x3] =	wrdreg $0xC0000  }
0xb0: {  	[dreg:$0x4] =	wrdreg $0x9  }
0xb1: {  	_ =	task.clear_ibuf [dreg:s6], $0x5FFFF;
	_ =	strace $0x9000004C  }
0xb2: {  	s29 =	simm.s32 $0x9;
	_ =	strace $0x8000004E  }
0xb3: {  	_ =	swait.ge [sflag:s29], $0x1  }
0xb4: {  	[sflag:s29] =	ssyncadd.s32 $0xFFFFFFFF  }
0xb5: {  	_ =	strace $0x9000004E  }
0xb6: {  	_ =	sfence  }
0xb7: {  	s30 =	sld [smem:$0x0];
	_ =	sdelay $0x2  }
0xb8: {  	s31 =	sshll.u32 s1, $0xD;
	s1 =	sshrl.u32 s1, $0x2  }
0xb9: {  	s3 =	sand.u32 $0x4000, s31;
	s1 =	sadd.s32 s1, s30  }
0xba: {  	s0 =	sor.u32 s3, s0;
	s1 =	sshll.u32 s1, $0x11  }
0xbb: {  	s0 =	sor.u32 s1, s0  }
0xbc: {  	s0 =	sadd.s32 $0x8F2B, s0  }
0xbd: {  	[sflag:s0] =	ssyncadd.remote.s32 $0x1  }
0xbe: {  	_ =	sfence.sel $0xFFFF  }
0xbf: {  	[dreg:$0x0] =	wrdreg $0xFFFFFFFF;
	(pc) =	sbr.abs _section_cstart, $3  }
0xc0: {  	[dreg:$0x1] =	wrdreg $0xFFFFFFFF  }
0xc1: {  	_ =	task.clear_ibuf [dreg:s6], $0x2FFFF;
	_ =	strace $0x9FFFFFFF  }
0xc2: {  	(tm) =	ssettm $0x7FFFFFFF  }
0xc3: {  	_ =	shalt  }
tec
execute0_lowered:
.L_overlay_start_1:
0x0: {  	(tag) =	ssettag $0x1  }
0x1: {  	s0 =	srdreg.scid;
	s1 =	rddreg [dreg:$0x0]  }
0x2: {  	s10 =	stileid.u32;
	s2 =	rddreg [dreg:$0x1];
	s12 =	simm.s32 $0xBC00  }
0x3: {  	s13 =	simm.s32 $0x9;
	s14 =	simm.s32 $0x80;
	s16 =	simm.s32 $0x1400  }
0x4: {  	s17 =	simm.s32 $0x40;
	s18 =	simm.s32 $0x3C00;
	s19 =	simm.s32 $0x5C00  }
0x5: {  	s20 =	simm.s32 $0x7C00;
	s21 =	simm.s32 $0x1;
	s23 =	simm.s32 $0x9C00  }
0x6: {  	s29 =	simm.s32 $0x3;
	s31 =	simm.s32 $0x6;
	s15 =	simm.s32 $0x7  }
0x7: {  	s11 =	simm.s32 $0x3A80;
	s22 =	simm.s32 $0x3B00;
	s0 =	sand.u32 $0x1, s0  }
0x8: {  	s3 =	sshll.u32 s10, $0x1;
	s8 =	smul.u32 $0x14000, s10;
	s4 =	sadd.s32 $0x35C00, s1  }
0x9: {  	s9 =	sadd.s32 $0x2BC00, s1;
	s24 =	sshrl.u32 s10, $0x2;
	s10 =	smul.u32 $0x50000, s10  }
0xa: {  	s5 =	sor.u32 s0, s3;
	s3 =	simm.s32 $0x0;
	s7 =	smul.u32 $0x140000, s0  }
0xb: {  	s0 =	ssub.s32 $0x2, s0;
	s6 =	smul.u32 $0x5000, s5;
	[smem:$0x7FF] =	sst s3  }
0xc: {  	s5 =	sshll.u32 s5, $0x7;
	s25 =	sshrl.u32 s0, $0x1;
	s26 =	sshrl.u32 s10, $0x2  }
0xd: {  	s10 =	simm.s32 $0x13C0;
	_ =	strace $0x8000004D;
	s7 =	sadd.s32 s8, s7  }
0xe: {  	s8 =	smul.u32 $0x14000, s24;
	s5 =	sand.u32 $0x380, s5;
	s0 =	ssub.s32 s0, s25  }
0xf: {  	s24 =	simm.s32 $0x2;
	s25 =	simm.s32 $0x3B80;
	s6 =	sshrl.u32 s6, $0x3  }
0x10: {  	s7 =	sshrl.u32 s7, $0x3;
	s0 =	smax.u32 s0, $0x1;
	s6 =	sadd.s32 s6, s1  }
0x11: {  	s1 =	sadd.s32 s7, s1;
	s8 =	sor.u32 s8, s5;
	s5 =	sadd.s32 s26, s2  }
0x12: {  	[dreg:$0x8] =	wrdreg s0;
	s26 =	simm.s32 $0x5;
	s30 =	sadd.s32 $0x17C00, s6  }
0x13: {  	s28 =	sadd.s32 $0xA000, s8;
	s6 =	sadd.s32 $0x18100, s6;
	[dreg:$0x4] =	wrdreg s30  }
0x14: {  	s8 =	sshrl.u32 s8, $0x3;
	s1 =	sadd.s32 $0x5CE00, s1;
	[dreg:$0x6] =	wrdreg s6  }
0x15: {  	s7 =	sshrl.u32 s28, $0x3;
	s8 =	sadd.s32 s9, s8;
	[dreg:$0x7] =	wrdreg s1  }
0x16: {  	s0 =	simm.s32 $0x4;
	[dreg:$0x3] =	wrdreg s8;
	s7 =	sadd.s32 s9, s7  }
0x17: {  	v0 =	vimm.f32 $0.0e+00;
	s9 =	simm.s32 $0x3A00;
	[dreg:$0x5] =	wrdreg s7;
	s7 =	simm.s32 $0x8  }
.LBB2_1:
0x18: {  	[tilespmem:$0xBC00] =	vst v0  }
0x19: {  	[tilespmem:$0xBC10] =	vst v0  }
0x1a: {  	[tilespmem:$0xBC20] =	vst v0  }
0x1b: {  	[tilespmem:$0xBC30] =	vst v0  }
0x1c: {  	[tilespmem:$0xBC40] =	vst v0  }
0x1d: {  	[tilespmem:$0xBC50] =	vst v0  }
0x1e: {  	[tilespmem:$0xBC60] =	vst v0  }
0x1f: {  	[tilespmem:$0xBC70] =	vst v0  }
0x20: {  	[tilespmem:$0xBC80] =	vst v0  }
0x21: {  	[tilespmem:$0xBC90] =	vst v0  }
0x22: {  	[tilespmem:$0xBCA0] =	vst v0  }
0x23: {  	[tilespmem:$0xBCB0] =	vst v0  }
0x24: {  	[tilespmem:$0xBCC0] =	vst v0  }
0x25: {  	[tilespmem:$0xBCD0] =	vst v0  }
0x26: {  	[tilespmem:$0xBCE0] =	vst v0  }
0x27: {  	[tilespmem:$0xBCF0] =	vst v0  }
0x28: {  	[tilespmem:$0xBD00] =	vst v0  }
0x29: {  	[tilespmem:$0xBD10] =	vst v0  }
0x2a: {  	[tilespmem:$0xBD20] =	vst v0  }
0x2b: {  	[tilespmem:$0xBD30] =	vst v0  }
0x2c: {  	[tilespmem:$0xBD40] =	vst v0  }
0x2d: {  	[tilespmem:$0xBD50] =	vst v0  }
0x2e: {  	[tilespmem:$0xBD60] =	vst v0  }
0x2f: {  	[tilespmem:$0xBD70] =	vst v0  }
0x30: {  	[tilespmem:$0xBD80] =	vst v0  }
0x31: {  	[tilespmem:$0xBD90] =	vst v0  }
0x32: {  	[tilespmem:$0xBDA0] =	vst v0  }
0x33: {  	[tilespmem:$0xBDB0] =	vst v0  }
0x34: {  	[tilespmem:$0xBDC0] =	vst v0  }
0x35: {  	[tilespmem:$0xBDD0] =	vst v0  }
0x36: {  	[tilespmem:$0xBDE0] =	vst v0  }
0x37: {  	[tilespmem:$0xBDF0] =	vst v0  }
0x38: {  	[tilespmem:$0xBE00] =	vst v0  }
0x39: {  	[tilespmem:$0xBE10] =	vst v0  }
0x3a: {  	[tilespmem:$0xBE20] =	vst v0  }
0x3b: {  	[tilespmem:$0xBE30] =	vst v0  }
0x3c: {  	[tilespmem:$0xBE40] =	vst v0  }
0x3d: {  	[tilespmem:$0xBE50] =	vst v0  }
0x3e: {  	[tilespmem:$0xBE60] =	vst v0  }
0x3f: {  	[tilespmem:$0xBE70] =	vst v0  }
0x40: {  	[tilespmem:$0xBE80] =	vst v0  }
0x41: {  	[tilespmem:$0xBE90] =	vst v0  }
0x42: {  	[tilespmem:$0xBEA0] =	vst v0  }
0x43: {  	[tilespmem:$0xBEB0] =	vst v0  }
0x44: {  	[tilespmem:$0xBEC0] =	vst v0  }
0x45: {  	[tilespmem:$0xBED0] =	vst v0  }
0x46: {  	[tilespmem:$0xBEE0] =	vst v0  }
0x47: {  	[tilespmem:$0xBEF0] =	vst v0  }
0x48: {  	[tilespmem:$0xBF00] =	vst v0  }
0x49: {  	[tilespmem:$0xBF10] =	vst v0  }
0x4a: {  	[tilespmem:$0xBF20] =	vst v0  }
0x4b: {  	[tilespmem:$0xBF30] =	vst v0  }
0x4c: {  	[tilespmem:$0xBF40] =	vst v0  }
0x4d: {  	[tilespmem:$0xBF50] =	vst v0  }
0x4e: {  	[tilespmem:$0xBF60] =	vst v0  }
0x4f: {  	[tilespmem:$0xBF70] =	vst v0  }
0x50: {  	[tilespmem:$0xBF80] =	vst v0  }
0x51: {  	[tilespmem:$0xBF90] =	vst v0  }
0x52: {  	[tilespmem:$0xBFA0] =	vst v0  }
0x53: {  	[tilespmem:$0xBFB0] =	vst v0  }
0x54: {  	[tilespmem:$0xBFC0] =	vst v0  }
0x55: {  	[tilespmem:$0xBFD0] =	vst v0  }
0x56: {  	[tilespmem:$0xBFE0] =	vst v0  }
0x57: {  	[tilespmem:$0xBFF0] =	vst v0;
	s1 =	sadd.s32 $0x0, s5  }
0x58: {  	[spmem:s1] =	stream.linear.scatter [tilespmem:s12], [sflag:$0x9], $0x400, $0x38;
	v63 =	vld [tilespmem:$0x0]  }
0x59: {  	s1 =	simm.s32 $0x1000;
	_ =	swait.ge [sflag:s13], $0x400  }
.LBB2_2:
0x5a: {  	s28 =	sshra.s32 s1, $0x2;
	[sflag:s13] =	ssyncset.done $0x0;
	p0 =	sne.s32 s1, $0x4F000  }
.Ltmp0:
0x5b: {  	s28 =	sadd.s32 s28, s5;
	[sflag:s13] =	ssyncadd.s32 $0xFFFFFC00;
	(pc) =	sbr.rel @p0 .LBB2_2-.Ltmp0, $3  }
0x5c: {  	[spmem:s28] =	stream.linear.scatter [tilespmem:s12], [sflag:$0x9], $0x400, $0x38;
	v63 =	vld [tilespmem:$0x0]  }
0x5d: {  	s1 =	sadd.s32 $0x1000, s1;
	_ =	sdelay $0x1  }
0x5e: {  	_ =	swait.ge [sflag:s13], $0x400  }
0x5f: {  	[sflag:s13] =	ssyncset.done $0x0  }
0x60: {  	[sflag:s13] =	ssyncadd.s32 $0xFFFFFC00  }
0x61: {  	[bflag:$0x0] =	sbarrier.arrive $0xFFFF  }
0x62: {  	s1 =	simm.s32 $0x0;
	s8 =	simm.s32 $0x400;
	s6 =	rddreg [dreg:$0x3]  }
0x63: {  	[tilespmem:s1], [sflag:$0x9] =	stream.strided.gather [hbm4b:s6+s14], $0x1400, s8, s14, $0x38;
	v63 =	vld [tilespmem:$0x0]  }
0x64: {  	_ =	swait.ge [sflag:s13], $0x1400  }
0x65: {  	[sflag:s13] =	ssyncset.done $0x0  }
0x66: {  	s8 =	rddreg [dreg:$0x4];
	[sflag:s13] =	ssyncadd.s32 $0xFFFFEC00  }
0x67: {  	[tilespmem:s16], [sflag:$0x9] =	stream.linear.gather [hbm4b:s8+s1], $0x2800, $0x38;
	v63 =	vld [tilespmem:$0x0]  }
0x68: {  	_ =	swait.ge [sflag:s13], $0x2800  }
0x69: {  	[sflag:s13] =	ssyncset.done $0x0  }
0x6a: {  	[sflag:s13] =	ssyncadd.s32 $0xFFFFD800  }
0x6b: {  	[tilespmem:s18], [sflag:$0x1] =	stream.indirect.gather [hbm4b:s4+s17], $0x80, s1, s17, $0xb8;
	v63 =	vld [tilespmem:$0x0]  }
0x6c: {  	_ = 	snop  }
0x6d: {  	[tilespmem:s19], [sflag:$0x2] =	stream.indirect.gather [hbm4b:s4+s17], $0x80, s17, s17, $0xb8;
	v63 =	vld [tilespmem:$0x0]  }
0x6e: {  	_ = 	snop  }
0x6f: {  	[tilespmem:s20], [sflag:$0x3] =	stream.indirect.gather [hbm4b:s4+s17], $0x80, s14, s17, $0xb8;
	v63 =	vld [tilespmem:$0x0]  }
0x70: {  	_ =	swait.ge [sflag:s21], $0x2000  }
0x71: {  	[sflag:s21] =	ssyncset.done $0x0  }
0x72: {  	[sflag:s21] =	ssyncadd.s32 $0xFFFFE000  }
0x73: {  	[spmem:s2] =	stream.indirect.scatter.add.f32 [tilespmem:s18], [sflag:$0x5], $0x80, s16, s17, $0xb8;
	v63 =	vld [tilespmem:$0x0]  }
0x74: {  	s8 =	simm.s32 $0xC0  }
0x75: {  	[tilespmem:s23], [sflag:$0x4] =	stream.indirect.gather [hbm4b:s4+s17], $0x80, s8, s17, $0xb8;
	v63 =	vld [tilespmem:$0x0]  }
0x76: {  	_ =	swait.ge [sflag:s24], $0x2000  }
0x77: {  	[sflag:s24] =	ssyncset.done $0x0  }
0x78: {  	s6 =	simm.s32 $0x1480;
	[sflag:s24] =	ssyncadd.s32 $0xFFFFE000  }
0x79: {  	[spmem:s2] =	stream.indirect.scatter.add.f32 [tilespmem:s19], [sflag:$0x6], $0x80, s6, s17, $0xb8;
	v63 =	vld [tilespmem:$0x0]  }
0x7a: {  	_ =	swait.ge [sflag:s26], $0x2000  }
0x7b: {  	[sflag:s26] =	ssyncset.done $0x0  }
0x7c: {  	s8 =	simm.s32 $0x100;
	[sflag:s26] =	ssyncadd.s32 $0xFFFFE000  }
0x7d: {  	[tilespmem:s18], [sflag:$0x1] =	stream.indirect.gather [hbm4b:s4+s17], $0x80, s8, s17, $0xb8;
	v63 =	vld [tilespmem:$0x0]  }
0x7e: {  	_ =	swait.ge [sflag:s29], $0x2000  }
0x7f: {  	[sflag:s29] =	ssyncset.done $0x0  }
0x80: {  	s6 =	simm.s32 $0x1500;
	[sflag:s29] =	ssyncadd.s32 $0xFFFFE000  }
0x81: {  	[spmem:s2] =	stream.indirect.scatter.add.f32 [tilespmem:s20], [sflag:$0x7], $0x80, s6, s17, $0xb8;
	v63 =	vld [tilespmem:$0x0]  }
0x82: {  	_ =	swait.ge [sflag:s31], $0x2000  }
0x83: {  	[sflag:s31] =	ssyncset.done $0x0  }
0x84: {  	s8 =	simm.s32 $0x140;
	[sflag:s31] =	ssyncadd.s32 $0xFFFFE000  }
0x85: {  	[tilespmem:s19], [sflag:$0x2] =	stream.indirect.gather [hbm4b:s4+s17], $0x80, s8, s17, $0xb8;
	v63 =	vld [tilespmem:$0x0]  }
0x86: {  	_ =	swait.ge [sflag:s0], $0x2000  }
0x87: {  	[sflag:s0] =	ssyncset.done $0x0  }
0x88: {  	s6 =	simm.s32 $0x1580;
	[sflag:s0] =	ssyncadd.s32 $0xFFFFE000  }
0x89: {  	[spmem:s2] =	stream.indirect.scatter.add.f32 [tilespmem:s23], [sflag:$0x8], $0x80, s6, s17, $0xb8;
	v63 =	vld [tilespmem:$0x0]  }
0x8a: {  	_ =	swait.ge [sflag:s15], $0x2000  }
0x8b: {  	[sflag:s15] =	ssyncset.done $0x0  }
0x8c: {  	s8 =	simm.s32 $0x180;
	[sflag:s15] =	ssyncadd.s32 $0xFFFFE000  }
0x8d: {  	[tilespmem:s20], [sflag:$0x3] =	stream.indirect.gather [hbm4b:s4+s17], $0x80, s8, s17, $0xb8;
	v63 =	vld [tilespmem:$0x0]  }
0x8e: {  	_ =	swait.ge [sflag:s21], $0x2000  }
0x8f: {  	[sflag:s21] =	ssyncset.done $0x0  }
0x90: {  	s6 =	simm.s32 $0x1600;
	[sflag:s21] =	ssyncadd.s32 $0xFFFFE000  }
0x91: {  	[spmem:s2] =	stream.indirect.scatter.add.f32 [tilespmem:s18], [sflag:$0x5], $0x80, s6, s17, $0xb8;
	v63 =	vld [tilespmem:$0x0]  }
0x92: {  	_ =	swait.ge [sflag:s7], $0x2000  }
0x93: {  	[sflag:s7] =	ssyncset.done $0x0  }
0x94: {  	s8 =	simm.s32 $0x1C0;
	[sflag:s7] =	ssyncadd.s32 $0xFFFFE000  }
0x95: {  	[tilespmem:s23], [sflag:$0x4] =	stream.indirect.gather [hbm4b:s4+s17], $0x80, s8, s17, $0xb8;
	v63 =	vld [tilespmem:$0x0]  }
0x96: {  	_ =	swait.ge [sflag:s24], $0x2000  }
0x97: {  	[sflag:s24] =	ssyncset.done $0x0  }
0x98: {  	s6 =	simm.s32 $0x1680;
	[sflag:s24] =	ssyncadd.s32 $0xFFFFE000  }
0x99: {  	[spmem:s2] =	stream.indirect.scatter.add.f32 [tilespmem:s19], [sflag:$0x6], $0x80, s6, s17, $0xb8;
	v63 =	vld [tilespmem:$0x0]  }
0x9a: {  	_ =	swait.ge [sflag:s26], $0x2000  }
0x9b: {  	[sflag:s26] =	ssyncset.done $0x0  }
0x9c: {  	s8 =	simm.s32 $0x200;
	[sflag:s26] =	ssyncadd.s32 $0xFFFFE000  }
0x9d: {  	[tilespmem:s18], [sflag:$0x1] =	stream.indirect.gather [hbm4b:s4+s17], $0x80, s8, s17, $0xb8;
	v63 =	vld [tilespmem:$0x0]  }
0x9e: {  	_ =	swait.ge [sflag:s29], $0x2000  }
0x9f: {  	[sflag:s29] =	ssyncset.done $0x0  }
0xa0: {  	s6 =	simm.s32 $0x1700;
	[sflag:s29] =	ssyncadd.s32 $0xFFFFE000  }
0xa1: {  	[spmem:s2] =	stream.indirect.scatter.add.f32 [tilespmem:s20], [sflag:$0x7], $0x80, s6, s17, $0xb8;
	v63 =	vld [tilespmem:$0x0]  }
0xa2: {  	_ =	swait.ge [sflag:s31], $0x2000  }
0xa3: {  	[sflag:s31] =	ssyncset.done $0x0  }
0xa4: {  	s8 =	simm.s32 $0x240;
	[sflag:s31] =	ssyncadd.s32 $0xFFFFE000  }
0xa5: {  	[tilespmem:s19], [sflag:$0x2] =	stream.indirect.gather [hbm4b:s4+s17], $0x80, s8, s17, $0xb8;
	v63 =	vld [tilespmem:$0x0]  }
0xa6: {  	_ =	swait.ge [sflag:s0], $0x2000  }
0xa7: {  	s28 =	simm.s32 $0x1780;
	[sflag:s0] =	ssyncset.done $0x0  }
0xa8: {  	s30 =	simm.s32 $0x400;
	s1 =	simm.s32 $0x1980;
	[sflag:s0] =	ssyncadd.s32 $0xFFFFE000  }
.LBB2_4:
0xa9: {  	[spmem:s2] =	stream.indirect.scatter.add.f32 [tilespmem:s23], [sflag:$0x8], $0x80, s28, s17, $0xb8;
	v63 =	vld [tilespmem:$0x0]  }
0xaa: {  	s6 =	smov.u32 s30;
	s28 =	smov.u32 s1  }
0xab: {  	p0 =	sne.s32 s30, $0x4400;
	s30 =	sadd.s32 $0x400, s30;
	_ =	swait.ge [sflag:s15], $0x2000  }
0xac: {  	s6 =	sshra.s32 s6, $0x2;
	[sflag:s15] =	ssyncset.done $0x0  }
0xad: {  	s8 =	sadd.s32 $0x180, s6;
	[sflag:s15] =	ssyncadd.s32 $0xFFFFE000  }
0xae: {  	[tilespmem:s20], [sflag:$0x3] =	stream.indirect.gather [hbm4b:s4+s17], $0x80, s8, s17, $0xb8;
	v63 =	vld [tilespmem:$0x0]  }
0xaf: {  	_ =	swait.ge [sflag:s21], $0x2000  }
0xb0: {  	[sflag:s21] =	ssyncset.done $0x0  }
0xb1: {  	s8 =	sadd.s32 $0xFFFFFE80, s1;
	[sflag:s21] =	ssyncadd.s32 $0xFFFFE000  }
0xb2: {  	[spmem:s2] =	stream.indirect.scatter.add.f32 [tilespmem:s18], [sflag:$0x5], $0x80, s8, s17, $0xb8;
	v63 =	vld [tilespmem:$0x0]  }
0xb3: {  	_ =	swait.ge [sflag:s7], $0x2000  }
0xb4: {  	[sflag:s7] =	ssyncset.done $0x0  }
0xb5: {  	s8 =	sadd.s32 $0x1C0, s6;
	[sflag:s7] =	ssyncadd.s32 $0xFFFFE000  }
0xb6: {  	[tilespmem:s23], [sflag:$0x4] =	stream.indirect.gather [hbm4b:s4+s17], $0x80, s8, s17, $0xb8;
	v63 =	vld [tilespmem:$0x0]  }
0xb7: {  	_ =	swait.ge [sflag:s24], $0x2000  }
0xb8: {  	[sflag:s24] =	ssyncset.done $0x0  }
0xb9: {  	s8 =	sadd.s32 $0xFFFFFF00, s1;
	[sflag:s24] =	ssyncadd.s32 $0xFFFFE000  }
0xba: {  	[spmem:s2] =	stream.indirect.scatter.add.f32 [tilespmem:s19], [sflag:$0x6], $0x80, s8, s17, $0xb8;
	v63 =	vld [tilespmem:$0x0]  }
0xbb: {  	_ =	swait.ge [sflag:s26], $0x2000  }
0xbc: {  	[sflag:s26] =	ssyncset.done $0x0  }
0xbd: {  	s8 =	sadd.s32 $0x200, s6;
	[sflag:s26] =	ssyncadd.s32 $0xFFFFE000  }
0xbe: {  	[tilespmem:s18], [sflag:$0x1] =	stream.indirect.gather [hbm4b:s4+s17], $0x80, s8, s17, $0xb8;
	v63 =	vld [tilespmem:$0x0]  }
0xbf: {  	_ =	swait.ge [sflag:s29], $0x2000  }
0xc0: {  	[sflag:s29] =	ssyncset.done $0x0  }
0xc1: {  	s8 =	sadd.s32 $0xFFFFFF80, s1;
	[sflag:s29] =	ssyncadd.s32 $0xFFFFE000  }
0xc2: {  	[spmem:s2] =	stream.indirect.scatter.add.f32 [tilespmem:s20], [sflag:$0x7], $0x80, s8, s17, $0xb8;
	v63 =	vld [tilespmem:$0x0]  }
0xc3: {  	_ =	swait.ge [sflag:s31], $0x2000  }
0xc4: {  	[sflag:s31] =	ssyncset.done $0x0  }
.Ltmp1:
0xc5: {  	s6 =	sadd.s32 $0x240, s6;
	[sflag:s31] =	ssyncadd.s32 $0xFFFFE000;
	(pc) =	sbr.rel @p0 .LBB2_4-.Ltmp1, $4  }
0xc6: {  	[tilespmem:s19], [sflag:$0x2] =	stream.indirect.gather [hbm4b:s4+s17], $0x80, s6, s17, $0xb8;
	v63 =	vld [tilespmem:$0x0]  }
0xc7: {  	_ =	swait.ge [sflag:s0], $0x2000  }
0xc8: {  	[sflag:s0] =	ssyncset.done $0x0  }
0xc9: {  	s1 =	sadd.s32 $0x200, s1;
	[sflag:s0] =	ssyncadd.s32 $0xFFFFE000  }
0xca: {  	[spmem:s2] =	stream.indirect.scatter.add.f32 [tilespmem:s23], [sflag:$0x8], $0x80, s28, s17, $0xb8;
	v63 =	vld [tilespmem:$0x0]  }
0xcb: {  	_ =	swait.ge [sflag:s15], $0x2000  }
0xcc: {  	[sflag:s15] =	ssyncset.done $0x0  }
0xcd: {  	s1 =	simm.s32 $0x1380;
	[sflag:s15] =	ssyncadd.s32 $0xFFFFE000  }
0xce: {  	[tilespmem:s20], [sflag:$0x3] =	stream.indirect.gather [hbm4b:s4+s17], $0x80, s1, s17, $0xb8;
	v63 =	vld [tilespmem:$0x0]  }
0xcf: {  	_ =	swait.ge [sflag:s21], $0x2000  }
0xd0: {  	[sflag:s21] =	ssyncset.done $0x0  }
0xd1: {  	[sflag:s21] =	ssyncadd.s32 $0xFFFFE000  }
0xd2: {  	[spmem:s2] =	stream.indirect.scatter.add.f32 [tilespmem:s18], [sflag:$0x5], $0x80, s9, s17, $0xb8;
	v63 =	vld [tilespmem:$0x0]  }
0xd3: {  	_ =	swait.ge [sflag:s7], $0x2000  }
0xd4: {  	[sflag:s7] =	ssyncset.done $0x0  }
0xd5: {  	[sflag:s7] =	ssyncadd.s32 $0xFFFFE000  }
0xd6: {  	[tilespmem:s23], [sflag:$0x4] =	stream.indirect.gather [hbm4b:s4+s17], $0x80, s10, s17, $0xb8;
	v63 =	vld [tilespmem:$0x0]  }
0xd7: {  	_ =	swait.ge [sflag:s24], $0x2000  }
0xd8: {  	[sflag:s24] =	ssyncset.done $0x0  }
0xd9: {  	[sflag:s24] =	ssyncadd.s32 $0xFFFFE000  }
0xda: {  	[spmem:s2] =	stream.indirect.scatter.add.f32 [tilespmem:s19], [sflag:$0x6], $0x80, s11, s17, $0xb8;
	v63 =	vld [tilespmem:$0x0]  }
0xdb: {  	_ =	swait.ge [sflag:s29], $0x2000  }
0xdc: {  	[sflag:s29] =	ssyncset.done $0x0  }
0xdd: {  	[sflag:s29] =	ssyncadd.s32 $0xFFFFE000  }
0xde: {  	[spmem:s2] =	stream.indirect.scatter.add.f32 [tilespmem:s20], [sflag:$0x7], $0x80, s22, s17, $0xb8;
	v63 =	vld [tilespmem:$0x0]  }
0xdf: {  	_ =	swait.ge [sflag:s0], $0x2000  }
0xe0: {  	[sflag:s0] =	ssyncset.done $0x0  }
0xe1: {  	[sflag:s0] =	ssyncadd.s32 $0xFFFFE000  }
0xe2: {  	[spmem:s2] =	stream.indirect.scatter.add.f32 [tilespmem:s23], [sflag:$0x8], $0x80, s25, s17, $0xb8;
	v63 =	vld [tilespmem:$0x0]  }
0xe3: {  	_ =	swait.ge [sflag:s26], $0x2000  }
0xe4: {  	[sflag:s26] =	ssyncset.done $0x0  }
0xe5: {  	[sflag:s26] =	ssyncadd.s32 $0xFFFFE000  }
0xe6: {  	_ =	swait.ge [sflag:s31], $0x2000  }
0xe7: {  	[sflag:s31] =	ssyncset.done $0x0  }
0xe8: {  	[sflag:s31] =	ssyncadd.s32 $0xFFFFE000  }
0xe9: {  	_ =	swait.ge [sflag:s15], $0x2000  }
0xea: {  	[sflag:s15] =	ssyncset.done $0x0  }
0xeb: {  	[sflag:s15] =	ssyncadd.s32 $0xFFFFE000  }
0xec: {  	_ =	swait.ge [sflag:s7], $0x2000  }
0xed: {  	s8 =	simm.s32 $0x400;
	[sflag:s7] =	ssyncset.done $0x0  }
0xee: {  	s1 =	simm.s32 $0x0;
	s6 =	rddreg [dreg:$0x5];
	[sflag:s7] =	ssyncadd.s32 $0xFFFFE000  }
0xef: {  	[tilespmem:s1], [sflag:$0x9] =	stream.strided.gather [hbm4b:s6+s14], $0x1400, s8, s14, $0x38;
	v63 =	vld [tilespmem:$0x0]  }
0xf0: {  	_ =	swait.ge [sflag:s13], $0x1400  }
0xf1: {  	[sflag:s13] =	ssyncset.done $0x0  }
0xf2: {  	s8 =	rddreg [dreg:$0x6];
	[sflag:s13] =	ssyncadd.s32 $0xFFFFEC00  }
0xf3: {  	[tilespmem:s16], [sflag:$0x9] =	stream.linear.gather [hbm4b:s8+s1], $0x2800, $0x38;
	v63 =	vld [tilespmem:$0x0]  }
0xf4: {  	_ =	swait.ge [sflag:s13], $0x2800  }
0xf5: {  	[sflag:s13] =	ssyncset.done $0x0  }
0xf6: {  	[sflag:s13] =	ssyncadd.s32 $0xFFFFD800  }
0xf7: {  	[tilespmem:s18], [sflag:$0x1] =	stream.indirect.gather [hbm4b:s4+s17], $0x80, s1, s17, $0xb8;
	v63 =	vld [tilespmem:$0x0]  }
0xf8: {  	_ = 	snop  }
0xf9: {  	[tilespmem:s19], [sflag:$0x2] =	stream.indirect.gather [hbm4b:s4+s17], $0x80, s17, s17, $0xb8;
	v63 =	vld [tilespmem:$0x0]  }
0xfa: {  	_ = 	snop  }
0xfb: {  	[tilespmem:s20], [sflag:$0x3] =	stream.indirect.gather [hbm4b:s4+s17], $0x80, s14, s17, $0xb8;
	v63 =	vld [tilespmem:$0x0]  }
0xfc: {  	_ =	swait.ge [sflag:s21], $0x2000  }
0xfd: {  	[sflag:s21] =	ssyncset.done $0x0  }
0xfe: {  	[sflag:s21] =	ssyncadd.s32 $0xFFFFE000  }
0xff: {  	[spmem:s2] =	stream.indirect.scatter.add.f32 [tilespmem:s18], [sflag:$0x5], $0x80, s16, s17, $0xb8;
	v63 =	vld [tilespmem:$0x0]  }
0x100: {  	s8 =	simm.s32 $0xC0  }
0x101: {  	[tilespmem:s23], [sflag:$0x4] =	stream.indirect.gather [hbm4b:s4+s17], $0x80, s8, s17, $0xb8;
	v63 =	vld [tilespmem:$0x0]  }
0x102: {  	_ =	swait.ge [sflag:s24], $0x2000  }
0x103: {  	[sflag:s24] =	ssyncset.done $0x0  }
0x104: {  	s6 =	simm.s32 $0x1480;
	[sflag:s24] =	ssyncadd.s32 $0xFFFFE000  }
0x105: {  	[spmem:s2] =	stream.indirect.scatter.add.f32 [tilespmem:s19], [sflag:$0x6], $0x80, s6, s17, $0xb8;
	v63 =	vld [tilespmem:$0x0]  }
0x106: {  	_ =	swait.ge [sflag:s26], $0x2000  }
0x107: {  	[sflag:s26] =	ssyncset.done $0x0  }
0x108: {  	s8 =	simm.s32 $0x100;
	[sflag:s26] =	ssyncadd.s32 $0xFFFFE000  }
0x109: {  	[tilespmem:s18], [sflag:$0x1] =	stream.indirect.gather [hbm4b:s4+s17], $0x80, s8, s17, $0xb8;
	v63 =	vld [tilespmem:$0x0]  }
0x10a: {  	_ =	swait.ge [sflag:s29], $0x2000  }
0x10b: {  	[sflag:s29] =	ssyncset.done $0x0  }
0x10c: {  	s6 =	simm.s32 $0x1500;
	[sflag:s29] =	ssyncadd.s32 $0xFFFFE000  }
0x10d: {  	[spmem:s2] =	stream.indirect.scatter.add.f32 [tilespmem:s20], [sflag:$0x7], $0x80, s6, s17, $0xb8;
	v63 =	vld [tilespmem:$0x0]  }
0x10e: {  	_ =	swait.ge [sflag:s31], $0x2000  }
0x10f: {  	[sflag:s31] =	ssyncset.done $0x0  }
0x110: {  	s8 =	simm.s32 $0x140;
	[sflag:s31] =	ssyncadd.s32 $0xFFFFE000  }
0x111: {  	[tilespmem:s19], [sflag:$0x2] =	stream.indirect.gather [hbm4b:s4+s17], $0x80, s8, s17, $0xb8;
	v63 =	vld [tilespmem:$0x0]  }
0x112: {  	_ =	swait.ge [sflag:s0], $0x2000  }
0x113: {  	[sflag:s0] =	ssyncset.done $0x0  }
0x114: {  	s6 =	simm.s32 $0x1580;
	[sflag:s0] =	ssyncadd.s32 $0xFFFFE000  }
0x115: {  	[spmem:s2] =	stream.indirect.scatter.add.f32 [tilespmem:s23], [sflag:$0x8], $0x80, s6, s17, $0xb8;
	v63 =	vld [tilespmem:$0x0]  }
0x116: {  	_ =	swait.ge [sflag:s15], $0x2000  }
0x117: {  	[sflag:s15] =	ssyncset.done $0x0  }
0x118: {  	s8 =	simm.s32 $0x180;
	[sflag:s15] =	ssyncadd.s32 $0xFFFFE000  }
0x119: {  	[tilespmem:s20], [sflag:$0x3] =	stream.indirect.gather [hbm4b:s4+s17], $0x80, s8, s17, $0xb8;
	v63 =	vld [tilespmem:$0x0]  }
0x11a: {  	_ =	swait.ge [sflag:s21], $0x2000  }
0x11b: {  	[sflag:s21] =	ssyncset.done $0x0  }
0x11c: {  	s6 =	simm.s32 $0x1600;
	[sflag:s21] =	ssyncadd.s32 $0xFFFFE000  }
0x11d: {  	[spmem:s2] =	stream.indirect.scatter.add.f32 [tilespmem:s18], [sflag:$0x5], $0x80, s6, s17, $0xb8;
	v63 =	vld [tilespmem:$0x0]  }
0x11e: {  	_ =	swait.ge [sflag:s7], $0x2000  }
0x11f: {  	[sflag:s7] =	ssyncset.done $0x0  }
0x120: {  	s8 =	simm.s32 $0x1C0;
	[sflag:s7] =	ssyncadd.s32 $0xFFFFE000  }
0x121: {  	[tilespmem:s23], [sflag:$0x4] =	stream.indirect.gather [hbm4b:s4+s17], $0x80, s8, s17, $0xb8;
	v63 =	vld [tilespmem:$0x0]  }
0x122: {  	_ =	swait.ge [sflag:s24], $0x2000  }
0x123: {  	[sflag:s24] =	ssyncset.done $0x0  }
0x124: {  	s6 =	simm.s32 $0x1680;
	[sflag:s24] =	ssyncadd.s32 $0xFFFFE000  }
0x125: {  	[spmem:s2] =	stream.indirect.scatter.add.f32 [tilespmem:s19], [sflag:$0x6], $0x80, s6, s17, $0xb8;
	v63 =	vld [tilespmem:$0x0]  }
0x126: {  	_ =	swait.ge [sflag:s26], $0x2000  }
0x127: {  	[sflag:s26] =	ssyncset.done $0x0  }
0x128: {  	s8 =	simm.s32 $0x200;
	[sflag:s26] =	ssyncadd.s32 $0xFFFFE000  }
0x129: {  	[tilespmem:s18], [sflag:$0x1] =	stream.indirect.gather [hbm4b:s4+s17], $0x80, s8, s17, $0xb8;
	v63 =	vld [tilespmem:$0x0]  }
0x12a: {  	_ =	swait.ge [sflag:s29], $0x2000  }
0x12b: {  	[sflag:s29] =	ssyncset.done $0x0  }
0x12c: {  	s6 =	simm.s32 $0x1700;
	[sflag:s29] =	ssyncadd.s32 $0xFFFFE000  }
0x12d: {  	[spmem:s2] =	stream.indirect.scatter.add.f32 [tilespmem:s20], [sflag:$0x7], $0x80, s6, s17, $0xb8;
	v63 =	vld [tilespmem:$0x0]  }
0x12e: {  	_ =	swait.ge [sflag:s31], $0x2000  }
0x12f: {  	[sflag:s31] =	ssyncset.done $0x0  }
0x130: {  	s8 =	simm.s32 $0x240;
	[sflag:s31] =	ssyncadd.s32 $0xFFFFE000  }
0x131: {  	[tilespmem:s19], [sflag:$0x2] =	stream.indirect.gather [hbm4b:s4+s17], $0x80, s8, s17, $0xb8;
	v63 =	vld [tilespmem:$0x0]  }
0x132: {  	_ =	swait.ge [sflag:s0], $0x2000  }
0x133: {  	s28 =	simm.s32 $0x1780;
	[sflag:s0] =	ssyncset.done $0x0  }
0x134: {  	s30 =	simm.s32 $0x400;
	s1 =	simm.s32 $0x1980;
	[sflag:s0] =	ssyncadd.s32 $0xFFFFE000  }
.LBB2_6:
0x135: {  	[spmem:s2] =	stream.indirect.scatter.add.f32 [tilespmem:s23], [sflag:$0x8], $0x80, s28, s17, $0xb8;
	v63 =	vld [tilespmem:$0x0]  }
0x136: {  	s6 =	smov.u32 s30;
	s28 =	smov.u32 s1  }
0x137: {  	p0 =	sne.s32 s30, $0x4400;
	s30 =	sadd.s32 $0x400, s30;
	_ =	swait.ge [sflag:s15], $0x2000  }
0x138: {  	s6 =	sshra.s32 s6, $0x2;
	[sflag:s15] =	ssyncset.done $0x0  }
0x139: {  	s8 =	sadd.s32 $0x180, s6;
	[sflag:s15] =	ssyncadd.s32 $0xFFFFE000  }
0x13a: {  	[tilespmem:s20], [sflag:$0x3] =	stream.indirect.gather [hbm4b:s4+s17], $0x80, s8, s17, $0xb8;
	v63 =	vld [tilespmem:$0x0]  }
0x13b: {  	_ =	swait.ge [sflag:s21], $0x2000  }
0x13c: {  	[sflag:s21] =	ssyncset.done $0x0  }
0x13d: {  	s8 =	sadd.s32 $0xFFFFFE80, s1;
	[sflag:s21] =	ssyncadd.s32 $0xFFFFE000  }
0x13e: {  	[spmem:s2] =	stream.indirect.scatter.add.f32 [tilespmem:s18], [sflag:$0x5], $0x80, s8, s17, $0xb8;
	v63 =	vld [tilespmem:$0x0]  }
0x13f: {  	_ =	swait.ge [sflag:s7], $0x2000  }
0x140: {  	[sflag:s7] =	ssyncset.done $0x0  }
0x141: {  	s8 =	sadd.s32 $0x1C0, s6;
	[sflag:s7] =	ssyncadd.s32 $0xFFFFE000  }
0x142: {  	[tilespmem:s23], [sflag:$0x4] =	stream.indirect.gather [hbm4b:s4+s17], $0x80, s8, s17, $0xb8;
	v63 =	vld [tilespmem:$0x0]  }
0x143: {  	_ =	swait.ge [sflag:s24], $0x2000  }
0x144: {  	[sflag:s24] =	ssyncset.done $0x0  }
0x145: {  	s8 =	sadd.s32 $0xFFFFFF00, s1;
	[sflag:s24] =	ssyncadd.s32 $0xFFFFE000  }
0x146: {  	[spmem:s2] =	stream.indirect.scatter.add.f32 [tilespmem:s19], [sflag:$0x6], $0x80, s8, s17, $0xb8;
	v63 =	vld [tilespmem:$0x0]  }
0x147: {  	_ =	swait.ge [sflag:s26], $0x2000  }
0x148: {  	[sflag:s26] =	ssyncset.done $0x0  }
0x149: {  	s8 =	sadd.s32 $0x200, s6;
	[sflag:s26] =	ssyncadd.s32 $0xFFFFE000  }
0x14a: {  	[tilespmem:s18], [sflag:$0x1] =	stream.indirect.gather [hbm4b:s4+s17], $0x80, s8, s17, $0xb8;
	v63 =	vld [tilespmem:$0x0]  }
0x14b: {  	_ =	swait.ge [sflag:s29], $0x2000  }
0x14c: {  	[sflag:s29] =	ssyncset.done $0x0  }
0x14d: {  	s8 =	sadd.s32 $0xFFFFFF80, s1;
	[sflag:s29] =	ssyncadd.s32 $0xFFFFE000  }
0x14e: {  	[spmem:s2] =	stream.indirect.scatter.add.f32 [tilespmem:s20], [sflag:$0x7], $0x80, s8, s17, $0xb8;
	v63 =	vld [tilespmem:$0x0]  }
0x14f: {  	_ =	swait.ge [sflag:s31], $0x2000  }
0x150: {  	[sflag:s31] =	ssyncset.done $0x0  }
.Ltmp2:
0x151: {  	s6 =	sadd.s32 $0x240, s6;
	[sflag:s31] =	ssyncadd.s32 $0xFFFFE000;
	(pc) =	sbr.rel @p0 .LBB2_6-.Ltmp2, $4  }
0x152: {  	[tilespmem:s19], [sflag:$0x2] =	stream.indirect.gather [hbm4b:s4+s17], $0x80, s6, s17, $0xb8;
	v63 =	vld [tilespmem:$0x0]  }
0x153: {  	_ =	swait.ge [sflag:s0], $0x2000  }
0x154: {  	[sflag:s0] =	ssyncset.done $0x0  }
0x155: {  	s1 =	sadd.s32 $0x200, s1;
	[sflag:s0] =	ssyncadd.s32 $0xFFFFE000  }
0x156: {  	[spmem:s2] =	stream.indirect.scatter.add.f32 [tilespmem:s23], [sflag:$0x8], $0x80, s28, s17, $0xb8;
	v63 =	vld [tilespmem:$0x0]  }
0x157: {  	_ =	swait.ge [sflag:s15], $0x2000  }
0x158: {  	[sflag:s15] =	ssyncset.done $0x0  }
0x159: {  	s1 =	simm.s32 $0x1380;
	[sflag:s15] =	ssyncadd.s32 $0xFFFFE000  }
0x15a: {  	[tilespmem:s20], [sflag:$0x3] =	stream.indirect.gather [hbm4b:s4+s17], $0x80, s1, s17, $0xb8;
	v63 =	vld [tilespmem:$0x0]  }
0x15b: {  	_ =	swait.ge [sflag:s21], $0x2000  }
0x15c: {  	[sflag:s21] =	ssyncset.done $0x0  }
0x15d: {  	[sflag:s21] =	ssyncadd.s32 $0xFFFFE000  }
0x15e: {  	[spmem:s2] =	stream.indirect.scatter.add.f32 [tilespmem:s18], [sflag:$0x5], $0x80, s9, s17, $0xb8;
	v63 =	vld [tilespmem:$0x0]  }
0x15f: {  	_ =	swait.ge [sflag:s7], $0x2000  }
0x160: {  	[sflag:s7] =	ssyncset.done $0x0  }
0x161: {  	[sflag:s7] =	ssyncadd.s32 $0xFFFFE000  }
0x162: {  	[tilespmem:s23], [sflag:$0x4] =	stream.indirect.gather [hbm4b:s4+s17], $0x80, s10, s17, $0xb8;
	v63 =	vld [tilespmem:$0x0]  }
0x163: {  	_ =	swait.ge [sflag:s24], $0x2000  }
0x164: {  	[sflag:s24] =	ssyncset.done $0x0  }
0x165: {  	[sflag:s24] =	ssyncadd.s32 $0xFFFFE000  }
0x166: {  	[spmem:s2] =	stream.indirect.scatter.add.f32 [tilespmem:s19], [sflag:$0x6], $0x80, s11, s17, $0xb8;
	v63 =	vld [tilespmem:$0x0]  }
0x167: {  	_ =	swait.ge [sflag:s29], $0x2000  }
0x168: {  	[sflag:s29] =	ssyncset.done $0x0  }
0x169: {  	[sflag:s29] =	ssyncadd.s32 $0xFFFFE000  }
0x16a: {  	[spmem:s2] =	stream.indirect.scatter.add.f32 [tilespmem:s20], [sflag:$0x7], $0x80, s22, s17, $0xb8;
	v63 =	vld [tilespmem:$0x0]  }
0x16b: {  	_ =	swait.ge [sflag:s0], $0x2000  }
0x16c: {  	[sflag:s0] =	ssyncset.done $0x0  }
0x16d: {  	[sflag:s0] =	ssyncadd.s32 $0xFFFFE000  }
0x16e: {  	[spmem:s2] =	stream.indirect.scatter.add.f32 [tilespmem:s23], [sflag:$0x8], $0x80, s25, s17, $0xb8;
	v63 =	vld [tilespmem:$0x0]  }
0x16f: {  	_ =	swait.ge [sflag:s26], $0x2000  }
0x170: {  	[sflag:s26] =	ssyncset.done $0x0  }
0x171: {  	[sflag:s26] =	ssyncadd.s32 $0xFFFFE000  }
0x172: {  	_ =	swait.ge [sflag:s31], $0x2000  }
0x173: {  	[sflag:s31] =	ssyncset.done $0x0  }
0x174: {  	[sflag:s31] =	ssyncadd.s32 $0xFFFFE000  }
0x175: {  	_ =	swait.ge [sflag:s15], $0x2000  }
0x176: {  	[sflag:s15] =	ssyncset.done $0x0  }
0x177: {  	[sflag:s15] =	ssyncadd.s32 $0xFFFFE000  }
0x178: {  	_ =	swait.ge [sflag:s7], $0x2000  }
0x179: {  	[sflag:s7] =	ssyncset.done $0x0  }
0x17a: {  	s28 =	stileid.u32;
	[sflag:s7] =	ssyncadd.s32 $0xFFFFE000  }
0x17b: {  	s1 =	sshll.u32 s28, $0x6;
	[bflag:$0x0] =	sbarrier.arrive $0xFFFF  }
0x17c: {  	s6 =	sshrl.u32 s5, $0x3;
	s1 =	sor.u32 $0x1C09, s1;
	s8 =	rddreg [dreg:$0x7]  }
0x17d: {  	[hbm:s8], [sflag:s1] =	dma.local [spmem:s6], $0x2800  }
0x17e: {  	_ =	swait.ge [sflag:s13], $0x2800  }
0x17f: {  	s3 =	sadd.s32 $0x1, s3;
	s30 =	rddreg [dreg:$0x8]  }
0x180: {  	p0 =	sne.s32 s3, s30  }
.Ltmp3:
0x181: {  	_ = 	snop;
	(pc) =	sbr.rel @p0 .LBB2_1-.Ltmp3, $3  }
0x182: {  	_ =	sdelay $0x1  }
0x183: {  	[sflag:s13] =	ssyncset.done $0x0  }
0x184: {  	[sflag:s13] =	ssyncadd.s32 $0xFFFFD800  }
0x185: {  	_ =	sfence.sel $0x180000  }
0x186: {  	[bflag:$0x0] =	sbarrier.arrive $0xFFFF  }
0x187: {  	_ =	strace $0x9000004D  }
0x188: {  	s0 =	stileid.u32;
	[bflag:$0x2] =	sbarrier.arrive $0xFFFF  }
0x189: {  	p0 =	sne.s32 s0, $0x0;
	s0 =	rddreg [dreg:$0x2]  }
0x18a: {  	s0 =	sadd.s32 @!p0 $0x100000, s0  }
0x18b: {  	[sflag:s0] =	ssyncadd.tile.s32 @!p0 $0x1;
	_ =	shalt  }
.Lfunc_end2:
_tile_overlayer_lowered:
.L_overlay_start_2:
0x18c: {  	(tag) =	ssettag $0x2  }
0x18d: {  	s0 =	rddreg [dreg:$0x0];
	s2 =	stileid.u32  }
0x18e: {  	s1 =	rddreg [dreg:$0x1];
	p0 =	sne.s32 s2, $0x0  }
0x18f: {  	s3 =	rddreg [dreg:$0x2];
	[bflag:$0x3] =	sbarrier.arrive $0xFFFF;
	s2 =	simm.s32 @!p0 $0x1C09  }
0x190: {  	[timem:s3], [sflag:s2] =	dma.local @!p0 [hbm:s0], s1  }
0x191: {  	s0 =	simm.s32 @!p0 $0x9  }
0x192: {  	_ =	swait.ge @!p0 [sflag:s0], s1  }
0x193: {  	s1 =	ssub.s32 @!p0 $0x0, s1;
	[sflag:s0] =	ssyncset.done @!p0 $0x0  }
0x194: {  	[sflag:s0] =	ssyncadd.s32 @!p0 s1  }
0x195: {  	[bflag:$0x3] =	sbarrier.arrive $0xFFFF  }
0x196: {  	_ =	shalt  }

// kernel: kernel.8.cloned.1.call-start
scs
__scs_entry_jumppad:
0x0: {  	(pc) =	sbr.rel $0x88, $3  }
0x1: {  	(tag) =	ssettag $0x0;
	lr =	simm.s32 $0x1  }
0x2: {  	[smem:$0x3F99] =	sst lr;
	_ =	strace $0xD0000000  }
0x3: {  	_ = 	snop  }
0x4: {  	_ = 	snop  }
0x5: {  	_ = 	snop  }
0x6: {  	_ = 	snop  }
0x7: {  	_ = 	snop  }
__scs_overlays_trampoline_lowered:
0x8: {  	[smem:$0x3FA8] =	sst s0  }
0x9: {  	[smem:$0x3FA9] =	sst s1  }
0xa: {  	[smem:$0x3FAA] =	sst s2  }
0xb: {  	[smem:$0x3FAB] =	sst s3  }
0xc: {  	[smem:$0x3FAC] =	sst s4  }
0xd: {  	[smem:$0x3FAD] =	sst s5  }
0xe: {  	[smem:$0x3FAE] =	sst s6  }
0xf: {  	[smem:$0x3FAF] =	sst s7  }
0x10: {  	[smem:$0x3FB0] =	sst s8  }
0x11: {  	[smem:$0x3FB1] =	sst s9;
	s0 =	simm.s32 @!p0 $0x0  }
0x12: {  	s1 =	sld [smem:$0x3F97];
	s0 =	simm.s32 @p0 $0x1  }
0x13: {  	[smem:$0x3FB2] =	sst s0;
	s0 =	simm.s32 @!p1 $0x0  }
0x14: {  	s2 =	sld [smem:$0x3F96];
	s0 =	simm.s32 @p1 $0x1  }
0x15: {  	[smem:$0x3FB3] =	sst s0;
	s0 =	simm.s32 @!p2 $0x0  }
0x16: {  	s3 =	sld [smem:$0x3FDB];
	s0 =	simm.s32 @p2 $0x1  }
0x17: {  	s4 =	simm.s32 $0x1BF5;
	[smem:$0x3FB5] =	sst s0  }
0x18: {  	s0 =	sld [smem:$0x3F98];
	_ =	swait.ge [sflag:s4], $0x0  }
0x19: {  	s7 =	sld [smem:$0x3F99]  }
0x1a: {  	s8 =	sadd.s32 $0xFFFFE003, lr  }
0x1b: {  	s9 =	sadd.s32 $0xFFFFFEF7, lr;
	s5 =	simm.s32 $0xFFFFFFFF;
	p2 =	slt.u32 s8, $0xFFFFF086  }
0x1c: {  	p1 =	slt.u32 s9, $0xF7A;
	s5 =	simm.s32 @!p2 $0x0  }
0x1d: {  	s5 =	simm.s32 @p1 $0x1;
	p0 =	seq.s32 s7, s2  }
0x1e: {  	s7 =	smul.u32 @!p0 $0xF7A, s2;
	p2 =	seq.s32 @!p0 s5, $0x0  }
0x1f: {  	s9 =	smul.u32 $0xF7A, s1;
	s8 =	simm.s32 @!p0 $0x1BF5;
	p2 =	por !p2, p0  }
0x20: {  	[sflag:s8] =	ssyncset.s32 @!p0 $0xFFFFF086;
	s6 =	sadd.s32 @!p0 s3, s7;
	s7 =	simm.s32 @!p0 $0x108  }
0x21: {  	s3 =	sadd.s32 s3, s9;
	s6 =	sadd.s32 @!p0 $0x88, s6;
	s7 =	simm.s32 @p2 $0x1082  }
0x22: {  	[simem:s7], [sflag:s8] =	dma.local @!p0 [hbm:s6], $0xF7A  }
0x23: {  	s9 =	sor.u32 $0xD0000000, s2;
	s6 =	simm.s32 $0x108;
	_ =	swait.ge @!p0 [sflag:s8], $0x0  }
0x24: {  	s3 =	sadd.s32 $0x88, s3;
	s6 =	simm.s32 @!p1 $0x1082;
	[sflag:s4] =	ssyncset.s32 $0xFFFFF086  }
0x25: {  	[simem:s6], [sflag:s4] =	dma.local [hbm:s3], $0xF7A  }
0x26: {  	[smem:$0x3F99] =	sst s1;
	(tag) =	ssettag s2;
	_ =	strace s9  }
0x27: {  	s1 =	sld [smem:$0x3FA9]  }
0x28: {  	s2 =	sld [smem:$0x3FAA]  }
0x29: {  	s4 =	sld [smem:$0x3FAC]  }
0x2a: {  	p0 =	seq.s32 s5, $0x0;
	s5 =	sld [smem:$0x3FAD]  }
0x2b: {  	s6 =	sld [smem:$0x3FAE]  }
0x2c: {  	s7 =	sld [smem:$0x3FAF]  }
0x2d: {  	s3 =	simm.s32 $0x108;
	s8 =	sld [smem:$0x3FB0]  }
0x2e: {  	s3 =	simm.s32 @!p0 $0x1082;
	s9 =	sld [smem:$0x3FB1]  }
0x2f: {  	lr =	sadd.s32 s0, s3;
	s0 =	sld [smem:$0x3FA8]  }
0x30: {  	s3 =	sld [smem:$0x3FAB]  }
0x31: {  	[smem:$0x3FB4] =	sst s10  }
0x32: {  	s10 =	sld [smem:$0x3FB2];
	_ =	sdelay $0x3  }
0x33: {  	p0 =	seq.s32 s10, $0x1;
	s10 =	sld [smem:$0x3FB4];
	_ =	sdelay $0x3  }
0x34: {  	[smem:$0x3FB4] =	sst s10  }
0x35: {  	s10 =	sld [smem:$0x3FB3];
	_ =	sdelay $0x3  }
0x36: {  	p1 =	seq.s32 s10, $0x1;
	s10 =	sld [smem:$0x3FB4];
	_ =	sdelay $0x3  }
0x37: {  	[smem:$0x3FB4] =	sst s10  }
0x38: {  	s10 =	sld [smem:$0x3FB5]  }
0x39: {  	_ = 	snop;
	(pc) =	sbr.ind lr, $3  }
0x3a: {  	_ = 	snop  }
0x3b: {  	_ = 	snop  }
0x3c: {  	p2 =	seq.s32 s10, $0x1;
	s10 =	sld [smem:$0x3FB4]  }
0x3d: {  	_ =	shalt  }
0x3e: {  	_ =	shalt  }
0x3f: {  	_ =	shalt  }
0x40: {  	_ =	shalt  }
0x41: {  	_ =	shalt  }
0x42: {  	_ =	shalt  }
0x43: {  	_ =	shalt  }
0x44: {  	_ =	shalt  }
0x45: {  	_ =	shalt  }
0x46: {  	_ =	shalt  }
0x47: {  	_ =	shalt  }
0x48: {  	_ =	shalt  }
0x49: {  	_ =	shalt  }
0x4a: {  	_ =	shalt  }
0x4b: {  	_ =	shalt  }
0x4c: {  	_ =	shalt  }
0x4d: {  	_ =	shalt  }
0x4e: {  	_ =	shalt  }
0x4f: {  	_ =	shalt  }
0x50: {  	_ =	shalt  }
0x51: {  	_ =	shalt  }
0x52: {  	_ =	shalt  }
0x53: {  	_ =	shalt  }
0x54: {  	_ =	shalt  }
0x55: {  	_ =	shalt  }
0x56: {  	_ =	shalt  }
0x57: {  	_ =	shalt  }
0x58: {  	_ =	shalt  }
0x59: {  	_ =	shalt  }
0x5a: {  	_ =	shalt  }
0x5b: {  	_ =	shalt  }
0x5c: {  	_ =	shalt  }
0x5d: {  	_ =	shalt  }
0x5e: {  	_ =	shalt  }
0x5f: {  	_ =	shalt  }
0x60: {  	_ =	shalt  }
0x61: {  	_ =	shalt  }
0x62: {  	_ =	shalt  }
0x63: {  	_ =	shalt  }
0x64: {  	_ =	shalt  }
0x65: {  	_ =	shalt  }
0x66: {  	_ =	shalt  }
0x67: {  	_ =	shalt  }
0x68: {  	_ =	shalt  }
0x69: {  	_ =	shalt  }
0x6a: {  	_ =	shalt  }
0x6b: {  	_ =	shalt  }
0x6c: {  	_ =	shalt  }
0x6d: {  	_ =	shalt  }
0x6e: {  	_ =	shalt  }
0x6f: {  	_ =	shalt  }
0x70: {  	_ =	shalt  }
0x71: {  	_ =	shalt  }
0x72: {  	_ =	shalt  }
0x73: {  	_ =	shalt  }
0x74: {  	_ =	shalt  }
0x75: {  	_ =	shalt  }
0x76: {  	_ =	shalt  }
0x77: {  	_ =	shalt  }
0x78: {  	_ =	shalt  }
0x79: {  	_ =	shalt  }
0x7a: {  	_ =	shalt  }
0x7b: {  	_ =	shalt  }
0x7c: {  	_ =	shalt  }
0x7d: {  	_ =	shalt  }
0x7e: {  	_ =	shalt  }
0x7f: {  	_ =	shalt  }
0x80: {  	_ =	shalt  }
0x81: {  	_ =	shalt  }
0x82: {  	_ =	shalt  }
0x83: {  	_ =	shalt  }
0x84: {  	_ =	shalt  }
0x85: {  	_ =	shalt  }
0x86: {  	_ =	shalt  }
0x87: {  	_ =	shalt  }
.Lfunc_end0:
.L_simem_size_0:
called_computation_lowered:
.L_overlay_start_0:
0x88: {  	s2 =	sld [smem:$0x3FD9]  }
0x89: {  	s3 =	sld [smem:$0x3FFE];
	_ =	sdelay $0x1  }
0x8a: {  	s1 =	srdreg.scid  }
0x8b: {  	s0 =	sand.u32 $0x1, s1  }
0x8c: {  	s16 =	sshll.u32 s0, $0xA;
	s2 =	sadd.s32 s3, s2  }
0x8d: {  	s2 =	sadd.s32 s2, s16  }
0x8e: {  	[smem:$0x3FC0] =	sst s2  }
0x8f: {  	_ = 	snop  }
0x90: {  	(tm) =	ssettm $0x1  }
0x91: {  	s17 =	sld [smem:$0x3FFB];
	_ =	sdelay $0x3  }
0x92: {  	_ =	strace s17  }
0x93: {  	s2 =	sld [smem:$0x3FFC];
	_ =	sdelay $0x3  }
0x94: {  	_ =	strace s2  }
0x95: {  	s2 =	sld [smem:$0x3FFD];
	_ =	sdelay $0x3  }
0x96: {  	_ =	strace s2  }
0x97: {  	_ =	strace $0x8FFFFFFF  }
0x98: {  	s18 =	sld [smem:$0x3FDB];
	_ =	sdelay $0x1  }
0x99: {  	s19 =	simm.s32 $_scs_section_size  }
0x9a: {  	s4 =	simm.s32 $_size__tile_overlayer_lowered;
	s5 =	simm.s32 $_tile_overlayer_lowered  }
0x9b: {  	s22 =	simm.s32 $0x1BFF;
	s21 =	sshll.u32 s5, $0x1;
	s2 =	sadd.s32 s19, s18  }
0x9c: {  	s6 =	simm.s32 $0x0;
	s20 =	sshll.u32 s4, $0x1;
	s4 =	sadd.s32 s21, s2  }
0x9d: {  	[timem:s6], [sflag:s22] =	dma.local [hbm:s4], s20  }
0x9e: {  	_ =	swait.ge [sflag:s22], s20  }
0x9f: {  	s3 =	ssub.s32 $0x0, s20;
	[sflag:s22] =	ssyncset.done $0x0  }
0xa0: {  	[sflag:s22] =	ssyncadd.s32 s3;
	_ =	sdelay $0x1  }
0xa1: {  	s23 =	simm.s32 $0x1B8B  }
0xa2: {  	_ =	swait.ge [sflag:s23], $0x1  }
0xa3: {  	[sflag:s23] =	ssyncset.done $0x0  }
0xa4: {  	s25 =	simm.s32 $0x1B8E;
	s24 =	sld [smem:$0x3FFE];
	[sflag:s23] =	ssyncadd.s32 $0xFFFFFFFF  }
0xa5: {  	s26 =	simm.s32 $execute0_lowered;
	[smem:$0x3FD2] =	sst s25  }
0xa6: {  	s4 =	sshll.u32 s26, $0x1;
	_ =	strace $0x80000046;
	[dreg:$0x1] =	wrdreg $0xFFFFFFFF  }
0xa7: {  	s28 =	simm.s32 $_size_execute0_lowered;
	s2 =	sadd.s32 s2, s4;
	[dreg:$0x0] =	wrdreg $0x0  }
0xa8: {  	s4 =	sshll.u32 s28, $0x1;
	[dreg:$0x2] =	wrdreg s2  }
0xa9: {  	[dreg:$0x3] =	wrdreg s4  }
0xaa: {  	[dreg:$0x4] =	wrdreg $0xC0  }
0xab: {  	_ =	task [dreg:s6], $0x5FFFF  }
0xac: {  	[dreg:$0x1] =	wrdreg $0xFFFFFFFF  }
0xad: {  	[dreg:$0x0] =	wrdreg $0x60  }
0xae: {  	[dreg:$0x2] =	wrdreg s24  }
0xaf: {  	[dreg:$0x3] =	wrdreg $0x53000  }
0xb0: {  	[dreg:$0x4] =	wrdreg $0x55800  }
0xb1: {  	[dreg:$0x5] =	wrdreg $0x9  }
0xb2: {  	_ =	task.clear_ibuf [dreg:s6], $0x6FFFF;
	_ =	strace $0x90000046  }
0xb3: {  	s29 =	simm.s32 $0x9;
	_ =	strace $0x80000048  }
0xb4: {  	_ =	swait.ge [sflag:s29], $0x1  }
0xb5: {  	[sflag:s29] =	ssyncadd.s32 $0xFFFFFFFF  }
0xb6: {  	_ =	strace $0x90000048  }
0xb7: {  	_ =	sfence  }
0xb8: {  	s30 =	sld [smem:$0x0];
	_ =	sdelay $0x2  }
0xb9: {  	s31 =	sshll.u32 s1, $0xD;
	s1 =	sshrl.u32 s1, $0x2  }
0xba: {  	s3 =	sand.u32 $0x4000, s31;
	s1 =	sadd.s32 s1, s30  }
0xbb: {  	s0 =	sor.u32 s3, s0;
	s1 =	sshll.u32 s1, $0x11  }
0xbc: {  	s0 =	sor.u32 s1, s0  }
0xbd: {  	s0 =	sadd.s32 $0x8F2B, s0  }
0xbe: {  	[sflag:s0] =	ssyncadd.remote.s32 $0x1  }
0xbf: {  	_ =	sfence.sel $0xFFFF  }
0xc0: {  	[dreg:$0x0] =	wrdreg $0xFFFFFFFF;
	(pc) =	sbr.abs _section_cstart, $3  }
0xc1: {  	[dreg:$0x1] =	wrdreg $0xFFFFFFFF  }
0xc2: {  	_ =	task.clear_ibuf [dreg:s6], $0x2FFFF;
	_ =	strace $0x9FFFFFFF  }
0xc3: {  	(tm) =	ssettm $0x7FFFFFFF  }
tec
execute0_lowered:
.L_overlay_start_1:
0x0: {  	(tag) =	ssettag $0x1  }
0x1: {  	s5 =	rddreg [dreg:$0x0]  }
0x2: {  	s2 =	rddreg [dreg:$0x1]  }
0x3: {  	s3 =	rddreg [dreg:$0x2];
	s4 =	srdreg.scid  }
0x4: {  	s0 =	rddreg [dreg:$0x3];
	s1 =	stileid.u32  }
0x5: {  	s13 =	simm.s32 $0x2;
	s14 =	simm.s32 $0x2800;
	s15 =	simm.s32 $0x80  }
0x6: {  	s16 =	simm.s32 $0x5000;
	s17 =	simm.s32 $0x1;
	s20 =	simm.s32 $0x20  }
0x7: {  	s21 =	simm.s32 $0x10;
	s22 =	simm.s32 $0x0;
	s9 =	smul.u32 $0x500, s1  }
0x8: {  	s6 =	sand.u32 $0x1, s4;
	s4 =	simm.s32 $0x0;
	s29 =	smul.u32 $0x280, s1  }
0x9: {  	s7 =	sshll.u32 s1, $0x1;
	s18 =	sshll.u32 s1, $0x6;
	s8 =	smul.u32 $0x5000, s6  }
0xa: {  	[smem:$0x7FF] =	sst s4;
	s7 =	sor.u32 s6, s7;
	s6 =	ssub.s32 $0x2, s6  }
0xb: {  	s18 =	sor.u32 $0x1C02, s18;
	s7 =	smul.u32 $0x500, s7;
	s31 =	sshrl.u32 s6, $0x1  }
0xc: {  	_ =	strace $0x80000047;
	s8 =	sadd.s32 s9, s8;
	s12 =	ssub.s32 s6, s31  }
0xd: {  	s6 =	sadd.s32 s29, s3;
	s10 =	sadd.s32 s7, s5;
	s30 =	sshrl.u32 s8, $0x3  }
0xe: {  	s11 =	sadd.s32 s30, s5;
	s5 =	sadd.s32 s29, s2;
	s7 =	sadd.s32 $0x2800, s10  }
0xf: {  	s8 =	sadd.s32 $0xC800, s10;
	s9 =	sadd.s32 $0x16800, s11;
	s10 =	sadd.s32 $0x16810, s11  }
0x10: {  	v0 =	vimm.f32 $1.000000000e+00;
	v1 =	vimm.f32 $0.0e+00;
	s11 =	smax.u32 s12, $0x1;
	s12 =	simm.s32 $0x5080;
	s19 =	sshrl.u32 s5, $0x3  }
.LBB2_1:
0x11: {  	[tilespmem:$0x5000] =	vst v0  }
0x12: {  	[tilespmem:$0x5010] =	vst v0  }
0x13: {  	[tilespmem:$0x5020] =	vst v0  }
0x14: {  	[tilespmem:$0x5030] =	vst v0  }
0x15: {  	[tilespmem:$0x5040] =	vst v0  }
0x16: {  	[tilespmem:$0x5050] =	vst v0  }
0x17: {  	[tilespmem:$0x5060] =	vst v0  }
0x18: {  	[tilespmem:$0x5070] =	vst v0  }
0x19: {  	[tilespmem:$0x5080] =	vst v1  }
0x1a: {  	[tilespmem:$0x5090] =	vst v1  }
0x1b: {  	[tilespmem:$0x50A0] =	vst v1  }
0x1c: {  	[tilespmem:$0x50B0] =	vst v1  }
0x1d: {  	[tilespmem:$0x50C0] =	vst v1  }
0x1e: {  	[tilespmem:$0x50D0] =	vst v1  }
0x1f: {  	[tilespmem:$0x50E0] =	vst v1  }
0x20: {  	[tilespmem:$0x50F0] =	vst v1  }
0x21: {  	[tilespmem:$0x5100] =	vst v1  }
0x22: {  	[tilespmem:$0x5110] =	vst v1  }
0x23: {  	[tilespmem:$0x5120] =	vst v1  }
0x24: {  	[tilespmem:$0x5130] =	vst v1  }
0x25: {  	[tilespmem:$0x5140] =	vst v1  }
0x26: {  	[tilespmem:$0x5150] =	vst v1  }
0x27: {  	[tilespmem:$0x5160] =	vst v1  }
0x28: {  	[tilespmem:$0x5170] =	vst v1  }
0x29: {  	[tilespmem:$0x5180] =	vst v1  }
0x2a: {  	[tilespmem:$0x5190] =	vst v1  }
0x2b: {  	[tilespmem:$0x51A0] =	vst v1  }
0x2c: {  	[tilespmem:$0x51B0] =	vst v1  }
0x2d: {  	[tilespmem:$0x51C0] =	vst v1  }
0x2e: {  	[tilespmem:$0x51D0] =	vst v1  }
0x2f: {  	[tilespmem:$0x51E0] =	vst v1  }
0x30: {  	[tilespmem:$0x51F0] =	vst v1  }
0x31: {  	[tilespmem:$0x5200] =	vst v1  }
0x32: {  	[tilespmem:$0x5210] =	vst v1  }
0x33: {  	[tilespmem:$0x5220] =	vst v1  }
0x34: {  	[tilespmem:$0x5230] =	vst v1  }
0x35: {  	[tilespmem:$0x5240] =	vst v1  }
0x36: {  	[tilespmem:$0x5250] =	vst v1  }
0x37: {  	[tilespmem:$0x5260] =	vst v1  }
0x38: {  	[tilespmem:$0x5270] =	vst v1  }
0x39: {  	[tilespmem:$0x5280] =	vst v1  }
0x3a: {  	[tilespmem:$0x5290] =	vst v1  }
0x3b: {  	[tilespmem:$0x52A0] =	vst v1  }
0x3c: {  	[tilespmem:$0x52B0] =	vst v1  }
0x3d: {  	[tilespmem:$0x52C0] =	vst v1  }
0x3e: {  	[tilespmem:$0x52D0] =	vst v1  }
0x3f: {  	[tilespmem:$0x52E0] =	vst v1  }
0x40: {  	[tilespmem:$0x52F0] =	vst v1  }
0x41: {  	[spmem:s5] =	stream.linear.scatter [tilespmem:s12], [sflag:$0x2], $0x280, $0x38;
	[tilespmem:$0x5800] =	vst v63  }
0x42: {  	_ =	swait.ge [sflag:s13], $0x280  }
0x43: {  	[sflag:s13] =	ssyncset.done $0x0  }
0x44: {  	[sflag:s13] =	ssyncadd.s32 $0xFFFFFD80  }
0x45: {  	[spmem:s6] =	stream.linear.scatter [tilespmem:s12], [sflag:$0x2], $0x280, $0x38;
	[tilespmem:$0x5800] =	vst v63  }
0x46: {  	_ =	swait.ge [sflag:s13], $0x280  }
0x47: {  	[sflag:s13] =	ssyncset.done $0x0  }
0x48: {  	[sflag:s13] =	ssyncadd.s32 $0xFFFFFD80  }
0x49: {  	[tilespmem:s4], [sflag:$0x2] =	stream.linear.gather [hbm4b:s7+s4], $0x2800, $0x38;
	[tilespmem:$0x5800] =	vst v63  }
0x4a: {  	_ =	swait.ge [sflag:s13], $0x2800  }
0x4b: {  	[sflag:s13] =	ssyncset.done $0x0  }
0x4c: {  	[sflag:s13] =	ssyncadd.s32 $0xFFFFD800  }
0x4d: {  	[tilespmem:s14], [sflag:$0x2] =	stream.linear.gather [hbm4b:s8+s4], $0x2800, $0x38;
	[tilespmem:$0x5800] =	vst v63  }
0x4e: {  	_ =	swait.ge [sflag:s13], $0x2800  }
0x4f: {  	[sflag:s13] =	ssyncset.done $0x0  }
0x50: {  	[sflag:s13] =	ssyncadd.s32 $0xFFFFD800  }
0x51: {  	s23 =	simm.s32 $0x0;
	[bflag:$0x0] =	sbarrier.arrive $0xFFFF  }
0x52: {  	[spmem:s2] =	stream.indirect.scatter.add.f32 [tilespmem:s16], [sflag:$0x1], $0x1, s23, s15, $0xb8;
	[tilespmem:$0x5800] =	vst v63  }
0x53: {  	s24 =	simm.s32 $0x2800;
	s23 =	simm.s32 $0x200  }
.LBB2_2:
0x54: {  	[spmem:s3] =	stream.indirect.scatter.add.f32 [tilespmem:s16], [sflag:$0x1], $0x1, s24, s15, $0xb8;
	[tilespmem:$0x5800] =	vst v63  }
0x55: {  	s24 =	smov.u32 s23;
	p0 =	sne.s32 s23, $0x9E00  }
.Ltmp0:
0x56: {  	s23 =	sadd.s32 $0x200, s23;
	(pc) =	sbr.rel @p0 .LBB2_2-.Ltmp0, $4  }
0x57: {  	_ = 	snop  }
0x58: {  	s24 =	sshra.s32 s24, $0x2  }
0x59: {  	[spmem:s2] =	stream.indirect.scatter.add.f32 [tilespmem:s16], [sflag:$0x1], $0x1, s24, s15, $0xb8;
	[tilespmem:$0x5800] =	vst v63  }
0x5a: {  	s24 =	sadd.s32 $0x2800, s24  }
0x5b: {  	[spmem:s3] =	stream.indirect.scatter.add.f32 [tilespmem:s16], [sflag:$0x1], $0x1, s24, s15, $0xb8;
	[tilespmem:$0x5800] =	vst v63  }
0x5c: {  	_ =	swait.ge [sflag:s17], $0x80  }
0x5d: {  	s23 =	simm.s32 $0x9F;
	[sflag:s17] =	ssyncset.done $0x0  }
.LBB2_4:
0x5e: {  	p0 =	sne.s32 s23, $0x1;
	s23 =	sadd.s32 $0xFFFFFFFF, s23;
	[sflag:s17] =	ssyncadd.s32 $0xFFFFFF80  }
.Ltmp1:
0x5f: {  	(pc) =	sbr.rel @p0 .LBB2_4-.Ltmp1, $3  }
0x60: {  	_ =	sdelay $0x1  }
0x61: {  	_ =	swait.ge [sflag:s17], $0x80  }
0x62: {  	[sflag:s17] =	ssyncset.done $0x0  }
0x63: {  	[sflag:s17] =	ssyncadd.s32 $0xFFFFFF80  }
0x64: {  	[bflag:$0x0] =	sbarrier.arrive $0xFFFF  }
0x65: {  	[hbm:s9@s20], [sflag:s18] =	dma.strided [spmem:s19@s21], $0x50, s17, $0x10   }
0x66: {  	s22 =	sadd.s32 $0x1, s22;
	_ =	swait.ge [sflag:s13], $0x50  }
0x67: {  	p0 =	sne.s32 s22, s11;
	[sflag:s13] =	ssyncset.done $0x0  }
.Ltmp2:
0x68: {  	s23 =	sshrl.u32 s6, $0x3;
	[sflag:s13] =	ssyncadd.s32 $0xFFFFFFB0;
	(pc) =	sbr.rel @p0 .LBB2_1-.Ltmp2, $4  }
0x69: {  	[hbm:s10@s20], [sflag:s18] =	dma.strided [spmem:s23@s21], $0x50, s17, $0x10   }
0x6a: {  	_ =	swait.ge [sflag:s13], $0x50  }
0x6b: {  	[sflag:s13] =	ssyncset.done $0x0  }
0x6c: {  	[sflag:s13] =	ssyncadd.s32 $0xFFFFFFB0  }
0x6d: {  	_ =	sfence.sel $0x180000  }
0x6e: {  	[bflag:$0x0] =	sbarrier.arrive $0xFFFF  }
0x6f: {  	p0 =	sne.s32 s1, $0x0;
	_ =	strace $0x90000047  }
0x70: {  	s0 =	sadd.s32 @!p0 $0x100000, s0;
	[bflag:$0x2] =	sbarrier.arrive $0xFFFF  }
0x71: {  	[sflag:s0] =	ssyncadd.tile.s32 @!p0 $0x1;
	_ =	shalt  }
.Lfunc_end2:
_tile_overlayer_lowered:
.L_overlay_start_2:
0x72: {  	(tag) =	ssettag $0x2  }
0x73: {  	s0 =	rddreg [dreg:$0x0];
	s2 =	stileid.u32  }
0x74: {  	s1 =	rddreg [dreg:$0x1];
	p0 =	sne.s32 s2, $0x0  }
0x75: {  	s3 =	rddreg [dreg:$0x2];
	[bflag:$0x3] =	sbarrier.arrive $0xFFFF;
	s2 =	simm.s32 @!p0 $0x1C02  }
0x76: {  	[timem:s3], [sflag:s2] =	dma.local @!p0 [hbm:s0], s1  }
0x77: {  	s0 =	simm.s32 @!p0 $0x2  }
0x78: {  	_ =	swait.ge @!p0 [sflag:s0], s1  }
0x79: {  	s1 =	ssub.s32 @!p0 $0x0, s1;
	[sflag:s0] =	ssyncset.done @!p0 $0x0  }
0x7a: {  	[sflag:s0] =	ssyncadd.s32 @!p0 s1  }
0x7b: {  	[bflag:$0x3] =	sbarrier.arrive $0xFFFF  }
0x7c: {  	_ =	shalt  }

</sc_bundles>
